<compile_context>
chip_gen: v7x
topology: tpu7x:2x2x1
jax: 0.10.2.dev20260603
libtpu: 0.0.44.dev20260713+nightly
codegen_flags: <defaults>
</compile_context>

<pallas_src>
import functools

import jax
import jax.numpy as jnp
from jax import lax
from jax.experimental import pallas as pl
from jax.experimental.pallas import tpu as pltpu
from jax.experimental.pallas import tpu_sc as plsc

N_NODES_C = 10000
D_C = 128
N_EDGES_C = 320000

_NC = 2
_NS = 16
_NW = _NC * _NS
_EPW = N_EDGES_C // _NW
_EBLK = 80
_NBLK = _EPW // _EBLK
_RPT = N_NODES_C // _NS

_vector_mesh = plsc.VectorSubcoreMesh(
    core_axis_name="core", subcore_axis_name="subcore")


def _deg_body(ei_hbm, out_hbm, ibuf_v, ones_v, zbuf_v, isems, ssems, deg_sh):
    c = lax.axis_index("core")
    s = lax.axis_index("subcore")
    w = c * _NS + s
    nblk = _NBLK_LO + jnp.where(w < _NBLK_XTRA, 1, 0)

    def idx_start(t):
        pltpu.make_async_copy(
            ei_hbm.at[pl.ds(0, 2), pl.ds((w + _NW * t) * _BLK, _BLK)],
            ibuf_v.at[t & 3], isems.at[t & 3]).start()

    def idx_wait(t):
        pltpu.make_async_copy(
            ei_hbm.at[pl.ds(0, 2), pl.ds(0, _BLK)],
            ibuf_v.at[t & 3], isems.at[t & 3]).wait()

    def scat_start(t):
        pltpu.make_async_copy(
            ones_v, deg_sh.at[ibuf_v.at[t & 3, 1]],
            ssems.at[t & 1]).start(add=True)

    def scat_wait(t):
        pltpu.make_async_copy(
            ones_v, deg_sh.at[ibuf_v.at[t & 3, 1]],
            ssems.at[t & 1]).wait()

    idx_start(0)
    idx_start(1)

    for k in range(_BLK // 16):
        ones_v[pl.ds(16 * k, 16)] = jnp.ones((16,), jnp.float32)

    @pl.loop(0, 40)
    def _(i):
        zbuf_v[pl.ds(i * 16, 16)] = jnp.zeros((16,), jnp.float32)

    @pl.when(s < _NS - 1)
    def _():
        pltpu.sync_copy(zbuf_v.at[pl.ds(0, 624)],
                        deg_sh.at[pl.ds(s * 624, 624)])
    @pl.when(s == _NS - 1)
    def _():
        pltpu.sync_copy(zbuf_v, deg_sh.at[pl.ds((_NS - 1) * 624, 640)])
    plsc.subcore_barrier()

    @pl.loop(0, _NBLK_LO)
    def _(t):
        @pl.when(t >= 2)
        def _():
            scat_wait(t - 2)
        @pl.when(t + 2 < nblk)
        def _():
            idx_start(t + 2)
        idx_wait(t)
        scat_start(t)

    @pl.when(w < _NBLK_XTRA)
    def _():
        t = _NBLK_LO
        scat_wait(t - 2)
        idx_wait(t)
        scat_start(t)
    scat_wait(nblk - 2)
    scat_wait(nblk - 1)

    plsc.subcore_barrier()
    @pl.when(s < _NS - 1)
    def _():
        pltpu.sync_copy(deg_sh.at[pl.ds(s * 624, 624)],
                        zbuf_v.at[pl.ds(0, 624)])
        pltpu.sync_copy(zbuf_v.at[pl.ds(0, 624)],
                        out_hbm.at[pl.ds(c * N_NODES_C + s * 624, 624)])
    @pl.when(s == _NS - 1)
    def _():
        pltpu.sync_copy(deg_sh.at[pl.ds((_NS - 1) * 624, 640)], zbuf_v)
        pltpu.sync_copy(zbuf_v,
                        out_hbm.at[pl.ds(c * N_NODES_C + (_NS - 1) * 624, 640)])


_BLK = 128
_NBLK_TOT = N_EDGES_C // _BLK
_NBLK_LO = _NBLK_TOT // _NW
_NBLK_XTRA = _NBLK_TOT - _NBLK_LO * _NW


def _segsum_body(h_hbm, ei_hbm, z_hbm, out_hbm,
                 ibuf_v, rows_v, isems, gsems, ssems, acc_sh):
    c = lax.axis_index("core")
    s = lax.axis_index("subcore")
    w = c * _NS + s
    nblk = _NBLK_LO + jnp.where(w < _NBLK_XTRA, 1, 0)

    def idx_start(t):
        pltpu.make_async_copy(
            ei_hbm.at[pl.ds(0, 2), pl.ds((w + _NW * t) * _BLK, _BLK)],
            ibuf_v.at[t & 3], isems.at[t & 3]).start()

    def idx_wait(t):
        pltpu.make_async_copy(
            ei_hbm.at[pl.ds(0, 2), pl.ds(0, _BLK)],
            ibuf_v.at[t & 3], isems.at[t & 3]).wait()

    def rslot(t):
        return lax.rem(t, 3)

    def gat_start(t):
        pltpu.make_async_copy(
            h_hbm.at[ibuf_v.at[t & 3, 0]], rows_v.at[rslot(t)],
            gsems.at[rslot(t)]).start()

    def gat_wait(t):
        pltpu.make_async_copy(
            h_hbm.at[ibuf_v.at[t & 3, 0]], rows_v.at[rslot(t)],
            gsems.at[rslot(t)]).wait()

    def scat_start(t):
        pltpu.make_async_copy(
            rows_v.at[rslot(t)], acc_sh.at[ibuf_v.at[t & 3, 1]],
            ssems.at[rslot(t)]).start(add=True)

    def scat_wait(t):
        pltpu.make_async_copy(
            rows_v.at[rslot(t)], acc_sh.at[ibuf_v.at[t & 3, 1]],
            ssems.at[rslot(t)]).wait()

    idx_start(0)
    idx_start(1)

    z_v = rows_v.at[0]
    pltpu.sync_copy(z_hbm, z_v)

    rbase = s * 624

    @pl.when(s < _NS - 1)
    def _():
        for k in range(4):
            pltpu.make_async_copy(
                z_v, acc_sh.at[pl.ds(rbase + k * _BLK, _BLK)],
                ssems.at[0]).start()
        pltpu.make_async_copy(
            z_v.at[pl.ds(0, 112)], acc_sh.at[pl.ds(rbase + 512, 112)],
            ssems.at[1]).start()
        for k in range(4):
            pltpu.make_async_copy(
                z_v, acc_sh.at[pl.ds(rbase, _BLK)], ssems.at[0]).wait()
        pltpu.make_async_copy(
            z_v.at[pl.ds(0, 112)], acc_sh.at[pl.ds(rbase + 512, 112)],
            ssems.at[1]).wait()
    @pl.when(s == _NS - 1)
    def _():
        for k in range(5):
            pltpu.make_async_copy(
                z_v, acc_sh.at[pl.ds(rbase + k * _BLK, _BLK)],
                ssems.at[0]).start()
        for k in range(5):
            pltpu.make_async_copy(
                z_v, acc_sh.at[pl.ds(rbase, _BLK)], ssems.at[0]).wait()
    plsc.subcore_barrier()

    idx_wait(0)
    gat_start(0)

    @pl.loop(0, _NBLK_LO)
    def _(t):
        @pl.when(t >= 2)
        def _():
            scat_wait(t - 2)
        @pl.when(t + 2 < nblk)
        def _():
            idx_start(t + 2)
        @pl.when(t + 1 < nblk)
        def _():
            idx_wait(t + 1)
            gat_start(t + 1)
        gat_wait(t)
        scat_start(t)

    @pl.when(w < _NBLK_XTRA)
    def _():
        t = _NBLK_LO
        scat_wait(t - 2)
        gat_wait(t)
        scat_start(t)
    scat_wait(nblk - 2)
    scat_wait(nblk - 1)

    plsc.subcore_barrier()

    def co_in(k):
        pltpu.sync_copy(acc_sh.at[pl.ds(rbase + k * _BLK, _BLK)],
                        rows_v.at[k & 1])

    def co_out_start(k):
        pltpu.make_async_copy(rows_v.at[k & 1],
                              out_hbm.at[c, pl.ds(rbase + k * _BLK, _BLK)],
                              ssems.at[k & 1]).start()

    def co_out_wait(k):
        pltpu.make_async_copy(rows_v.at[k & 1],
                              out_hbm.at[c, pl.ds(rbase + k * _BLK, _BLK)],
                              ssems.at[k & 1]).wait()

    @pl.when(s < _NS - 1)
    def _():
        for k in range(4):
            if k >= 2:
                co_out_wait(k - 2)
            co_in(k)
            co_out_start(k)
        co_out_wait(2)
        pltpu.sync_copy(acc_sh.at[pl.ds(rbase + 512, 112)],
                        rows_v.at[0].at[pl.ds(0, 112)])
        pltpu.make_async_copy(
            rows_v.at[0].at[pl.ds(0, 112)],
            out_hbm.at[c, pl.ds(rbase + 512, 112)], ssems.at[0]).start()
        co_out_wait(3)
        pltpu.make_async_copy(
            rows_v.at[0].at[pl.ds(0, 112)],
            out_hbm.at[c, pl.ds(rbase + 512, 112)], ssems.at[0]).wait()
    @pl.when(s == _NS - 1)
    def _():
        for k in range(5):
            if k >= 2:
                co_out_wait(k - 2)
            co_in(k)
            co_out_start(k)
        co_out_wait(3)
        co_out_wait(4)


def _sc_degree(ei):
    k = pl.kernel(
        _deg_body,
        out_type=jax.ShapeDtypeStruct((_NC * N_NODES_C,), jnp.float32),
        mesh=_vector_mesh,
        scratch_types=[
            pltpu.VMEM((4, 2, _BLK), jnp.int32),
            pltpu.VMEM((_BLK,), jnp.float32),
            pltpu.VMEM((640,), jnp.float32),
            pltpu.SemaphoreType.DMA((4,)),
            pltpu.SemaphoreType.DMA((2,)),
            pltpu.VMEM_SHARED((N_NODES_C,), jnp.float32),
        ],
    )
    return k(ei)


def _sc_segsum(h, ei, z):
    k = pl.kernel(
        _segsum_body,
        out_type=jax.ShapeDtypeStruct((_NC, N_NODES_C, D_C), jnp.float32),
        mesh=_vector_mesh,
        scratch_types=[
            pltpu.VMEM((4, 2, _BLK), jnp.int32),
            pltpu.VMEM((3, _BLK, D_C), jnp.float32),
            pltpu.SemaphoreType.DMA((4,)),
            pltpu.SemaphoreType.DMA((3,)),
            pltpu.SemaphoreType.DMA((3,)),
            pltpu.VMEM_SHARED((N_NODES_C, D_C), jnp.float32),
        ],
    )
    return k(h, ei, z)


def _dinv(degp_ref):
    deg = degp_ref[:, 0:1] + degp_ref[:, 1:2]
    return jnp.where(deg > 0.0,
                     lax.rsqrt(jnp.maximum(deg, 1e-12)), 0.0)


def _tc0_body(x_ref, w1_ref, h_ref):
    h_ref[...] = jnp.dot(x_ref[...], w1_ref[...],
                         preferred_element_type=jnp.float32,
                         precision=lax.Precision.HIGHEST)


def _tc1_body(h_ref, degp_ref, hs_ref):
    hs_ref[...] = h_ref[...] * _dinv(degp_ref)


def _tc2_body(s1_ref, degp_ref, b1_ref, w2_ref, h1_ref, gs_ref):
    dinv = _dinv(degp_ref)
    a1 = (s1_ref[0] + s1_ref[1]) * dinv + b1_ref[...]
    h1 = jnp.maximum(a1, 0.0)
    h1_ref[...] = h1
    g = jnp.dot(h1, w2_ref[...],
                preferred_element_type=jnp.float32,
                precision=lax.Precision.HIGHEST)
    gs_ref[...] = g * dinv


def _tc3_body(s2_ref, degp_ref, b2_ref, h1_ref, ws_ref, bs_ref, out_ref):
    dinv = _dinv(degp_ref)
    a2 = (s2_ref[0] + s2_ref[1]) * dinv + b2_ref[...]
    h2 = jnp.maximum(a2, 0.0) + h1_ref[...]
    out_ref[...] = jnp.dot(h2, ws_ref[...],
                           preferred_element_type=jnp.float32,
                           precision=lax.Precision.HIGHEST) + bs_ref[...]


_f32 = jnp.float32


_RB = 2000
_row_spec = pl.BlockSpec((_RB, D_C), lambda i: (i, 0))
_deg_spec = pl.BlockSpec((_RB, _NC), lambda i: (i, 0))
_par_spec = pl.BlockSpec((_NC, _RB, D_C), lambda i: (0, i, 0))
_w_spec = pl.BlockSpec((D_C, D_C), lambda i: (0, 0))
_b_spec = pl.BlockSpec((D_C,), lambda i: (0,))
_GRID = N_NODES_C // _RB


def _tc0(x, W1):
    return pl.pallas_call(
        _tc0_body,
        grid=(_GRID,),
        in_specs=[_row_spec, _w_spec],
        out_specs=_row_spec,
        out_shape=jax.ShapeDtypeStruct((N_NODES_C, D_C), _f32),
    )(x, W1)


def _tc1(h, degp):
    return pl.pallas_call(
        _tc1_body,
        grid=(_GRID,),
        in_specs=[_row_spec, _deg_spec],
        out_specs=_row_spec,
        out_shape=jax.ShapeDtypeStruct((N_NODES_C, D_C), _f32),
    )(h, degp)


def _tc2(s1, degp, b1, W2):
    return pl.pallas_call(
        _tc2_body,
        grid=(_GRID,),
        in_specs=[_par_spec, _deg_spec, _b_spec, _w_spec],
        out_specs=(_row_spec, _row_spec),
        out_shape=(jax.ShapeDtypeStruct((N_NODES_C, D_C), _f32),
                   jax.ShapeDtypeStruct((N_NODES_C, D_C), _f32)),
    )(s1, degp, b1, W2)


def _tc3(s2, degp, b2, h1, Ws, bs):
    return pl.pallas_call(
        _tc3_body,
        grid=(_GRID,),
        in_specs=[_par_spec, _deg_spec, _b_spec, _row_spec, _w_spec, _b_spec],
        out_specs=_row_spec,
        out_shape=jax.ShapeDtypeStruct((N_NODES_C, D_C), _f32),
    )(s2, degp, b2, h1, Ws, bs)


@jax.jit
def kernel(x, edge_index, W1, b1, W2, b2, Ws, bs):
    z = jnp.zeros((_BLK, D_C), _f32)
    h = _tc0(x, W1)
    degp = _sc_degree(edge_index).reshape(_NC, N_NODES_C).T
    hs = _tc1(h, degp)
    s1 = _sc_segsum(hs, edge_index, z)
    h1, gs = _tc2(s1, degp, b1, W2)
    s2 = _sc_segsum(gs, edge_index, z)
    return _tc3(s2, degp, b2, h1, Ws, bs)

# --- scband reference (transcript-rebuilt; emitter-appended) ---
"""Pipeline reference for scband-gnnmodule-55576876810816 (READ-ONLY COPY).

The authoritative reference and input builder live on the scoring server;
editing this copy changes nothing except your own understanding.
"""

import jax, jax.numpy as jnp
import numpy as np

N_NODES = 10000
D_FEAT = 128
HIDDEN = 128
OUT = 128
N_EDGES = 320000


def setup_inputs(seed: int = 0) -> dict:
    key = jax.random.key(seed)
    ks = jax.random.split(key, 8)
    x = jax.random.normal(ks[0], (N_NODES, D_FEAT), dtype=jnp.float32)
    edge_index = jax.random.randint(ks[1], (2, N_EDGES), 0, N_NODES, dtype=jnp.int64 if jax.config.jax_enable_x64 else jnp.int32).astype(jnp.int32)
    s1 = 1.0 / np.sqrt(D_FEAT)
    s2 = 1.0 / np.sqrt(HIDDEN)
    W1 = jax.random.uniform(ks[2], (D_FEAT, HIDDEN), dtype=jnp.float32, minval=-s1, maxval=s1)
    b1 = jnp.zeros((HIDDEN,), dtype=jnp.float32)
    W2 = jax.random.uniform(ks[3], (HIDDEN, HIDDEN), dtype=jnp.float32, minval=-s2, maxval=s2)
    b2 = jnp.zeros((HIDDEN,), dtype=jnp.float32)
    Ws = jax.random.uniform(ks[4], (HIDDEN, OUT), dtype=jnp.float32, minval=-s2, maxval=s2)
    bs = jnp.zeros((OUT,), dtype=jnp.float32)
    return {"x": x, "edge_index": edge_index, "W1": W1, "b1": b1, "W2": W2, "b2": b2, "Ws": Ws, "bs": bs}


def _gcn_conv(x, src, dst, W, b, n_nodes):
    # GCNConv (PyG), add_self_loops=False, symmetric normalization
    deg = jnp.zeros((n_nodes,), dtype=x.dtype).at[dst].add(1.0)
    dinv = jnp.where(deg > 0, jax.lax.rsqrt(jnp.maximum(deg, 1e-12)), 0.0)
    norm = dinv[src] * dinv[dst]
    h = x @ W
    msg = jnp.take(h, src, axis=0) * norm[:, None]
    out = jnp.zeros((n_nodes, h.shape[1]), dtype=x.dtype).at[dst].add(msg)
    return out + b


def reference(x, edge_index, W1, b1, W2, b2, Ws, bs):
    n_nodes = x.shape[0]
    src = edge_index[0]
    dst = edge_index[1]
    # layer 1: input_dim -> hidden_dim, ReLU (dropout=0 in eval)
    h1 = jax.nn.relu(_gcn_conv(x, src, dst, W1, b1, n_nodes))
    # layer 2: hidden_dim -> hidden_dim, ReLU + skip connection
    h2 = jax.nn.relu(_gcn_conv(h1, src, dst, W2, b2, n_nodes)) + h1
    # node-level scorer head
    out = h2 @ Ws + bs
    return out

if __name__ == "__main__":
    import jax
    _d = setup_inputs()
    print(jax.jit(kernel)(*tuple(_d.values())))

</pallas_src>

<mosaic_0001>
#map = affine_map<(d0, d1) -> (0, 0)>
#map1 = affine_map<(d0, d1) -> (0, 0, 0)>
module attributes {stable_mosaic.version = 14 : i64} {
  func.func @_segsum_body(%arg0: i32, %arg1: i32, %arg2: memref<10000x128xf32, #tpu.memory_space<hbm>>, %arg3: memref<2x320000xi32, #tpu.memory_space<hbm>>, %arg4: memref<128x128xf32, #tpu.memory_space<hbm>>, %arg5: memref<2x10000x128xf32, #tpu.memory_space<hbm>>, %arg6: memref<4x2x128xi32, #tpu.memory_space<vmem>>, %arg7: memref<3x128x128xf32, #tpu.memory_space<vmem>>, %arg8: memref<4x!tpu.dma_semaphore, #tpu.memory_space<semaphore_mem>>, %arg9: memref<3x!tpu.dma_semaphore, #tpu.memory_space<semaphore_mem>>, %arg10: memref<3x!tpu.dma_semaphore, #tpu.memory_space<semaphore_mem>>, %arg11: memref<10000x128xf32, #tpu.memory_space<vmem_shared>>) attributes {dimension_semantics = [#tpu.dimension_semantics<core_parallel>, #tpu.dimension_semantics<subcore_parallel>], iteration_bounds = array<i64: 2, 16>, scalar_prefetch = 0 : i64, scratch_operands = 6 : i64, tpu.core_type = #tpu.core_type<sc_vector_subcore>, window_params = [{transform_indices = #map}, {transform_indices = #map}, {transform_indices = #map}, {transform_indices = #map1}]} {
    %mul3A = arith.constant 16 : i32
    %mul3A_0 = arith.muli %arg0, %mul3A : i32
    %add3A = arith.addi %mul3A_0, %arg1 : i32
    %lt3A = arith.constant 4 : i32
    %lt3A_1 = arith.cmpi slt, %add3A, %lt3A : i32
    %jit3A = arith.constant 1 : i32
    %jit3A_2 = arith.constant 0 : i32
    %select_n3A = arith.select %lt3A_1, %jit3A, %jit3A_2 : i32
    %add3A_3 = arith.constant 78 : i32
    %add3A_4 = arith.addi %add3A_3, %select_n3A : i32
    %add3A_5 = arith.constant 0 : i32
    %add3A_6 = arith.addi %add3A, %add3A_5 : i32
    %mul3A_7 = arith.constant 128 : i32
    %mul3A_8 = arith.muli %add3A_6, %mul3A_7 : i32
    %dma_start3A = arith.constant 0 : i32
    %dma_start3A_9 = arith.constant 0 : i32
    %dma_start3A_10 = arith.constant 0 : i32
    %dma_start3A_11 = arith.constant 0 : i32
    %dma_start3A_12 = tpu.memref_slice %arg6[%dma_start3A, %dma_start3A_10, %dma_start3A_11] : memref<4x2x128xi32, #tpu.memory_space<vmem>> -> memref<1x2x128xi32, #tpu.memory_space<vmem>>
    %dma_start3A_13 = tpu.memref_squeeze %dma_start3A_12 : memref<1x2x128xi32, #tpu.memory_space<vmem>> -> memref<2x128xi32, #tpu.memory_space<vmem>>
    %dma_start3A_14 = arith.constant 0 : i32
    %dma_start3A_15 = tpu.memref_slice %arg3[%dma_start3A_14, %mul3A_8] : memref<2x320000xi32, #tpu.memory_space<hbm>> -> memref<2x128xi32, #tpu.memory_space<hbm>>
    %dma_start3A_16 = tpu.memref_slice %arg8[%dma_start3A_9] : memref<4x!tpu.dma_semaphore, #tpu.memory_space<semaphore_mem>> -> memref<1x!tpu.dma_semaphore, #tpu.memory_space<semaphore_mem>>
    %dma_start3A_17 = tpu.memref_squeeze %dma_start3A_16 : memref<1x!tpu.dma_semaphore, #tpu.memory_space<semaphore_mem>> -> memref<!tpu.dma_semaphore, #tpu.memory_space<semaphore_mem>>
    %dma_start3A_18 = arith.constant 0 : i32
    %dma_start3A_19 = arith.constant 0 : i32
    %dma_start3A_20 = tpu.memref_slice %arg6[%dma_start3A, %dma_start3A_18, %dma_start3A_19] : memref<4x2x128xi32, #tpu.memory_space<vmem>> -> memref<1x2x128xi32, #tpu.memory_space<vmem>>
    %dma_start3A_21 = tpu.memref_squeeze %dma_start3A_20 : memref<1x2x128xi32, #tpu.memory_space<vmem>> -> memref<2x128xi32, #tpu.memory_space<vmem>>
    %dma_start3A_22 = arith.constant 0 : i32
    %dma_start3A_23 = tpu.memref_slice %arg3[%dma_start3A_22, %mul3A_8] : memref<2x320000xi32, #tpu.memory_space<hbm>> -> memref<2x128xi32, #tpu.memory_space<hbm>>
    tpu.enqueue_dma source(%dma_start3A_23 : memref<2x128xi32, #tpu.memory_space<hbm>>) target(%dma_start3A_21 : memref<2x128xi32, #tpu.memory_space<vmem>>) target_semaphore(%dma_start3A_17 : memref<!tpu.dma_semaphore, #tpu.memory_space<semaphore_mem>>)
    %add3A_24 = arith.constant 32 : i32
    %add3A_25 = arith.addi %add3A, %add3A_24 : i32
    %mul3A_26 = arith.constant 128 : i32
    %mul3A_27 = arith.muli %add3A_25, %mul3A_26 : i32
    %dma_start3A_28 = arith.constant 1 : i32
    %dma_start3A_29 = arith.constant 1 : i32
    %dma_start3A_30 = arith.constant 0 : i32
    %dma_start3A_31 = arith.constant 0 : i32
    %dma_start3A_32 = tpu.memref_slice %arg6[%dma_start3A_28, %dma_start3A_30, %dma_start3A_31] : memref<4x2x128xi32, #tpu.memory_space<vmem>> -> memref<1x2x128xi32, #tpu.memory_space<vmem>>
    %dma_start3A_33 = tpu.memref_squeeze %dma_start3A_32 : memref<1x2x128xi32, #tpu.memory_space<vmem>> -> memref<2x128xi32, #tpu.memory_space<vmem>>
    %dma_start3A_34 = arith.constant 0 : i32
    %dma_start3A_35 = tpu.memref_slice %arg3[%dma_start3A_34, %mul3A_27] : memref<2x320000xi32, #tpu.memory_space<hbm>> -> memref<2x128xi32, #tpu.memory_space<hbm>>
    %dma_start3A_36 = tpu.memref_slice %arg8[%dma_start3A_29] : memref<4x!tpu.dma_semaphore, #tpu.memory_space<semaphore_mem>> -> memref<1x!tpu.dma_semaphore, #tpu.memory_space<semaphore_mem>>
    %dma_start3A_37 = tpu.memref_squeeze %dma_start3A_36 : memref<1x!tpu.dma_semaphore, #tpu.memory_space<semaphore_mem>> -> memref<!tpu.dma_semaphore, #tpu.memory_space<semaphore_mem>>
    %dma_start3A_38 = arith.constant 0 : i32
    %dma_start3A_39 = arith.constant 0 : i32
    %dma_start3A_40 = tpu.memref_slice %arg6[%dma_start3A_28, %dma_start3A_38, %dma_start3A_39] : memref<4x2x128xi32, #tpu.memory_space<vmem>> -> memref<1x2x128xi32, #tpu.memory_space<vmem>>
    %dma_start3A_41 = tpu.memref_squeeze %dma_start3A_40 : memref<1x2x128xi32, #tpu.memory_space<vmem>> -> memref<2x128xi32, #tpu.memory_space<vmem>>
    %dma_start3A_42 = arith.constant 0 : i32
    %dma_start3A_43 = tpu.memref_slice %arg3[%dma_start3A_42, %mul3A_27] : memref<2x320000xi32, #tpu.memory_space<hbm>> -> memref<2x128xi32, #tpu.memory_space<hbm>>
    tpu.enqueue_dma source(%dma_start3A_43 : memref<2x128xi32, #tpu.memory_space<hbm>>) target(%dma_start3A_41 : memref<2x128xi32, #tpu.memory_space<vmem>>) target_semaphore(%dma_start3A_37 : memref<!tpu.dma_semaphore, #tpu.memory_space<semaphore_mem>>)
    %run_scoped3A = arith.constant 0 : i32
    "tpu.region"() ({
      %run_scoped3A_151 = tpu.sem_alloc : memref<!tpu.dma_semaphore, #tpu.memory_space<semaphore_mem>>
      %dma_start3A_152 = arith.constant 0 : i32
      %dma_start3A_153 = arith.constant 0 : i32
      %dma_start3A_154 = tpu.memref_slice %arg7[%run_scoped3A, %dma_start3A_152, %dma_start3A_153] : memref<3x128x128xf32, #tpu.memory_space<vmem>> -> memref<1x128x128xf32, #tpu.memory_space<vmem>>
      %dma_start3A_155 = tpu.memref_squeeze %dma_start3A_154 : memref<1x128x128xf32, #tpu.memory_space<vmem>> -> memref<128x128xf32, #tpu.memory_space<vmem>>
      %dma_start3A_156 = arith.constant 0 : i32
      %dma_start3A_157 = arith.constant 0 : i32
      %dma_start3A_158 = tpu.memref_slice %arg7[%run_scoped3A, %dma_start3A_156, %dma_start3A_157] : memref<3x128x128xf32, #tpu.memory_space<vmem>> -> memref<1x128x128xf32, #tpu.memory_space<vmem>>
      %dma_start3A_159 = tpu.memref_squeeze %dma_start3A_158 : memref<1x128x128xf32, #tpu.memory_space<vmem>> -> memref<128x128xf32, #tpu.memory_space<vmem>>
      tpu.enqueue_dma source(%arg4 : memref<128x128xf32, #tpu.memory_space<hbm>>) target(%dma_start3A_159 : memref<128x128xf32, #tpu.memory_space<vmem>>) target_semaphore(%run_scoped3A_151 : memref<!tpu.dma_semaphore, #tpu.memory_space<semaphore_mem>>)
      %dma_wait3A_160 = arith.constant 0 : i32
      %dma_wait3A_161 = arith.constant 0 : i32
      %dma_wait3A_162 = tpu.memref_slice %arg7[%run_scoped3A, %dma_wait3A_160, %dma_wait3A_161] : memref<3x128x128xf32, #tpu.memory_space<vmem>> -> memref<1x128x128xf32, #tpu.memory_space<vmem>>
      %dma_wait3A_163 = tpu.memref_squeeze %dma_wait3A_162 : memref<1x128x128xf32, #tpu.memory_space<vmem>> -> memref<128x128xf32, #tpu.memory_space<vmem>>
      %dma_wait3A_164 = arith.constant 0 : i32
      %dma_wait3A_165 = arith.constant 0 : i32
      %dma_wait3A_166 = tpu.memref_slice %arg7[%run_scoped3A, %dma_wait3A_164, %dma_wait3A_165] : memref<3x128x128xf32, #tpu.memory_space<vmem>> -> memref<1x128x128xf32, #tpu.memory_space<vmem>>
      %dma_wait3A_167 = tpu.memref_squeeze %dma_wait3A_166 : memref<1x128x128xf32, #tpu.memory_space<vmem>> -> memref<128x128xf32, #tpu.memory_space<vmem>>
      tpu.wait_dma2 semaphore(%run_scoped3A_151 : memref<!tpu.dma_semaphore, #tpu.memory_space<semaphore_mem>>) src(%arg4 : memref<128x128xf32, #tpu.memory_space<hbm>>) dst(%dma_wait3A_167 : memref<128x128xf32, #tpu.memory_space<vmem>>)
      tpu.yield
    }) : () -> ()
    %mul3A_44 = arith.constant 624 : i32
    %mul3A_45 = arith.muli %arg1, %mul3A_44 : i32
    %lt3A_46 = arith.constant 15 : i32
    %lt3A_47 = arith.cmpi slt, %arg1, %lt3A_46 : i32
    %convert_element_type3A = arith.extui %lt3A_47 : i1 to i32
    %cond3A = arith.constant 0 : i32
    %cond3A_48 = arith.constant 0 : i32
    %cond3A_49 = arith.cmpi ne, %convert_element_type3A, %cond3A_48 : i32
    scf.if %cond3A_49 {
      %add3A_151 = arith.constant 0 : i32
      %add3A_152 = arith.addi %mul3A_45, %add3A_151 : i32
      %dma_start3A_153 = arith.constant 0 : i32
      %dma_start3A_154 = arith.constant 0 : i32
      %dma_start3A_155 = arith.constant 0 : i32
      %dma_start3A_156 = tpu.memref_slice %arg7[%cond3A, %dma_start3A_154, %dma_start3A_155] : memref<3x128x128xf32, #tpu.memory_space<vmem>> -> memref<1x128x128xf32, #tpu.memory_space<vmem>>
      %dma_start3A_157 = tpu.memref_squeeze %dma_start3A_156 : memref<1x128x128xf32, #tpu.memory_space<vmem>> -> memref<128x128xf32, #tpu.memory_space<vmem>>
      %dma_start3A_158 = arith.constant 0 : i32
      %dma_start3A_159 = tpu.memref_slice %arg11[%add3A_152, %dma_start3A_158] : memref<10000x128xf32, #tpu.memory_space<vmem_shared>> -> memref<128x128xf32, #tpu.memory_space<vmem_shared>>
      %dma_start3A_160 = tpu.memref_slice %arg10[%dma_start3A_153] : memref<3x!tpu.dma_semaphore, #tpu.memory_space<semaphore_mem>> -> memref<1x!tpu.dma_semaphore, #tpu.memory_space<semaphore_mem>>
      %dma_start3A_161 = tpu.memref_squeeze %dma_start3A_160 : memref<1x!tpu.dma_semaphore, #tpu.memory_space<semaphore_mem>> -> memref<!tpu.dma_semaphore, #tpu.memory_space<semaphore_mem>>
      %dma_start3A_162 = arith.constant 0 : i32
      %dma_start3A_163 = tpu.memref_slice %arg11[%add3A_152, %dma_start3A_162] : memref<10000x128xf32, #tpu.memory_space<vmem_shared>> -> memref<128x128xf32, #tpu.memory_space<vmem_shared>>
      %dma_start3A_164 = arith.constant 0 : i32
      %dma_start3A_165 = arith.constant 0 : i32
      %dma_start3A_166 = tpu.memref_slice %arg7[%cond3A, %dma_start3A_164, %dma_start3A_165] : memref<3x128x128xf32, #tpu.memory_space<vmem>> -> memref<1x128x128xf32, #tpu.memory_space<vmem>>
      %dma_start3A_167 = tpu.memref_squeeze %dma_start3A_166 : memref<1x128x128xf32, #tpu.memory_space<vmem>> -> memref<128x128xf32, #tpu.memory_space<vmem>>
      tpu.enqueue_dma source(%dma_start3A_167 : memref<128x128xf32, #tpu.memory_space<vmem>>) target(%dma_start3A_163 : memref<128x128xf32, #tpu.memory_space<vmem_shared>>) target_semaphore(%dma_start3A_161 : memref<!tpu.dma_semaphore, #tpu.memory_space<semaphore_mem>>)
      %add3A_168 = arith.constant 128 : i32
      %add3A_169 = arith.addi %mul3A_45, %add3A_168 : i32
      %dma_start3A_170 = arith.constant 0 : i32
      %dma_start3A_171 = arith.constant 0 : i32
      %dma_start3A_172 = arith.constant 0 : i32
      %dma_start3A_173 = tpu.memref_slice %arg7[%cond3A, %dma_start3A_171, %dma_start3A_172] : memref<3x128x128xf32, #tpu.memory_space<vmem>> -> memref<1x128x128xf32, #tpu.memory_space<vmem>>
      %dma_start3A_174 = tpu.memref_squeeze %dma_start3A_173 : memref<1x128x128xf32, #tpu.memory_space<vmem>> -> memref<128x128xf32, #tpu.memory_space<vmem>>
      %dma_start3A_175 = arith.constant 0 : i32
      %dma_start3A_176 = tpu.memref_slice %arg11[%add3A_169, %dma_start3A_175] : memref<10000x128xf32, #tpu.memory_space<vmem_shared>> -> memref<128x128xf32, #tpu.memory_space<vmem_shared>>
      %dma_start3A_177 = tpu.memref_slice %arg10[%dma_start3A_170] : memref<3x!tpu.dma_semaphore, #tpu.memory_space<semaphore_mem>> -> memref<1x!tpu.dma_semaphore, #tpu.memory_space<semaphore_mem>>
      %dma_start3A_178 = tpu.memref_squeeze %dma_start3A_177 : memref<1x!tpu.dma_semaphore, #tpu.memory_space<semaphore_mem>> -> memref<!tpu.dma_semaphore, #tpu.memory_space<semaphore_mem>>
      %dma_start3A_179 = arith.constant 0 : i32
      %dma_start3A_180 = tpu.memref_slice %arg11[%add3A_169, %dma_start3A_179] : memref<10000x128xf32, #tpu.memory_space<vmem_shared>> -> memref<128x128xf32, #tpu.memory_space<vmem_shared>>
      %dma_start3A_181 = arith.constant 0 : i32
      %dma_start3A_182 = arith.constant 0 : i32
      %dma_start3A_183 = tpu.memref_slice %arg7[%cond3A, %dma_start3A_181, %dma_start3A_182] : memref<3x128x128xf32, #tpu.memory_space<vmem>> -> memref<1x128x128xf32, #tpu.memory_space<vmem>>
      %dma_start3A_184 = tpu.memref_squeeze %dma_start3A_183 : memref<1x128x128xf32, #tpu.memory_space<vmem>> -> memref<128x128xf32, #tpu.memory_space<vmem>>
      tpu.enqueue_dma source(%dma_start3A_184 : memref<128x128xf32, #tpu.memory_space<vmem>>) target(%dma_start3A_180 : memref<128x128xf32, #tpu.memory_space<vmem_shared>>) target_semaphore(%dma_start3A_178 : memref<!tpu.dma_semaphore, #tpu.memory_space<semaphore_mem>>)
      %add3A_185 = arith.constant 256 : i32
      %add3A_186 = arith.addi %mul3A_45, %add3A_185 : i32
      %dma_start3A_187 = arith.constant 0 : i32
      %dma_start3A_188 = arith.constant 0 : i32
      %dma_start3A_189 = arith.constant 0 : i32
      %dma_start3A_190 = tpu.memref_slice %arg7[%cond3A, %dma_start3A_188, %dma_start3A_189] : memref<3x128x128xf32, #tpu.memory_space<vmem>> -> memref<1x128x128xf32, #tpu.memory_space<vmem>>
      %dma_start3A_191 = tpu.memref_squeeze %dma_start3A_190 : memref<1x128x128xf32, #tpu.memory_space<vmem>> -> memref<128x128xf32, #tpu.memory_space<vmem>>
      %dma_start3A_192 = arith.constant 0 : i32
      %dma_start3A_193 = tpu.memref_slice %arg11[%add3A_186, %dma_start3A_192] : memref<10000x128xf32, #tpu.memory_space<vmem_shared>> -> memref<128x128xf32, #tpu.memory_space<vmem_shared>>
      %dma_start3A_194 = tpu.memref_slice %arg10[%dma_start3A_187] : memref<3x!tpu.dma_semaphore, #tpu.memory_space<semaphore_mem>> -> memref<1x!tpu.dma_semaphore, #tpu.memory_space<semaphore_mem>>
      %dma_start3A_195 = tpu.memref_squeeze %dma_start3A_194 : memref<1x!tpu.dma_semaphore, #tpu.memory_space<semaphore_mem>> -> memref<!tpu.dma_semaphore, #tpu.memory_space<semaphore_mem>>
      %dma_start3A_196 = arith.constant 0 : i32
      %dma_start3A_197 = tpu.memref_slice %arg11[%add3A_186, %dma_start3A_196] : memref<10000x128xf32, #tpu.memory_space<vmem_shared>> -> memref<128x128xf32, #tpu.memory_space<vmem_shared>>
      %dma_start3A_198 = arith.constant 0 : i32
      %dma_start3A_199 = arith.constant 0 : i32
      %dma_start3A_200 = tpu.memref_slice %arg7[%cond3A, %dma_start3A_198, %dma_start3A_199] : memref<3x128x128xf32, #tpu.memory_space<vmem>> -> memref<1x128x128xf32, #tpu.memory_space<vmem>>
      %dma_start3A_201 = tpu.memref_squeeze %dma_start3A_200 : memref<1x128x128xf32, #tpu.memory_space<vmem>> -> memref<128x128xf32, #tpu.memory_space<vmem>>
      tpu.enqueue_dma source(%dma_start3A_201 : memref<128x128xf32, #tpu.memory_space<vmem>>) target(%dma_start3A_197 : memref<128x128xf32, #tpu.memory_space<vmem_shared>>) target_semaphore(%dma_start3A_195 : memref<!tpu.dma_semaphore, #tpu.memory_space<semaphore_mem>>)
      %add3A_202 = arith.constant 384 : i32
      %add3A_203 = arith.addi %mul3A_45, %add3A_202 : i32
      %dma_start3A_204 = arith.constant 0 : i32
      %dma_start3A_205 = arith.constant 0 : i32
      %dma_start3A_206 = arith.constant 0 : i32
      %dma_start3A_207 = tpu.memref_slice %arg7[%cond3A, %dma_start3A_205, %dma_start3A_206] : memref<3x128x128xf32, #tpu.memory_space<vmem>> -> memref<1x128x128xf32, #tpu.memory_space<vmem>>
      %dma_start3A_208 = tpu.memref_squeeze %dma_start3A_207 : memref<1x128x128xf32, #tpu.memory_space<vmem>> -> memref<128x128xf32, #tpu.memory_space<vmem>>
      %dma_start3A_209 = arith.constant 0 : i32
      %dma_start3A_210 = tpu.memref_slice %arg11[%add3A_203, %dma_start3A_209] : memref<10000x128xf32, #tpu.memory_space<vmem_shared>> -> memref<128x128xf32, #tpu.memory_space<vmem_shared>>
      %dma_start3A_211 = tpu.memref_slice %arg10[%dma_start3A_204] : memref<3x!tpu.dma_semaphore, #tpu.memory_space<semaphore_mem>> -> memref<1x!tpu.dma_semaphore, #tpu.memory_space<semaphore_mem>>
      %dma_start3A_212 = tpu.memref_squeeze %dma_start3A_211 : memref<1x!tpu.dma_semaphore, #tpu.memory_space<semaphore_mem>> -> memref<!tpu.dma_semaphore, #tpu.memory_space<semaphore_mem>>
      %dma_start3A_213 = arith.constant 0 : i32
      %dma_start3A_214 = tpu.memref_slice %arg11[%add3A_203, %dma_start3A_213] : memref<10000x128xf32, #tpu.memory_space<vmem_shared>> -> memref<128x128xf32, #tpu.memory_space<vmem_shared>>
      %dma_start3A_215 = arith.constant 0 : i32
      %dma_start3A_216 = arith.constant 0 : i32
      %dma_start3A_217 = tpu.memref_slice %arg7[%cond3A, %dma_start3A_215, %dma_start3A_216] : memref<3x128x128xf32, #tpu.memory_space<vmem>> -> memref<1x128x128xf32, #tpu.memory_space<vmem>>
      %dma_start3A_218 = tpu.memref_squeeze %dma_start3A_217 : memref<1x128x128xf32, #tpu.memory_space<vmem>> -> memref<128x128xf32, #tpu.memory_space<vmem>>
      tpu.enqueue_dma source(%dma_start3A_218 : memref<128x128xf32, #tpu.memory_space<vmem>>) target(%dma_start3A_214 : memref<128x128xf32, #tpu.memory_space<vmem_shared>>) target_semaphore(%dma_start3A_212 : memref<!tpu.dma_semaphore, #tpu.memory_space<semaphore_mem>>)
      %add3A_219 = arith.constant 512 : i32
      %add3A_220 = arith.addi %mul3A_45, %add3A_219 : i32
      %dma_start3A_221 = arith.constant 1 : i32
      %dma_start3A_222 = arith.constant 0 : i32
      %dma_start3A_223 = arith.constant 0 : i32
      %dma_start3A_224 = tpu.memref_slice %arg7[%cond3A, %dma_start3A_222, %dma_start3A_223] : memref<3x128x128xf32, #tpu.memory_space<vmem>> -> memref<1x128x128xf32, #tpu.memory_space<vmem>>
      %dma_start3A_225 = tpu.memref_squeeze %dma_start3A_224 : memref<1x128x128xf32, #tpu.memory_space<vmem>> -> memref<128x128xf32, #tpu.memory_space<vmem>>
      %dma_start3A_226 = arith.constant 0 : i32
      %dma_start3A_227 = arith.constant 0 : i32
      %dma_start3A_228 = tpu.memref_slice %dma_start3A_225[%dma_start3A_226, %dma_start3A_227] : memref<128x128xf32, #tpu.memory_space<vmem>> -> memref<112x128xf32, #tpu.memory_space<vmem>>
      %dma_start3A_229 = arith.constant 0 : i32
      %dma_start3A_230 = tpu.memref_slice %arg11[%add3A_220, %dma_start3A_229] : memref<10000x128xf32, #tpu.memory_space<vmem_shared>> -> memref<112x128xf32, #tpu.memory_space<vmem_shared>>
      %dma_start3A_231 = tpu.memref_slice %arg10[%dma_start3A_221] : memref<3x!tpu.dma_semaphore, #tpu.memory_space<semaphore_mem>> -> memref<1x!tpu.dma_semaphore, #tpu.memory_space<semaphore_mem>>
      %dma_start3A_232 = tpu.memref_squeeze %dma_start3A_231 : memref<1x!tpu.dma_semaphore, #tpu.memory_space<semaphore_mem>> -> memref<!tpu.dma_semaphore, #tpu.memory_space<semaphore_mem>>
      %dma_start3A_233 = arith.constant 0 : i32
      %dma_start3A_234 = tpu.memref_slice %arg11[%add3A_220, %dma_start3A_233] : memref<10000x128xf32, #tpu.memory_space<vmem_shared>> -> memref<112x128xf32, #tpu.memory_space<vmem_shared>>
      %dma_start3A_235 = arith.constant 0 : i32
      %dma_start3A_236 = arith.constant 0 : i32
      %dma_start3A_237 = tpu.memref_slice %arg7[%cond3A, %dma_start3A_235, %dma_start3A_236] : memref<3x128x128xf32, #tpu.memory_space<vmem>> -> memref<1x128x128xf32, #tpu.memory_space<vmem>>
      %dma_start3A_238 = tpu.memref_squeeze %dma_start3A_237 : memref<1x128x128xf32, #tpu.memory_space<vmem>> -> memref<128x128xf32, #tpu.memory_space<vmem>>
      %dma_start3A_239 = arith.constant 0 : i32
      %dma_start3A_240 = arith.constant 0 : i32
      %dma_start3A_241 = tpu.memref_slice %dma_start3A_238[%dma_start3A_239, %dma_start3A_240] : memref<128x128xf32, #tpu.memory_space<vmem>> -> memref<112x128xf32, #tpu.memory_space<vmem>>
      tpu.enqueue_dma source(%dma_start3A_241 : memref<112x128xf32, #tpu.memory_space<vmem>>) target(%dma_start3A_234 : memref<112x128xf32, #tpu.memory_space<vmem_shared>>) target_semaphore(%dma_start3A_232 : memref<!tpu.dma_semaphore, #tpu.memory_space<semaphore_mem>>)
      %dma_wait3A_242 = arith.constant 0 : i32
      %dma_wait3A_243 = arith.constant 0 : i32
      %dma_wait3A_244 = arith.constant 0 : i32
      %dma_wait3A_245 = tpu.memref_slice %arg7[%cond3A, %dma_wait3A_243, %dma_wait3A_244] : memref<3x128x128xf32, #tpu.memory_space<vmem>> -> memref<1x128x128xf32, #tpu.memory_space<vmem>>
      %dma_wait3A_246 = tpu.memref_squeeze %dma_wait3A_245 : memref<1x128x128xf32, #tpu.memory_space<vmem>> -> memref<128x128xf32, #tpu.memory_space<vmem>>
      %dma_wait3A_247 = arith.constant 0 : i32
      %dma_wait3A_248 = tpu.memref_slice %arg11[%mul3A_45, %dma_wait3A_247] : memref<10000x128xf32, #tpu.memory_space<vmem_shared>> -> memref<128x128xf32, #tpu.memory_space<vmem_shared>>
      %dma_wait3A_249 = tpu.memref_slice %arg10[%dma_wait3A_242] : memref<3x!tpu.dma_semaphore, #tpu.memory_space<semaphore_mem>> -> memref<1x!tpu.dma_semaphore, #tpu.memory_space<semaphore_mem>>
      %dma_wait3A_250 = tpu.memref_squeeze %dma_wait3A_249 : memref<1x!tpu.dma_semaphore, #tpu.memory_space<semaphore_mem>> -> memref<!tpu.dma_semaphore, #tpu.memory_space<semaphore_mem>>
      %dma_wait3A_251 = arith.constant 0 : i32
      %dma_wait3A_252 = tpu.memref_slice %arg11[%mul3A_45, %dma_wait3A_251] : memref<10000x128xf32, #tpu.memory_space<vmem_shared>> -> memref<128x128xf32, #tpu.memory_space<vmem_shared>>
      %dma_wait3A_253 = arith.constant 0 : i32
      %dma_wait3A_254 = arith.constant 0 : i32
      %dma_wait3A_255 = tpu.memref_slice %arg7[%cond3A, %dma_wait3A_253, %dma_wait3A_254] : memref<3x128x128xf32, #tpu.memory_space<vmem>> -> memref<1x128x128xf32, #tpu.memory_space<vmem>>
      %dma_wait3A_256 = tpu.memref_squeeze %dma_wait3A_255 : memref<1x128x128xf32, #tpu.memory_space<vmem>> -> memref<128x128xf32, #tpu.memory_space<vmem>>
      tpu.wait_dma2 semaphore(%dma_wait3A_250 : memref<!tpu.dma_semaphore, #tpu.memory_space<semaphore_mem>>) src(%dma_wait3A_256 : memref<128x128xf32, #tpu.memory_space<vmem>>) dst(%dma_wait3A_252 : memref<128x128xf32, #tpu.memory_space<vmem_shared>>)
      %dma_wait3A_257 = arith.constant 0 : i32
      %dma_wait3A_258 = arith.constant 0 : i32
      %dma_wait3A_259 = arith.constant 0 : i32
      %dma_wait3A_260 = tpu.memref_slice %arg7[%cond3A, %dma_wait3A_258, %dma_wait3A_259] : memref<3x128x128xf32, #tpu.memory_space<vmem>> -> memref<1x128x128xf32, #tpu.memory_space<vmem>>
      %dma_wait3A_261 = tpu.memref_squeeze %dma_wait3A_260 : memref<1x128x128xf32, #tpu.memory_space<vmem>> -> memref<128x128xf32, #tpu.memory_space<vmem>>
      %dma_wait3A_262 = arith.constant 0 : i32
      %dma_wait3A_263 = tpu.memref_slice %arg11[%mul3A_45, %dma_wait3A_262] : memref<10000x128xf32, #tpu.memory_space<vmem_shared>> -> memref<128x128xf32, #tpu.memory_space<vmem_shared>>
      %dma_wait3A_264 = tpu.memref_slice %arg10[%dma_wait3A_257] : memref<3x!tpu.dma_semaphore, #tpu.memory_space<semaphore_mem>> -> memref<1x!tpu.dma_semaphore, #tpu.memory_space<semaphore_mem>>
      %dma_wait3A_265 = tpu.memref_squeeze %dma_wait3A_264 : memref<1x!tpu.dma_semaphore, #tpu.memory_space<semaphore_mem>> -> memref<!tpu.dma_semaphore, #tpu.memory_space<semaphore_mem>>
      %dma_wait3A_266 = arith.constant 0 : i32
      %dma_wait3A_267 = tpu.memref_slice %arg11[%mul3A_45, %dma_wait3A_266] : memref<10000x128xf32, #tpu.memory_space<vmem_shared>> -> memref<128x128xf32, #tpu.memory_space<vmem_shared>>
      %dma_wait3A_268 = arith.constant 0 : i32
      %dma_wait3A_269 = arith.constant 0 : i32
      %dma_wait3A_270 = tpu.memref_slice %arg7[%cond3A, %dma_wait3A_268, %dma_wait3A_269] : memref<3x128x128xf32, #tpu.memory_space<vmem>> -> memref<1x128x128xf32, #tpu.memory_space<vmem>>
      %dma_wait3A_271 = tpu.memref_squeeze %dma_wait3A_270 : memref<1x128x128xf32, #tpu.memory_space<vmem>> -> memref<128x128xf32, #tpu.memory_space<vmem>>
      tpu.wait_dma2 semaphore(%dma_wait3A_265 : memref<!tpu.dma_semaphore, #tpu.memory_space<semaphore_mem>>) src(%dma_wait3A_271 : memref<128x128xf32, #tpu.memory_space<vmem>>) dst(%dma_wait3A_267 : memref<128x128xf32, #tpu.memory_space<vmem_shared>>)
      %dma_wait3A_272 = arith.constant 0 : i32
      %dma_wait3A_273 = arith.constant 0 : i32
      %dma_wait3A_274 = arith.constant 0 : i32
      %dma_wait3A_275 = tpu.memref_slice %arg7[%cond3A, %dma_wait3A_273, %dma_wait3A_274] : memref<3x128x128xf32, #tpu.memory_space<vmem>> -> memref<1x128x128xf32, #tpu.memory_space<vmem>>
      %dma_wait3A_276 = tpu.memref_squeeze %dma_wait3A_275 : memref<1x128x128xf32, #tpu.memory_space<vmem>> -> memref<128x128xf32, #tpu.memory_space<vmem>>
      %dma_wait3A_277 = arith.constant 0 : i32
      %dma_wait3A_278 = tpu.memref_slice %arg11[%mul3A_45, %dma_wait3A_277] : memref<10000x128xf32, #tpu.memory_space<vmem_shared>> -> memref<128x128xf32, #tpu.memory_space<vmem_shared>>
      %dma_wait3A_279 = tpu.memref_slice %arg10[%dma_wait3A_272] : memref<3x!tpu.dma_semaphore, #tpu.memory_space<semaphore_mem>> -> memref<1x!tpu.dma_semaphore, #tpu.memory_space<semaphore_mem>>
      %dma_wait3A_280 = tpu.memref_squeeze %dma_wait3A_279 : memref<1x!tpu.dma_semaphore, #tpu.memory_space<semaphore_mem>> -> memref<!tpu.dma_semaphore, #tpu.memory_space<semaphore_mem>>
      %dma_wait3A_281 = arith.constant 0 : i32
      %dma_wait3A_282 = tpu.memref_slice %arg11[%mul3A_45, %dma_wait3A_281] : memref<10000x128xf32, #tpu.memory_space<vmem_shared>> -> memref<128x128xf32, #tpu.memory_space<vmem_shared>>
      %dma_wait3A_283 = arith.constant 0 : i32
      %dma_wait3A_284 = arith.constant 0 : i32
      %dma_wait3A_285 = tpu.memref_slice %arg7[%cond3A, %dma_wait3A_283, %dma_wait3A_284] : memref<3x128x128xf32, #tpu.memory_space<vmem>> -> memref<1x128x128xf32, #tpu.memory_space<vmem>>
      %dma_wait3A_286 = tpu.memref_squeeze %dma_wait3A_285 : memref<1x128x128xf32, #tpu.memory_space<vmem>> -> memref<128x128xf32, #tpu.memory_space<vmem>>
      tpu.wait_dma2 semaphore(%dma_wait3A_280 : memref<!tpu.dma_semaphore, #tpu.memory_space<semaphore_mem>>) src(%dma_wait3A_286 : memref<128x128xf32, #tpu.memory_space<vmem>>) dst(%dma_wait3A_282 : memref<128x128xf32, #tpu.memory_space<vmem_shared>>)
      %dma_wait3A_287 = arith.constant 0 : i32
      %dma_wait3A_288 = arith.constant 0 : i32
      %dma_wait3A_289 = arith.constant 0 : i32
      %dma_wait3A_290 = tpu.memref_slice %arg7[%cond3A, %dma_wait3A_288, %dma_wait3A_289] : memref<3x128x128xf32, #tpu.memory_space<vmem>> -> memref<1x128x128xf32, #tpu.memory_space<vmem>>
      %dma_wait3A_291 = tpu.memref_squeeze %dma_wait3A_290 : memref<1x128x128xf32, #tpu.memory_space<vmem>> -> memref<128x128xf32, #tpu.memory_space<vmem>>
      %dma_wait3A_292 = arith.constant 0 : i32
      %dma_wait3A_293 = tpu.memref_slice %arg11[%mul3A_45, %dma_wait3A_292] : memref<10000x128xf32, #tpu.memory_space<vmem_shared>> -> memref<128x128xf32, #tpu.memory_space<vmem_shared>>
      %dma_wait3A_294 = tpu.memref_slice %arg10[%dma_wait3A_287] : memref<3x!tpu.dma_semaphore, #tpu.memory_space<semaphore_mem>> -> memref<1x!tpu.dma_semaphore, #tpu.memory_space<semaphore_mem>>
      %dma_wait3A_295 = tpu.memref_squeeze %dma_wait3A_294 : memref<1x!tpu.dma_semaphore, #tpu.memory_space<semaphore_mem>> -> memref<!tpu.dma_semaphore, #tpu.memory_space<semaphore_mem>>
      %dma_wait3A_296 = arith.constant 0 : i32
      %dma_wait3A_297 = tpu.memref_slice %arg11[%mul3A_45, %dma_wait3A_296] : memref<10000x128xf32, #tpu.memory_space<vmem_shared>> -> memref<128x128xf32, #tpu.memory_space<vmem_shared>>
      %dma_wait3A_298 = arith.constant 0 : i32
      %dma_wait3A_299 = arith.constant 0 : i32
      %dma_wait3A_300 = tpu.memref_slice %arg7[%cond3A, %dma_wait3A_298, %dma_wait3A_299] : memref<3x128x128xf32, #tpu.memory_space<vmem>> -> memref<1x128x128xf32, #tpu.memory_space<vmem>>
      %dma_wait3A_301 = tpu.memref_squeeze %dma_wait3A_300 : memref<1x128x128xf32, #tpu.memory_space<vmem>> -> memref<128x128xf32, #tpu.memory_space<vmem>>
      tpu.wait_dma2 semaphore(%dma_wait3A_295 : memref<!tpu.dma_semaphore, #tpu.memory_space<semaphore_mem>>) src(%dma_wait3A_301 : memref<128x128xf32, #tpu.memory_space<vmem>>) dst(%dma_wait3A_297 : memref<128x128xf32, #tpu.memory_space<vmem_shared>>)
      %add3A_302 = arith.constant 512 : i32
      %add3A_303 = arith.addi %mul3A_45, %add3A_302 : i32
      %dma_wait3A_304 = arith.constant 1 : i32
      %dma_wait3A_305 = arith.constant 0 : i32
      %dma_wait3A_306 = arith.constant 0 : i32
      %dma_wait3A_307 = tpu.memref_slice %arg7[%cond3A, %dma_wait3A_305, %dma_wait3A_306] : memref<3x128x128xf32, #tpu.memory_space<vmem>> -> memref<1x128x128xf32, #tpu.memory_space<vmem>>
      %dma_wait3A_308 = tpu.memref_squeeze %dma_wait3A_307 : memref<1x128x128xf32, #tpu.memory_space<vmem>> -> memref<128x128xf32, #tpu.memory_space<vmem>>
      %dma_wait3A_309 = arith.constant 0 : i32
      %dma_wait3A_310 = arith.constant 0 : i32
      %dma_wait3A_311 = tpu.memref_slice %dma_wait3A_308[%dma_wait3A_309, %dma_wait3A_310] : memref<128x128xf32, #tpu.memory_space<vmem>> -> memref<112x128xf32, #tpu.memory_space<vmem>>
      %dma_wait3A_312 = arith.constant 0 : i32
      %dma_wait3A_313 = tpu.memref_slice %arg11[%add3A_303, %dma_wait3A_312] : memref<10000x128xf32, #tpu.memory_space<vmem_shared>> -> memref<112x128xf32, #tpu.memory_space<vmem_shared>>
      %dma_wait3A_314 = tpu.memref_slice %arg10[%dma_wait3A_304] : memref<3x!tpu.dma_semaphore, #tpu.memory_space<semaphore_mem>> -> memref<1x!tpu.dma_semaphore, #tpu.memory_space<semaphore_mem>>
      %dma_wait3A_315 = tpu.memref_squeeze %dma_wait3A_314 : memref<1x!tpu.dma_semaphore, #tpu.memory_space<semaphore_mem>> -> memref<!tpu.dma_semaphore, #tpu.memory_space<semaphore_mem>>
      %dma_wait3A_316 = arith.constant 0 : i32
      %dma_wait3A_317 = tpu.memref_slice %arg11[%add3A_303, %dma_wait3A_316] : memref<10000x128xf32, #tpu.memory_space<vmem_shared>> -> memref<112x128xf32, #tpu.memory_space<vmem_shared>>
      %dma_wait3A_318 = arith.constant 0 : i32
      %dma_wait3A_319 = arith.constant 0 : i32
      %dma_wait3A_320 = tpu.memref_slice %arg7[%cond3A, %dma_wait3A_318, %dma_wait3A_319] : memref<3x128x128xf32, #tpu.memory_space<vmem>> -> memref<1x128x128xf32, #tpu.memory_space<vmem>>
      %dma_wait3A_321 = tpu.memref_squeeze %dma_wait3A_320 : memref<1x128x128xf32, #tpu.memory_space<vmem>> -> memref<128x128xf32, #tpu.memory_space<vmem>>
      %dma_wait3A_322 = arith.constant 0 : i32
      %dma_wait3A_323 = arith.constant 0 : i32
      %dma_wait3A_324 = tpu.memref_slice %dma_wait3A_321[%dma_wait3A_322, %dma_wait3A_323] : memref<128x128xf32, #tpu.memory_space<vmem>> -> memref<112x128xf32, #tpu.memory_space<vmem>>
      tpu.wait_dma2 semaphore(%dma_wait3A_315 : memref<!tpu.dma_semaphore, #tpu.memory_space<semaphore_mem>>) src(%dma_wait3A_324 : memref<112x128xf32, #tpu.memory_space<vmem>>) dst(%dma_wait3A_317 : memref<112x128xf32, #tpu.memory_space<vmem_shared>>)
    } else {
    }
    %eq3A = arith.constant 15 : i32
    %eq3A_50 = arith.cmpi eq, %arg1, %eq3A : i32
    %convert_element_type3A_51 = arith.extui %eq3A_50 : i1 to i32
    %cond3A_52 = arith.constant 0 : i32
    %cond3A_53 = arith.constant 0 : i32
    %cond3A_54 = arith.cmpi ne, %convert_element_type3A_51, %cond3A_53 : i32
    scf.if %cond3A_54 {
      %add3A_151 = arith.constant 0 : i32
      %add3A_152 = arith.addi %mul3A_45, %add3A_151 : i32
      %dma_start3A_153 = arith.constant 0 : i32
      %dma_start3A_154 = arith.constant 0 : i32
      %dma_start3A_155 = arith.constant 0 : i32
      %dma_start3A_156 = tpu.memref_slice %arg7[%cond3A_52, %dma_start3A_154, %dma_start3A_155] : memref<3x128x128xf32, #tpu.memory_space<vmem>> -> memref<1x128x128xf32, #tpu.memory_space<vmem>>
      %dma_start3A_157 = tpu.memref_squeeze %dma_start3A_156 : memref<1x128x128xf32, #tpu.memory_space<vmem>> -> memref<128x128xf32, #tpu.memory_space<vmem>>
      %dma_start3A_158 = arith.constant 0 : i32
      %dma_start3A_159 = tpu.memref_slice %arg11[%add3A_152, %dma_start3A_158] : memref<10000x128xf32, #tpu.memory_space<vmem_shared>> -> memref<128x128xf32, #tpu.memory_space<vmem_shared>>
      %dma_start3A_160 = tpu.memref_slice %arg10[%dma_start3A_153] : memref<3x!tpu.dma_semaphore, #tpu.memory_space<semaphore_mem>> -> memref<1x!tpu.dma_semaphore, #tpu.memory_space<semaphore_mem>>
      %dma_start3A_161 = tpu.memref_squeeze %dma_start3A_160 : memref<1x!tpu.dma_semaphore, #tpu.memory_space<semaphore_mem>> -> memref<!tpu.dma_semaphore, #tpu.memory_space<semaphore_mem>>
      %dma_start3A_162 = arith.constant 0 : i32
      %dma_start3A_163 = tpu.memref_slice %arg11[%add3A_152, %dma_start3A_162] : memref<10000x128xf32, #tpu.memory_space<vmem_shared>> -> memref<128x128xf32, #tpu.memory_space<vmem_shared>>
      %dma_start3A_164 = arith.constant 0 : i32
      %dma_start3A_165 = arith.constant 0 : i32
      %dma_start3A_166 = tpu.memref_slice %arg7[%cond3A_52, %dma_start3A_164, %dma_start3A_165] : memref<3x128x128xf32, #tpu.memory_space<vmem>> -> memref<1x128x128xf32, #tpu.memory_space<vmem>>
      %dma_start3A_167 = tpu.memref_squeeze %dma_start3A_166 : memref<1x128x128xf32, #tpu.memory_space<vmem>> -> memref<128x128xf32, #tpu.memory_space<vmem>>
      tpu.enqueue_dma source(%dma_start3A_167 : memref<128x128xf32, #tpu.memory_space<vmem>>) target(%dma_start3A_163 : memref<128x128xf32, #tpu.memory_space<vmem_shared>>) target_semaphore(%dma_start3A_161 : memref<!tpu.dma_semaphore, #tpu.memory_space<semaphore_mem>>)
      %add3A_168 = arith.constant 128 : i32
      %add3A_169 = arith.addi %mul3A_45, %add3A_168 : i32
      %dma_start3A_170 = arith.constant 0 : i32
      %dma_start3A_171 = arith.constant 0 : i32
      %dma_start3A_172 = arith.constant 0 : i32
      %dma_start3A_173 = tpu.memref_slice %arg7[%cond3A_52, %dma_start3A_171, %dma_start3A_172] : memref<3x128x128xf32, #tpu.memory_space<vmem>> -> memref<1x128x128xf32, #tpu.memory_space<vmem>>
      %dma_start3A_174 = tpu.memref_squeeze %dma_start3A_173 : memref<1x128x128xf32, #tpu.memory_space<vmem>> -> memref<128x128xf32, #tpu.memory_space<vmem>>
      %dma_start3A_175 = arith.constant 0 : i32
      %dma_start3A_176 = tpu.memref_slice %arg11[%add3A_169, %dma_start3A_175] : memref<10000x128xf32, #tpu.memory_space<vmem_shared>> -> memref<128x128xf32, #tpu.memory_space<vmem_shared>>
      %dma_start3A_177 = tpu.memref_slice %arg10[%dma_start3A_170] : memref<3x!tpu.dma_semaphore, #tpu.memory_space<semaphore_mem>> -> memref<1x!tpu.dma_semaphore, #tpu.memory_space<semaphore_mem>>
      %dma_start3A_178 = tpu.memref_squeeze %dma_start3A_177 : memref<1x!tpu.dma_semaphore, #tpu.memory_space<semaphore_mem>> -> memref<!tpu.dma_semaphore, #tpu.memory_space<semaphore_mem>>
      %dma_start3A_179 = arith.constant 0 : i32
      %dma_start3A_180 = tpu.memref_slice %arg11[%add3A_169, %dma_start3A_179] : memref<10000x128xf32, #tpu.memory_space<vmem_shared>> -> memref<128x128xf32, #tpu.memory_space<vmem_shared>>
      %dma_start3A_181 = arith.constant 0 : i32
      %dma_start3A_182 = arith.constant 0 : i32
      %dma_start3A_183 = tpu.memref_slice %arg7[%cond3A_52, %dma_start3A_181, %dma_start3A_182] : memref<3x128x128xf32, #tpu.memory_space<vmem>> -> memref<1x128x128xf32, #tpu.memory_space<vmem>>
      %dma_start3A_184 = tpu.memref_squeeze %dma_start3A_183 : memref<1x128x128xf32, #tpu.memory_space<vmem>> -> memref<128x128xf32, #tpu.memory_space<vmem>>
      tpu.enqueue_dma source(%dma_start3A_184 : memref<128x128xf32, #tpu.memory_space<vmem>>) target(%dma_start3A_180 : memref<128x128xf32, #tpu.memory_space<vmem_shared>>) target_semaphore(%dma_start3A_178 : memref<!tpu.dma_semaphore, #tpu.memory_space<semaphore_mem>>)
      %add3A_185 = arith.constant 256 : i32
      %add3A_186 = arith.addi %mul3A_45, %add3A_185 : i32
      %dma_start3A_187 = arith.constant 0 : i32
      %dma_start3A_188 = arith.constant 0 : i32
      %dma_start3A_189 = arith.constant 0 : i32
      %dma_start3A_190 = tpu.memref_slice %arg7[%cond3A_52, %dma_start3A_188, %dma_start3A_189] : memref<3x128x128xf32, #tpu.memory_space<vmem>> -> memref<1x128x128xf32, #tpu.memory_space<vmem>>
      %dma_start3A_191 = tpu.memref_squeeze %dma_start3A_190 : memref<1x128x128xf32, #tpu.memory_space<vmem>> -> memref<128x128xf32, #tpu.memory_space<vmem>>
      %dma_start3A_192 = arith.constant 0 : i32
      %dma_start3A_193 = tpu.memref_slice %arg11[%add3A_186, %dma_start3A_192] : memref<10000x128xf32, #tpu.memory_space<vmem_shared>> -> memref<128x128xf32, #tpu.memory_space<vmem_shared>>
      %dma_start3A_194 = tpu.memref_slice %arg10[%dma_start3A_187] : memref<3x!tpu.dma_semaphore, #tpu.memory_space<semaphore_mem>> -> memref<1x!tpu.dma_semaphore, #tpu.memory_space<semaphore_mem>>
      %dma_start3A_195 = tpu.memref_squeeze %dma_start3A_194 : memref<1x!tpu.dma_semaphore, #tpu.memory_space<semaphore_mem>> -> memref<!tpu.dma_semaphore, #tpu.memory_space<semaphore_mem>>
      %dma_start3A_196 = arith.constant 0 : i32
      %dma_start3A_197 = tpu.memref_slice %arg11[%add3A_186, %dma_start3A_196] : memref<10000x128xf32, #tpu.memory_space<vmem_shared>> -> memref<128x128xf32, #tpu.memory_space<vmem_shared>>
      %dma_start3A_198 = arith.constant 0 : i32
      %dma_start3A_199 = arith.constant 0 : i32
      %dma_start3A_200 = tpu.memref_slice %arg7[%cond3A_52, %dma_start3A_198, %dma_start3A_199] : memref<3x128x128xf32, #tpu.memory_space<vmem>> -> memref<1x128x128xf32, #tpu.memory_space<vmem>>
      %dma_start3A_201 = tpu.memref_squeeze %dma_start3A_200 : memref<1x128x128xf32, #tpu.memory_space<vmem>> -> memref<128x128xf32, #tpu.memory_space<vmem>>
      tpu.enqueue_dma source(%dma_start3A_201 : memref<128x128xf32, #tpu.memory_space<vmem>>) target(%dma_start3A_197 : memref<128x128xf32, #tpu.memory_space<vmem_shared>>) target_semaphore(%dma_start3A_195 : memref<!tpu.dma_semaphore, #tpu.memory_space<semaphore_mem>>)
      %add3A_202 = arith.constant 384 : i32
      %add3A_203 = arith.addi %mul3A_45, %add3A_202 : i32
      %dma_start3A_204 = arith.constant 0 : i32
      %dma_start3A_205 = arith.constant 0 : i32
      %dma_start3A_206 = arith.constant 0 : i32
      %dma_start3A_207 = tpu.memref_slice %arg7[%cond3A_52, %dma_start3A_205, %dma_start3A_206] : memref<3x128x128xf32, #tpu.memory_space<vmem>> -> memref<1x128x128xf32, #tpu.memory_space<vmem>>
      %dma_start3A_208 = tpu.memref_squeeze %dma_start3A_207 : memref<1x128x128xf32, #tpu.memory_space<vmem>> -> memref<128x128xf32, #tpu.memory_space<vmem>>
      %dma_start3A_209 = arith.constant 0 : i32
      %dma_start3A_210 = tpu.memref_slice %arg11[%add3A_203, %dma_start3A_209] : memref<10000x128xf32, #tpu.memory_space<vmem_shared>> -> memref<128x128xf32, #tpu.memory_space<vmem_shared>>
      %dma_start3A_211 = tpu.memref_slice %arg10[%dma_start3A_204] : memref<3x!tpu.dma_semaphore, #tpu.memory_space<semaphore_mem>> -> memref<1x!tpu.dma_semaphore, #tpu.memory_space<semaphore_mem>>
      %dma_start3A_212 = tpu.memref_squeeze %dma_start3A_211 : memref<1x!tpu.dma_semaphore, #tpu.memory_space<semaphore_mem>> -> memref<!tpu.dma_semaphore, #tpu.memory_space<semaphore_mem>>
      %dma_start3A_213 = arith.constant 0 : i32
      %dma_start3A_214 = tpu.memref_slice %arg11[%add3A_203, %dma_start3A_213] : memref<10000x128xf32, #tpu.memory_space<vmem_shared>> -> memref<128x128xf32, #tpu.memory_space<vmem_shared>>
      %dma_start3A_215 = arith.constant 0 : i32
      %dma_start3A_216 = arith.constant 0 : i32
      %dma_start3A_217 = tpu.memref_slice %arg7[%cond3A_52, %dma_start3A_215, %dma_start3A_216] : memref<3x128x128xf32, #tpu.memory_space<vmem>> -> memref<1x128x128xf32, #tpu.memory_space<vmem>>
      %dma_start3A_218 = tpu.memref_squeeze %dma_start3A_217 : memref<1x128x128xf32, #tpu.memory_space<vmem>> -> memref<128x128xf32, #tpu.memory_space<vmem>>
      tpu.enqueue_dma source(%dma_start3A_218 : memref<128x128xf32, #tpu.memory_space<vmem>>) target(%dma_start3A_214 : memref<128x128xf32, #tpu.memory_space<vmem_shared>>) target_semaphore(%dma_start3A_212 : memref<!tpu.dma_semaphore, #tpu.memory_space<semaphore_mem>>)
      %add3A_219 = arith.constant 512 : i32
      %add3A_220 = arith.addi %mul3A_45, %add3A_219 : i32
      %dma_start3A_221 = arith.constant 0 : i32
      %dma_start3A_222 = arith.constant 0 : i32
      %dma_start3A_223 = arith.constant 0 : i32
      %dma_start3A_224 = tpu.memref_slice %arg7[%cond3A_52, %dma_start3A_222, %dma_start3A_223] : memref<3x128x128xf32, #tpu.memory_space<vmem>> -> memref<1x128x128xf32, #tpu.memory_space<vmem>>
      %dma_start3A_225 = tpu.memref_squeeze %dma_start3A_224 : memref<1x128x128xf32, #tpu.memory_space<vmem>> -> memref<128x128xf32, #tpu.memory_space<vmem>>
      %dma_start3A_226 = arith.constant 0 : i32
      %dma_start3A_227 = tpu.memref_slice %arg11[%add3A_220, %dma_start3A_226] : memref<10000x128xf32, #tpu.memory_space<vmem_shared>> -> memref<128x128xf32, #tpu.memory_space<vmem_shared>>
      %dma_start3A_228 = tpu.memref_slice %arg10[%dma_start3A_221] : memref<3x!tpu.dma_semaphore, #tpu.memory_space<semaphore_mem>> -> memref<1x!tpu.dma_semaphore, #tpu.memory_space<semaphore_mem>>
      %dma_start3A_229 = tpu.memref_squeeze %dma_start3A_228 : memref<1x!tpu.dma_semaphore, #tpu.memory_space<semaphore_mem>> -> memref<!tpu.dma_semaphore, #tpu.memory_space<semaphore_mem>>
      %dma_start3A_230 = arith.constant 0 : i32
      %dma_start3A_231 = tpu.memref_slice %arg11[%add3A_220, %dma_start3A_230] : memref<10000x128xf32, #tpu.memory_space<vmem_shared>> -> memref<128x128xf32, #tpu.memory_space<vmem_shared>>
      %dma_start3A_232 = arith.constant 0 : i32
      %dma_start3A_233 = arith.constant 0 : i32
      %dma_start3A_234 = tpu.memref_slice %arg7[%cond3A_52, %dma_start3A_232, %dma_start3A_233] : memref<3x128x128xf32, #tpu.memory_space<vmem>> -> memref<1x128x128xf32, #tpu.memory_space<vmem>>
      %dma_start3A_235 = tpu.memref_squeeze %dma_start3A_234 : memref<1x128x128xf32, #tpu.memory_space<vmem>> -> memref<128x128xf32, #tpu.memory_space<vmem>>
      tpu.enqueue_dma source(%dma_start3A_235 : memref<128x128xf32, #tpu.memory_space<vmem>>) target(%dma_start3A_231 : memref<128x128xf32, #tpu.memory_space<vmem_shared>>) target_semaphore(%dma_start3A_229 : memref<!tpu.dma_semaphore, #tpu.memory_space<semaphore_mem>>)
      %dma_wait3A_236 = arith.constant 0 : i32
      %dma_wait3A_237 = arith.constant 0 : i32
      %dma_wait3A_238 = arith.constant 0 : i32
      %dma_wait3A_239 = tpu.memref_slice %arg7[%cond3A_52, %dma_wait3A_237, %dma_wait3A_238] : memref<3x128x128xf32, #tpu.memory_space<vmem>> -> memref<1x128x128xf32, #tpu.memory_space<vmem>>
      %dma_wait3A_240 = tpu.memref_squeeze %dma_wait3A_239 : memref<1x128x128xf32, #tpu.memory_space<vmem>> -> memref<128x128xf32, #tpu.memory_space<vmem>>
      %dma_wait3A_241 = arith.constant 0 : i32
      %dma_wait3A_242 = tpu.memref_slice %arg11[%mul3A_45, %dma_wait3A_241] : memref<10000x128xf32, #tpu.memory_space<vmem_shared>> -> memref<128x128xf32, #tpu.memory_space<vmem_shared>>
      %dma_wait3A_243 = tpu.memref_slice %arg10[%dma_wait3A_236] : memref<3x!tpu.dma_semaphore, #tpu.memory_space<semaphore_mem>> -> memref<1x!tpu.dma_semaphore, #tpu.memory_space<semaphore_mem>>
      %dma_wait3A_244 = tpu.memref_squeeze %dma_wait3A_243 : memref<1x!tpu.dma_semaphore, #tpu.memory_space<semaphore_mem>> -> memref<!tpu.dma_semaphore, #tpu.memory_space<semaphore_mem>>
      %dma_wait3A_245 = arith.constant 0 : i32
      %dma_wait3A_246 = tpu.memref_slice %arg11[%mul3A_45, %dma_wait3A_245] : memref<10000x128xf32, #tpu.memory_space<vmem_shared>> -> memref<128x128xf32, #tpu.memory_space<vmem_shared>>
      %dma_wait3A_247 = arith.constant 0 : i32
      %dma_wait3A_248 = arith.constant 0 : i32
      %dma_wait3A_249 = tpu.memref_slice %arg7[%cond3A_52, %dma_wait3A_247, %dma_wait3A_248] : memref<3x128x128xf32, #tpu.memory_space<vmem>> -> memref<1x128x128xf32, #tpu.memory_space<vmem>>
      %dma_wait3A_250 = tpu.memref_squeeze %dma_wait3A_249 : memref<1x128x128xf32, #tpu.memory_space<vmem>> -> memref<128x128xf32, #tpu.memory_space<vmem>>
      tpu.wait_dma2 semaphore(%dma_wait3A_244 : memref<!tpu.dma_semaphore, #tpu.memory_space<semaphore_mem>>) src(%dma_wait3A_250 : memref<128x128xf32, #tpu.memory_space<vmem>>) dst(%dma_wait3A_246 : memref<128x128xf32, #tpu.memory_space<vmem_shared>>)
      %dma_wait3A_251 = arith.constant 0 : i32
      %dma_wait3A_252 = arith.constant 0 : i32
      %dma_wait3A_253 = arith.constant 0 : i32
      %dma_wait3A_254 = tpu.memref_slice %arg7[%cond3A_52, %dma_wait3A_252, %dma_wait3A_253] : memref<3x128x128xf32, #tpu.memory_space<vmem>> -> memref<1x128x128xf32, #tpu.memory_space<vmem>>
      %dma_wait3A_255 = tpu.memref_squeeze %dma_wait3A_254 : memref<1x128x128xf32, #tpu.memory_space<vmem>> -> memref<128x128xf32, #tpu.memory_space<vmem>>
      %dma_wait3A_256 = arith.constant 0 : i32
      %dma_wait3A_257 = tpu.memref_slice %arg11[%mul3A_45, %dma_wait3A_256] : memref<10000x128xf32, #tpu.memory_space<vmem_shared>> -> memref<128x128xf32, #tpu.memory_space<vmem_shared>>
      %dma_wait3A_258 = tpu.memref_slice %arg10[%dma_wait3A_251] : memref<3x!tpu.dma_semaphore, #tpu.memory_space<semaphore_mem>> -> memref<1x!tpu.dma_semaphore, #tpu.memory_space<semaphore_mem>>
      %dma_wait3A_259 = tpu.memref_squeeze %dma_wait3A_258 : memref<1x!tpu.dma_semaphore, #tpu.memory_space<semaphore_mem>> -> memref<!tpu.dma_semaphore, #tpu.memory_space<semaphore_mem>>
      %dma_wait3A_260 = arith.constant 0 : i32
      %dma_wait3A_261 = tpu.memref_slice %arg11[%mul3A_45, %dma_wait3A_260] : memref<10000x128xf32, #tpu.memory_space<vmem_shared>> -> memref<128x128xf32, #tpu.memory_space<vmem_shared>>
      %dma_wait3A_262 = arith.constant 0 : i32
      %dma_wait3A_263 = arith.constant 0 : i32
      %dma_wait3A_264 = tpu.memref_slice %arg7[%cond3A_52, %dma_wait3A_262, %dma_wait3A_263] : memref<3x128x128xf32, #tpu.memory_space<vmem>> -> memref<1x128x128xf32, #tpu.memory_space<vmem>>
      %dma_wait3A_265 = tpu.memref_squeeze %dma_wait3A_264 : memref<1x128x128xf32, #tpu.memory_space<vmem>> -> memref<128x128xf32, #tpu.memory_space<vmem>>
      tpu.wait_dma2 semaphore(%dma_wait3A_259 : memref<!tpu.dma_semaphore, #tpu.memory_space<semaphore_mem>>) src(%dma_wait3A_265 : memref<128x128xf32, #tpu.memory_space<vmem>>) dst(%dma_wait3A_261 : memref<128x128xf32, #tpu.memory_space<vmem_shared>>)
      %dma_wait3A_266 = arith.constant 0 : i32
      %dma_wait3A_267 = arith.constant 0 : i32
      %dma_wait3A_268 = arith.constant 0 : i32
      %dma_wait3A_269 = tpu.memref_slice %arg7[%cond3A_52, %dma_wait3A_267, %dma_wait3A_268] : memref<3x128x128xf32, #tpu.memory_space<vmem>> -> memref<1x128x128xf32, #tpu.memory_space<vmem>>
      %dma_wait3A_270 = tpu.memref_squeeze %dma_wait3A_269 : memref<1x128x128xf32, #tpu.memory_space<vmem>> -> memref<128x128xf32, #tpu.memory_space<vmem>>
      %dma_wait3A_271 = arith.constant 0 : i32
      %dma_wait3A_272 = tpu.memref_slice %arg11[%mul3A_45, %dma_wait3A_271] : memref<10000x128xf32, #tpu.memory_space<vmem_shared>> -> memref<128x128xf32, #tpu.memory_space<vmem_shared>>
      %dma_wait3A_273 = tpu.memref_slice %arg10[%dma_wait3A_266] : memref<3x!tpu.dma_semaphore, #tpu.memory_space<semaphore_mem>> -> memref<1x!tpu.dma_semaphore, #tpu.memory_space<semaphore_mem>>
      %dma_wait3A_274 = tpu.memref_squeeze %dma_wait3A_273 : memref<1x!tpu.dma_semaphore, #tpu.memory_space<semaphore_mem>> -> memref<!tpu.dma_semaphore, #tpu.memory_space<semaphore_mem>>
      %dma_wait3A_275 = arith.constant 0 : i32
      %dma_wait3A_276 = tpu.memref_slice %arg11[%mul3A_45, %dma_wait3A_275] : memref<10000x128xf32, #tpu.memory_space<vmem_shared>> -> memref<128x128xf32, #tpu.memory_space<vmem_shared>>
      %dma_wait3A_277 = arith.constant 0 : i32
      %dma_wait3A_278 = arith.constant 0 : i32
      %dma_wait3A_279 = tpu.memref_slice %arg7[%cond3A_52, %dma_wait3A_277, %dma_wait3A_278] : memref<3x128x128xf32, #tpu.memory_space<vmem>> -> memref<1x128x128xf32, #tpu.memory_space<vmem>>
      %dma_wait3A_280 = tpu.memref_squeeze %dma_wait3A_279 : memref<1x128x128xf32, #tpu.memory_space<vmem>> -> memref<128x128xf32, #tpu.memory_space<vmem>>
      tpu.wait_dma2 semaphore(%dma_wait3A_274 : memref<!tpu.dma_semaphore, #tpu.memory_space<semaphore_mem>>) src(%dma_wait3A_280 : memref<128x128xf32, #tpu.memory_space<vmem>>) dst(%dma_wait3A_276 : memref<128x128xf32, #tpu.memory_space<vmem_shared>>)
      %dma_wait3A_281 = arith.constant 0 : i32
      %dma_wait3A_282 = arith.constant 0 : i32
      %dma_wait3A_283 = arith.constant 0 : i32
      %dma_wait3A_284 = tpu.memref_slice %arg7[%cond3A_52, %dma_wait3A_282, %dma_wait3A_283] : memref<3x128x128xf32, #tpu.memory_space<vmem>> -> memref<1x128x128xf32, #tpu.memory_space<vmem>>
      %dma_wait3A_285 = tpu.memref_squeeze %dma_wait3A_284 : memref<1x128x128xf32, #tpu.memory_space<vmem>> -> memref<128x128xf32, #tpu.memory_space<vmem>>
      %dma_wait3A_286 = arith.constant 0 : i32
      %dma_wait3A_287 = tpu.memref_slice %arg11[%mul3A_45, %dma_wait3A_286] : memref<10000x128xf32, #tpu.memory_space<vmem_shared>> -> memref<128x128xf32, #tpu.memory_space<vmem_shared>>
      %dma_wait3A_288 = tpu.memref_slice %arg10[%dma_wait3A_281] : memref<3x!tpu.dma_semaphore, #tpu.memory_space<semaphore_mem>> -> memref<1x!tpu.dma_semaphore, #tpu.memory_space<semaphore_mem>>
      %dma_wait3A_289 = tpu.memref_squeeze %dma_wait3A_288 : memref<1x!tpu.dma_semaphore, #tpu.memory_space<semaphore_mem>> -> memref<!tpu.dma_semaphore, #tpu.memory_space<semaphore_mem>>
      %dma_wait3A_290 = arith.constant 0 : i32
      %dma_wait3A_291 = tpu.memref_slice %arg11[%mul3A_45, %dma_wait3A_290] : memref<10000x128xf32, #tpu.memory_space<vmem_shared>> -> memref<128x128xf32, #tpu.memory_space<vmem_shared>>
      %dma_wait3A_292 = arith.constant 0 : i32
      %dma_wait3A_293 = arith.constant 0 : i32
      %dma_wait3A_294 = tpu.memref_slice %arg7[%cond3A_52, %dma_wait3A_292, %dma_wait3A_293] : memref<3x128x128xf32, #tpu.memory_space<vmem>> -> memref<1x128x128xf32, #tpu.memory_space<vmem>>
      %dma_wait3A_295 = tpu.memref_squeeze %dma_wait3A_294 : memref<1x128x128xf32, #tpu.memory_space<vmem>> -> memref<128x128xf32, #tpu.memory_space<vmem>>
      tpu.wait_dma2 semaphore(%dma_wait3A_289 : memref<!tpu.dma_semaphore, #tpu.memory_space<semaphore_mem>>) src(%dma_wait3A_295 : memref<128x128xf32, #tpu.memory_space<vmem>>) dst(%dma_wait3A_291 : memref<128x128xf32, #tpu.memory_space<vmem_shared>>)
      %dma_wait3A_296 = arith.constant 0 : i32
      %dma_wait3A_297 = arith.constant 0 : i32
      %dma_wait3A_298 = arith.constant 0 : i32
      %dma_wait3A_299 = tpu.memref_slice %arg7[%cond3A_52, %dma_wait3A_297, %dma_wait3A_298] : memref<3x128x128xf32, #tpu.memory_space<vmem>> -> memref<1x128x128xf32, #tpu.memory_space<vmem>>
      %dma_wait3A_300 = tpu.memref_squeeze %dma_wait3A_299 : memref<1x128x128xf32, #tpu.memory_space<vmem>> -> memref<128x128xf32, #tpu.memory_space<vmem>>
      %dma_wait3A_301 = arith.constant 0 : i32
      %dma_wait3A_302 = tpu.memref_slice %arg11[%mul3A_45, %dma_wait3A_301] : memref<10000x128xf32, #tpu.memory_space<vmem_shared>> -> memref<128x128xf32, #tpu.memory_space<vmem_shared>>
      %dma_wait3A_303 = tpu.memref_slice %arg10[%dma_wait3A_296] : memref<3x!tpu.dma_semaphore, #tpu.memory_space<semaphore_mem>> -> memref<1x!tpu.dma_semaphore, #tpu.memory_space<semaphore_mem>>
      %dma_wait3A_304 = tpu.memref_squeeze %dma_wait3A_303 : memref<1x!tpu.dma_semaphore, #tpu.memory_space<semaphore_mem>> -> memref<!tpu.dma_semaphore, #tpu.memory_space<semaphore_mem>>
      %dma_wait3A_305 = arith.constant 0 : i32
      %dma_wait3A_306 = tpu.memref_slice %arg11[%mul3A_45, %dma_wait3A_305] : memref<10000x128xf32, #tpu.memory_space<vmem_shared>> -> memref<128x128xf32, #tpu.memory_space<vmem_shared>>
      %dma_wait3A_307 = arith.constant 0 : i32
      %dma_wait3A_308 = arith.constant 0 : i32
      %dma_wait3A_309 = tpu.memref_slice %arg7[%cond3A_52, %dma_wait3A_307, %dma_wait3A_308] : memref<3x128x128xf32, #tpu.memory_space<vmem>> -> memref<1x128x128xf32, #tpu.memory_space<vmem>>
      %dma_wait3A_310 = tpu.memref_squeeze %dma_wait3A_309 : memref<1x128x128xf32, #tpu.memory_space<vmem>> -> memref<128x128xf32, #tpu.memory_space<vmem>>
      tpu.wait_dma2 semaphore(%dma_wait3A_304 : memref<!tpu.dma_semaphore, #tpu.memory_space<semaphore_mem>>) src(%dma_wait3A_310 : memref<128x128xf32, #tpu.memory_space<vmem>>) dst(%dma_wait3A_306 : memref<128x128xf32, #tpu.memory_space<vmem_shared>>)
    } else {
    }
    %barrier3A = arith.constant 0 : index
    tpu.barrier barrier_id(%barrier3A)
    %dma_wait3A = arith.constant 0 : i32
    %dma_wait3A_55 = arith.constant 0 : i32
    %dma_wait3A_56 = arith.constant 0 : i32
    %dma_wait3A_57 = arith.constant 0 : i32
    %dma_wait3A_58 = tpu.memref_slice %arg6[%dma_wait3A, %dma_wait3A_56, %dma_wait3A_57] : memref<4x2x128xi32, #tpu.memory_space<vmem>> -> memref<1x2x128xi32, #tpu.memory_space<vmem>>
    %dma_wait3A_59 = tpu.memref_squeeze %dma_wait3A_58 : memref<1x2x128xi32, #tpu.memory_space<vmem>> -> memref<2x128xi32, #tpu.memory_space<vmem>>
    %dma_wait3A_60 = arith.constant 0 : i32
    %dma_wait3A_61 = arith.constant 0 : i32
    %dma_wait3A_62 = tpu.memref_slice %arg3[%dma_wait3A_60, %dma_wait3A_61] : memref<2x320000xi32, #tpu.memory_space<hbm>> -> memref<2x128xi32, #tpu.memory_space<hbm>>
    %dma_wait3A_63 = tpu.memref_slice %arg8[%dma_wait3A_55] : memref<4x!tpu.dma_semaphore, #tpu.memory_space<semaphore_mem>> -> memref<1x!tpu.dma_semaphore, #tpu.memory_space<semaphore_mem>>
    %dma_wait3A_64 = tpu.memref_squeeze %dma_wait3A_63 : memref<1x!tpu.dma_semaphore, #tpu.memory_space<semaphore_mem>> -> memref<!tpu.dma_semaphore, #tpu.memory_space<semaphore_mem>>
    %dma_wait3A_65 = arith.constant 0 : i32
    %dma_wait3A_66 = arith.constant 0 : i32
    %dma_wait3A_67 = tpu.memref_slice %arg6[%dma_wait3A, %dma_wait3A_65, %dma_wait3A_66] : memref<4x2x128xi32, #tpu.memory_space<vmem>> -> memref<1x2x128xi32, #tpu.memory_space<vmem>>
    %dma_wait3A_68 = tpu.memref_squeeze %dma_wait3A_67 : memref<1x2x128xi32, #tpu.memory_space<vmem>> -> memref<2x128xi32, #tpu.memory_space<vmem>>
    %dma_wait3A_69 = arith.constant 0 : i32
    %dma_wait3A_70 = arith.constant 0 : i32
    %dma_wait3A_71 = tpu.memref_slice %arg3[%dma_wait3A_69, %dma_wait3A_70] : memref<2x320000xi32, #tpu.memory_space<hbm>> -> memref<2x128xi32, #tpu.memory_space<hbm>>
    tpu.wait_dma2 semaphore(%dma_wait3A_64 : memref<!tpu.dma_semaphore, #tpu.memory_space<semaphore_mem>>) src(%dma_wait3A_71 : memref<2x128xi32, #tpu.memory_space<hbm>>) dst(%dma_wait3A_68 : memref<2x128xi32, #tpu.memory_space<vmem>>)
    %rem3A = arith.constant 0 : i32
    %rem3A_72 = arith.constant 3 : i32
    %rem3A_73 = arith.remsi %rem3A, %rem3A_72 : i32
    %rem3A_74 = arith.constant 0 : i32
    %rem3A_75 = arith.constant 3 : i32
    %rem3A_76 = arith.remsi %rem3A_74, %rem3A_75 : i32
    %dma_start3A_77 = arith.constant 0 : i32
    %dma_start3A_78 = arith.constant 0 : i32
    %dma_start3A_79 = arith.constant 0 : i32
    %dma_start3A_80 = arith.constant 0 : i32
    %dma_start3A_81 = tpu.memref_slice %arg7[%rem3A_73, %dma_start3A_79, %dma_start3A_80] : memref<3x128x128xf32, #tpu.memory_space<vmem>> -> memref<1x128x128xf32, #tpu.memory_space<vmem>>
    %dma_start3A_82 = tpu.memref_squeeze %dma_start3A_81 : memref<1x128x128xf32, #tpu.memory_space<vmem>> -> memref<128x128xf32, #tpu.memory_space<vmem>>
    %dma_start3A_83 = arith.constant 0 : i32
    %dma_start3A_84 = tpu.memref_slice %arg6[%dma_start3A_77, %dma_start3A_78, %dma_start3A_83] : memref<4x2x128xi32, #tpu.memory_space<vmem>> -> memref<1x1x128xi32, #tpu.memory_space<vmem>>
    %dma_start3A_85 = tpu.memref_squeeze %dma_start3A_84 : memref<1x1x128xi32, #tpu.memory_space<vmem>> -> memref<128xi32, #tpu.memory_space<vmem>>
    %dma_start3A_86 = arith.constant 0 : i32
    %dma_start3A_87 = arith.constant 0 : i32
    %dma_start3A_88 = tpu.memref_slice %arg2[%dma_start3A_86, %dma_start3A_87] : memref<10000x128xf32, #tpu.memory_space<hbm>> -> memref<10000x128xf32, #tpu.memory_space<hbm>>
    %dma_start3A_89 = tpu.memref_slice %arg9[%rem3A_76] : memref<3x!tpu.dma_semaphore, #tpu.memory_space<semaphore_mem>> -> memref<1x!tpu.dma_semaphore, #tpu.memory_space<semaphore_mem>>
    %dma_start3A_90 = tpu.memref_squeeze %dma_start3A_89 : memref<1x!tpu.dma_semaphore, #tpu.memory_space<semaphore_mem>> -> memref<!tpu.dma_semaphore, #tpu.memory_space<semaphore_mem>>
    tpu.enqueue_indirect_dma source(%dma_start3A_88 : memref<10000x128xf32, #tpu.memory_space<hbm>>) target(%dma_start3A_82 : memref<128x128xf32, #tpu.memory_space<vmem>>) offsets(%dma_start3A_85 : memref<128xi32, #tpu.memory_space<vmem>>) semaphore(%dma_start3A_90 : memref<!tpu.dma_semaphore, #tpu.memory_space<semaphore_mem>>)
    %scan3A = arith.constant 0 : i32
    %scan3A_91 = arith.constant 78 : i32
    %scan3A_92 = arith.addi %scan3A, %scan3A_91 : i32
    %scan3A_93 = arith.constant 1 : i32
    scf.for %scan3A_151 = %scan3A to %scan3A_92 step %scan3A_93  : i32 {
      %mul3A_152 = arith.constant 1 : i32
      %mul3A_153 = arith.muli %scan3A_151, %mul3A_152 : i32
      %add3A_154 = arith.constant 0 : i32
      %add3A_155 = arith.addi %add3A_154, %mul3A_153 : i32
      %ge3A = arith.constant 2 : i32
      %ge3A_156 = arith.cmpi sge, %add3A_155, %ge3A : i32
      %convert_element_type3A_157 = arith.extui %ge3A_156 : i1 to i32
      %cond3A_158 = arith.constant 0 : i32
      %cond3A_159 = arith.cmpi ne, %convert_element_type3A_157, %cond3A_158 : i32
      scf.if %cond3A_159 {
        %sub3A_210 = arith.constant 2 : i32
        %sub3A_211 = arith.subi %add3A_155, %sub3A_210 : i32
        %rem3A_212 = arith.constant 3 : i32
        %rem3A_213 = arith.remsi %sub3A_211, %rem3A_212 : i32
        %and3A_214 = arith.constant 3 : i32
        %and3A_215 = arith.andi %sub3A_211, %and3A_214 : i32
        %rem3A_216 = arith.constant 3 : i32
        %rem3A_217 = arith.remsi %sub3A_211, %rem3A_216 : i32
        %dma_wait3A_218 = arith.constant 1 : i32
        %dma_wait3A_219 = arith.constant 0 : i32
        %dma_wait3A_220 = arith.constant 0 : i32
        %dma_wait3A_221 = tpu.memref_slice %arg7[%rem3A_213, %dma_wait3A_219, %dma_wait3A_220] : memref<3x128x128xf32, #tpu.memory_space<vmem>> -> memref<1x128x128xf32, #tpu.memory_space<vmem>>
        %dma_wait3A_222 = tpu.memref_squeeze %dma_wait3A_221 : memref<1x128x128xf32, #tpu.memory_space<vmem>> -> memref<128x128xf32, #tpu.memory_space<vmem>>
        %dma_wait3A_223 = arith.constant 0 : i32
        %dma_wait3A_224 = tpu.memref_slice %arg6[%and3A_215, %dma_wait3A_218, %dma_wait3A_223] : memref<4x2x128xi32, #tpu.memory_space<vmem>> -> memref<1x1x128xi32, #tpu.memory_space<vmem>>
        %dma_wait3A_225 = tpu.memref_squeeze %dma_wait3A_224 : memref<1x1x128xi32, #tpu.memory_space<vmem>> -> memref<128xi32, #tpu.memory_space<vmem>>
        %dma_wait3A_226 = arith.constant 0 : i32
        %dma_wait3A_227 = arith.constant 0 : i32
        %dma_wait3A_228 = tpu.memref_slice %arg11[%dma_wait3A_226, %dma_wait3A_227] : memref<10000x128xf32, #tpu.memory_space<vmem_shared>> -> memref<10000x128xf32, #tpu.memory_space<vmem_shared>>
        %dma_wait3A_229 = tpu.memref_slice %arg10[%rem3A_217] : memref<3x!tpu.dma_semaphore, #tpu.memory_space<semaphore_mem>> -> memref<1x!tpu.dma_semaphore, #tpu.memory_space<semaphore_mem>>
        %dma_wait3A_230 = tpu.memref_squeeze %dma_wait3A_229 : memref<1x!tpu.dma_semaphore, #tpu.memory_space<semaphore_mem>> -> memref<!tpu.dma_semaphore, #tpu.memory_space<semaphore_mem>>
        tpu.wait_indirect_dma semaphore(%dma_wait3A_230 : memref<!tpu.dma_semaphore, #tpu.memory_space<semaphore_mem>>) src(%dma_wait3A_222 : memref<128x128xf32, #tpu.memory_space<vmem>>) dst(%dma_wait3A_228 : memref<10000x128xf32, #tpu.memory_space<vmem_shared>>)
      } else {
      }
      %add3A_160 = arith.constant 2 : i32
      %add3A_161 = arith.addi %add3A_155, %add3A_160 : i32
      %lt3A_162 = arith.cmpi slt, %add3A_161, %add3A_4 : i32
      %convert_element_type3A_163 = arith.extui %lt3A_162 : i1 to i32
      %cond3A_164 = arith.constant 0 : i32
      %cond3A_165 = arith.cmpi ne, %convert_element_type3A_163, %cond3A_164 : i32
      scf.if %cond3A_165 {
        %add3A_210 = arith.constant 2 : i32
        %add3A_211 = arith.addi %add3A_155, %add3A_210 : i32
        %mul3A_212 = arith.constant 32 : i32
        %mul3A_213 = arith.muli %mul3A_212, %add3A_211 : i32
        %add3A_214 = arith.addi %add3A, %mul3A_213 : i32
        %mul3A_215 = arith.constant 128 : i32
        %mul3A_216 = arith.muli %add3A_214, %mul3A_215 : i32
        %and3A_217 = arith.constant 3 : i32
        %and3A_218 = arith.andi %add3A_211, %and3A_217 : i32
        %and3A_219 = arith.constant 3 : i32
        %and3A_220 = arith.andi %add3A_211, %and3A_219 : i32
        %dma_start3A_221 = arith.constant 0 : i32
        %dma_start3A_222 = arith.constant 0 : i32
        %dma_start3A_223 = tpu.memref_slice %arg6[%and3A_218, %dma_start3A_221, %dma_start3A_222] : memref<4x2x128xi32, #tpu.memory_space<vmem>> -> memref<1x2x128xi32, #tpu.memory_space<vmem>>
        %dma_start3A_224 = tpu.memref_squeeze %dma_start3A_223 : memref<1x2x128xi32, #tpu.memory_space<vmem>> -> memref<2x128xi32, #tpu.memory_space<vmem>>
        %dma_start3A_225 = arith.constant 0 : i32
        %dma_start3A_226 = tpu.memref_slice %arg3[%dma_start3A_225, %mul3A_216] : memref<2x320000xi32, #tpu.memory_space<hbm>> -> memref<2x128xi32, #tpu.memory_space<hbm>>
        %dma_start3A_227 = tpu.memref_slice %arg8[%and3A_220] : memref<4x!tpu.dma_semaphore, #tpu.memory_space<semaphore_mem>> -> memref<1x!tpu.dma_semaphore, #tpu.memory_space<semaphore_mem>>
        %dma_start3A_228 = tpu.memref_squeeze %dma_start3A_227 : memref<1x!tpu.dma_semaphore, #tpu.memory_space<semaphore_mem>> -> memref<!tpu.dma_semaphore, #tpu.memory_space<semaphore_mem>>
        %dma_start3A_229 = arith.constant 0 : i32
        %dma_start3A_230 = arith.constant 0 : i32
        %dma_start3A_231 = tpu.memref_slice %arg6[%and3A_218, %dma_start3A_229, %dma_start3A_230] : memref<4x2x128xi32, #tpu.memory_space<vmem>> -> memref<1x2x128xi32, #tpu.memory_space<vmem>>
        %dma_start3A_232 = tpu.memref_squeeze %dma_start3A_231 : memref<1x2x128xi32, #tpu.memory_space<vmem>> -> memref<2x128xi32, #tpu.memory_space<vmem>>
        %dma_start3A_233 = arith.constant 0 : i32
        %dma_start3A_234 = tpu.memref_slice %arg3[%dma_start3A_233, %mul3A_216] : memref<2x320000xi32, #tpu.memory_space<hbm>> -> memref<2x128xi32, #tpu.memory_space<hbm>>
        tpu.enqueue_dma source(%dma_start3A_234 : memref<2x128xi32, #tpu.memory_space<hbm>>) target(%dma_start3A_232 : memref<2x128xi32, #tpu.memory_space<vmem>>) target_semaphore(%dma_start3A_228 : memref<!tpu.dma_semaphore, #tpu.memory_space<semaphore_mem>>)
      } else {
      }
      %add3A_166 = arith.constant 1 : i32
      %add3A_167 = arith.addi %add3A_155, %add3A_166 : i32
      %lt3A_168 = arith.cmpi slt, %add3A_167, %add3A_4 : i32
      %convert_element_type3A_169 = arith.extui %lt3A_168 : i1 to i32
      %cond3A_170 = arith.constant 0 : i32
      %cond3A_171 = arith.cmpi ne, %convert_element_type3A_169, %cond3A_170 : i32
      scf.if %cond3A_171 {
        %add3A_210 = arith.constant 1 : i32
        %add3A_211 = arith.addi %add3A_155, %add3A_210 : i32
        %and3A_212 = arith.constant 3 : i32
        %and3A_213 = arith.andi %add3A_211, %and3A_212 : i32
        %and3A_214 = arith.constant 3 : i32
        %and3A_215 = arith.andi %add3A_211, %and3A_214 : i32
        %dma_wait3A_216 = arith.constant 0 : i32
        %dma_wait3A_217 = arith.constant 0 : i32
        %dma_wait3A_218 = tpu.memref_slice %arg6[%and3A_213, %dma_wait3A_216, %dma_wait3A_217] : memref<4x2x128xi32, #tpu.memory_space<vmem>> -> memref<1x2x128xi32, #tpu.memory_space<vmem>>
        %dma_wait3A_219 = tpu.memref_squeeze %dma_wait3A_218 : memref<1x2x128xi32, #tpu.memory_space<vmem>> -> memref<2x128xi32, #tpu.memory_space<vmem>>
        %dma_wait3A_220 = arith.constant 0 : i32
        %dma_wait3A_221 = arith.constant 0 : i32
        %dma_wait3A_222 = tpu.memref_slice %arg3[%dma_wait3A_220, %dma_wait3A_221] : memref<2x320000xi32, #tpu.memory_space<hbm>> -> memref<2x128xi32, #tpu.memory_space<hbm>>
        %dma_wait3A_223 = tpu.memref_slice %arg8[%and3A_215] : memref<4x!tpu.dma_semaphore, #tpu.memory_space<semaphore_mem>> -> memref<1x!tpu.dma_semaphore, #tpu.memory_space<semaphore_mem>>
        %dma_wait3A_224 = tpu.memref_squeeze %dma_wait3A_223 : memref<1x!tpu.dma_semaphore, #tpu.memory_space<semaphore_mem>> -> memref<!tpu.dma_semaphore, #tpu.memory_space<semaphore_mem>>
        %dma_wait3A_225 = arith.constant 0 : i32
        %dma_wait3A_226 = arith.constant 0 : i32
        %dma_wait3A_227 = tpu.memref_slice %arg6[%and3A_213, %dma_wait3A_225, %dma_wait3A_226] : memref<4x2x128xi32, #tpu.memory_space<vmem>> -> memref<1x2x128xi32, #tpu.memory_space<vmem>>
        %dma_wait3A_228 = tpu.memref_squeeze %dma_wait3A_227 : memref<1x2x128xi32, #tpu.memory_space<vmem>> -> memref<2x128xi32, #tpu.memory_space<vmem>>
        %dma_wait3A_229 = arith.constant 0 : i32
        %dma_wait3A_230 = arith.constant 0 : i32
        %dma_wait3A_231 = tpu.memref_slice %arg3[%dma_wait3A_229, %dma_wait3A_230] : memref<2x320000xi32, #tpu.memory_space<hbm>> -> memref<2x128xi32, #tpu.memory_space<hbm>>
        tpu.wait_dma2 semaphore(%dma_wait3A_224 : memref<!tpu.dma_semaphore, #tpu.memory_space<semaphore_mem>>) src(%dma_wait3A_231 : memref<2x128xi32, #tpu.memory_space<hbm>>) dst(%dma_wait3A_228 : memref<2x128xi32, #tpu.memory_space<vmem>>)
        %add3A_232 = arith.constant 1 : i32
        %add3A_233 = arith.addi %add3A_155, %add3A_232 : i32
        %and3A_234 = arith.constant 3 : i32
        %and3A_235 = arith.andi %add3A_233, %and3A_234 : i32
        %rem3A_236 = arith.constant 3 : i32
        %rem3A_237 = arith.remsi %add3A_233, %rem3A_236 : i32
        %rem3A_238 = arith.constant 3 : i32
        %rem3A_239 = arith.remsi %add3A_233, %rem3A_238 : i32
        %dma_start3A_240 = arith.constant 0 : i32
        %dma_start3A_241 = arith.constant 0 : i32
        %dma_start3A_242 = arith.constant 0 : i32
        %dma_start3A_243 = tpu.memref_slice %arg7[%rem3A_237, %dma_start3A_241, %dma_start3A_242] : memref<3x128x128xf32, #tpu.memory_space<vmem>> -> memref<1x128x128xf32, #tpu.memory_space<vmem>>
        %dma_start3A_244 = tpu.memref_squeeze %dma_start3A_243 : memref<1x128x128xf32, #tpu.memory_space<vmem>> -> memref<128x128xf32, #tpu.memory_space<vmem>>
        %dma_start3A_245 = arith.constant 0 : i32
        %dma_start3A_246 = tpu.memref_slice %arg6[%and3A_235, %dma_start3A_240, %dma_start3A_245] : memref<4x2x128xi32, #tpu.memory_space<vmem>> -> memref<1x1x128xi32, #tpu.memory_space<vmem>>
        %dma_start3A_247 = tpu.memref_squeeze %dma_start3A_246 : memref<1x1x128xi32, #tpu.memory_space<vmem>> -> memref<128xi32, #tpu.memory_space<vmem>>
        %dma_start3A_248 = arith.constant 0 : i32
        %dma_start3A_249 = arith.constant 0 : i32
        %dma_start3A_250 = tpu.memref_slice %arg2[%dma_start3A_248, %dma_start3A_249] : memref<10000x128xf32, #tpu.memory_space<hbm>> -> memref<10000x128xf32, #tpu.memory_space<hbm>>
        %dma_start3A_251 = tpu.memref_slice %arg9[%rem3A_239] : memref<3x!tpu.dma_semaphore, #tpu.memory_space<semaphore_mem>> -> memref<1x!tpu.dma_semaphore, #tpu.memory_space<semaphore_mem>>
        %dma_start3A_252 = tpu.memref_squeeze %dma_start3A_251 : memref<1x!tpu.dma_semaphore, #tpu.memory_space<semaphore_mem>> -> memref<!tpu.dma_semaphore, #tpu.memory_space<semaphore_mem>>
        tpu.enqueue_indirect_dma source(%dma_start3A_250 : memref<10000x128xf32, #tpu.memory_space<hbm>>) target(%dma_start3A_244 : memref<128x128xf32, #tpu.memory_space<vmem>>) offsets(%dma_start3A_247 : memref<128xi32, #tpu.memory_space<vmem>>) semaphore(%dma_start3A_252 : memref<!tpu.dma_semaphore, #tpu.memory_space<semaphore_mem>>)
      } else {
      }
      %and3A_172 = arith.constant 3 : i32
      %and3A_173 = arith.andi %add3A_155, %and3A_172 : i32
      %rem3A_174 = arith.constant 3 : i32
      %rem3A_175 = arith.remsi %add3A_155, %rem3A_174 : i32
      %rem3A_176 = arith.constant 3 : i32
      %rem3A_177 = arith.remsi %add3A_155, %rem3A_176 : i32
      %dma_wait3A_178 = arith.constant 0 : i32
      %dma_wait3A_179 = arith.constant 0 : i32
      %dma_wait3A_180 = arith.constant 0 : i32
      %dma_wait3A_181 = tpu.memref_slice %arg7[%rem3A_175, %dma_wait3A_179, %dma_wait3A_180] : memref<3x128x128xf32, #tpu.memory_space<vmem>> -> memref<1x128x128xf32, #tpu.memory_space<vmem>>
      %dma_wait3A_182 = tpu.memref_squeeze %dma_wait3A_181 : memref<1x128x128xf32, #tpu.memory_space<vmem>> -> memref<128x128xf32, #tpu.memory_space<vmem>>
      %dma_wait3A_183 = arith.constant 0 : i32
      %dma_wait3A_184 = tpu.memref_slice %arg6[%and3A_173, %dma_wait3A_178, %dma_wait3A_183] : memref<4x2x128xi32, #tpu.memory_space<vmem>> -> memref<1x1x128xi32, #tpu.memory_space<vmem>>
      %dma_wait3A_185 = tpu.memref_squeeze %dma_wait3A_184 : memref<1x1x128xi32, #tpu.memory_space<vmem>> -> memref<128xi32, #tpu.memory_space<vmem>>
      %dma_wait3A_186 = arith.constant 0 : i32
      %dma_wait3A_187 = arith.constant 0 : i32
      %dma_wait3A_188 = tpu.memref_slice %arg2[%dma_wait3A_186, %dma_wait3A_187] : memref<10000x128xf32, #tpu.memory_space<hbm>> -> memref<10000x128xf32, #tpu.memory_space<hbm>>
      %dma_wait3A_189 = tpu.memref_slice %arg9[%rem3A_177] : memref<3x!tpu.dma_semaphore, #tpu.memory_space<semaphore_mem>> -> memref<1x!tpu.dma_semaphore, #tpu.memory_space<semaphore_mem>>
      %dma_wait3A_190 = tpu.memref_squeeze %dma_wait3A_189 : memref<1x!tpu.dma_semaphore, #tpu.memory_space<semaphore_mem>> -> memref<!tpu.dma_semaphore, #tpu.memory_space<semaphore_mem>>
      tpu.wait_indirect_dma semaphore(%dma_wait3A_190 : memref<!tpu.dma_semaphore, #tpu.memory_space<semaphore_mem>>) src(%dma_wait3A_188 : memref<10000x128xf32, #tpu.memory_space<hbm>>) dst(%dma_wait3A_182 : memref<128x128xf32, #tpu.memory_space<vmem>>)
      %rem3A_191 = arith.constant 3 : i32
      %rem3A_192 = arith.remsi %add3A_155, %rem3A_191 : i32
      %and3A_193 = arith.constant 3 : i32
      %and3A_194 = arith.andi %add3A_155, %and3A_193 : i32
      %rem3A_195 = arith.constant 3 : i32
      %rem3A_196 = arith.remsi %add3A_155, %rem3A_195 : i32
      %dma_start3A_197 = arith.constant 1 : i32
      %dma_start3A_198 = arith.constant 0 : i32
      %dma_start3A_199 = arith.constant 0 : i32
      %dma_start3A_200 = tpu.memref_slice %arg7[%rem3A_192, %dma_start3A_198, %dma_start3A_199] : memref<3x128x128xf32, #tpu.memory_space<vmem>> -> memref<1x128x128xf32, #tpu.memory_space<vmem>>
      %dma_start3A_201 = tpu.memref_squeeze %dma_start3A_200 : memref<1x128x128xf32, #tpu.memory_space<vmem>> -> memref<128x128xf32, #tpu.memory_space<vmem>>
      %dma_start3A_202 = arith.constant 0 : i32
      %dma_start3A_203 = tpu.memref_slice %arg6[%and3A_194, %dma_start3A_197, %dma_start3A_202] : memref<4x2x128xi32, #tpu.memory_space<vmem>> -> memref<1x1x128xi32, #tpu.memory_space<vmem>>
      %dma_start3A_204 = tpu.memref_squeeze %dma_start3A_203 : memref<1x1x128xi32, #tpu.memory_space<vmem>> -> memref<128xi32, #tpu.memory_space<vmem>>
      %dma_start3A_205 = arith.constant 0 : i32
      %dma_start3A_206 = arith.constant 0 : i32
      %dma_start3A_207 = tpu.memref_slice %arg11[%dma_start3A_205, %dma_start3A_206] : memref<10000x128xf32, #tpu.memory_space<vmem_shared>> -> memref<10000x128xf32, #tpu.memory_space<vmem_shared>>
      %dma_start3A_208 = tpu.memref_slice %arg10[%rem3A_196] : memref<3x!tpu.dma_semaphore, #tpu.memory_space<semaphore_mem>> -> memref<1x!tpu.dma_semaphore, #tpu.memory_space<semaphore_mem>>
      %dma_start3A_209 = tpu.memref_squeeze %dma_start3A_208 : memref<1x!tpu.dma_semaphore, #tpu.memory_space<semaphore_mem>> -> memref<!tpu.dma_semaphore, #tpu.memory_space<semaphore_mem>>
      tpu.enqueue_indirect_dma source(%dma_start3A_201 : memref<128x128xf32, #tpu.memory_space<vmem>>) target(%dma_start3A_207 : memref<10000x128xf32, #tpu.memory_space<vmem_shared>>) offsets(%dma_start3A_204 : memref<128xi32, #tpu.memory_space<vmem>>) semaphore(%dma_start3A_209 : memref<!tpu.dma_semaphore, #tpu.memory_space<semaphore_mem>>) {add = true}
    }
    %scan3A_94 = arith.constant 78 : i32
    %lt3A_95 = arith.constant 4 : i32
    %lt3A_96 = arith.cmpi slt, %add3A, %lt3A_95 : i32
    %convert_element_type3A_97 = arith.extui %lt3A_96 : i1 to i32
    %cond3A_98 = arith.constant 0 : i32
    %cond3A_99 = arith.cmpi ne, %convert_element_type3A_97, %cond3A_98 : i32
    scf.if %cond3A_99 {
      %rem3A_151 = arith.constant 76 : i32
      %rem3A_152 = arith.constant 3 : i32
      %rem3A_153 = arith.remsi %rem3A_151, %rem3A_152 : i32
      %rem3A_154 = arith.constant 76 : i32
      %rem3A_155 = arith.constant 3 : i32
      %rem3A_156 = arith.remsi %rem3A_154, %rem3A_155 : i32
      %dma_wait3A_157 = arith.constant 0 : i32
      %dma_wait3A_158 = arith.constant 1 : i32
      %dma_wait3A_159 = arith.constant 0 : i32
      %dma_wait3A_160 = arith.constant 0 : i32
      %dma_wait3A_161 = tpu.memref_slice %arg7[%rem3A_153, %dma_wait3A_159, %dma_wait3A_160] : memref<3x128x128xf32, #tpu.memory_space<vmem>> -> memref<1x128x128xf32, #tpu.memory_space<vmem>>
      %dma_wait3A_162 = tpu.memref_squeeze %dma_wait3A_161 : memref<1x128x128xf32, #tpu.memory_space<vmem>> -> memref<128x128xf32, #tpu.memory_space<vmem>>
      %dma_wait3A_163 = arith.constant 0 : i32
      %dma_wait3A_164 = tpu.memref_slice %arg6[%dma_wait3A_157, %dma_wait3A_158, %dma_wait3A_163] : memref<4x2x128xi32, #tpu.memory_space<vmem>> -> memref<1x1x128xi32, #tpu.memory_space<vmem>>
      %dma_wait3A_165 = tpu.memref_squeeze %dma_wait3A_164 : memref<1x1x128xi32, #tpu.memory_space<vmem>> -> memref<128xi32, #tpu.memory_space<vmem>>
      %dma_wait3A_166 = arith.constant 0 : i32
      %dma_wait3A_167 = arith.constant 0 : i32
      %dma_wait3A_168 = tpu.memref_slice %arg11[%dma_wait3A_166, %dma_wait3A_167] : memref<10000x128xf32, #tpu.memory_space<vmem_shared>> -> memref<10000x128xf32, #tpu.memory_space<vmem_shared>>
      %dma_wait3A_169 = tpu.memref_slice %arg10[%rem3A_156] : memref<3x!tpu.dma_semaphore, #tpu.memory_space<semaphore_mem>> -> memref<1x!tpu.dma_semaphore, #tpu.memory_space<semaphore_mem>>
      %dma_wait3A_170 = tpu.memref_squeeze %dma_wait3A_169 : memref<1x!tpu.dma_semaphore, #tpu.memory_space<semaphore_mem>> -> memref<!tpu.dma_semaphore, #tpu.memory_space<semaphore_mem>>
      tpu.wait_indirect_dma semaphore(%dma_wait3A_170 : memref<!tpu.dma_semaphore, #tpu.memory_space<semaphore_mem>>) src(%dma_wait3A_162 : memref<128x128xf32, #tpu.memory_space<vmem>>) dst(%dma_wait3A_168 : memref<10000x128xf32, #tpu.memory_space<vmem_shared>>)
      %rem3A_171 = arith.constant 78 : i32
      %rem3A_172 = arith.constant 3 : i32
      %rem3A_173 = arith.remsi %rem3A_171, %rem3A_172 : i32
      %rem3A_174 = arith.constant 78 : i32
      %rem3A_175 = arith.constant 3 : i32
      %rem3A_176 = arith.remsi %rem3A_174, %rem3A_175 : i32
      %dma_wait3A_177 = arith.constant 2 : i32
      %dma_wait3A_178 = arith.constant 0 : i32
      %dma_wait3A_179 = arith.constant 0 : i32
      %dma_wait3A_180 = arith.constant 0 : i32
      %dma_wait3A_181 = tpu.memref_slice %arg7[%rem3A_173, %dma_wait3A_179, %dma_wait3A_180] : memref<3x128x128xf32, #tpu.memory_space<vmem>> -> memref<1x128x128xf32, #tpu.memory_space<vmem>>
      %dma_wait3A_182 = tpu.memref_squeeze %dma_wait3A_181 : memref<1x128x128xf32, #tpu.memory_space<vmem>> -> memref<128x128xf32, #tpu.memory_space<vmem>>
      %dma_wait3A_183 = arith.constant 0 : i32
      %dma_wait3A_184 = tpu.memref_slice %arg6[%dma_wait3A_177, %dma_wait3A_178, %dma_wait3A_183] : memref<4x2x128xi32, #tpu.memory_space<vmem>> -> memref<1x1x128xi32, #tpu.memory_space<vmem>>
      %dma_wait3A_185 = tpu.memref_squeeze %dma_wait3A_184 : memref<1x1x128xi32, #tpu.memory_space<vmem>> -> memref<128xi32, #tpu.memory_space<vmem>>
      %dma_wait3A_186 = arith.constant 0 : i32
      %dma_wait3A_187 = arith.constant 0 : i32
      %dma_wait3A_188 = tpu.memref_slice %arg2[%dma_wait3A_186, %dma_wait3A_187] : memref<10000x128xf32, #tpu.memory_space<hbm>> -> memref<10000x128xf32, #tpu.memory_space<hbm>>
      %dma_wait3A_189 = tpu.memref_slice %arg9[%rem3A_176] : memref<3x!tpu.dma_semaphore, #tpu.memory_space<semaphore_mem>> -> memref<1x!tpu.dma_semaphore, #tpu.memory_space<semaphore_mem>>
      %dma_wait3A_190 = tpu.memref_squeeze %dma_wait3A_189 : memref<1x!tpu.dma_semaphore, #tpu.memory_space<semaphore_mem>> -> memref<!tpu.dma_semaphore, #tpu.memory_space<semaphore_mem>>
      tpu.wait_indirect_dma semaphore(%dma_wait3A_190 : memref<!tpu.dma_semaphore, #tpu.memory_space<semaphore_mem>>) src(%dma_wait3A_188 : memref<10000x128xf32, #tpu.memory_space<hbm>>) dst(%dma_wait3A_182 : memref<128x128xf32, #tpu.memory_space<vmem>>)
      %rem3A_191 = arith.constant 78 : i32
      %rem3A_192 = arith.constant 3 : i32
      %rem3A_193 = arith.remsi %rem3A_191, %rem3A_192 : i32
      %rem3A_194 = arith.constant 78 : i32
      %rem3A_195 = arith.constant 3 : i32
      %rem3A_196 = arith.remsi %rem3A_194, %rem3A_195 : i32
      %dma_start3A_197 = arith.constant 2 : i32
      %dma_start3A_198 = arith.constant 1 : i32
      %dma_start3A_199 = arith.constant 0 : i32
      %dma_start3A_200 = arith.constant 0 : i32
      %dma_start3A_201 = tpu.memref_slice %arg7[%rem3A_193, %dma_start3A_199, %dma_start3A_200] : memref<3x128x128xf32, #tpu.memory_space<vmem>> -> memref<1x128x128xf32, #tpu.memory_space<vmem>>
      %dma_start3A_202 = tpu.memref_squeeze %dma_start3A_201 : memref<1x128x128xf32, #tpu.memory_space<vmem>> -> memref<128x128xf32, #tpu.memory_space<vmem>>
      %dma_start3A_203 = arith.constant 0 : i32
      %dma_start3A_204 = tpu.memref_slice %arg6[%dma_start3A_197, %dma_start3A_198, %dma_start3A_203] : memref<4x2x128xi32, #tpu.memory_space<vmem>> -> memref<1x1x128xi32, #tpu.memory_space<vmem>>
      %dma_start3A_205 = tpu.memref_squeeze %dma_start3A_204 : memref<1x1x128xi32, #tpu.memory_space<vmem>> -> memref<128xi32, #tpu.memory_space<vmem>>
      %dma_start3A_206 = arith.constant 0 : i32
      %dma_start3A_207 = arith.constant 0 : i32
      %dma_start3A_208 = tpu.memref_slice %arg11[%dma_start3A_206, %dma_start3A_207] : memref<10000x128xf32, #tpu.memory_space<vmem_shared>> -> memref<10000x128xf32, #tpu.memory_space<vmem_shared>>
      %dma_start3A_209 = tpu.memref_slice %arg10[%rem3A_196] : memref<3x!tpu.dma_semaphore, #tpu.memory_space<semaphore_mem>> -> memref<1x!tpu.dma_semaphore, #tpu.memory_space<semaphore_mem>>
      %dma_start3A_210 = tpu.memref_squeeze %dma_start3A_209 : memref<1x!tpu.dma_semaphore, #tpu.memory_space<semaphore_mem>> -> memref<!tpu.dma_semaphore, #tpu.memory_space<semaphore_mem>>
      tpu.enqueue_indirect_dma source(%dma_start3A_202 : memref<128x128xf32, #tpu.memory_space<vmem>>) target(%dma_start3A_208 : memref<10000x128xf32, #tpu.memory_space<vmem_shared>>) offsets(%dma_start3A_205 : memref<128xi32, #tpu.memory_space<vmem>>) semaphore(%dma_start3A_210 : memref<!tpu.dma_semaphore, #tpu.memory_space<semaphore_mem>>) {add = true}
    } else {
    }
    %sub3A = arith.constant 2 : i32
    %sub3A_100 = arith.subi %add3A_4, %sub3A : i32
    %rem3A_101 = arith.constant 3 : i32
    %rem3A_102 = arith.remsi %sub3A_100, %rem3A_101 : i32
    %and3A = arith.constant 3 : i32
    %and3A_103 = arith.andi %sub3A_100, %and3A : i32
    %rem3A_104 = arith.constant 3 : i32
    %rem3A_105 = arith.remsi %sub3A_100, %rem3A_104 : i32
    %dma_wait3A_106 = arith.constant 1 : i32
    %dma_wait3A_107 = arith.constant 0 : i32
    %dma_wait3A_108 = arith.constant 0 : i32
    %dma_wait3A_109 = tpu.memref_slice %arg7[%rem3A_102, %dma_wait3A_107, %dma_wait3A_108] : memref<3x128x128xf32, #tpu.memory_space<vmem>> -> memref<1x128x128xf32, #tpu.memory_space<vmem>>
    %dma_wait3A_110 = tpu.memref_squeeze %dma_wait3A_109 : memref<1x128x128xf32, #tpu.memory_space<vmem>> -> memref<128x128xf32, #tpu.memory_space<vmem>>
    %dma_wait3A_111 = arith.constant 0 : i32
    %dma_wait3A_112 = tpu.memref_slice %arg6[%and3A_103, %dma_wait3A_106, %dma_wait3A_111] : memref<4x2x128xi32, #tpu.memory_space<vmem>> -> memref<1x1x128xi32, #tpu.memory_space<vmem>>
    %dma_wait3A_113 = tpu.memref_squeeze %dma_wait3A_112 : memref<1x1x128xi32, #tpu.memory_space<vmem>> -> memref<128xi32, #tpu.memory_space<vmem>>
    %dma_wait3A_114 = arith.constant 0 : i32
    %dma_wait3A_115 = arith.constant 0 : i32
    %dma_wait3A_116 = tpu.memref_slice %arg11[%dma_wait3A_114, %dma_wait3A_115] : memref<10000x128xf32, #tpu.memory_space<vmem_shared>> -> memref<10000x128xf32, #tpu.memory_space<vmem_shared>>
    %dma_wait3A_117 = tpu.memref_slice %arg10[%rem3A_105] : memref<3x!tpu.dma_semaphore, #tpu.memory_space<semaphore_mem>> -> memref<1x!tpu.dma_semaphore, #tpu.memory_space<semaphore_mem>>
    %dma_wait3A_118 = tpu.memref_squeeze %dma_wait3A_117 : memref<1x!tpu.dma_semaphore, #tpu.memory_space<semaphore_mem>> -> memref<!tpu.dma_semaphore, #tpu.memory_space<semaphore_mem>>
    tpu.wait_indirect_dma semaphore(%dma_wait3A_118 : memref<!tpu.dma_semaphore, #tpu.memory_space<semaphore_mem>>) src(%dma_wait3A_110 : memref<128x128xf32, #tpu.memory_space<vmem>>) dst(%dma_wait3A_116 : memref<10000x128xf32, #tpu.memory_space<vmem_shared>>)
    %sub3A_119 = arith.constant 1 : i32
    %sub3A_120 = arith.subi %add3A_4, %sub3A_119 : i32
    %rem3A_121 = arith.constant 3 : i32
    %rem3A_122 = arith.remsi %sub3A_120, %rem3A_121 : i32
    %and3A_123 = arith.constant 3 : i32
    %and3A_124 = arith.andi %sub3A_120, %and3A_123 : i32
    %rem3A_125 = arith.constant 3 : i32
    %rem3A_126 = arith.remsi %sub3A_120, %rem3A_125 : i32
    %dma_wait3A_127 = arith.constant 1 : i32
    %dma_wait3A_128 = arith.constant 0 : i32
    %dma_wait3A_129 = arith.constant 0 : i32
    %dma_wait3A_130 = tpu.memref_slice %arg7[%rem3A_122, %dma_wait3A_128, %dma_wait3A_129] : memref<3x128x128xf32, #tpu.memory_space<vmem>> -> memref<1x128x128xf32, #tpu.memory_space<vmem>>
    %dma_wait3A_131 = tpu.memref_squeeze %dma_wait3A_130 : memref<1x128x128xf32, #tpu.memory_space<vmem>> -> memref<128x128xf32, #tpu.memory_space<vmem>>
    %dma_wait3A_132 = arith.constant 0 : i32
    %dma_wait3A_133 = tpu.memref_slice %arg6[%and3A_124, %dma_wait3A_127, %dma_wait3A_132] : memref<4x2x128xi32, #tpu.memory_space<vmem>> -> memref<1x1x128xi32, #tpu.memory_space<vmem>>
    %dma_wait3A_134 = tpu.memref_squeeze %dma_wait3A_133 : memref<1x1x128xi32, #tpu.memory_space<vmem>> -> memref<128xi32, #tpu.memory_space<vmem>>
    %dma_wait3A_135 = arith.constant 0 : i32
    %dma_wait3A_136 = arith.constant 0 : i32
    %dma_wait3A_137 = tpu.memref_slice %arg11[%dma_wait3A_135, %dma_wait3A_136] : memref<10000x128xf32, #tpu.memory_space<vmem_shared>> -> memref<10000x128xf32, #tpu.memory_space<vmem_shared>>
    %dma_wait3A_138 = tpu.memref_slice %arg10[%rem3A_126] : memref<3x!tpu.dma_semaphore, #tpu.memory_space<semaphore_mem>> -> memref<1x!tpu.dma_semaphore, #tpu.memory_space<semaphore_mem>>
    %dma_wait3A_139 = tpu.memref_squeeze %dma_wait3A_138 : memref<1x!tpu.dma_semaphore, #tpu.memory_space<semaphore_mem>> -> memref<!tpu.dma_semaphore, #tpu.memory_space<semaphore_mem>>
    tpu.wait_indirect_dma semaphore(%dma_wait3A_139 : memref<!tpu.dma_semaphore, #tpu.memory_space<semaphore_mem>>) src(%dma_wait3A_131 : memref<128x128xf32, #tpu.memory_space<vmem>>) dst(%dma_wait3A_137 : memref<10000x128xf32, #tpu.memory_space<vmem_shared>>)
    %barrier3A_140 = arith.constant 0 : index
    tpu.barrier barrier_id(%barrier3A_140)
    %lt3A_141 = arith.constant 15 : i32
    %lt3A_142 = arith.cmpi slt, %arg1, %lt3A_141 : i32
    %convert_element_type3A_143 = arith.extui %lt3A_142 : i1 to i32
    %cond3A_144 = arith.constant 0 : i32
    %cond3A_145 = arith.cmpi ne, %convert_element_type3A_143, %cond3A_144 : i32
    scf.if %cond3A_145 {
      %add3A_151 = arith.constant 0 : i32
      %add3A_152 = arith.addi %mul3A_45, %add3A_151 : i32
      %run_scoped3A_153 = arith.constant 0 : i32
      "tpu.region"() ({
        %run_scoped3A_378 = tpu.sem_alloc : memref<!tpu.dma_semaphore, #tpu.memory_space<semaphore_mem>>
        %dma_start3A_379 = arith.constant 0 : i32
        %dma_start3A_380 = arith.constant 0 : i32
        %dma_start3A_381 = tpu.memref_slice %arg7[%run_scoped3A_153, %dma_start3A_379, %dma_start3A_380] : memref<3x128x128xf32, #tpu.memory_space<vmem>> -> memref<1x128x128xf32, #tpu.memory_space<vmem>>
        %dma_start3A_382 = tpu.memref_squeeze %dma_start3A_381 : memref<1x128x128xf32, #tpu.memory_space<vmem>> -> memref<128x128xf32, #tpu.memory_space<vmem>>
        %dma_start3A_383 = arith.constant 0 : i32
        %dma_start3A_384 = tpu.memref_slice %arg11[%add3A_152, %dma_start3A_383] : memref<10000x128xf32, #tpu.memory_space<vmem_shared>> -> memref<128x128xf32, #tpu.memory_space<vmem_shared>>
        %dma_start3A_385 = arith.constant 0 : i32
        %dma_start3A_386 = arith.constant 0 : i32
        %dma_start3A_387 = tpu.memref_slice %arg7[%run_scoped3A_153, %dma_start3A_385, %dma_start3A_386] : memref<3x128x128xf32, #tpu.memory_space<vmem>> -> memref<1x128x128xf32, #tpu.memory_space<vmem>>
        %dma_start3A_388 = tpu.memref_squeeze %dma_start3A_387 : memref<1x128x128xf32, #tpu.memory_space<vmem>> -> memref<128x128xf32, #tpu.memory_space<vmem>>
        %dma_start3A_389 = arith.constant 0 : i32
        %dma_start3A_390 = tpu.memref_slice %arg11[%add3A_152, %dma_start3A_389] : memref<10000x128xf32, #tpu.memory_space<vmem_shared>> -> memref<128x128xf32, #tpu.memory_space<vmem_shared>>
        tpu.enqueue_dma source(%dma_start3A_390 : memref<128x128xf32, #tpu.memory_space<vmem_shared>>) target(%dma_start3A_388 : memref<128x128xf32, #tpu.memory_space<vmem>>) target_semaphore(%run_scoped3A_378 : memref<!tpu.dma_semaphore, #tpu.memory_space<semaphore_mem>>)
        %dma_wait3A_391 = arith.constant 0 : i32
        %dma_wait3A_392 = arith.constant 0 : i32
        %dma_wait3A_393 = tpu.memref_slice %arg7[%run_scoped3A_153, %dma_wait3A_391, %dma_wait3A_392] : memref<3x128x128xf32, #tpu.memory_space<vmem>> -> memref<1x128x128xf32, #tpu.memory_space<vmem>>
        %dma_wait3A_394 = tpu.memref_squeeze %dma_wait3A_393 : memref<1x128x128xf32, #tpu.memory_space<vmem>> -> memref<128x128xf32, #tpu.memory_space<vmem>>
        %dma_wait3A_395 = arith.constant 0 : i32
        %dma_wait3A_396 = tpu.memref_slice %arg11[%add3A_152, %dma_wait3A_395] : memref<10000x128xf32, #tpu.memory_space<vmem_shared>> -> memref<128x128xf32, #tpu.memory_space<vmem_shared>>
        %dma_wait3A_397 = arith.constant 0 : i32
        %dma_wait3A_398 = arith.constant 0 : i32
        %dma_wait3A_399 = tpu.memref_slice %arg7[%run_scoped3A_153, %dma_wait3A_397, %dma_wait3A_398] : memref<3x128x128xf32, #tpu.memory_space<vmem>> -> memref<1x128x128xf32, #tpu.memory_space<vmem>>
        %dma_wait3A_400 = tpu.memref_squeeze %dma_wait3A_399 : memref<1x128x128xf32, #tpu.memory_space<vmem>> -> memref<128x128xf32, #tpu.memory_space<vmem>>
        %dma_wait3A_401 = arith.constant 0 : i32
        %dma_wait3A_402 = tpu.memref_slice %arg11[%add3A_152, %dma_wait3A_401] : memref<10000x128xf32, #tpu.memory_space<vmem_shared>> -> memref<128x128xf32, #tpu.memory_space<vmem_shared>>
        tpu.wait_dma2 semaphore(%run_scoped3A_378 : memref<!tpu.dma_semaphore, #tpu.memory_space<semaphore_mem>>) src(%dma_wait3A_402 : memref<128x128xf32, #tpu.memory_space<vmem_shared>>) dst(%dma_wait3A_400 : memref<128x128xf32, #tpu.memory_space<vmem>>)
        tpu.yield
      }) : () -> ()
      %add3A_154 = arith.constant 0 : i32
      %add3A_155 = arith.addi %mul3A_45, %add3A_154 : i32
      %dma_start3A_156 = arith.constant 0 : i32
      %dma_start3A_157 = arith.constant 0 : i32
      %dma_start3A_158 = arith.constant 0 : i32
      %dma_start3A_159 = arith.constant 0 : i32
      %dma_start3A_160 = tpu.memref_slice %arg7[%dma_start3A_156, %dma_start3A_158, %dma_start3A_159] : memref<3x128x128xf32, #tpu.memory_space<vmem>> -> memref<1x128x128xf32, #tpu.memory_space<vmem>>
      %dma_start3A_161 = tpu.memref_squeeze %dma_start3A_160 : memref<1x128x128xf32, #tpu.memory_space<vmem>> -> memref<128x128xf32, #tpu.memory_space<vmem>>
      %dma_start3A_162 = arith.constant 0 : i32
      %dma_start3A_163 = tpu.memref_slice %arg5[%arg0, %add3A_155, %dma_start3A_162] : memref<2x10000x128xf32, #tpu.memory_space<hbm>> -> memref<1x128x128xf32, #tpu.memory_space<hbm>>
      %dma_start3A_164 = tpu.memref_squeeze %dma_start3A_163 : memref<1x128x128xf32, #tpu.memory_space<hbm>> -> memref<128x128xf32, #tpu.memory_space<hbm>>
      %dma_start3A_165 = tpu.memref_slice %arg10[%dma_start3A_157] : memref<3x!tpu.dma_semaphore, #tpu.memory_space<semaphore_mem>> -> memref<1x!tpu.dma_semaphore, #tpu.memory_space<semaphore_mem>>
      %dma_start3A_166 = tpu.memref_squeeze %dma_start3A_165 : memref<1x!tpu.dma_semaphore, #tpu.memory_space<semaphore_mem>> -> memref<!tpu.dma_semaphore, #tpu.memory_space<semaphore_mem>>
      %dma_start3A_167 = arith.constant 0 : i32
      %dma_start3A_168 = tpu.memref_slice %arg5[%arg0, %add3A_155, %dma_start3A_167] : memref<2x10000x128xf32, #tpu.memory_space<hbm>> -> memref<1x128x128xf32, #tpu.memory_space<hbm>>
      %dma_start3A_169 = tpu.memref_squeeze %dma_start3A_168 : memref<1x128x128xf32, #tpu.memory_space<hbm>> -> memref<128x128xf32, #tpu.memory_space<hbm>>
      %dma_start3A_170 = arith.constant 0 : i32
      %dma_start3A_171 = arith.constant 0 : i32
      %dma_start3A_172 = tpu.memref_slice %arg7[%dma_start3A_156, %dma_start3A_170, %dma_start3A_171] : memref<3x128x128xf32, #tpu.memory_space<vmem>> -> memref<1x128x128xf32, #tpu.memory_space<vmem>>
      %dma_start3A_173 = tpu.memref_squeeze %dma_start3A_172 : memref<1x128x128xf32, #tpu.memory_space<vmem>> -> memref<128x128xf32, #tpu.memory_space<vmem>>
      tpu.enqueue_dma source(%dma_start3A_173 : memref<128x128xf32, #tpu.memory_space<vmem>>) target(%dma_start3A_169 : memref<128x128xf32, #tpu.memory_space<hbm>>) target_semaphore(%dma_start3A_166 : memref<!tpu.dma_semaphore, #tpu.memory_space<semaphore_mem>>)
      %add3A_174 = arith.constant 128 : i32
      %add3A_175 = arith.addi %mul3A_45, %add3A_174 : i32
      %run_scoped3A_176 = arith.constant 1 : i32
      "tpu.region"() ({
        %run_scoped3A_378 = tpu.sem_alloc : memref<!tpu.dma_semaphore, #tpu.memory_space<semaphore_mem>>
        %dma_start3A_379 = arith.constant 0 : i32
        %dma_start3A_380 = arith.constant 0 : i32
        %dma_start3A_381 = tpu.memref_slice %arg7[%run_scoped3A_176, %dma_start3A_379, %dma_start3A_380] : memref<3x128x128xf32, #tpu.memory_space<vmem>> -> memref<1x128x128xf32, #tpu.memory_space<vmem>>
        %dma_start3A_382 = tpu.memref_squeeze %dma_start3A_381 : memref<1x128x128xf32, #tpu.memory_space<vmem>> -> memref<128x128xf32, #tpu.memory_space<vmem>>
        %dma_start3A_383 = arith.constant 0 : i32
        %dma_start3A_384 = tpu.memref_slice %arg11[%add3A_175, %dma_start3A_383] : memref<10000x128xf32, #tpu.memory_space<vmem_shared>> -> memref<128x128xf32, #tpu.memory_space<vmem_shared>>
        %dma_start3A_385 = arith.constant 0 : i32
        %dma_start3A_386 = arith.constant 0 : i32
        %dma_start3A_387 = tpu.memref_slice %arg7[%run_scoped3A_176, %dma_start3A_385, %dma_start3A_386] : memref<3x128x128xf32, #tpu.memory_space<vmem>> -> memref<1x128x128xf32, #tpu.memory_space<vmem>>
        %dma_start3A_388 = tpu.memref_squeeze %dma_start3A_387 : memref<1x128x128xf32, #tpu.memory_space<vmem>> -> memref<128x128xf32, #tpu.memory_space<vmem>>
        %dma_start3A_389 = arith.constant 0 : i32
        %dma_start3A_390 = tpu.memref_slice %arg11[%add3A_175, %dma_start3A_389] : memref<10000x128xf32, #tpu.memory_space<vmem_shared>> -> memref<128x128xf32, #tpu.memory_space<vmem_shared>>
        tpu.enqueue_dma source(%dma_start3A_390 : memref<128x128xf32, #tpu.memory_space<vmem_shared>>) target(%dma_start3A_388 : memref<128x128xf32, #tpu.memory_space<vmem>>) target_semaphore(%run_scoped3A_378 : memref<!tpu.dma_semaphore, #tpu.memory_space<semaphore_mem>>)
        %dma_wait3A_391 = arith.constant 0 : i32
        %dma_wait3A_392 = arith.constant 0 : i32
        %dma_wait3A_393 = tpu.memref_slice %arg7[%run_scoped3A_176, %dma_wait3A_391, %dma_wait3A_392] : memref<3x128x128xf32, #tpu.memory_space<vmem>> -> memref<1x128x128xf32, #tpu.memory_space<vmem>>
        %dma_wait3A_394 = tpu.memref_squeeze %dma_wait3A_393 : memref<1x128x128xf32, #tpu.memory_space<vmem>> -> memref<128x128xf32, #tpu.memory_space<vmem>>
        %dma_wait3A_395 = arith.constant 0 : i32
        %dma_wait3A_396 = tpu.memref_slice %arg11[%add3A_175, %dma_wait3A_395] : memref<10000x128xf32, #tpu.memory_space<vmem_shared>> -> memref<128x128xf32, #tpu.memory_space<vmem_shared>>
        %dma_wait3A_397 = arith.constant 0 : i32
        %dma_wait3A_398 = arith.constant 0 : i32
        %dma_wait3A_399 = tpu.memref_slice %arg7[%run_scoped3A_176, %dma_wait3A_397, %dma_wait3A_398] : memref<3x128x128xf32, #tpu.memory_space<vmem>> -> memref<1x128x128xf32, #tpu.memory_space<vmem>>
        %dma_wait3A_400 = tpu.memref_squeeze %dma_wait3A_399 : memref<1x128x128xf32, #tpu.memory_space<vmem>> -> memref<128x128xf32, #tpu.memory_space<vmem>>
        %dma_wait3A_401 = arith.constant 0 : i32
        %dma_wait3A_402 = tpu.memref_slice %arg11[%add3A_175, %dma_wait3A_401] : memref<10000x128xf32, #tpu.memory_space<vmem_shared>> -> memref<128x128xf32, #tpu.memory_space<vmem_shared>>
        tpu.wait_dma2 semaphore(%run_scoped3A_378 : memref<!tpu.dma_semaphore, #tpu.memory_space<semaphore_mem>>) src(%dma_wait3A_402 : memref<128x128xf32, #tpu.memory_space<vmem_shared>>) dst(%dma_wait3A_400 : memref<128x128xf32, #tpu.memory_space<vmem>>)
        tpu.yield
      }) : () -> ()
      %add3A_177 = arith.constant 128 : i32
      %add3A_178 = arith.addi %mul3A_45, %add3A_177 : i32
      %dma_start3A_179 = arith.constant 1 : i32
      %dma_start3A_180 = arith.constant 1 : i32
      %dma_start3A_181 = arith.constant 0 : i32
      %dma_start3A_182 = arith.constant 0 : i32
      %dma_start3A_183 = tpu.memref_slice %arg7[%dma_start3A_179, %dma_start3A_181, %dma_start3A_182] : memref<3x128x128xf32, #tpu.memory_space<vmem>> -> memref<1x128x128xf32, #tpu.memory_space<vmem>>
      %dma_start3A_184 = tpu.memref_squeeze %dma_start3A_183 : memref<1x128x128xf32, #tpu.memory_space<vmem>> -> memref<128x128xf32, #tpu.memory_space<vmem>>
      %dma_start3A_185 = arith.constant 0 : i32
      %dma_start3A_186 = tpu.memref_slice %arg5[%arg0, %add3A_178, %dma_start3A_185] : memref<2x10000x128xf32, #tpu.memory_space<hbm>> -> memref<1x128x128xf32, #tpu.memory_space<hbm>>
      %dma_start3A_187 = tpu.memref_squeeze %dma_start3A_186 : memref<1x128x128xf32, #tpu.memory_space<hbm>> -> memref<128x128xf32, #tpu.memory_space<hbm>>
      %dma_start3A_188 = tpu.memref_slice %arg10[%dma_start3A_180] : memref<3x!tpu.dma_semaphore, #tpu.memory_space<semaphore_mem>> -> memref<1x!tpu.dma_semaphore, #tpu.memory_space<semaphore_mem>>
      %dma_start3A_189 = tpu.memref_squeeze %dma_start3A_188 : memref<1x!tpu.dma_semaphore, #tpu.memory_space<semaphore_mem>> -> memref<!tpu.dma_semaphore, #tpu.memory_space<semaphore_mem>>
      %dma_start3A_190 = arith.constant 0 : i32
      %dma_start3A_191 = tpu.memref_slice %arg5[%arg0, %add3A_178, %dma_start3A_190] : memref<2x10000x128xf32, #tpu.memory_space<hbm>> -> memref<1x128x128xf32, #tpu.memory_space<hbm>>
      %dma_start3A_192 = tpu.memref_squeeze %dma_start3A_191 : memref<1x128x128xf32, #tpu.memory_space<hbm>> -> memref<128x128xf32, #tpu.memory_space<hbm>>
      %dma_start3A_193 = arith.constant 0 : i32
      %dma_start3A_194 = arith.constant 0 : i32
      %dma_start3A_195 = tpu.memref_slice %arg7[%dma_start3A_179, %dma_start3A_193, %dma_start3A_194] : memref<3x128x128xf32, #tpu.memory_space<vmem>> -> memref<1x128x128xf32, #tpu.memory_space<vmem>>
      %dma_start3A_196 = tpu.memref_squeeze %dma_start3A_195 : memref<1x128x128xf32, #tpu.memory_space<vmem>> -> memref<128x128xf32, #tpu.memory_space<vmem>>
      tpu.enqueue_dma source(%dma_start3A_196 : memref<128x128xf32, #tpu.memory_space<vmem>>) target(%dma_start3A_192 : memref<128x128xf32, #tpu.memory_space<hbm>>) target_semaphore(%dma_start3A_189 : memref<!tpu.dma_semaphore, #tpu.memory_space<semaphore_mem>>)
      %add3A_197 = arith.constant 0 : i32
      %add3A_198 = arith.addi %mul3A_45, %add3A_197 : i32
      %dma_wait3A_199 = arith.constant 0 : i32
      %dma_wait3A_200 = arith.constant 0 : i32
      %dma_wait3A_201 = arith.constant 0 : i32
      %dma_wait3A_202 = arith.constant 0 : i32
      %dma_wait3A_203 = tpu.memref_slice %arg7[%dma_wait3A_199, %dma_wait3A_201, %dma_wait3A_202] : memref<3x128x128xf32, #tpu.memory_space<vmem>> -> memref<1x128x128xf32, #tpu.memory_space<vmem>>
      %dma_wait3A_204 = tpu.memref_squeeze %dma_wait3A_203 : memref<1x128x128xf32, #tpu.memory_space<vmem>> -> memref<128x128xf32, #tpu.memory_space<vmem>>
      %dma_wait3A_205 = arith.constant 0 : i32
      %dma_wait3A_206 = tpu.memref_slice %arg5[%arg0, %add3A_198, %dma_wait3A_205] : memref<2x10000x128xf32, #tpu.memory_space<hbm>> -> memref<1x128x128xf32, #tpu.memory_space<hbm>>
      %dma_wait3A_207 = tpu.memref_squeeze %dma_wait3A_206 : memref<1x128x128xf32, #tpu.memory_space<hbm>> -> memref<128x128xf32, #tpu.memory_space<hbm>>
      %dma_wait3A_208 = tpu.memref_slice %arg10[%dma_wait3A_200] : memref<3x!tpu.dma_semaphore, #tpu.memory_space<semaphore_mem>> -> memref<1x!tpu.dma_semaphore, #tpu.memory_space<semaphore_mem>>
      %dma_wait3A_209 = tpu.memref_squeeze %dma_wait3A_208 : memref<1x!tpu.dma_semaphore, #tpu.memory_space<semaphore_mem>> -> memref<!tpu.dma_semaphore, #tpu.memory_space<semaphore_mem>>
      %dma_wait3A_210 = arith.constant 0 : i32
      %dma_wait3A_211 = tpu.memref_slice %arg5[%arg0, %add3A_198, %dma_wait3A_210] : memref<2x10000x128xf32, #tpu.memory_space<hbm>> -> memref<1x128x128xf32, #tpu.memory_space<hbm>>
      %dma_wait3A_212 = tpu.memref_squeeze %dma_wait3A_211 : memref<1x128x128xf32, #tpu.memory_space<hbm>> -> memref<128x128xf32, #tpu.memory_space<hbm>>
      %dma_wait3A_213 = arith.constant 0 : i32
      %dma_wait3A_214 = arith.constant 0 : i32
      %dma_wait3A_215 = tpu.memref_slice %arg7[%dma_wait3A_199, %dma_wait3A_213, %dma_wait3A_214] : memref<3x128x128xf32, #tpu.memory_space<vmem>> -> memref<1x128x128xf32, #tpu.memory_space<vmem>>
      %dma_wait3A_216 = tpu.memref_squeeze %dma_wait3A_215 : memref<1x128x128xf32, #tpu.memory_space<vmem>> -> memref<128x128xf32, #tpu.memory_space<vmem>>
      tpu.wait_dma2 semaphore(%dma_wait3A_209 : memref<!tpu.dma_semaphore, #tpu.memory_space<semaphore_mem>>) src(%dma_wait3A_216 : memref<128x128xf32, #tpu.memory_space<vmem>>) dst(%dma_wait3A_212 : memref<128x128xf32, #tpu.memory_space<hbm>>)
      %add3A_217 = arith.constant 256 : i32
      %add3A_218 = arith.addi %mul3A_45, %add3A_217 : i32
      %run_scoped3A_219 = arith.constant 0 : i32
      "tpu.region"() ({
        %run_scoped3A_378 = tpu.sem_alloc : memref<!tpu.dma_semaphore, #tpu.memory_space<semaphore_mem>>
        %dma_start3A_379 = arith.constant 0 : i32
        %dma_start3A_380 = arith.constant 0 : i32
        %dma_start3A_381 = tpu.memref_slice %arg7[%run_scoped3A_219, %dma_start3A_379, %dma_start3A_380] : memref<3x128x128xf32, #tpu.memory_space<vmem>> -> memref<1x128x128xf32, #tpu.memory_space<vmem>>
        %dma_start3A_382 = tpu.memref_squeeze %dma_start3A_381 : memref<1x128x128xf32, #tpu.memory_space<vmem>> -> memref<128x128xf32, #tpu.memory_space<vmem>>
        %dma_start3A_383 = arith.constant 0 : i32
        %dma_start3A_384 = tpu.memref_slice %arg11[%add3A_218, %dma_start3A_383] : memref<10000x128xf32, #tpu.memory_space<vmem_shared>> -> memref<128x128xf32, #tpu.memory_space<vmem_shared>>
        %dma_start3A_385 = arith.constant 0 : i32
        %dma_start3A_386 = arith.constant 0 : i32
        %dma_start3A_387 = tpu.memref_slice %arg7[%run_scoped3A_219, %dma_start3A_385, %dma_start3A_386] : memref<3x128x128xf32, #tpu.memory_space<vmem>> -> memref<1x128x128xf32, #tpu.memory_space<vmem>>
        %dma_start3A_388 = tpu.memref_squeeze %dma_start3A_387 : memref<1x128x128xf32, #tpu.memory_space<vmem>> -> memref<128x128xf32, #tpu.memory_space<vmem>>
        %dma_start3A_389 = arith.constant 0 : i32
        %dma_start3A_390 = tpu.memref_slice %arg11[%add3A_218, %dma_start3A_389] : memref<10000x128xf32, #tpu.memory_space<vmem_shared>> -> memref<128x128xf32, #tpu.memory_space<vmem_shared>>
        tpu.enqueue_dma source(%dma_start3A_390 : memref<128x128xf32, #tpu.memory_space<vmem_shared>>) target(%dma_start3A_388 : memref<128x128xf32, #tpu.memory_space<vmem>>) target_semaphore(%run_scoped3A_378 : memref<!tpu.dma_semaphore, #tpu.memory_space<semaphore_mem>>)
        %dma_wait3A_391 = arith.constant 0 : i32
        %dma_wait3A_392 = arith.constant 0 : i32
        %dma_wait3A_393 = tpu.memref_slice %arg7[%run_scoped3A_219, %dma_wait3A_391, %dma_wait3A_392] : memref<3x128x128xf32, #tpu.memory_space<vmem>> -> memref<1x128x128xf32, #tpu.memory_space<vmem>>
        %dma_wait3A_394 = tpu.memref_squeeze %dma_wait3A_393 : memref<1x128x128xf32, #tpu.memory_space<vmem>> -> memref<128x128xf32, #tpu.memory_space<vmem>>
        %dma_wait3A_395 = arith.constant 0 : i32
        %dma_wait3A_396 = tpu.memref_slice %arg11[%add3A_218, %dma_wait3A_395] : memref<10000x128xf32, #tpu.memory_space<vmem_shared>> -> memref<128x128xf32, #tpu.memory_space<vmem_shared>>
        %dma_wait3A_397 = arith.constant 0 : i32
        %dma_wait3A_398 = arith.constant 0 : i32
        %dma_wait3A_399 = tpu.memref_slice %arg7[%run_scoped3A_219, %dma_wait3A_397, %dma_wait3A_398] : memref<3x128x128xf32, #tpu.memory_space<vmem>> -> memref<1x128x128xf32, #tpu.memory_space<vmem>>
        %dma_wait3A_400 = tpu.memref_squeeze %dma_wait3A_399 : memref<1x128x128xf32, #tpu.memory_space<vmem>> -> memref<128x128xf32, #tpu.memory_space<vmem>>
        %dma_wait3A_401 = arith.constant 0 : i32
        %dma_wait3A_402 = tpu.memref_slice %arg11[%add3A_218, %dma_wait3A_401] : memref<10000x128xf32, #tpu.memory_space<vmem_shared>> -> memref<128x128xf32, #tpu.memory_space<vmem_shared>>
        tpu.wait_dma2 semaphore(%run_scoped3A_378 : memref<!tpu.dma_semaphore, #tpu.memory_space<semaphore_mem>>) src(%dma_wait3A_402 : memref<128x128xf32, #tpu.memory_space<vmem_shared>>) dst(%dma_wait3A_400 : memref<128x128xf32, #tpu.memory_space<vmem>>)
        tpu.yield
      }) : () -> ()
      %add3A_220 = arith.constant 256 : i32
      %add3A_221 = arith.addi %mul3A_45, %add3A_220 : i32
      %dma_start3A_222 = arith.constant 0 : i32
      %dma_start3A_223 = arith.constant 0 : i32
      %dma_start3A_224 = arith.constant 0 : i32
      %dma_start3A_225 = arith.constant 0 : i32
      %dma_start3A_226 = tpu.memref_slice %arg7[%dma_start3A_222, %dma_start3A_224, %dma_start3A_225] : memref<3x128x128xf32, #tpu.memory_space<vmem>> -> memref<1x128x128xf32, #tpu.memory_space<vmem>>
      %dma_start3A_227 = tpu.memref_squeeze %dma_start3A_226 : memref<1x128x128xf32, #tpu.memory_space<vmem>> -> memref<128x128xf32, #tpu.memory_space<vmem>>
      %dma_start3A_228 = arith.constant 0 : i32
      %dma_start3A_229 = tpu.memref_slice %arg5[%arg0, %add3A_221, %dma_start3A_228] : memref<2x10000x128xf32, #tpu.memory_space<hbm>> -> memref<1x128x128xf32, #tpu.memory_space<hbm>>
      %dma_start3A_230 = tpu.memref_squeeze %dma_start3A_229 : memref<1x128x128xf32, #tpu.memory_space<hbm>> -> memref<128x128xf32, #tpu.memory_space<hbm>>
      %dma_start3A_231 = tpu.memref_slice %arg10[%dma_start3A_223] : memref<3x!tpu.dma_semaphore, #tpu.memory_space<semaphore_mem>> -> memref<1x!tpu.dma_semaphore, #tpu.memory_space<semaphore_mem>>
      %dma_start3A_232 = tpu.memref_squeeze %dma_start3A_231 : memref<1x!tpu.dma_semaphore, #tpu.memory_space<semaphore_mem>> -> memref<!tpu.dma_semaphore, #tpu.memory_space<semaphore_mem>>
      %dma_start3A_233 = arith.constant 0 : i32
      %dma_start3A_234 = tpu.memref_slice %arg5[%arg0, %add3A_221, %dma_start3A_233] : memref<2x10000x128xf32, #tpu.memory_space<hbm>> -> memref<1x128x128xf32, #tpu.memory_space<hbm>>
      %dma_start3A_235 = tpu.memref_squeeze %dma_start3A_234 : memref<1x128x128xf32, #tpu.memory_space<hbm>> -> memref<128x128xf32, #tpu.memory_space<hbm>>
      %dma_start3A_236 = arith.constant 0 : i32
      %dma_start3A_237 = arith.constant 0 : i32
      %dma_start3A_238 = tpu.memref_slice %arg7[%dma_start3A_222, %dma_start3A_236, %dma_start3A_237] : memref<3x128x128xf32, #tpu.memory_space<vmem>> -> memref<1x128x128xf32, #tpu.memory_space<vmem>>
      %dma_start3A_239 = tpu.memref_squeeze %dma_start3A_238 : memref<1x128x128xf32, #tpu.memory_space<vmem>> -> memref<128x128xf32, #tpu.memory_space<vmem>>
      tpu.enqueue_dma source(%dma_start3A_239 : memref<128x128xf32, #tpu.memory_space<vmem>>) target(%dma_start3A_235 : memref<128x128xf32, #tpu.memory_space<hbm>>) target_semaphore(%dma_start3A_232 : memref<!tpu.dma_semaphore, #tpu.memory_space<semaphore_mem>>)
      %add3A_240 = arith.constant 128 : i32
      %add3A_241 = arith.addi %mul3A_45, %add3A_240 : i32
      %dma_wait3A_242 = arith.constant 1 : i32
      %dma_wait3A_243 = arith.constant 1 : i32
      %dma_wait3A_244 = arith.constant 0 : i32
      %dma_wait3A_245 = arith.constant 0 : i32
      %dma_wait3A_246 = tpu.memref_slice %arg7[%dma_wait3A_242, %dma_wait3A_244, %dma_wait3A_245] : memref<3x128x128xf32, #tpu.memory_space<vmem>> -> memref<1x128x128xf32, #tpu.memory_space<vmem>>
      %dma_wait3A_247 = tpu.memref_squeeze %dma_wait3A_246 : memref<1x128x128xf32, #tpu.memory_space<vmem>> -> memref<128x128xf32, #tpu.memory_space<vmem>>
      %dma_wait3A_248 = arith.constant 0 : i32
      %dma_wait3A_249 = tpu.memref_slice %arg5[%arg0, %add3A_241, %dma_wait3A_248] : memref<2x10000x128xf32, #tpu.memory_space<hbm>> -> memref<1x128x128xf32, #tpu.memory_space<hbm>>
      %dma_wait3A_250 = tpu.memref_squeeze %dma_wait3A_249 : memref<1x128x128xf32, #tpu.memory_space<hbm>> -> memref<128x128xf32, #tpu.memory_space<hbm>>
      %dma_wait3A_251 = tpu.memref_slice %arg10[%dma_wait3A_243] : memref<3x!tpu.dma_semaphore, #tpu.memory_space<semaphore_mem>> -> memref<1x!tpu.dma_semaphore, #tpu.memory_space<semaphore_mem>>
      %dma_wait3A_252 = tpu.memref_squeeze %dma_wait3A_251 : memref<1x!tpu.dma_semaphore, #tpu.memory_space<semaphore_mem>> -> memref<!tpu.dma_semaphore, #tpu.memory_space<semaphore_mem>>
      %dma_wait3A_253 = arith.constant 0 : i32
      %dma_wait3A_254 = tpu.memref_slice %arg5[%arg0, %add3A_241, %dma_wait3A_253] : memref<2x10000x128xf32, #tpu.memory_space<hbm>> -> memref<1x128x128xf32, #tpu.memory_space<hbm>>
      %dma_wait3A_255 = tpu.memref_squeeze %dma_wait3A_254 : memref<1x128x128xf32, #tpu.memory_space<hbm>> -> memref<128x128xf32, #tpu.memory_space<hbm>>
      %dma_wait3A_256 = arith.constant 0 : i32
      %dma_wait3A_257 = arith.constant 0 : i32
      %dma_wait3A_258 = tpu.memref_slice %arg7[%dma_wait3A_242, %dma_wait3A_256, %dma_wait3A_257] : memref<3x128x128xf32, #tpu.memory_space<vmem>> -> memref<1x128x128xf32, #tpu.memory_space<vmem>>
      %dma_wait3A_259 = tpu.memref_squeeze %dma_wait3A_258 : memref<1x128x128xf32, #tpu.memory_space<vmem>> -> memref<128x128xf32, #tpu.memory_space<vmem>>
      tpu.wait_dma2 semaphore(%dma_wait3A_252 : memref<!tpu.dma_semaphore, #tpu.memory_space<semaphore_mem>>) src(%dma_wait3A_259 : memref<128x128xf32, #tpu.memory_space<vmem>>) dst(%dma_wait3A_255 : memref<128x128xf32, #tpu.memory_space<hbm>>)
      %add3A_260 = arith.constant 384 : i32
      %add3A_261 = arith.addi %mul3A_45, %add3A_260 : i32
      %run_scoped3A_262 = arith.constant 1 : i32
      "tpu.region"() ({
        %run_scoped3A_378 = tpu.sem_alloc : memref<!tpu.dma_semaphore, #tpu.memory_space<semaphore_mem>>
        %dma_start3A_379 = arith.constant 0 : i32
        %dma_start3A_380 = arith.constant 0 : i32
        %dma_start3A_381 = tpu.memref_slice %arg7[%run_scoped3A_262, %dma_start3A_379, %dma_start3A_380] : memref<3x128x128xf32, #tpu.memory_space<vmem>> -> memref<1x128x128xf32, #tpu.memory_space<vmem>>
        %dma_start3A_382 = tpu.memref_squeeze %dma_start3A_381 : memref<1x128x128xf32, #tpu.memory_space<vmem>> -> memref<128x128xf32, #tpu.memory_space<vmem>>
        %dma_start3A_383 = arith.constant 0 : i32
        %dma_start3A_384 = tpu.memref_slice %arg11[%add3A_261, %dma_start3A_383] : memref<10000x128xf32, #tpu.memory_space<vmem_shared>> -> memref<128x128xf32, #tpu.memory_space<vmem_shared>>
        %dma_start3A_385 = arith.constant 0 : i32
        %dma_start3A_386 = arith.constant 0 : i32
        %dma_start3A_387 = tpu.memref_slice %arg7[%run_scoped3A_262, %dma_start3A_385, %dma_start3A_386] : memref<3x128x128xf32, #tpu.memory_space<vmem>> -> memref<1x128x128xf32, #tpu.memory_space<vmem>>
        %dma_start3A_388 = tpu.memref_squeeze %dma_start3A_387 : memref<1x128x128xf32, #tpu.memory_space<vmem>> -> memref<128x128xf32, #tpu.memory_space<vmem>>
        %dma_start3A_389 = arith.constant 0 : i32
        %dma_start3A_390 = tpu.memref_slice %arg11[%add3A_261, %dma_start3A_389] : memref<10000x128xf32, #tpu.memory_space<vmem_shared>> -> memref<128x128xf32, #tpu.memory_space<vmem_shared>>
        tpu.enqueue_dma source(%dma_start3A_390 : memref<128x128xf32, #tpu.memory_space<vmem_shared>>) target(%dma_start3A_388 : memref<128x128xf32, #tpu.memory_space<vmem>>) target_semaphore(%run_scoped3A_378 : memref<!tpu.dma_semaphore, #tpu.memory_space<semaphore_mem>>)
        %dma_wait3A_391 = arith.constant 0 : i32
        %dma_wait3A_392 = arith.constant 0 : i32
        %dma_wait3A_393 = tpu.memref_slice %arg7[%run_scoped3A_262, %dma_wait3A_391, %dma_wait3A_392] : memref<3x128x128xf32, #tpu.memory_space<vmem>> -> memref<1x128x128xf32, #tpu.memory_space<vmem>>
        %dma_wait3A_394 = tpu.memref_squeeze %dma_wait3A_393 : memref<1x128x128xf32, #tpu.memory_space<vmem>> -> memref<128x128xf32, #tpu.memory_space<vmem>>
        %dma_wait3A_395 = arith.constant 0 : i32
        %dma_wait3A_396 = tpu.memref_slice %arg11[%add3A_261, %dma_wait3A_395] : memref<10000x128xf32, #tpu.memory_space<vmem_shared>> -> memref<128x128xf32, #tpu.memory_space<vmem_shared>>
        %dma_wait3A_397 = arith.constant 0 : i32
        %dma_wait3A_398 = arith.constant 0 : i32
        %dma_wait3A_399 = tpu.memref_slice %arg7[%run_scoped3A_262, %dma_wait3A_397, %dma_wait3A_398] : memref<3x128x128xf32, #tpu.memory_space<vmem>> -> memref<1x128x128xf32, #tpu.memory_space<vmem>>
        %dma_wait3A_400 = tpu.memref_squeeze %dma_wait3A_399 : memref<1x128x128xf32, #tpu.memory_space<vmem>> -> memref<128x128xf32, #tpu.memory_space<vmem>>
        %dma_wait3A_401 = arith.constant 0 : i32
        %dma_wait3A_402 = tpu.memref_slice %arg11[%add3A_261, %dma_wait3A_401] : memref<10000x128xf32, #tpu.memory_space<vmem_shared>> -> memref<128x128xf32, #tpu.memory_space<vmem_shared>>
        tpu.wait_dma2 semaphore(%run_scoped3A_378 : memref<!tpu.dma_semaphore, #tpu.memory_space<semaphore_mem>>) src(%dma_wait3A_402 : memref<128x128xf32, #tpu.memory_space<vmem_shared>>) dst(%dma_wait3A_400 : memref<128x128xf32, #tpu.memory_space<vmem>>)
        tpu.yield
      }) : () -> ()
      %add3A_263 = arith.constant 384 : i32
      %add3A_264 = arith.addi %mul3A_45, %add3A_263 : i32
      %dma_start3A_265 = arith.constant 1 : i32
      %dma_start3A_266 = arith.constant 1 : i32
      %dma_start3A_267 = arith.constant 0 : i32
      %dma_start3A_268 = arith.constant 0 : i32
      %dma_start3A_269 = tpu.memref_slice %arg7[%dma_start3A_265, %dma_start3A_267, %dma_start3A_268] : memref<3x128x128xf32, #tpu.memory_space<vmem>> -> memref<1x128x128xf32, #tpu.memory_space<vmem>>
      %dma_start3A_270 = tpu.memref_squeeze %dma_start3A_269 : memref<1x128x128xf32, #tpu.memory_space<vmem>> -> memref<128x128xf32, #tpu.memory_space<vmem>>
      %dma_start3A_271 = arith.constant 0 : i32
      %dma_start3A_272 = tpu.memref_slice %arg5[%arg0, %add3A_264, %dma_start3A_271] : memref<2x10000x128xf32, #tpu.memory_space<hbm>> -> memref<1x128x128xf32, #tpu.memory_space<hbm>>
      %dma_start3A_273 = tpu.memref_squeeze %dma_start3A_272 : memref<1x128x128xf32, #tpu.memory_space<hbm>> -> memref<128x128xf32, #tpu.memory_space<hbm>>
      %dma_start3A_274 = tpu.memref_slice %arg10[%dma_start3A_266] : memref<3x!tpu.dma_semaphore, #tpu.memory_space<semaphore_mem>> -> memref<1x!tpu.dma_semaphore, #tpu.memory_space<semaphore_mem>>
      %dma_start3A_275 = tpu.memref_squeeze %dma_start3A_274 : memref<1x!tpu.dma_semaphore, #tpu.memory_space<semaphore_mem>> -> memref<!tpu.dma_semaphore, #tpu.memory_space<semaphore_mem>>
      %dma_start3A_276 = arith.constant 0 : i32
      %dma_start3A_277 = tpu.memref_slice %arg5[%arg0, %add3A_264, %dma_start3A_276] : memref<2x10000x128xf32, #tpu.memory_space<hbm>> -> memref<1x128x128xf32, #tpu.memory_space<hbm>>
      %dma_start3A_278 = tpu.memref_squeeze %dma_start3A_277 : memref<1x128x128xf32, #tpu.memory_space<hbm>> -> memref<128x128xf32, #tpu.memory_space<hbm>>
      %dma_start3A_279 = arith.constant 0 : i32
      %dma_start3A_280 = arith.constant 0 : i32
      %dma_start3A_281 = tpu.memref_slice %arg7[%dma_start3A_265, %dma_start3A_279, %dma_start3A_280] : memref<3x128x128xf32, #tpu.memory_space<vmem>> -> memref<1x128x128xf32, #tpu.memory_space<vmem>>
      %dma_start3A_282 = tpu.memref_squeeze %dma_start3A_281 : memref<1x128x128xf32, #tpu.memory_space<vmem>> -> memref<128x128xf32, #tpu.memory_space<vmem>>
      tpu.enqueue_dma source(%dma_start3A_282 : memref<128x128xf32, #tpu.memory_space<vmem>>) target(%dma_start3A_278 : memref<128x128xf32, #tpu.memory_space<hbm>>) target_semaphore(%dma_start3A_275 : memref<!tpu.dma_semaphore, #tpu.memory_space<semaphore_mem>>)
      %add3A_283 = arith.constant 256 : i32
      %add3A_284 = arith.addi %mul3A_45, %add3A_283 : i32
      %dma_wait3A_285 = arith.constant 0 : i32
      %dma_wait3A_286 = arith.constant 0 : i32
      %dma_wait3A_287 = arith.constant 0 : i32
      %dma_wait3A_288 = arith.constant 0 : i32
      %dma_wait3A_289 = tpu.memref_slice %arg7[%dma_wait3A_285, %dma_wait3A_287, %dma_wait3A_288] : memref<3x128x128xf32, #tpu.memory_space<vmem>> -> memref<1x128x128xf32, #tpu.memory_space<vmem>>
      %dma_wait3A_290 = tpu.memref_squeeze %dma_wait3A_289 : memref<1x128x128xf32, #tpu.memory_space<vmem>> -> memref<128x128xf32, #tpu.memory_space<vmem>>
      %dma_wait3A_291 = arith.constant 0 : i32
      %dma_wait3A_292 = tpu.memref_slice %arg5[%arg0, %add3A_284, %dma_wait3A_291] : memref<2x10000x128xf32, #tpu.memory_space<hbm>> -> memref<1x128x128xf32, #tpu.memory_space<hbm>>
      %dma_wait3A_293 = tpu.memref_squeeze %dma_wait3A_292 : memref<1x128x128xf32, #tpu.memory_space<hbm>> -> memref<128x128xf32, #tpu.memory_space<hbm>>
      %dma_wait3A_294 = tpu.memref_slice %arg10[%dma_wait3A_286] : memref<3x!tpu.dma_semaphore, #tpu.memory_space<semaphore_mem>> -> memref<1x!tpu.dma_semaphore, #tpu.memory_space<semaphore_mem>>
      %dma_wait3A_295 = tpu.memref_squeeze %dma_wait3A_294 : memref<1x!tpu.dma_semaphore, #tpu.memory_space<semaphore_mem>> -> memref<!tpu.dma_semaphore, #tpu.memory_space<semaphore_mem>>
      %dma_wait3A_296 = arith.constant 0 : i32
      %dma_wait3A_297 = tpu.memref_slice %arg5[%arg0, %add3A_284, %dma_wait3A_296] : memref<2x10000x128xf32, #tpu.memory_space<hbm>> -> memref<1x128x128xf32, #tpu.memory_space<hbm>>
      %dma_wait3A_298 = tpu.memref_squeeze %dma_wait3A_297 : memref<1x128x128xf32, #tpu.memory_space<hbm>> -> memref<128x128xf32, #tpu.memory_space<hbm>>
      %dma_wait3A_299 = arith.constant 0 : i32
      %dma_wait3A_300 = arith.constant 0 : i32
      %dma_wait3A_301 = tpu.memref_slice %arg7[%dma_wait3A_285, %dma_wait3A_299, %dma_wait3A_300] : memref<3x128x128xf32, #tpu.memory_space<vmem>> -> memref<1x128x128xf32, #tpu.memory_space<vmem>>
      %dma_wait3A_302 = tpu.memref_squeeze %dma_wait3A_301 : memref<1x128x128xf32, #tpu.memory_space<vmem>> -> memref<128x128xf32, #tpu.memory_space<vmem>>
      tpu.wait_dma2 semaphore(%dma_wait3A_295 : memref<!tpu.dma_semaphore, #tpu.memory_space<semaphore_mem>>) src(%dma_wait3A_302 : memref<128x128xf32, #tpu.memory_space<vmem>>) dst(%dma_wait3A_298 : memref<128x128xf32, #tpu.memory_space<hbm>>)
      %add3A_303 = arith.constant 512 : i32
      %add3A_304 = arith.addi %mul3A_45, %add3A_303 : i32
      %run_scoped3A_305 = arith.constant 0 : i32
      "tpu.region"() ({
        %run_scoped3A_378 = tpu.sem_alloc : memref<!tpu.dma_semaphore, #tpu.memory_space<semaphore_mem>>
        %dma_start3A_379 = arith.constant 0 : i32
        %dma_start3A_380 = arith.constant 0 : i32
        %dma_start3A_381 = tpu.memref_slice %arg7[%run_scoped3A_305, %dma_start3A_379, %dma_start3A_380] : memref<3x128x128xf32, #tpu.memory_space<vmem>> -> memref<1x128x128xf32, #tpu.memory_space<vmem>>
        %dma_start3A_382 = tpu.memref_squeeze %dma_start3A_381 : memref<1x128x128xf32, #tpu.memory_space<vmem>> -> memref<128x128xf32, #tpu.memory_space<vmem>>
        %dma_start3A_383 = arith.constant 0 : i32
        %dma_start3A_384 = arith.constant 0 : i32
        %dma_start3A_385 = tpu.memref_slice %dma_start3A_382[%dma_start3A_383, %dma_start3A_384] : memref<128x128xf32, #tpu.memory_space<vmem>> -> memref<112x128xf32, #tpu.memory_space<vmem>>
        %dma_start3A_386 = arith.constant 0 : i32
        %dma_start3A_387 = tpu.memref_slice %arg11[%add3A_304, %dma_start3A_386] : memref<10000x128xf32, #tpu.memory_space<vmem_shared>> -> memref<112x128xf32, #tpu.memory_space<vmem_shared>>
        %dma_start3A_388 = arith.constant 0 : i32
        %dma_start3A_389 = arith.constant 0 : i32
        %dma_start3A_390 = tpu.memref_slice %arg7[%run_scoped3A_305, %dma_start3A_388, %dma_start3A_389] : memref<3x128x128xf32, #tpu.memory_space<vmem>> -> memref<1x128x128xf32, #tpu.memory_space<vmem>>
        %dma_start3A_391 = tpu.memref_squeeze %dma_start3A_390 : memref<1x128x128xf32, #tpu.memory_space<vmem>> -> memref<128x128xf32, #tpu.memory_space<vmem>>
        %dma_start3A_392 = arith.constant 0 : i32
        %dma_start3A_393 = arith.constant 0 : i32
        %dma_start3A_394 = tpu.memref_slice %dma_start3A_391[%dma_start3A_392, %dma_start3A_393] : memref<128x128xf32, #tpu.memory_space<vmem>> -> memref<112x128xf32, #tpu.memory_space<vmem>>
        %dma_start3A_395 = arith.constant 0 : i32
        %dma_start3A_396 = tpu.memref_slice %arg11[%add3A_304, %dma_start3A_395] : memref<10000x128xf32, #tpu.memory_space<vmem_shared>> -> memref<112x128xf32, #tpu.memory_space<vmem_shared>>
        tpu.enqueue_dma source(%dma_start3A_396 : memref<112x128xf32, #tpu.memory_space<vmem_shared>>) target(%dma_start3A_394 : memref<112x128xf32, #tpu.memory_space<vmem>>) target_semaphore(%run_scoped3A_378 : memref<!tpu.dma_semaphore, #tpu.memory_space<semaphore_mem>>)
        %dma_wait3A_397 = arith.constant 0 : i32
        %dma_wait3A_398 = arith.constant 0 : i32
        %dma_wait3A_399 = tpu.memref_slice %arg7[%run_scoped3A_305, %dma_wait3A_397, %dma_wait3A_398] : memref<3x128x128xf32, #tpu.memory_space<vmem>> -> memref<1x128x128xf32, #tpu.memory_space<vmem>>
        %dma_wait3A_400 = tpu.memref_squeeze %dma_wait3A_399 : memref<1x128x128xf32, #tpu.memory_space<vmem>> -> memref<128x128xf32, #tpu.memory_space<vmem>>
        %dma_wait3A_401 = arith.constant 0 : i32
        %dma_wait3A_402 = arith.constant 0 : i32
        %dma_wait3A_403 = tpu.memref_slice %dma_wait3A_400[%dma_wait3A_401, %dma_wait3A_402] : memref<128x128xf32, #tpu.memory_space<vmem>> -> memref<112x128xf32, #tpu.memory_space<vmem>>
        %dma_wait3A_404 = arith.constant 0 : i32
        %dma_wait3A_405 = tpu.memref_slice %arg11[%add3A_304, %dma_wait3A_404] : memref<10000x128xf32, #tpu.memory_space<vmem_shared>> -> memref<112x128xf32, #tpu.memory_space<vmem_shared>>
        %dma_wait3A_406 = arith.constant 0 : i32
        %dma_wait3A_407 = arith.constant 0 : i32
        %dma_wait3A_408 = tpu.memref_slice %arg7[%run_scoped3A_305, %dma_wait3A_406, %dma_wait3A_407] : memref<3x128x128xf32, #tpu.memory_space<vmem>> -> memref<1x128x128xf32, #tpu.memory_space<vmem>>
        %dma_wait3A_409 = tpu.memref_squeeze %dma_wait3A_408 : memref<1x128x128xf32, #tpu.memory_space<vmem>> -> memref<128x128xf32, #tpu.memory_space<vmem>>
        %dma_wait3A_410 = arith.constant 0 : i32
        %dma_wait3A_411 = arith.constant 0 : i32
        %dma_wait3A_412 = tpu.memref_slice %dma_wait3A_409[%dma_wait3A_410, %dma_wait3A_411] : memref<128x128xf32, #tpu.memory_space<vmem>> -> memref<112x128xf32, #tpu.memory_space<vmem>>
        %dma_wait3A_413 = arith.constant 0 : i32
        %dma_wait3A_414 = tpu.memref_slice %arg11[%add3A_304, %dma_wait3A_413] : memref<10000x128xf32, #tpu.memory_space<vmem_shared>> -> memref<112x128xf32, #tpu.memory_space<vmem_shared>>
        tpu.wait_dma2 semaphore(%run_scoped3A_378 : memref<!tpu.dma_semaphore, #tpu.memory_space<semaphore_mem>>) src(%dma_wait3A_414 : memref<112x128xf32, #tpu.memory_space<vmem_shared>>) dst(%dma_wait3A_412 : memref<112x128xf32, #tpu.memory_space<vmem>>)
        tpu.yield
      }) : () -> ()
      %add3A_306 = arith.constant 512 : i32
      %add3A_307 = arith.addi %mul3A_45, %add3A_306 : i32
      %dma_start3A_308 = arith.constant 0 : i32
      %dma_start3A_309 = arith.constant 0 : i32
      %dma_start3A_310 = arith.constant 0 : i32
      %dma_start3A_311 = arith.constant 0 : i32
      %dma_start3A_312 = tpu.memref_slice %arg7[%dma_start3A_308, %dma_start3A_310, %dma_start3A_311] : memref<3x128x128xf32, #tpu.memory_space<vmem>> -> memref<1x128x128xf32, #tpu.memory_space<vmem>>
      %dma_start3A_313 = tpu.memref_squeeze %dma_start3A_312 : memref<1x128x128xf32, #tpu.memory_space<vmem>> -> memref<128x128xf32, #tpu.memory_space<vmem>>
      %dma_start3A_314 = arith.constant 0 : i32
      %dma_start3A_315 = arith.constant 0 : i32
      %dma_start3A_316 = tpu.memref_slice %dma_start3A_313[%dma_start3A_314, %dma_start3A_315] : memref<128x128xf32, #tpu.memory_space<vmem>> -> memref<112x128xf32, #tpu.memory_space<vmem>>
      %dma_start3A_317 = arith.constant 0 : i32
      %dma_start3A_318 = tpu.memref_slice %arg5[%arg0, %add3A_307, %dma_start3A_317] : memref<2x10000x128xf32, #tpu.memory_space<hbm>> -> memref<1x112x128xf32, #tpu.memory_space<hbm>>
      %dma_start3A_319 = tpu.memref_squeeze %dma_start3A_318 : memref<1x112x128xf32, #tpu.memory_space<hbm>> -> memref<112x128xf32, #tpu.memory_space<hbm>>
      %dma_start3A_320 = tpu.memref_slice %arg10[%dma_start3A_309] : memref<3x!tpu.dma_semaphore, #tpu.memory_space<semaphore_mem>> -> memref<1x!tpu.dma_semaphore, #tpu.memory_space<semaphore_mem>>
      %dma_start3A_321 = tpu.memref_squeeze %dma_start3A_320 : memref<1x!tpu.dma_semaphore, #tpu.memory_space<semaphore_mem>> -> memref<!tpu.dma_semaphore, #tpu.memory_space<semaphore_mem>>
      %dma_start3A_322 = arith.constant 0 : i32
      %dma_start3A_323 = tpu.memref_slice %arg5[%arg0, %add3A_307, %dma_start3A_322] : memref<2x10000x128xf32, #tpu.memory_space<hbm>> -> memref<1x112x128xf32, #tpu.memory_space<hbm>>
      %dma_start3A_324 = tpu.memref_squeeze %dma_start3A_323 : memref<1x112x128xf32, #tpu.memory_space<hbm>> -> memref<112x128xf32, #tpu.memory_space<hbm>>
      %dma_start3A_325 = arith.constant 0 : i32
      %dma_start3A_326 = arith.constant 0 : i32
      %dma_start3A_327 = tpu.memref_slice %arg7[%dma_start3A_308, %dma_start3A_325, %dma_start3A_326] : memref<3x128x128xf32, #tpu.memory_space<vmem>> -> memref<1x128x128xf32, #tpu.memory_space<vmem>>
      %dma_start3A_328 = tpu.memref_squeeze %dma_start3A_327 : memref<1x128x128xf32, #tpu.memory_space<vmem>> -> memref<128x128xf32, #tpu.memory_space<vmem>>
      %dma_start3A_329 = arith.constant 0 : i32
      %dma_start3A_330 = arith.constant 0 : i32
      %dma_start3A_331 = tpu.memref_slice %dma_start3A_328[%dma_start3A_329, %dma_start3A_330] : memref<128x128xf32, #tpu.memory_space<vmem>> -> memref<112x128xf32, #tpu.memory_space<vmem>>
      tpu.enqueue_dma source(%dma_start3A_331 : memref<112x128xf32, #tpu.memory_space<vmem>>) target(%dma_start3A_324 : memref<112x128xf32, #tpu.memory_space<hbm>>) target_semaphore(%dma_start3A_321 : memref<!tpu.dma_semaphore, #tpu.memory_space<semaphore_mem>>)
      %add3A_332 = arith.constant 384 : i32
      %add3A_333 = arith.addi %mul3A_45, %add3A_332 : i32
      %dma_wait3A_334 = arith.constant 1 : i32
      %dma_wait3A_335 = arith.constant 1 : i32
      %dma_wait3A_336 = arith.constant 0 : i32
      %dma_wait3A_337 = arith.constant 0 : i32
      %dma_wait3A_338 = tpu.memref_slice %arg7[%dma_wait3A_334, %dma_wait3A_336, %dma_wait3A_337] : memref<3x128x128xf32, #tpu.memory_space<vmem>> -> memref<1x128x128xf32, #tpu.memory_space<vmem>>
      %dma_wait3A_339 = tpu.memref_squeeze %dma_wait3A_338 : memref<1x128x128xf32, #tpu.memory_space<vmem>> -> memref<128x128xf32, #tpu.memory_space<vmem>>
      %dma_wait3A_340 = arith.constant 0 : i32
      %dma_wait3A_341 = tpu.memref_slice %arg5[%arg0, %add3A_333, %dma_wait3A_340] : memref<2x10000x128xf32, #tpu.memory_space<hbm>> -> memref<1x128x128xf32, #tpu.memory_space<hbm>>
      %dma_wait3A_342 = tpu.memref_squeeze %dma_wait3A_341 : memref<1x128x128xf32, #tpu.memory_space<hbm>> -> memref<128x128xf32, #tpu.memory_space<hbm>>
      %dma_wait3A_343 = tpu.memref_slice %arg10[%dma_wait3A_335] : memref<3x!tpu.dma_semaphore, #tpu.memory_space<semaphore_mem>> -> memref<1x!tpu.dma_semaphore, #tpu.memory_space<semaphore_mem>>
      %dma_wait3A_344 = tpu.memref_squeeze %dma_wait3A_343 : memref<1x!tpu.dma_semaphore, #tpu.memory_space<semaphore_mem>> -> memref<!tpu.dma_semaphore, #tpu.memory_space<semaphore_mem>>
      %dma_wait3A_345 = arith.constant 0 : i32
      %dma_wait3A_346 = tpu.memref_slice %arg5[%arg0, %add3A_333, %dma_wait3A_345] : memref<2x10000x128xf32, #tpu.memory_space<hbm>> -> memref<1x128x128xf32, #tpu.memory_space<hbm>>
      %dma_wait3A_347 = tpu.memref_squeeze %dma_wait3A_346 : memref<1x128x128xf32, #tpu.memory_space<hbm>> -> memref<128x128xf32, #tpu.memory_space<hbm>>
      %dma_wait3A_348 = arith.constant 0 : i32
      %dma_wait3A_349 = arith.constant 0 : i32
      %dma_wait3A_350 = tpu.memref_slice %arg7[%dma_wait3A_334, %dma_wait3A_348, %dma_wait3A_349] : memref<3x128x128xf32, #tpu.memory_space<vmem>> -> memref<1x128x128xf32, #tpu.memory_space<vmem>>
      %dma_wait3A_351 = tpu.memref_squeeze %dma_wait3A_350 : memref<1x128x128xf32, #tpu.memory_space<vmem>> -> memref<128x128xf32, #tpu.memory_space<vmem>>
      tpu.wait_dma2 semaphore(%dma_wait3A_344 : memref<!tpu.dma_semaphore, #tpu.memory_space<semaphore_mem>>) src(%dma_wait3A_351 : memref<128x128xf32, #tpu.memory_space<vmem>>) dst(%dma_wait3A_347 : memref<128x128xf32, #tpu.memory_space<hbm>>)
      %add3A_352 = arith.constant 512 : i32
      %add3A_353 = arith.addi %mul3A_45, %add3A_352 : i32
      %dma_wait3A_354 = arith.constant 0 : i32
      %dma_wait3A_355 = arith.constant 0 : i32
      %dma_wait3A_356 = arith.constant 0 : i32
      %dma_wait3A_357 = arith.constant 0 : i32
      %dma_wait3A_358 = tpu.memref_slice %arg7[%dma_wait3A_354, %dma_wait3A_356, %dma_wait3A_357] : memref<3x128x128xf32, #tpu.memory_space<vmem>> -> memref<1x128x128xf32, #tpu.memory_space<vmem>>
      %dma_wait3A_359 = tpu.memref_squeeze %dma_wait3A_358 : memref<1x128x128xf32, #tpu.memory_space<vmem>> -> memref<128x128xf32, #tpu.memory_space<vmem>>
      %dma_wait3A_360 = arith.constant 0 : i32
      %dma_wait3A_361 = arith.constant 0 : i32
      %dma_wait3A_362 = tpu.memref_slice %dma_wait3A_359[%dma_wait3A_360, %dma_wait3A_361] : memref<128x128xf32, #tpu.memory_space<vmem>> -> memref<112x128xf32, #tpu.memory_space<vmem>>
      %dma_wait3A_363 = arith.constant 0 : i32
      %dma_wait3A_364 = tpu.memref_slice %arg5[%arg0, %add3A_353, %dma_wait3A_363] : memref<2x10000x128xf32, #tpu.memory_space<hbm>> -> memref<1x112x128xf32, #tpu.memory_space<hbm>>
      %dma_wait3A_365 = tpu.memref_squeeze %dma_wait3A_364 : memref<1x112x128xf32, #tpu.memory_space<hbm>> -> memref<112x128xf32, #tpu.memory_space<hbm>>
      %dma_wait3A_366 = tpu.memref_slice %arg10[%dma_wait3A_355] : memref<3x!tpu.dma_semaphore, #tpu.memory_space<semaphore_mem>> -> memref<1x!tpu.dma_semaphore, #tpu.memory_space<semaphore_mem>>
      %dma_wait3A_367 = tpu.memref_squeeze %dma_wait3A_366 : memref<1x!tpu.dma_semaphore, #tpu.memory_space<semaphore_mem>> -> memref<!tpu.dma_semaphore, #tpu.memory_space<semaphore_mem>>
      %dma_wait3A_368 = arith.constant 0 : i32
      %dma_wait3A_369 = tpu.memref_slice %arg5[%arg0, %add3A_353, %dma_wait3A_368] : memref<2x10000x128xf32, #tpu.memory_space<hbm>> -> memref<1x112x128xf32, #tpu.memory_space<hbm>>
      %dma_wait3A_370 = tpu.memref_squeeze %dma_wait3A_369 : memref<1x112x128xf32, #tpu.memory_space<hbm>> -> memref<112x128xf32, #tpu.memory_space<hbm>>
      %dma_wait3A_371 = arith.constant 0 : i32
      %dma_wait3A_372 = arith.constant 0 : i32
      %dma_wait3A_373 = tpu.memref_slice %arg7[%dma_wait3A_354, %dma_wait3A_371, %dma_wait3A_372] : memref<3x128x128xf32, #tpu.memory_space<vmem>> -> memref<1x128x128xf32, #tpu.memory_space<vmem>>
      %dma_wait3A_374 = tpu.memref_squeeze %dma_wait3A_373 : memref<1x128x128xf32, #tpu.memory_space<vmem>> -> memref<128x128xf32, #tpu.memory_space<vmem>>
      %dma_wait3A_375 = arith.constant 0 : i32
      %dma_wait3A_376 = arith.constant 0 : i32
      %dma_wait3A_377 = tpu.memref_slice %dma_wait3A_374[%dma_wait3A_375, %dma_wait3A_376] : memref<128x128xf32, #tpu.memory_space<vmem>> -> memref<112x128xf32, #tpu.memory_space<vmem>>
      tpu.wait_dma2 semaphore(%dma_wait3A_367 : memref<!tpu.dma_semaphore, #tpu.memory_space<semaphore_mem>>) src(%dma_wait3A_377 : memref<112x128xf32, #tpu.memory_space<vmem>>) dst(%dma_wait3A_370 : memref<112x128xf32, #tpu.memory_space<hbm>>)
    } else {
    }
    %eq3A_146 = arith.constant 15 : i32
    %eq3A_147 = arith.cmpi eq, %arg1, %eq3A_146 : i32
    %convert_element_type3A_148 = arith.extui %eq3A_147 : i1 to i32
    %cond3A_149 = arith.constant 0 : i32
    %cond3A_150 = arith.cmpi ne, %convert_element_type3A_148, %cond3A_149 : i32
    scf.if %cond3A_150 {
      %add3A_151 = arith.constant 0 : i32
      %add3A_152 = arith.addi %mul3A_45, %add3A_151 : i32
      %run_scoped3A_153 = arith.constant 0 : i32
      "tpu.region"() ({
        %run_scoped3A_366 = tpu.sem_alloc : memref<!tpu.dma_semaphore, #tpu.memory_space<semaphore_mem>>
        %dma_start3A_367 = arith.constant 0 : i32
        %dma_start3A_368 = arith.constant 0 : i32
        %dma_start3A_369 = tpu.memref_slice %arg7[%run_scoped3A_153, %dma_start3A_367, %dma_start3A_368] : memref<3x128x128xf32, #tpu.memory_space<vmem>> -> memref<1x128x128xf32, #tpu.memory_space<vmem>>
        %dma_start3A_370 = tpu.memref_squeeze %dma_start3A_369 : memref<1x128x128xf32, #tpu.memory_space<vmem>> -> memref<128x128xf32, #tpu.memory_space<vmem>>
        %dma_start3A_371 = arith.constant 0 : i32
        %dma_start3A_372 = tpu.memref_slice %arg11[%add3A_152, %dma_start3A_371] : memref<10000x128xf32, #tpu.memory_space<vmem_shared>> -> memref<128x128xf32, #tpu.memory_space<vmem_shared>>
        %dma_start3A_373 = arith.constant 0 : i32
        %dma_start3A_374 = arith.constant 0 : i32
        %dma_start3A_375 = tpu.memref_slice %arg7[%run_scoped3A_153, %dma_start3A_373, %dma_start3A_374] : memref<3x128x128xf32, #tpu.memory_space<vmem>> -> memref<1x128x128xf32, #tpu.memory_space<vmem>>
        %dma_start3A_376 = tpu.memref_squeeze %dma_start3A_375 : memref<1x128x128xf32, #tpu.memory_space<vmem>> -> memref<128x128xf32, #tpu.memory_space<vmem>>
        %dma_start3A_377 = arith.constant 0 : i32
        %dma_start3A_378 = tpu.memref_slice %arg11[%add3A_152, %dma_start3A_377] : memref<10000x128xf32, #tpu.memory_space<vmem_shared>> -> memref<128x128xf32, #tpu.memory_space<vmem_shared>>
        tpu.enqueue_dma source(%dma_start3A_378 : memref<128x128xf32, #tpu.memory_space<vmem_shared>>) target(%dma_start3A_376 : memref<128x128xf32, #tpu.memory_space<vmem>>) target_semaphore(%run_scoped3A_366 : memref<!tpu.dma_semaphore, #tpu.memory_space<semaphore_mem>>)
        %dma_wait3A_379 = arith.constant 0 : i32
        %dma_wait3A_380 = arith.constant 0 : i32
        %dma_wait3A_381 = tpu.memref_slice %arg7[%run_scoped3A_153, %dma_wait3A_379, %dma_wait3A_380] : memref<3x128x128xf32, #tpu.memory_space<vmem>> -> memref<1x128x128xf32, #tpu.memory_space<vmem>>
        %dma_wait3A_382 = tpu.memref_squeeze %dma_wait3A_381 : memref<1x128x128xf32, #tpu.memory_space<vmem>> -> memref<128x128xf32, #tpu.memory_space<vmem>>
        %dma_wait3A_383 = arith.constant 0 : i32
        %dma_wait3A_384 = tpu.memref_slice %arg11[%add3A_152, %dma_wait3A_383] : memref<10000x128xf32, #tpu.memory_space<vmem_shared>> -> memref<128x128xf32, #tpu.memory_space<vmem_shared>>
        %dma_wait3A_385 = arith.constant 0 : i32
        %dma_wait3A_386 = arith.constant 0 : i32
        %dma_wait3A_387 = tpu.memref_slice %arg7[%run_scoped3A_153, %dma_wait3A_385, %dma_wait3A_386] : memref<3x128x128xf32, #tpu.memory_space<vmem>> -> memref<1x128x128xf32, #tpu.memory_space<vmem>>
        %dma_wait3A_388 = tpu.memref_squeeze %dma_wait3A_387 : memref<1x128x128xf32, #tpu.memory_space<vmem>> -> memref<128x128xf32, #tpu.memory_space<vmem>>
        %dma_wait3A_389 = arith.constant 0 : i32
        %dma_wait3A_390 = tpu.memref_slice %arg11[%add3A_152, %dma_wait3A_389] : memref<10000x128xf32, #tpu.memory_space<vmem_shared>> -> memref<128x128xf32, #tpu.memory_space<vmem_shared>>
        tpu.wait_dma2 semaphore(%run_scoped3A_366 : memref<!tpu.dma_semaphore, #tpu.memory_space<semaphore_mem>>) src(%dma_wait3A_390 : memref<128x128xf32, #tpu.memory_space<vmem_shared>>) dst(%dma_wait3A_388 : memref<128x128xf32, #tpu.memory_space<vmem>>)
        tpu.yield
      }) : () -> ()
      %add3A_154 = arith.constant 0 : i32
      %add3A_155 = arith.addi %mul3A_45, %add3A_154 : i32
      %dma_start3A_156 = arith.constant 0 : i32
      %dma_start3A_157 = arith.constant 0 : i32
      %dma_start3A_158 = arith.constant 0 : i32
      %dma_start3A_159 = arith.constant 0 : i32
      %dma_start3A_160 = tpu.memref_slice %arg7[%dma_start3A_156, %dma_start3A_158, %dma_start3A_159] : memref<3x128x128xf32, #tpu.memory_space<vmem>> -> memref<1x128x128xf32, #tpu.memory_space<vmem>>
      %dma_start3A_161 = tpu.memref_squeeze %dma_start3A_160 : memref<1x128x128xf32, #tpu.memory_space<vmem>> -> memref<128x128xf32, #tpu.memory_space<vmem>>
      %dma_start3A_162 = arith.constant 0 : i32
      %dma_start3A_163 = tpu.memref_slice %arg5[%arg0, %add3A_155, %dma_start3A_162] : memref<2x10000x128xf32, #tpu.memory_space<hbm>> -> memref<1x128x128xf32, #tpu.memory_space<hbm>>
      %dma_start3A_164 = tpu.memref_squeeze %dma_start3A_163 : memref<1x128x128xf32, #tpu.memory_space<hbm>> -> memref<128x128xf32, #tpu.memory_space<hbm>>
      %dma_start3A_165 = tpu.memref_slice %arg10[%dma_start3A_157] : memref<3x!tpu.dma_semaphore, #tpu.memory_space<semaphore_mem>> -> memref<1x!tpu.dma_semaphore, #tpu.memory_space<semaphore_mem>>
      %dma_start3A_166 = tpu.memref_squeeze %dma_start3A_165 : memref<1x!tpu.dma_semaphore, #tpu.memory_space<semaphore_mem>> -> memref<!tpu.dma_semaphore, #tpu.memory_space<semaphore_mem>>
      %dma_start3A_167 = arith.constant 0 : i32
      %dma_start3A_168 = tpu.memref_slice %arg5[%arg0, %add3A_155, %dma_start3A_167] : memref<2x10000x128xf32, #tpu.memory_space<hbm>> -> memref<1x128x128xf32, #tpu.memory_space<hbm>>
      %dma_start3A_169 = tpu.memref_squeeze %dma_start3A_168 : memref<1x128x128xf32, #tpu.memory_space<hbm>> -> memref<128x128xf32, #tpu.memory_space<hbm>>
      %dma_start3A_170 = arith.constant 0 : i32
      %dma_start3A_171 = arith.constant 0 : i32
      %dma_start3A_172 = tpu.memref_slice %arg7[%dma_start3A_156, %dma_start3A_170, %dma_start3A_171] : memref<3x128x128xf32, #tpu.memory_space<vmem>> -> memref<1x128x128xf32, #tpu.memory_space<vmem>>
      %dma_start3A_173 = tpu.memref_squeeze %dma_start3A_172 : memref<1x128x128xf32, #tpu.memory_space<vmem>> -> memref<128x128xf32, #tpu.memory_space<vmem>>
      tpu.enqueue_dma source(%dma_start3A_173 : memref<128x128xf32, #tpu.memory_space<vmem>>) target(%dma_start3A_169 : memref<128x128xf32, #tpu.memory_space<hbm>>) target_semaphore(%dma_start3A_166 : memref<!tpu.dma_semaphore, #tpu.memory_space<semaphore_mem>>)
      %add3A_174 = arith.constant 128 : i32
      %add3A_175 = arith.addi %mul3A_45, %add3A_174 : i32
      %run_scoped3A_176 = arith.constant 1 : i32
      "tpu.region"() ({
        %run_scoped3A_366 = tpu.sem_alloc : memref<!tpu.dma_semaphore, #tpu.memory_space<semaphore_mem>>
        %dma_start3A_367 = arith.constant 0 : i32
        %dma_start3A_368 = arith.constant 0 : i32
        %dma_start3A_369 = tpu.memref_slice %arg7[%run_scoped3A_176, %dma_start3A_367, %dma_start3A_368] : memref<3x128x128xf32, #tpu.memory_space<vmem>> -> memref<1x128x128xf32, #tpu.memory_space<vmem>>
        %dma_start3A_370 = tpu.memref_squeeze %dma_start3A_369 : memref<1x128x128xf32, #tpu.memory_space<vmem>> -> memref<128x128xf32, #tpu.memory_space<vmem>>
        %dma_start3A_371 = arith.constant 0 : i32
        %dma_start3A_372 = tpu.memref_slice %arg11[%add3A_175, %dma_start3A_371] : memref<10000x128xf32, #tpu.memory_space<vmem_shared>> -> memref<128x128xf32, #tpu.memory_space<vmem_shared>>
        %dma_start3A_373 = arith.constant 0 : i32
        %dma_start3A_374 = arith.constant 0 : i32
        %dma_start3A_375 = tpu.memref_slice %arg7[%run_scoped3A_176, %dma_start3A_373, %dma_start3A_374] : memref<3x128x128xf32, #tpu.memory_space<vmem>> -> memref<1x128x128xf32, #tpu.memory_space<vmem>>
        %dma_start3A_376 = tpu.memref_squeeze %dma_start3A_375 : memref<1x128x128xf32, #tpu.memory_space<vmem>> -> memref<128x128xf32, #tpu.memory_space<vmem>>
        %dma_start3A_377 = arith.constant 0 : i32
        %dma_start3A_378 = tpu.memref_slice %arg11[%add3A_175, %dma_start3A_377] : memref<10000x128xf32, #tpu.memory_space<vmem_shared>> -> memref<128x128xf32, #tpu.memory_space<vmem_shared>>
        tpu.enqueue_dma source(%dma_start3A_378 : memref<128x128xf32, #tpu.memory_space<vmem_shared>>) target(%dma_start3A_376 : memref<128x128xf32, #tpu.memory_space<vmem>>) target_semaphore(%run_scoped3A_366 : memref<!tpu.dma_semaphore, #tpu.memory_space<semaphore_mem>>)
        %dma_wait3A_379 = arith.constant 0 : i32
        %dma_wait3A_380 = arith.constant 0 : i32
        %dma_wait3A_381 = tpu.memref_slice %arg7[%run_scoped3A_176, %dma_wait3A_379, %dma_wait3A_380] : memref<3x128x128xf32, #tpu.memory_space<vmem>> -> memref<1x128x128xf32, #tpu.memory_space<vmem>>
        %dma_wait3A_382 = tpu.memref_squeeze %dma_wait3A_381 : memref<1x128x128xf32, #tpu.memory_space<vmem>> -> memref<128x128xf32, #tpu.memory_space<vmem>>
        %dma_wait3A_383 = arith.constant 0 : i32
        %dma_wait3A_384 = tpu.memref_slice %arg11[%add3A_175, %dma_wait3A_383] : memref<10000x128xf32, #tpu.memory_space<vmem_shared>> -> memref<128x128xf32, #tpu.memory_space<vmem_shared>>
        %dma_wait3A_385 = arith.constant 0 : i32
        %dma_wait3A_386 = arith.constant 0 : i32
        %dma_wait3A_387 = tpu.memref_slice %arg7[%run_scoped3A_176, %dma_wait3A_385, %dma_wait3A_386] : memref<3x128x128xf32, #tpu.memory_space<vmem>> -> memref<1x128x128xf32, #tpu.memory_space<vmem>>
        %dma_wait3A_388 = tpu.memref_squeeze %dma_wait3A_387 : memref<1x128x128xf32, #tpu.memory_space<vmem>> -> memref<128x128xf32, #tpu.memory_space<vmem>>
        %dma_wait3A_389 = arith.constant 0 : i32
        %dma_wait3A_390 = tpu.memref_slice %arg11[%add3A_175, %dma_wait3A_389] : memref<10000x128xf32, #tpu.memory_space<vmem_shared>> -> memref<128x128xf32, #tpu.memory_space<vmem_shared>>
        tpu.wait_dma2 semaphore(%run_scoped3A_366 : memref<!tpu.dma_semaphore, #tpu.memory_space<semaphore_mem>>) src(%dma_wait3A_390 : memref<128x128xf32, #tpu.memory_space<vmem_shared>>) dst(%dma_wait3A_388 : memref<128x128xf32, #tpu.memory_space<vmem>>)
        tpu.yield
      }) : () -> ()
      %add3A_177 = arith.constant 128 : i32
      %add3A_178 = arith.addi %mul3A_45, %add3A_177 : i32
      %dma_start3A_179 = arith.constant 1 : i32
      %dma_start3A_180 = arith.constant 1 : i32
      %dma_start3A_181 = arith.constant 0 : i32
      %dma_start3A_182 = arith.constant 0 : i32
      %dma_start3A_183 = tpu.memref_slice %arg7[%dma_start3A_179, %dma_start3A_181, %dma_start3A_182] : memref<3x128x128xf32, #tpu.memory_space<vmem>> -> memref<1x128x128xf32, #tpu.memory_space<vmem>>
      %dma_start3A_184 = tpu.memref_squeeze %dma_start3A_183 : memref<1x128x128xf32, #tpu.memory_space<vmem>> -> memref<128x128xf32, #tpu.memory_space<vmem>>
      %dma_start3A_185 = arith.constant 0 : i32
      %dma_start3A_186 = tpu.memref_slice %arg5[%arg0, %add3A_178, %dma_start3A_185] : memref<2x10000x128xf32, #tpu.memory_space<hbm>> -> memref<1x128x128xf32, #tpu.memory_space<hbm>>
      %dma_start3A_187 = tpu.memref_squeeze %dma_start3A_186 : memref<1x128x128xf32, #tpu.memory_space<hbm>> -> memref<128x128xf32, #tpu.memory_space<hbm>>
      %dma_start3A_188 = tpu.memref_slice %arg10[%dma_start3A_180] : memref<3x!tpu.dma_semaphore, #tpu.memory_space<semaphore_mem>> -> memref<1x!tpu.dma_semaphore, #tpu.memory_space<semaphore_mem>>
      %dma_start3A_189 = tpu.memref_squeeze %dma_start3A_188 : memref<1x!tpu.dma_semaphore, #tpu.memory_space<semaphore_mem>> -> memref<!tpu.dma_semaphore, #tpu.memory_space<semaphore_mem>>
      %dma_start3A_190 = arith.constant 0 : i32
      %dma_start3A_191 = tpu.memref_slice %arg5[%arg0, %add3A_178, %dma_start3A_190] : memref<2x10000x128xf32, #tpu.memory_space<hbm>> -> memref<1x128x128xf32, #tpu.memory_space<hbm>>
      %dma_start3A_192 = tpu.memref_squeeze %dma_start3A_191 : memref<1x128x128xf32, #tpu.memory_space<hbm>> -> memref<128x128xf32, #tpu.memory_space<hbm>>
      %dma_start3A_193 = arith.constant 0 : i32
      %dma_start3A_194 = arith.constant 0 : i32
      %dma_start3A_195 = tpu.memref_slice %arg7[%dma_start3A_179, %dma_start3A_193, %dma_start3A_194] : memref<3x128x128xf32, #tpu.memory_space<vmem>> -> memref<1x128x128xf32, #tpu.memory_space<vmem>>
      %dma_start3A_196 = tpu.memref_squeeze %dma_start3A_195 : memref<1x128x128xf32, #tpu.memory_space<vmem>> -> memref<128x128xf32, #tpu.memory_space<vmem>>
      tpu.enqueue_dma source(%dma_start3A_196 : memref<128x128xf32, #tpu.memory_space<vmem>>) target(%dma_start3A_192 : memref<128x128xf32, #tpu.memory_space<hbm>>) target_semaphore(%dma_start3A_189 : memref<!tpu.dma_semaphore, #tpu.memory_space<semaphore_mem>>)
      %add3A_197 = arith.constant 0 : i32
      %add3A_198 = arith.addi %mul3A_45, %add3A_197 : i32
      %dma_wait3A_199 = arith.constant 0 : i32
      %dma_wait3A_200 = arith.constant 0 : i32
      %dma_wait3A_201 = arith.constant 0 : i32
      %dma_wait3A_202 = arith.constant 0 : i32
      %dma_wait3A_203 = tpu.memref_slice %arg7[%dma_wait3A_199, %dma_wait3A_201, %dma_wait3A_202] : memref<3x128x128xf32, #tpu.memory_space<vmem>> -> memref<1x128x128xf32, #tpu.memory_space<vmem>>
      %dma_wait3A_204 = tpu.memref_squeeze %dma_wait3A_203 : memref<1x128x128xf32, #tpu.memory_space<vmem>> -> memref<128x128xf32, #tpu.memory_space<vmem>>
      %dma_wait3A_205 = arith.constant 0 : i32
      %dma_wait3A_206 = tpu.memref_slice %arg5[%arg0, %add3A_198, %dma_wait3A_205] : memref<2x10000x128xf32, #tpu.memory_space<hbm>> -> memref<1x128x128xf32, #tpu.memory_space<hbm>>
      %dma_wait3A_207 = tpu.memref_squeeze %dma_wait3A_206 : memref<1x128x128xf32, #tpu.memory_space<hbm>> -> memref<128x128xf32, #tpu.memory_space<hbm>>
      %dma_wait3A_208 = tpu.memref_slice %arg10[%dma_wait3A_200] : memref<3x!tpu.dma_semaphore, #tpu.memory_space<semaphore_mem>> -> memref<1x!tpu.dma_semaphore, #tpu.memory_space<semaphore_mem>>
      %dma_wait3A_209 = tpu.memref_squeeze %dma_wait3A_208 : memref<1x!tpu.dma_semaphore, #tpu.memory_space<semaphore_mem>> -> memref<!tpu.dma_semaphore, #tpu.memory_space<semaphore_mem>>
      %dma_wait3A_210 = arith.constant 0 : i32
      %dma_wait3A_211 = tpu.memref_slice %arg5[%arg0, %add3A_198, %dma_wait3A_210] : memref<2x10000x128xf32, #tpu.memory_space<hbm>> -> memref<1x128x128xf32, #tpu.memory_space<hbm>>
      %dma_wait3A_212 = tpu.memref_squeeze %dma_wait3A_211 : memref<1x128x128xf32, #tpu.memory_space<hbm>> -> memref<128x128xf32, #tpu.memory_space<hbm>>
      %dma_wait3A_213 = arith.constant 0 : i32
      %dma_wait3A_214 = arith.constant 0 : i32
      %dma_wait3A_215 = tpu.memref_slice %arg7[%dma_wait3A_199, %dma_wait3A_213, %dma_wait3A_214] : memref<3x128x128xf32, #tpu.memory_space<vmem>> -> memref<1x128x128xf32, #tpu.memory_space<vmem>>
      %dma_wait3A_216 = tpu.memref_squeeze %dma_wait3A_215 : memref<1x128x128xf32, #tpu.memory_space<vmem>> -> memref<128x128xf32, #tpu.memory_space<vmem>>
      tpu.wait_dma2 semaphore(%dma_wait3A_209 : memref<!tpu.dma_semaphore, #tpu.memory_space<semaphore_mem>>) src(%dma_wait3A_216 : memref<128x128xf32, #tpu.memory_space<vmem>>) dst(%dma_wait3A_212 : memref<128x128xf32, #tpu.memory_space<hbm>>)
      %add3A_217 = arith.constant 256 : i32
      %add3A_218 = arith.addi %mul3A_45, %add3A_217 : i32
      %run_scoped3A_219 = arith.constant 0 : i32
      "tpu.region"() ({
        %run_scoped3A_366 = tpu.sem_alloc : memref<!tpu.dma_semaphore, #tpu.memory_space<semaphore_mem>>
        %dma_start3A_367 = arith.constant 0 : i32
        %dma_start3A_368 = arith.constant 0 : i32
        %dma_start3A_369 = tpu.memref_slice %arg7[%run_scoped3A_219, %dma_start3A_367, %dma_start3A_368] : memref<3x128x128xf32, #tpu.memory_space<vmem>> -> memref<1x128x128xf32, #tpu.memory_space<vmem>>
        %dma_start3A_370 = tpu.memref_squeeze %dma_start3A_369 : memref<1x128x128xf32, #tpu.memory_space<vmem>> -> memref<128x128xf32, #tpu.memory_space<vmem>>
        %dma_start3A_371 = arith.constant 0 : i32
        %dma_start3A_372 = tpu.memref_slice %arg11[%add3A_218, %dma_start3A_371] : memref<10000x128xf32, #tpu.memory_space<vmem_shared>> -> memref<128x128xf32, #tpu.memory_space<vmem_shared>>
        %dma_start3A_373 = arith.constant 0 : i32
        %dma_start3A_374 = arith.constant 0 : i32
        %dma_start3A_375 = tpu.memref_slice %arg7[%run_scoped3A_219, %dma_start3A_373, %dma_start3A_374] : memref<3x128x128xf32, #tpu.memory_space<vmem>> -> memref<1x128x128xf32, #tpu.memory_space<vmem>>
        %dma_start3A_376 = tpu.memref_squeeze %dma_start3A_375 : memref<1x128x128xf32, #tpu.memory_space<vmem>> -> memref<128x128xf32, #tpu.memory_space<vmem>>
        %dma_start3A_377 = arith.constant 0 : i32
        %dma_start3A_378 = tpu.memref_slice %arg11[%add3A_218, %dma_start3A_377] : memref<10000x128xf32, #tpu.memory_space<vmem_shared>> -> memref<128x128xf32, #tpu.memory_space<vmem_shared>>
        tpu.enqueue_dma source(%dma_start3A_378 : memref<128x128xf32, #tpu.memory_space<vmem_shared>>) target(%dma_start3A_376 : memref<128x128xf32, #tpu.memory_space<vmem>>) target_semaphore(%run_scoped3A_366 : memref<!tpu.dma_semaphore, #tpu.memory_space<semaphore_mem>>)
        %dma_wait3A_379 = arith.constant 0 : i32
        %dma_wait3A_380 = arith.constant 0 : i32
        %dma_wait3A_381 = tpu.memref_slice %arg7[%run_scoped3A_219, %dma_wait3A_379, %dma_wait3A_380] : memref<3x128x128xf32, #tpu.memory_space<vmem>> -> memref<1x128x128xf32, #tpu.memory_space<vmem>>
        %dma_wait3A_382 = tpu.memref_squeeze %dma_wait3A_381 : memref<1x128x128xf32, #tpu.memory_space<vmem>> -> memref<128x128xf32, #tpu.memory_space<vmem>>
        %dma_wait3A_383 = arith.constant 0 : i32
        %dma_wait3A_384 = tpu.memref_slice %arg11[%add3A_218, %dma_wait3A_383] : memref<10000x128xf32, #tpu.memory_space<vmem_shared>> -> memref<128x128xf32, #tpu.memory_space<vmem_shared>>
        %dma_wait3A_385 = arith.constant 0 : i32
        %dma_wait3A_386 = arith.constant 0 : i32
        %dma_wait3A_387 = tpu.memref_slice %arg7[%run_scoped3A_219, %dma_wait3A_385, %dma_wait3A_386] : memref<3x128x128xf32, #tpu.memory_space<vmem>> -> memref<1x128x128xf32, #tpu.memory_space<vmem>>
        %dma_wait3A_388 = tpu.memref_squeeze %dma_wait3A_387 : memref<1x128x128xf32, #tpu.memory_space<vmem>> -> memref<128x128xf32, #tpu.memory_space<vmem>>
        %dma_wait3A_389 = arith.constant 0 : i32
        %dma_wait3A_390 = tpu.memref_slice %arg11[%add3A_218, %dma_wait3A_389] : memref<10000x128xf32, #tpu.memory_space<vmem_shared>> -> memref<128x128xf32, #tpu.memory_space<vmem_shared>>
        tpu.wait_dma2 semaphore(%run_scoped3A_366 : memref<!tpu.dma_semaphore, #tpu.memory_space<semaphore_mem>>) src(%dma_wait3A_390 : memref<128x128xf32, #tpu.memory_space<vmem_shared>>) dst(%dma_wait3A_388 : memref<128x128xf32, #tpu.memory_space<vmem>>)
        tpu.yield
      }) : () -> ()
      %add3A_220 = arith.constant 256 : i32
      %add3A_221 = arith.addi %mul3A_45, %add3A_220 : i32
      %dma_start3A_222 = arith.constant 0 : i32
      %dma_start3A_223 = arith.constant 0 : i32
      %dma_start3A_224 = arith.constant 0 : i32
      %dma_start3A_225 = arith.constant 0 : i32
      %dma_start3A_226 = tpu.memref_slice %arg7[%dma_start3A_222, %dma_start3A_224, %dma_start3A_225] : memref<3x128x128xf32, #tpu.memory_space<vmem>> -> memref<1x128x128xf32, #tpu.memory_space<vmem>>
      %dma_start3A_227 = tpu.memref_squeeze %dma_start3A_226 : memref<1x128x128xf32, #tpu.memory_space<vmem>> -> memref<128x128xf32, #tpu.memory_space<vmem>>
      %dma_start3A_228 = arith.constant 0 : i32
      %dma_start3A_229 = tpu.memref_slice %arg5[%arg0, %add3A_221, %dma_start3A_228] : memref<2x10000x128xf32, #tpu.memory_space<hbm>> -> memref<1x128x128xf32, #tpu.memory_space<hbm>>
      %dma_start3A_230 = tpu.memref_squeeze %dma_start3A_229 : memref<1x128x128xf32, #tpu.memory_space<hbm>> -> memref<128x128xf32, #tpu.memory_space<hbm>>
      %dma_start3A_231 = tpu.memref_slice %arg10[%dma_start3A_223] : memref<3x!tpu.dma_semaphore, #tpu.memory_space<semaphore_mem>> -> memref<1x!tpu.dma_semaphore, #tpu.memory_space<semaphore_mem>>
      %dma_start3A_232 = tpu.memref_squeeze %dma_start3A_231 : memref<1x!tpu.dma_semaphore, #tpu.memory_space<semaphore_mem>> -> memref<!tpu.dma_semaphore, #tpu.memory_space<semaphore_mem>>
      %dma_start3A_233 = arith.constant 0 : i32
      %dma_start3A_234 = tpu.memref_slice %arg5[%arg0, %add3A_221, %dma_start3A_233] : memref<2x10000x128xf32, #tpu.memory_space<hbm>> -> memref<1x128x128xf32, #tpu.memory_space<hbm>>
      %dma_start3A_235 = tpu.memref_squeeze %dma_start3A_234 : memref<1x128x128xf32, #tpu.memory_space<hbm>> -> memref<128x128xf32, #tpu.memory_space<hbm>>
      %dma_start3A_236 = arith.constant 0 : i32
      %dma_start3A_237 = arith.constant 0 : i32
      %dma_start3A_238 = tpu.memref_slice %arg7[%dma_start3A_222, %dma_start3A_236, %dma_start3A_237] : memref<3x128x128xf32, #tpu.memory_space<vmem>> -> memref<1x128x128xf32, #tpu.memory_space<vmem>>
      %dma_start3A_239 = tpu.memref_squeeze %dma_start3A_238 : memref<1x128x128xf32, #tpu.memory_space<vmem>> -> memref<128x128xf32, #tpu.memory_space<vmem>>
      tpu.enqueue_dma source(%dma_start3A_239 : memref<128x128xf32, #tpu.memory_space<vmem>>) target(%dma_start3A_235 : memref<128x128xf32, #tpu.memory_space<hbm>>) target_semaphore(%dma_start3A_232 : memref<!tpu.dma_semaphore, #tpu.memory_space<semaphore_mem>>)
      %add3A_240 = arith.constant 128 : i32
      %add3A_241 = arith.addi %mul3A_45, %add3A_240 : i32
      %dma_wait3A_242 = arith.constant 1 : i32
      %dma_wait3A_243 = arith.constant 1 : i32
      %dma_wait3A_244 = arith.constant 0 : i32
      %dma_wait3A_245 = arith.constant 0 : i32
      %dma_wait3A_246 = tpu.memref_slice %arg7[%dma_wait3A_242, %dma_wait3A_244, %dma_wait3A_245] : memref<3x128x128xf32, #tpu.memory_space<vmem>> -> memref<1x128x128xf32, #tpu.memory_space<vmem>>
      %dma_wait3A_247 = tpu.memref_squeeze %dma_wait3A_246 : memref<1x128x128xf32, #tpu.memory_space<vmem>> -> memref<128x128xf32, #tpu.memory_space<vmem>>
      %dma_wait3A_248 = arith.constant 0 : i32
      %dma_wait3A_249 = tpu.memref_slice %arg5[%arg0, %add3A_241, %dma_wait3A_248] : memref<2x10000x128xf32, #tpu.memory_space<hbm>> -> memref<1x128x128xf32, #tpu.memory_space<hbm>>
      %dma_wait3A_250 = tpu.memref_squeeze %dma_wait3A_249 : memref<1x128x128xf32, #tpu.memory_space<hbm>> -> memref<128x128xf32, #tpu.memory_space<hbm>>
      %dma_wait3A_251 = tpu.memref_slice %arg10[%dma_wait3A_243] : memref<3x!tpu.dma_semaphore, #tpu.memory_space<semaphore_mem>> -> memref<1x!tpu.dma_semaphore, #tpu.memory_space<semaphore_mem>>
      %dma_wait3A_252 = tpu.memref_squeeze %dma_wait3A_251 : memref<1x!tpu.dma_semaphore, #tpu.memory_space<semaphore_mem>> -> memref<!tpu.dma_semaphore, #tpu.memory_space<semaphore_mem>>
      %dma_wait3A_253 = arith.constant 0 : i32
      %dma_wait3A_254 = tpu.memref_slice %arg5[%arg0, %add3A_241, %dma_wait3A_253] : memref<2x10000x128xf32, #tpu.memory_space<hbm>> -> memref<1x128x128xf32, #tpu.memory_space<hbm>>
      %dma_wait3A_255 = tpu.memref_squeeze %dma_wait3A_254 : memref<1x128x128xf32, #tpu.memory_space<hbm>> -> memref<128x128xf32, #tpu.memory_space<hbm>>
      %dma_wait3A_256 = arith.constant 0 : i32
      %dma_wait3A_257 = arith.constant 0 : i32
      %dma_wait3A_258 = tpu.memref_slice %arg7[%dma_wait3A_242, %dma_wait3A_256, %dma_wait3A_257] : memref<3x128x128xf32, #tpu.memory_space<vmem>> -> memref<1x128x128xf32, #tpu.memory_space<vmem>>
      %dma_wait3A_259 = tpu.memref_squeeze %dma_wait3A_258 : memref<1x128x128xf32, #tpu.memory_space<vmem>> -> memref<128x128xf32, #tpu.memory_space<vmem>>
      tpu.wait_dma2 semaphore(%dma_wait3A_252 : memref<!tpu.dma_semaphore, #tpu.memory_space<semaphore_mem>>) src(%dma_wait3A_259 : memref<128x128xf32, #tpu.memory_space<vmem>>) dst(%dma_wait3A_255 : memref<128x128xf32, #tpu.memory_space<hbm>>)
      %add3A_260 = arith.constant 384 : i32
      %add3A_261 = arith.addi %mul3A_45, %add3A_260 : i32
      %run_scoped3A_262 = arith.constant 1 : i32
      "tpu.region"() ({
        %run_scoped3A_366 = tpu.sem_alloc : memref<!tpu.dma_semaphore, #tpu.memory_space<semaphore_mem>>
        %dma_start3A_367 = arith.constant 0 : i32
        %dma_start3A_368 = arith.constant 0 : i32
        %dma_start3A_369 = tpu.memref_slice %arg7[%run_scoped3A_262, %dma_start3A_367, %dma_start3A_368] : memref<3x128x128xf32, #tpu.memory_space<vmem>> -> memref<1x128x128xf32, #tpu.memory_space<vmem>>
        %dma_start3A_370 = tpu.memref_squeeze %dma_start3A_369 : memref<1x128x128xf32, #tpu.memory_space<vmem>> -> memref<128x128xf32, #tpu.memory_space<vmem>>
        %dma_start3A_371 = arith.constant 0 : i32
        %dma_start3A_372 = tpu.memref_slice %arg11[%add3A_261, %dma_start3A_371] : memref<10000x128xf32, #tpu.memory_space<vmem_shared>> -> memref<128x128xf32, #tpu.memory_space<vmem_shared>>
        %dma_start3A_373 = arith.constant 0 : i32
        %dma_start3A_374 = arith.constant 0 : i32
        %dma_start3A_375 = tpu.memref_slice %arg7[%run_scoped3A_262, %dma_start3A_373, %dma_start3A_374] : memref<3x128x128xf32, #tpu.memory_space<vmem>> -> memref<1x128x128xf32, #tpu.memory_space<vmem>>
        %dma_start3A_376 = tpu.memref_squeeze %dma_start3A_375 : memref<1x128x128xf32, #tpu.memory_space<vmem>> -> memref<128x128xf32, #tpu.memory_space<vmem>>
        %dma_start3A_377 = arith.constant 0 : i32
        %dma_start3A_378 = tpu.memref_slice %arg11[%add3A_261, %dma_start3A_377] : memref<10000x128xf32, #tpu.memory_space<vmem_shared>> -> memref<128x128xf32, #tpu.memory_space<vmem_shared>>
        tpu.enqueue_dma source(%dma_start3A_378 : memref<128x128xf32, #tpu.memory_space<vmem_shared>>) target(%dma_start3A_376 : memref<128x128xf32, #tpu.memory_space<vmem>>) target_semaphore(%run_scoped3A_366 : memref<!tpu.dma_semaphore, #tpu.memory_space<semaphore_mem>>)
        %dma_wait3A_379 = arith.constant 0 : i32
        %dma_wait3A_380 = arith.constant 0 : i32
        %dma_wait3A_381 = tpu.memref_slice %arg7[%run_scoped3A_262, %dma_wait3A_379, %dma_wait3A_380] : memref<3x128x128xf32, #tpu.memory_space<vmem>> -> memref<1x128x128xf32, #tpu.memory_space<vmem>>
        %dma_wait3A_382 = tpu.memref_squeeze %dma_wait3A_381 : memref<1x128x128xf32, #tpu.memory_space<vmem>> -> memref<128x128xf32, #tpu.memory_space<vmem>>
        %dma_wait3A_383 = arith.constant 0 : i32
        %dma_wait3A_384 = tpu.memref_slice %arg11[%add3A_261, %dma_wait3A_383] : memref<10000x128xf32, #tpu.memory_space<vmem_shared>> -> memref<128x128xf32, #tpu.memory_space<vmem_shared>>
        %dma_wait3A_385 = arith.constant 0 : i32
        %dma_wait3A_386 = arith.constant 0 : i32
        %dma_wait3A_387 = tpu.memref_slice %arg7[%run_scoped3A_262, %dma_wait3A_385, %dma_wait3A_386] : memref<3x128x128xf32, #tpu.memory_space<vmem>> -> memref<1x128x128xf32, #tpu.memory_space<vmem>>
        %dma_wait3A_388 = tpu.memref_squeeze %dma_wait3A_387 : memref<1x128x128xf32, #tpu.memory_space<vmem>> -> memref<128x128xf32, #tpu.memory_space<vmem>>
        %dma_wait3A_389 = arith.constant 0 : i32
        %dma_wait3A_390 = tpu.memref_slice %arg11[%add3A_261, %dma_wait3A_389] : memref<10000x128xf32, #tpu.memory_space<vmem_shared>> -> memref<128x128xf32, #tpu.memory_space<vmem_shared>>
        tpu.wait_dma2 semaphore(%run_scoped3A_366 : memref<!tpu.dma_semaphore, #tpu.memory_space<semaphore_mem>>) src(%dma_wait3A_390 : memref<128x128xf32, #tpu.memory_space<vmem_shared>>) dst(%dma_wait3A_388 : memref<128x128xf32, #tpu.memory_space<vmem>>)
        tpu.yield
      }) : () -> ()
      %add3A_263 = arith.constant 384 : i32
      %add3A_264 = arith.addi %mul3A_45, %add3A_263 : i32
      %dma_start3A_265 = arith.constant 1 : i32
      %dma_start3A_266 = arith.constant 1 : i32
      %dma_start3A_267 = arith.constant 0 : i32
      %dma_start3A_268 = arith.constant 0 : i32
      %dma_start3A_269 = tpu.memref_slice %arg7[%dma_start3A_265, %dma_start3A_267, %dma_start3A_268] : memref<3x128x128xf32, #tpu.memory_space<vmem>> -> memref<1x128x128xf32, #tpu.memory_space<vmem>>
      %dma_start3A_270 = tpu.memref_squeeze %dma_start3A_269 : memref<1x128x128xf32, #tpu.memory_space<vmem>> -> memref<128x128xf32, #tpu.memory_space<vmem>>
      %dma_start3A_271 = arith.constant 0 : i32
      %dma_start3A_272 = tpu.memref_slice %arg5[%arg0, %add3A_264, %dma_start3A_271] : memref<2x10000x128xf32, #tpu.memory_space<hbm>> -> memref<1x128x128xf32, #tpu.memory_space<hbm>>
      %dma_start3A_273 = tpu.memref_squeeze %dma_start3A_272 : memref<1x128x128xf32, #tpu.memory_space<hbm>> -> memref<128x128xf32, #tpu.memory_space<hbm>>
      %dma_start3A_274 = tpu.memref_slice %arg10[%dma_start3A_266] : memref<3x!tpu.dma_semaphore, #tpu.memory_space<semaphore_mem>> -> memref<1x!tpu.dma_semaphore, #tpu.memory_space<semaphore_mem>>
      %dma_start3A_275 = tpu.memref_squeeze %dma_start3A_274 : memref<1x!tpu.dma_semaphore, #tpu.memory_space<semaphore_mem>> -> memref<!tpu.dma_semaphore, #tpu.memory_space<semaphore_mem>>
      %dma_start3A_276 = arith.constant 0 : i32
      %dma_start3A_277 = tpu.memref_slice %arg5[%arg0, %add3A_264, %dma_start3A_276] : memref<2x10000x128xf32, #tpu.memory_space<hbm>> -> memref<1x128x128xf32, #tpu.memory_space<hbm>>
      %dma_start3A_278 = tpu.memref_squeeze %dma_start3A_277 : memref<1x128x128xf32, #tpu.memory_space<hbm>> -> memref<128x128xf32, #tpu.memory_space<hbm>>
      %dma_start3A_279 = arith.constant 0 : i32
      %dma_start3A_280 = arith.constant 0 : i32
      %dma_start3A_281 = tpu.memref_slice %arg7[%dma_start3A_265, %dma_start3A_279, %dma_start3A_280] : memref<3x128x128xf32, #tpu.memory_space<vmem>> -> memref<1x128x128xf32, #tpu.memory_space<vmem>>
      %dma_start3A_282 = tpu.memref_squeeze %dma_start3A_281 : memref<1x128x128xf32, #tpu.memory_space<vmem>> -> memref<128x128xf32, #tpu.memory_space<vmem>>
      tpu.enqueue_dma source(%dma_start3A_282 : memref<128x128xf32, #tpu.memory_space<vmem>>) target(%dma_start3A_278 : memref<128x128xf32, #tpu.memory_space<hbm>>) target_semaphore(%dma_start3A_275 : memref<!tpu.dma_semaphore, #tpu.memory_space<semaphore_mem>>)
      %add3A_283 = arith.constant 256 : i32
      %add3A_284 = arith.addi %mul3A_45, %add3A_283 : i32
      %dma_wait3A_285 = arith.constant 0 : i32
      %dma_wait3A_286 = arith.constant 0 : i32
      %dma_wait3A_287 = arith.constant 0 : i32
      %dma_wait3A_288 = arith.constant 0 : i32
      %dma_wait3A_289 = tpu.memref_slice %arg7[%dma_wait3A_285, %dma_wait3A_287, %dma_wait3A_288] : memref<3x128x128xf32, #tpu.memory_space<vmem>> -> memref<1x128x128xf32, #tpu.memory_space<vmem>>
      %dma_wait3A_290 = tpu.memref_squeeze %dma_wait3A_289 : memref<1x128x128xf32, #tpu.memory_space<vmem>> -> memref<128x128xf32, #tpu.memory_space<vmem>>
      %dma_wait3A_291 = arith.constant 0 : i32
      %dma_wait3A_292 = tpu.memref_slice %arg5[%arg0, %add3A_284, %dma_wait3A_291] : memref<2x10000x128xf32, #tpu.memory_space<hbm>> -> memref<1x128x128xf32, #tpu.memory_space<hbm>>
      %dma_wait3A_293 = tpu.memref_squeeze %dma_wait3A_292 : memref<1x128x128xf32, #tpu.memory_space<hbm>> -> memref<128x128xf32, #tpu.memory_space<hbm>>
      %dma_wait3A_294 = tpu.memref_slice %arg10[%dma_wait3A_286] : memref<3x!tpu.dma_semaphore, #tpu.memory_space<semaphore_mem>> -> memref<1x!tpu.dma_semaphore, #tpu.memory_space<semaphore_mem>>
      %dma_wait3A_295 = tpu.memref_squeeze %dma_wait3A_294 : memref<1x!tpu.dma_semaphore, #tpu.memory_space<semaphore_mem>> -> memref<!tpu.dma_semaphore, #tpu.memory_space<semaphore_mem>>
      %dma_wait3A_296 = arith.constant 0 : i32
      %dma_wait3A_297 = tpu.memref_slice %arg5[%arg0, %add3A_284, %dma_wait3A_296] : memref<2x10000x128xf32, #tpu.memory_space<hbm>> -> memref<1x128x128xf32, #tpu.memory_space<hbm>>
      %dma_wait3A_298 = tpu.memref_squeeze %dma_wait3A_297 : memref<1x128x128xf32, #tpu.memory_space<hbm>> -> memref<128x128xf32, #tpu.memory_space<hbm>>
      %dma_wait3A_299 = arith.constant 0 : i32
      %dma_wait3A_300 = arith.constant 0 : i32
      %dma_wait3A_301 = tpu.memref_slice %arg7[%dma_wait3A_285, %dma_wait3A_299, %dma_wait3A_300] : memref<3x128x128xf32, #tpu.memory_space<vmem>> -> memref<1x128x128xf32, #tpu.memory_space<vmem>>
      %dma_wait3A_302 = tpu.memref_squeeze %dma_wait3A_301 : memref<1x128x128xf32, #tpu.memory_space<vmem>> -> memref<128x128xf32, #tpu.memory_space<vmem>>
      tpu.wait_dma2 semaphore(%dma_wait3A_295 : memref<!tpu.dma_semaphore, #tpu.memory_space<semaphore_mem>>) src(%dma_wait3A_302 : memref<128x128xf32, #tpu.memory_space<vmem>>) dst(%dma_wait3A_298 : memref<128x128xf32, #tpu.memory_space<hbm>>)
      %add3A_303 = arith.constant 512 : i32
      %add3A_304 = arith.addi %mul3A_45, %add3A_303 : i32
      %run_scoped3A_305 = arith.constant 0 : i32
      "tpu.region"() ({
        %run_scoped3A_366 = tpu.sem_alloc : memref<!tpu.dma_semaphore, #tpu.memory_space<semaphore_mem>>
        %dma_start3A_367 = arith.constant 0 : i32
        %dma_start3A_368 = arith.constant 0 : i32
        %dma_start3A_369 = tpu.memref_slice %arg7[%run_scoped3A_305, %dma_start3A_367, %dma_start3A_368] : memref<3x128x128xf32, #tpu.memory_space<vmem>> -> memref<1x128x128xf32, #tpu.memory_space<vmem>>
        %dma_start3A_370 = tpu.memref_squeeze %dma_start3A_369 : memref<1x128x128xf32, #tpu.memory_space<vmem>> -> memref<128x128xf32, #tpu.memory_space<vmem>>
        %dma_start3A_371 = arith.constant 0 : i32
        %dma_start3A_372 = tpu.memref_slice %arg11[%add3A_304, %dma_start3A_371] : memref<10000x128xf32, #tpu.memory_space<vmem_shared>> -> memref<128x128xf32, #tpu.memory_space<vmem_shared>>
        %dma_start3A_373 = arith.constant 0 : i32
        %dma_start3A_374 = arith.constant 0 : i32
        %dma_start3A_375 = tpu.memref_slice %arg7[%run_scoped3A_305, %dma_start3A_373, %dma_start3A_374] : memref<3x128x128xf32, #tpu.memory_space<vmem>> -> memref<1x128x128xf32, #tpu.memory_space<vmem>>
        %dma_start3A_376 = tpu.memref_squeeze %dma_start3A_375 : memref<1x128x128xf32, #tpu.memory_space<vmem>> -> memref<128x128xf32, #tpu.memory_space<vmem>>
        %dma_start3A_377 = arith.constant 0 : i32
        %dma_start3A_378 = tpu.memref_slice %arg11[%add3A_304, %dma_start3A_377] : memref<10000x128xf32, #tpu.memory_space<vmem_shared>> -> memref<128x128xf32, #tpu.memory_space<vmem_shared>>
        tpu.enqueue_dma source(%dma_start3A_378 : memref<128x128xf32, #tpu.memory_space<vmem_shared>>) target(%dma_start3A_376 : memref<128x128xf32, #tpu.memory_space<vmem>>) target_semaphore(%run_scoped3A_366 : memref<!tpu.dma_semaphore, #tpu.memory_space<semaphore_mem>>)
        %dma_wait3A_379 = arith.constant 0 : i32
        %dma_wait3A_380 = arith.constant 0 : i32
        %dma_wait3A_381 = tpu.memref_slice %arg7[%run_scoped3A_305, %dma_wait3A_379, %dma_wait3A_380] : memref<3x128x128xf32, #tpu.memory_space<vmem>> -> memref<1x128x128xf32, #tpu.memory_space<vmem>>
        %dma_wait3A_382 = tpu.memref_squeeze %dma_wait3A_381 : memref<1x128x128xf32, #tpu.memory_space<vmem>> -> memref<128x128xf32, #tpu.memory_space<vmem>>
        %dma_wait3A_383 = arith.constant 0 : i32
        %dma_wait3A_384 = tpu.memref_slice %arg11[%add3A_304, %dma_wait3A_383] : memref<10000x128xf32, #tpu.memory_space<vmem_shared>> -> memref<128x128xf32, #tpu.memory_space<vmem_shared>>
        %dma_wait3A_385 = arith.constant 0 : i32
        %dma_wait3A_386 = arith.constant 0 : i32
        %dma_wait3A_387 = tpu.memref_slice %arg7[%run_scoped3A_305, %dma_wait3A_385, %dma_wait3A_386] : memref<3x128x128xf32, #tpu.memory_space<vmem>> -> memref<1x128x128xf32, #tpu.memory_space<vmem>>
        %dma_wait3A_388 = tpu.memref_squeeze %dma_wait3A_387 : memref<1x128x128xf32, #tpu.memory_space<vmem>> -> memref<128x128xf32, #tpu.memory_space<vmem>>
        %dma_wait3A_389 = arith.constant 0 : i32
        %dma_wait3A_390 = tpu.memref_slice %arg11[%add3A_304, %dma_wait3A_389] : memref<10000x128xf32, #tpu.memory_space<vmem_shared>> -> memref<128x128xf32, #tpu.memory_space<vmem_shared>>
        tpu.wait_dma2 semaphore(%run_scoped3A_366 : memref<!tpu.dma_semaphore, #tpu.memory_space<semaphore_mem>>) src(%dma_wait3A_390 : memref<128x128xf32, #tpu.memory_space<vmem_shared>>) dst(%dma_wait3A_388 : memref<128x128xf32, #tpu.memory_space<vmem>>)
        tpu.yield
      }) : () -> ()
      %add3A_306 = arith.constant 512 : i32
      %add3A_307 = arith.addi %mul3A_45, %add3A_306 : i32
      %dma_start3A_308 = arith.constant 0 : i32
      %dma_start3A_309 = arith.constant 0 : i32
      %dma_start3A_310 = arith.constant 0 : i32
      %dma_start3A_311 = arith.constant 0 : i32
      %dma_start3A_312 = tpu.memref_slice %arg7[%dma_start3A_308, %dma_start3A_310, %dma_start3A_311] : memref<3x128x128xf32, #tpu.memory_space<vmem>> -> memref<1x128x128xf32, #tpu.memory_space<vmem>>
      %dma_start3A_313 = tpu.memref_squeeze %dma_start3A_312 : memref<1x128x128xf32, #tpu.memory_space<vmem>> -> memref<128x128xf32, #tpu.memory_space<vmem>>
      %dma_start3A_314 = arith.constant 0 : i32
      %dma_start3A_315 = tpu.memref_slice %arg5[%arg0, %add3A_307, %dma_start3A_314] : memref<2x10000x128xf32, #tpu.memory_space<hbm>> -> memref<1x128x128xf32, #tpu.memory_space<hbm>>
      %dma_start3A_316 = tpu.memref_squeeze %dma_start3A_315 : memref<1x128x128xf32, #tpu.memory_space<hbm>> -> memref<128x128xf32, #tpu.memory_space<hbm>>
      %dma_start3A_317 = tpu.memref_slice %arg10[%dma_start3A_309] : memref<3x!tpu.dma_semaphore, #tpu.memory_space<semaphore_mem>> -> memref<1x!tpu.dma_semaphore, #tpu.memory_space<semaphore_mem>>
      %dma_start3A_318 = tpu.memref_squeeze %dma_start3A_317 : memref<1x!tpu.dma_semaphore, #tpu.memory_space<semaphore_mem>> -> memref<!tpu.dma_semaphore, #tpu.memory_space<semaphore_mem>>
      %dma_start3A_319 = arith.constant 0 : i32
      %dma_start3A_320 = tpu.memref_slice %arg5[%arg0, %add3A_307, %dma_start3A_319] : memref<2x10000x128xf32, #tpu.memory_space<hbm>> -> memref<1x128x128xf32, #tpu.memory_space<hbm>>
      %dma_start3A_321 = tpu.memref_squeeze %dma_start3A_320 : memref<1x128x128xf32, #tpu.memory_space<hbm>> -> memref<128x128xf32, #tpu.memory_space<hbm>>
      %dma_start3A_322 = arith.constant 0 : i32
      %dma_start3A_323 = arith.constant 0 : i32
      %dma_start3A_324 = tpu.memref_slice %arg7[%dma_start3A_308, %dma_start3A_322, %dma_start3A_323] : memref<3x128x128xf32, #tpu.memory_space<vmem>> -> memref<1x128x128xf32, #tpu.memory_space<vmem>>
      %dma_start3A_325 = tpu.memref_squeeze %dma_start3A_324 : memref<1x128x128xf32, #tpu.memory_space<vmem>> -> memref<128x128xf32, #tpu.memory_space<vmem>>
      tpu.enqueue_dma source(%dma_start3A_325 : memref<128x128xf32, #tpu.memory_space<vmem>>) target(%dma_start3A_321 : memref<128x128xf32, #tpu.memory_space<hbm>>) target_semaphore(%dma_start3A_318 : memref<!tpu.dma_semaphore, #tpu.memory_space<semaphore_mem>>)
      %add3A_326 = arith.constant 384 : i32
      %add3A_327 = arith.addi %mul3A_45, %add3A_326 : i32
      %dma_wait3A_328 = arith.constant 1 : i32
      %dma_wait3A_329 = arith.constant 1 : i32
      %dma_wait3A_330 = arith.constant 0 : i32
      %dma_wait3A_331 = arith.constant 0 : i32
      %dma_wait3A_332 = tpu.memref_slice %arg7[%dma_wait3A_328, %dma_wait3A_330, %dma_wait3A_331] : memref<3x128x128xf32, #tpu.memory_space<vmem>> -> memref<1x128x128xf32, #tpu.memory_space<vmem>>
      %dma_wait3A_333 = tpu.memref_squeeze %dma_wait3A_332 : memref<1x128x128xf32, #tpu.memory_space<vmem>> -> memref<128x128xf32, #tpu.memory_space<vmem>>
      %dma_wait3A_334 = arith.constant 0 : i32
      %dma_wait3A_335 = tpu.memref_slice %arg5[%arg0, %add3A_327, %dma_wait3A_334] : memref<2x10000x128xf32, #tpu.memory_space<hbm>> -> memref<1x128x128xf32, #tpu.memory_space<hbm>>
      %dma_wait3A_336 = tpu.memref_squeeze %dma_wait3A_335 : memref<1x128x128xf32, #tpu.memory_space<hbm>> -> memref<128x128xf32, #tpu.memory_space<hbm>>
      %dma_wait3A_337 = tpu.memref_slice %arg10[%dma_wait3A_329] : memref<3x!tpu.dma_semaphore, #tpu.memory_space<semaphore_mem>> -> memref<1x!tpu.dma_semaphore, #tpu.memory_space<semaphore_mem>>
      %dma_wait3A_338 = tpu.memref_squeeze %dma_wait3A_337 : memref<1x!tpu.dma_semaphore, #tpu.memory_space<semaphore_mem>> -> memref<!tpu.dma_semaphore, #tpu.memory_space<semaphore_mem>>
      %dma_wait3A_339 = arith.constant 0 : i32
      %dma_wait3A_340 = tpu.memref_slice %arg5[%arg0, %add3A_327, %dma_wait3A_339] : memref<2x10000x128xf32, #tpu.memory_space<hbm>> -> memref<1x128x128xf32, #tpu.memory_space<hbm>>
      %dma_wait3A_341 = tpu.memref_squeeze %dma_wait3A_340 : memref<1x128x128xf32, #tpu.memory_space<hbm>> -> memref<128x128xf32, #tpu.memory_space<hbm>>
      %dma_wait3A_342 = arith.constant 0 : i32
      %dma_wait3A_343 = arith.constant 0 : i32
      %dma_wait3A_344 = tpu.memref_slice %arg7[%dma_wait3A_328, %dma_wait3A_342, %dma_wait3A_343] : memref<3x128x128xf32, #tpu.memory_space<vmem>> -> memref<1x128x128xf32, #tpu.memory_space<vmem>>
      %dma_wait3A_345 = tpu.memref_squeeze %dma_wait3A_344 : memref<1x128x128xf32, #tpu.memory_space<vmem>> -> memref<128x128xf32, #tpu.memory_space<vmem>>
      tpu.wait_dma2 semaphore(%dma_wait3A_338 : memref<!tpu.dma_semaphore, #tpu.memory_space<semaphore_mem>>) src(%dma_wait3A_345 : memref<128x128xf32, #tpu.memory_space<vmem>>) dst(%dma_wait3A_341 : memref<128x128xf32, #tpu.memory_space<hbm>>)
      %add3A_346 = arith.constant 512 : i32
      %add3A_347 = arith.addi %mul3A_45, %add3A_346 : i32
      %dma_wait3A_348 = arith.constant 0 : i32
      %dma_wait3A_349 = arith.constant 0 : i32
      %dma_wait3A_350 = arith.constant 0 : i32
      %dma_wait3A_351 = arith.constant 0 : i32
      %dma_wait3A_352 = tpu.memref_slice %arg7[%dma_wait3A_348, %dma_wait3A_350, %dma_wait3A_351] : memref<3x128x128xf32, #tpu.memory_space<vmem>> -> memref<1x128x128xf32, #tpu.memory_space<vmem>>
      %dma_wait3A_353 = tpu.memref_squeeze %dma_wait3A_352 : memref<1x128x128xf32, #tpu.memory_space<vmem>> -> memref<128x128xf32, #tpu.memory_space<vmem>>
      %dma_wait3A_354 = arith.constant 0 : i32
      %dma_wait3A_355 = tpu.memref_slice %arg5[%arg0, %add3A_347, %dma_wait3A_354] : memref<2x10000x128xf32, #tpu.memory_space<hbm>> -> memref<1x128x128xf32, #tpu.memory_space<hbm>>
      %dma_wait3A_356 = tpu.memref_squeeze %dma_wait3A_355 : memref<1x128x128xf32, #tpu.memory_space<hbm>> -> memref<128x128xf32, #tpu.memory_space<hbm>>
      %dma_wait3A_357 = tpu.memref_slice %arg10[%dma_wait3A_349] : memref<3x!tpu.dma_semaphore, #tpu.memory_space<semaphore_mem>> -> memref<1x!tpu.dma_semaphore, #tpu.memory_space<semaphore_mem>>
      %dma_wait3A_358 = tpu.memref_squeeze %dma_wait3A_357 : memref<1x!tpu.dma_semaphore, #tpu.memory_space<semaphore_mem>> -> memref<!tpu.dma_semaphore, #tpu.memory_space<semaphore_mem>>
      %dma_wait3A_359 = arith.constant 0 : i32
      %dma_wait3A_360 = tpu.memref_slice %arg5[%arg0, %add3A_347, %dma_wait3A_359] : memref<2x10000x128xf32, #tpu.memory_space<hbm>> -> memref<1x128x128xf32, #tpu.memory_space<hbm>>
      %dma_wait3A_361 = tpu.memref_squeeze %dma_wait3A_360 : memref<1x128x128xf32, #tpu.memory_space<hbm>> -> memref<128x128xf32, #tpu.memory_space<hbm>>
      %dma_wait3A_362 = arith.constant 0 : i32
      %dma_wait3A_363 = arith.constant 0 : i32
      %dma_wait3A_364 = tpu.memref_slice %arg7[%dma_wait3A_348, %dma_wait3A_362, %dma_wait3A_363] : memref<3x128x128xf32, #tpu.memory_space<vmem>> -> memref<1x128x128xf32, #tpu.memory_space<vmem>>
      %dma_wait3A_365 = tpu.memref_squeeze %dma_wait3A_364 : memref<1x128x128xf32, #tpu.memory_space<vmem>> -> memref<128x128xf32, #tpu.memory_space<vmem>>
      tpu.wait_dma2 semaphore(%dma_wait3A_358 : memref<!tpu.dma_semaphore, #tpu.memory_space<semaphore_mem>>) src(%dma_wait3A_365 : memref<128x128xf32, #tpu.memory_space<vmem>>) dst(%dma_wait3A_361 : memref<128x128xf32, #tpu.memory_space<hbm>>)
    } else {
    }
    return
  }
}

#map = affine_map<(d0, d1) -> (0, 0)>
#map1 = affine_map<(d0, d1) -> (0)>
module attributes {stable_mosaic.version = 14 : i64} {
  func.func @_deg_body(%arg0: i32, %arg1: i32, %arg2: memref<2x320000xi32, #tpu.memory_space<hbm>>, %arg3: memref<20000xf32, #tpu.memory_space<hbm>>, %arg4: memref<4x2x128xi32, #tpu.memory_space<vmem>>, %arg5: memref<128xf32, #tpu.memory_space<vmem>>, %arg6: memref<640xf32, #tpu.memory_space<vmem>>, %arg7: memref<4x!tpu.dma_semaphore, #tpu.memory_space<semaphore_mem>>, %arg8: memref<2x!tpu.dma_semaphore, #tpu.memory_space<semaphore_mem>>, %arg9: memref<10000xf32, #tpu.memory_space<vmem_shared>>) attributes {dimension_semantics = [#tpu.dimension_semantics<core_parallel>, #tpu.dimension_semantics<subcore_parallel>], iteration_bounds = array<i64: 2, 16>, scalar_prefetch = 0 : i64, scratch_operands = 6 : i64, tpu.core_type = #tpu.core_type<sc_vector_subcore>, window_params = [{transform_indices = #map}, {transform_indices = #map1}]} {
    %mul3A = arith.constant 16 : i32
    %mul3A_0 = arith.muli %arg0, %mul3A : i32
    %add3A = arith.addi %mul3A_0, %arg1 : i32
    %lt3A = arith.constant 4 : i32
    %lt3A_1 = arith.cmpi slt, %add3A, %lt3A : i32
    %jit3A = arith.constant 1 : i32
    %jit3A_2 = arith.constant 0 : i32
    %select_n3A = arith.select %lt3A_1, %jit3A, %jit3A_2 : i32
    %add3A_3 = arith.constant 78 : i32
    %add3A_4 = arith.addi %add3A_3, %select_n3A : i32
    %add3A_5 = arith.constant 0 : i32
    %add3A_6 = arith.addi %add3A, %add3A_5 : i32
    %mul3A_7 = arith.constant 128 : i32
    %mul3A_8 = arith.muli %add3A_6, %mul3A_7 : i32
    %dma_start3A = arith.constant 0 : i32
    %dma_start3A_9 = arith.constant 0 : i32
    %dma_start3A_10 = arith.constant 0 : i32
    %dma_start3A_11 = arith.constant 0 : i32
    %dma_start3A_12 = tpu.memref_slice %arg4[%dma_start3A, %dma_start3A_10, %dma_start3A_11] : memref<4x2x128xi32, #tpu.memory_space<vmem>> -> memref<1x2x128xi32, #tpu.memory_space<vmem>>
    %dma_start3A_13 = tpu.memref_squeeze %dma_start3A_12 : memref<1x2x128xi32, #tpu.memory_space<vmem>> -> memref<2x128xi32, #tpu.memory_space<vmem>>
    %dma_start3A_14 = arith.constant 0 : i32
    %dma_start3A_15 = tpu.memref_slice %arg2[%dma_start3A_14, %mul3A_8] : memref<2x320000xi32, #tpu.memory_space<hbm>> -> memref<2x128xi32, #tpu.memory_space<hbm>>
    %dma_start3A_16 = tpu.memref_slice %arg7[%dma_start3A_9] : memref<4x!tpu.dma_semaphore, #tpu.memory_space<semaphore_mem>> -> memref<1x!tpu.dma_semaphore, #tpu.memory_space<semaphore_mem>>
    %dma_start3A_17 = tpu.memref_squeeze %dma_start3A_16 : memref<1x!tpu.dma_semaphore, #tpu.memory_space<semaphore_mem>> -> memref<!tpu.dma_semaphore, #tpu.memory_space<semaphore_mem>>
    %dma_start3A_18 = arith.constant 0 : i32
    %dma_start3A_19 = arith.constant 0 : i32
    %dma_start3A_20 = tpu.memref_slice %arg4[%dma_start3A, %dma_start3A_18, %dma_start3A_19] : memref<4x2x128xi32, #tpu.memory_space<vmem>> -> memref<1x2x128xi32, #tpu.memory_space<vmem>>
    %dma_start3A_21 = tpu.memref_squeeze %dma_start3A_20 : memref<1x2x128xi32, #tpu.memory_space<vmem>> -> memref<2x128xi32, #tpu.memory_space<vmem>>
    %dma_start3A_22 = arith.constant 0 : i32
    %dma_start3A_23 = tpu.memref_slice %arg2[%dma_start3A_22, %mul3A_8] : memref<2x320000xi32, #tpu.memory_space<hbm>> -> memref<2x128xi32, #tpu.memory_space<hbm>>
    tpu.enqueue_dma source(%dma_start3A_23 : memref<2x128xi32, #tpu.memory_space<hbm>>) target(%dma_start3A_21 : memref<2x128xi32, #tpu.memory_space<vmem>>) target_semaphore(%dma_start3A_17 : memref<!tpu.dma_semaphore, #tpu.memory_space<semaphore_mem>>)
    %add3A_24 = arith.constant 32 : i32
    %add3A_25 = arith.addi %add3A, %add3A_24 : i32
    %mul3A_26 = arith.constant 128 : i32
    %mul3A_27 = arith.muli %add3A_25, %mul3A_26 : i32
    %dma_start3A_28 = arith.constant 1 : i32
    %dma_start3A_29 = arith.constant 1 : i32
    %dma_start3A_30 = arith.constant 0 : i32
    %dma_start3A_31 = arith.constant 0 : i32
    %dma_start3A_32 = tpu.memref_slice %arg4[%dma_start3A_28, %dma_start3A_30, %dma_start3A_31] : memref<4x2x128xi32, #tpu.memory_space<vmem>> -> memref<1x2x128xi32, #tpu.memory_space<vmem>>
    %dma_start3A_33 = tpu.memref_squeeze %dma_start3A_32 : memref<1x2x128xi32, #tpu.memory_space<vmem>> -> memref<2x128xi32, #tpu.memory_space<vmem>>
    %dma_start3A_34 = arith.constant 0 : i32
    %dma_start3A_35 = tpu.memref_slice %arg2[%dma_start3A_34, %mul3A_27] : memref<2x320000xi32, #tpu.memory_space<hbm>> -> memref<2x128xi32, #tpu.memory_space<hbm>>
    %dma_start3A_36 = tpu.memref_slice %arg7[%dma_start3A_29] : memref<4x!tpu.dma_semaphore, #tpu.memory_space<semaphore_mem>> -> memref<1x!tpu.dma_semaphore, #tpu.memory_space<semaphore_mem>>
    %dma_start3A_37 = tpu.memref_squeeze %dma_start3A_36 : memref<1x!tpu.dma_semaphore, #tpu.memory_space<semaphore_mem>> -> memref<!tpu.dma_semaphore, #tpu.memory_space<semaphore_mem>>
    %dma_start3A_38 = arith.constant 0 : i32
    %dma_start3A_39 = arith.constant 0 : i32
    %dma_start3A_40 = tpu.memref_slice %arg4[%dma_start3A_28, %dma_start3A_38, %dma_start3A_39] : memref<4x2x128xi32, #tpu.memory_space<vmem>> -> memref<1x2x128xi32, #tpu.memory_space<vmem>>
    %dma_start3A_41 = tpu.memref_squeeze %dma_start3A_40 : memref<1x2x128xi32, #tpu.memory_space<vmem>> -> memref<2x128xi32, #tpu.memory_space<vmem>>
    %dma_start3A_42 = arith.constant 0 : i32
    %dma_start3A_43 = tpu.memref_slice %arg2[%dma_start3A_42, %mul3A_27] : memref<2x320000xi32, #tpu.memory_space<hbm>> -> memref<2x128xi32, #tpu.memory_space<hbm>>
    tpu.enqueue_dma source(%dma_start3A_43 : memref<2x128xi32, #tpu.memory_space<hbm>>) target(%dma_start3A_41 : memref<2x128xi32, #tpu.memory_space<vmem>>) target_semaphore(%dma_start3A_37 : memref<!tpu.dma_semaphore, #tpu.memory_space<semaphore_mem>>)
    %broadcast_in_dim3A = arith.constant 1.000000e+00 : f32
    %broadcast_in_dim3A_44 = vector.broadcast %broadcast_in_dim3A : f32 to vector<16xf32>
    %swap3A = arith.constant 0 : index
    %swap3A_45 = tpu.vector_load %arg5[%swap3A] {strides = array<i32>} : memref<128xf32, #tpu.memory_space<vmem>>, vector<16xf32>,
    %swap3A_46 = vector.shape_cast %swap3A_45 : vector<16xf32> to vector<16xf32>
    %swap3A_47 = vector.shape_cast %broadcast_in_dim3A_44 : vector<16xf32> to vector<16xf32>
    tpu.vector_store %arg5[%swap3A], %swap3A_47 {strides = array<i32>} : memref<128xf32, #tpu.memory_space<vmem>>, vector<16xf32>,
    %broadcast_in_dim3A_48 = arith.constant 1.000000e+00 : f32
    %broadcast_in_dim3A_49 = vector.broadcast %broadcast_in_dim3A_48 : f32 to vector<16xf32>
    %swap3A_50 = arith.constant 16 : index
    %swap3A_51 = tpu.vector_load %arg5[%swap3A_50] {strides = array<i32>} : memref<128xf32, #tpu.memory_space<vmem>>, vector<16xf32>,
    %swap3A_52 = vector.shape_cast %swap3A_51 : vector<16xf32> to vector<16xf32>
    %swap3A_53 = vector.shape_cast %broadcast_in_dim3A_49 : vector<16xf32> to vector<16xf32>
    tpu.vector_store %arg5[%swap3A_50], %swap3A_53 {strides = array<i32>} : memref<128xf32, #tpu.memory_space<vmem>>, vector<16xf32>,
    %broadcast_in_dim3A_54 = arith.constant 1.000000e+00 : f32
    %broadcast_in_dim3A_55 = vector.broadcast %broadcast_in_dim3A_54 : f32 to vector<16xf32>
    %swap3A_56 = arith.constant 32 : index
    %swap3A_57 = tpu.vector_load %arg5[%swap3A_56] {strides = array<i32>} : memref<128xf32, #tpu.memory_space<vmem>>, vector<16xf32>,
    %swap3A_58 = vector.shape_cast %swap3A_57 : vector<16xf32> to vector<16xf32>
    %swap3A_59 = vector.shape_cast %broadcast_in_dim3A_55 : vector<16xf32> to vector<16xf32>
    tpu.vector_store %arg5[%swap3A_56], %swap3A_59 {strides = array<i32>} : memref<128xf32, #tpu.memory_space<vmem>>, vector<16xf32>,
    %broadcast_in_dim3A_60 = arith.constant 1.000000e+00 : f32
    %broadcast_in_dim3A_61 = vector.broadcast %broadcast_in_dim3A_60 : f32 to vector<16xf32>
    %swap3A_62 = arith.constant 48 : index
    %swap3A_63 = tpu.vector_load %arg5[%swap3A_62] {strides = array<i32>} : memref<128xf32, #tpu.memory_space<vmem>>, vector<16xf32>,
    %swap3A_64 = vector.shape_cast %swap3A_63 : vector<16xf32> to vector<16xf32>
    %swap3A_65 = vector.shape_cast %broadcast_in_dim3A_61 : vector<16xf32> to vector<16xf32>
    tpu.vector_store %arg5[%swap3A_62], %swap3A_65 {strides = array<i32>} : memref<128xf32, #tpu.memory_space<vmem>>, vector<16xf32>,
    %broadcast_in_dim3A_66 = arith.constant 1.000000e+00 : f32
    %broadcast_in_dim3A_67 = vector.broadcast %broadcast_in_dim3A_66 : f32 to vector<16xf32>
    %swap3A_68 = arith.constant 64 : index
    %swap3A_69 = tpu.vector_load %arg5[%swap3A_68] {strides = array<i32>} : memref<128xf32, #tpu.memory_space<vmem>>, vector<16xf32>,
    %swap3A_70 = vector.shape_cast %swap3A_69 : vector<16xf32> to vector<16xf32>
    %swap3A_71 = vector.shape_cast %broadcast_in_dim3A_67 : vector<16xf32> to vector<16xf32>
    tpu.vector_store %arg5[%swap3A_68], %swap3A_71 {strides = array<i32>} : memref<128xf32, #tpu.memory_space<vmem>>, vector<16xf32>,
    %broadcast_in_dim3A_72 = arith.constant 1.000000e+00 : f32
    %broadcast_in_dim3A_73 = vector.broadcast %broadcast_in_dim3A_72 : f32 to vector<16xf32>
    %swap3A_74 = arith.constant 80 : index
    %swap3A_75 = tpu.vector_load %arg5[%swap3A_74] {strides = array<i32>} : memref<128xf32, #tpu.memory_space<vmem>>, vector<16xf32>,
    %swap3A_76 = vector.shape_cast %swap3A_75 : vector<16xf32> to vector<16xf32>
    %swap3A_77 = vector.shape_cast %broadcast_in_dim3A_73 : vector<16xf32> to vector<16xf32>
    tpu.vector_store %arg5[%swap3A_74], %swap3A_77 {strides = array<i32>} : memref<128xf32, #tpu.memory_space<vmem>>, vector<16xf32>,
    %broadcast_in_dim3A_78 = arith.constant 1.000000e+00 : f32
    %broadcast_in_dim3A_79 = vector.broadcast %broadcast_in_dim3A_78 : f32 to vector<16xf32>
    %swap3A_80 = arith.constant 96 : index
    %swap3A_81 = tpu.vector_load %arg5[%swap3A_80] {strides = array<i32>} : memref<128xf32, #tpu.memory_space<vmem>>, vector<16xf32>,
    %swap3A_82 = vector.shape_cast %swap3A_81 : vector<16xf32> to vector<16xf32>
    %swap3A_83 = vector.shape_cast %broadcast_in_dim3A_79 : vector<16xf32> to vector<16xf32>
    tpu.vector_store %arg5[%swap3A_80], %swap3A_83 {strides = array<i32>} : memref<128xf32, #tpu.memory_space<vmem>>, vector<16xf32>,
    %broadcast_in_dim3A_84 = arith.constant 1.000000e+00 : f32
    %broadcast_in_dim3A_85 = vector.broadcast %broadcast_in_dim3A_84 : f32 to vector<16xf32>
    %swap3A_86 = arith.constant 112 : index
    %swap3A_87 = tpu.vector_load %arg5[%swap3A_86] {strides = array<i32>} : memref<128xf32, #tpu.memory_space<vmem>>, vector<16xf32>,
    %swap3A_88 = vector.shape_cast %swap3A_87 : vector<16xf32> to vector<16xf32>
    %swap3A_89 = vector.shape_cast %broadcast_in_dim3A_85 : vector<16xf32> to vector<16xf32>
    tpu.vector_store %arg5[%swap3A_86], %swap3A_89 {strides = array<i32>} : memref<128xf32, #tpu.memory_space<vmem>>, vector<16xf32>,
    %scan3A = arith.constant 0 : i32
    %scan3A_90 = arith.constant 40 : i32
    %scan3A_91 = arith.addi %scan3A, %scan3A_90 : i32
    %scan3A_92 = arith.constant 1 : i32
    scf.for %scan3A_147 = %scan3A to %scan3A_91 step %scan3A_92  : i32 {
      %mul3A_148 = arith.constant 1 : i32
      %mul3A_149 = arith.muli %scan3A_147, %mul3A_148 : i32
      %add3A_150 = arith.constant 0 : i32
      %add3A_151 = arith.addi %add3A_150, %mul3A_149 : i32
      %broadcast_in_dim3A_152 = arith.constant 0.000000e+00 : f32
      %broadcast_in_dim3A_153 = vector.broadcast %broadcast_in_dim3A_152 : f32 to vector<16xf32>
      %mul3A_154 = arith.constant 16 : i32
      %mul3A_155 = arith.muli %add3A_151, %mul3A_154 : i32
      %swap3A_156 = arith.index_cast %mul3A_155 : i32 to index
      %swap3A_157 = tpu.vector_load %arg6[%swap3A_156] {strides = array<i32>} : memref<640xf32, #tpu.memory_space<vmem>>, vector<16xf32>,
      %swap3A_158 = vector.shape_cast %swap3A_157 : vector<16xf32> to vector<16xf32>
      %swap3A_159 = vector.shape_cast %broadcast_in_dim3A_153 : vector<16xf32> to vector<16xf32>
      tpu.vector_store %arg6[%swap3A_156], %swap3A_159 {strides = array<i32>} : memref<640xf32, #tpu.memory_space<vmem>>, vector<16xf32>,
    }
    %scan3A_93 = arith.constant 40 : i32
    %lt3A_94 = arith.constant 15 : i32
    %lt3A_95 = arith.cmpi slt, %arg1, %lt3A_94 : i32
    %convert_element_type3A = arith.extui %lt3A_95 : i1 to i32
    %cond3A = arith.constant 0 : i32
    %cond3A_96 = arith.cmpi ne, %convert_element_type3A, %cond3A : i32
    scf.if %cond3A_96 {
      %mul3A_147 = arith.constant 624 : i32
      %mul3A_148 = arith.muli %arg1, %mul3A_147 : i32
      "tpu.region"() ({
        %run_scoped3A = tpu.sem_alloc : memref<!tpu.dma_semaphore, #tpu.memory_space<semaphore_mem>>
        %dma_start3A_149 = arith.constant 0 : i32
        %dma_start3A_150 = tpu.memref_slice %arg6[%dma_start3A_149] : memref<640xf32, #tpu.memory_space<vmem>> -> memref<624xf32, #tpu.memory_space<vmem>>
        %dma_start3A_151 = tpu.memref_slice %arg9[%mul3A_148] : memref<10000xf32, #tpu.memory_space<vmem_shared>> -> memref<624xf32, #tpu.memory_space<vmem_shared>>
        %dma_start3A_152 = tpu.memref_slice %arg9[%mul3A_148] : memref<10000xf32, #tpu.memory_space<vmem_shared>> -> memref<624xf32, #tpu.memory_space<vmem_shared>>
        %dma_start3A_153 = arith.constant 0 : i32
        %dma_start3A_154 = tpu.memref_slice %arg6[%dma_start3A_153] : memref<640xf32, #tpu.memory_space<vmem>> -> memref<624xf32, #tpu.memory_space<vmem>>
        tpu.enqueue_dma source(%dma_start3A_154 : memref<624xf32, #tpu.memory_space<vmem>>) target(%dma_start3A_152 : memref<624xf32, #tpu.memory_space<vmem_shared>>) target_semaphore(%run_scoped3A : memref<!tpu.dma_semaphore, #tpu.memory_space<semaphore_mem>>)
        %dma_wait3A_155 = arith.constant 0 : i32
        %dma_wait3A_156 = tpu.memref_slice %arg6[%dma_wait3A_155] : memref<640xf32, #tpu.memory_space<vmem>> -> memref<624xf32, #tpu.memory_space<vmem>>
        %dma_wait3A_157 = tpu.memref_slice %arg9[%mul3A_148] : memref<10000xf32, #tpu.memory_space<vmem_shared>> -> memref<624xf32, #tpu.memory_space<vmem_shared>>
        %dma_wait3A_158 = tpu.memref_slice %arg9[%mul3A_148] : memref<10000xf32, #tpu.memory_space<vmem_shared>> -> memref<624xf32, #tpu.memory_space<vmem_shared>>
        %dma_wait3A_159 = arith.constant 0 : i32
        %dma_wait3A_160 = tpu.memref_slice %arg6[%dma_wait3A_159] : memref<640xf32, #tpu.memory_space<vmem>> -> memref<624xf32, #tpu.memory_space<vmem>>
        tpu.wait_dma2 semaphore(%run_scoped3A : memref<!tpu.dma_semaphore, #tpu.memory_space<semaphore_mem>>) src(%dma_wait3A_160 : memref<624xf32, #tpu.memory_space<vmem>>) dst(%dma_wait3A_158 : memref<624xf32, #tpu.memory_space<vmem_shared>>)
        tpu.yield
      }) : () -> ()
    } else {
    }
    %eq3A = arith.constant 15 : i32
    %eq3A_97 = arith.cmpi eq, %arg1, %eq3A : i32
    %convert_element_type3A_98 = arith.extui %eq3A_97 : i1 to i32
    %cond3A_99 = arith.constant 0 : i32
    %cond3A_100 = arith.cmpi ne, %convert_element_type3A_98, %cond3A_99 : i32
    scf.if %cond3A_100 {
      "tpu.region"() ({
        %run_scoped3A = tpu.sem_alloc : memref<!tpu.dma_semaphore, #tpu.memory_space<semaphore_mem>>
        %dma_start3A_147 = arith.constant 9360 : i32
        %dma_start3A_148 = tpu.memref_slice %arg9[%dma_start3A_147] : memref<10000xf32, #tpu.memory_space<vmem_shared>> -> memref<640xf32, #tpu.memory_space<vmem_shared>>
        %dma_start3A_149 = arith.constant 9360 : i32
        %dma_start3A_150 = tpu.memref_slice %arg9[%dma_start3A_149] : memref<10000xf32, #tpu.memory_space<vmem_shared>> -> memref<640xf32, #tpu.memory_space<vmem_shared>>
        tpu.enqueue_dma source(%arg6 : memref<640xf32, #tpu.memory_space<vmem>>) target(%dma_start3A_150 : memref<640xf32, #tpu.memory_space<vmem_shared>>) target_semaphore(%run_scoped3A : memref<!tpu.dma_semaphore, #tpu.memory_space<semaphore_mem>>)
        %dma_wait3A_151 = arith.constant 9360 : i32
        %dma_wait3A_152 = tpu.memref_slice %arg9[%dma_wait3A_151] : memref<10000xf32, #tpu.memory_space<vmem_shared>> -> memref<640xf32, #tpu.memory_space<vmem_shared>>
        %dma_wait3A_153 = arith.constant 9360 : i32
        %dma_wait3A_154 = tpu.memref_slice %arg9[%dma_wait3A_153] : memref<10000xf32, #tpu.memory_space<vmem_shared>> -> memref<640xf32, #tpu.memory_space<vmem_shared>>
        tpu.wait_dma2 semaphore(%run_scoped3A : memref<!tpu.dma_semaphore, #tpu.memory_space<semaphore_mem>>) src(%arg6 : memref<640xf32, #tpu.memory_space<vmem>>) dst(%dma_wait3A_154 : memref<640xf32, #tpu.memory_space<vmem_shared>>)
        tpu.yield
      }) : () -> ()
    } else {
    }
    %barrier3A = arith.constant 0 : index
    tpu.barrier barrier_id(%barrier3A)
    %scan3A_101 = arith.constant 0 : i32
    %scan3A_102 = arith.constant 78 : i32
    %scan3A_103 = arith.addi %scan3A_101, %scan3A_102 : i32
    %scan3A_104 = arith.constant 1 : i32
    scf.for %scan3A_147 = %scan3A_101 to %scan3A_103 step %scan3A_104  : i32 {
      %mul3A_148 = arith.constant 1 : i32
      %mul3A_149 = arith.muli %scan3A_147, %mul3A_148 : i32
      %add3A_150 = arith.constant 0 : i32
      %add3A_151 = arith.addi %add3A_150, %mul3A_149 : i32
      %ge3A = arith.constant 2 : i32
      %ge3A_152 = arith.cmpi sge, %add3A_151, %ge3A : i32
      %convert_element_type3A_153 = arith.extui %ge3A_152 : i1 to i32
      %cond3A_154 = arith.constant 0 : i32
      %cond3A_155 = arith.cmpi ne, %convert_element_type3A_153, %cond3A_154 : i32
      scf.if %cond3A_155 {
        %sub3A_194 = arith.constant 2 : i32
        %sub3A_195 = arith.subi %add3A_151, %sub3A_194 : i32
        %and3A_196 = arith.constant 3 : i32
        %and3A_197 = arith.andi %sub3A_195, %and3A_196 : i32
        %and3A_198 = arith.constant 1 : i32
        %and3A_199 = arith.andi %sub3A_195, %and3A_198 : i32
        %dma_wait3A_200 = arith.constant 1 : i32
        %dma_wait3A_201 = arith.constant 0 : i32
        %dma_wait3A_202 = tpu.memref_slice %arg4[%and3A_197, %dma_wait3A_200, %dma_wait3A_201] : memref<4x2x128xi32, #tpu.memory_space<vmem>> -> memref<1x1x128xi32, #tpu.memory_space<vmem>>
        %dma_wait3A_203 = tpu.memref_squeeze %dma_wait3A_202 : memref<1x1x128xi32, #tpu.memory_space<vmem>> -> memref<128xi32, #tpu.memory_space<vmem>>
        %dma_wait3A_204 = arith.constant 0 : i32
        %dma_wait3A_205 = tpu.memref_slice %arg9[%dma_wait3A_204] : memref<10000xf32, #tpu.memory_space<vmem_shared>> -> memref<10000xf32, #tpu.memory_space<vmem_shared>>
        %dma_wait3A_206 = tpu.memref_slice %arg8[%and3A_199] : memref<2x!tpu.dma_semaphore, #tpu.memory_space<semaphore_mem>> -> memref<1x!tpu.dma_semaphore, #tpu.memory_space<semaphore_mem>>
        %dma_wait3A_207 = tpu.memref_squeeze %dma_wait3A_206 : memref<1x!tpu.dma_semaphore, #tpu.memory_space<semaphore_mem>> -> memref<!tpu.dma_semaphore, #tpu.memory_space<semaphore_mem>>
        tpu.wait_indirect_dma semaphore(%dma_wait3A_207 : memref<!tpu.dma_semaphore, #tpu.memory_space<semaphore_mem>>) src(%arg5 : memref<128xf32, #tpu.memory_space<vmem>>) dst(%dma_wait3A_205 : memref<10000xf32, #tpu.memory_space<vmem_shared>>)
      } else {
      }
      %add3A_156 = arith.constant 2 : i32
      %add3A_157 = arith.addi %add3A_151, %add3A_156 : i32
      %lt3A_158 = arith.cmpi slt, %add3A_157, %add3A_4 : i32
      %convert_element_type3A_159 = arith.extui %lt3A_158 : i1 to i32
      %cond3A_160 = arith.constant 0 : i32
      %cond3A_161 = arith.cmpi ne, %convert_element_type3A_159, %cond3A_160 : i32
      scf.if %cond3A_161 {
        %add3A_194 = arith.constant 2 : i32
        %add3A_195 = arith.addi %add3A_151, %add3A_194 : i32
        %mul3A_196 = arith.constant 32 : i32
        %mul3A_197 = arith.muli %mul3A_196, %add3A_195 : i32
        %add3A_198 = arith.addi %add3A, %mul3A_197 : i32
        %mul3A_199 = arith.constant 128 : i32
        %mul3A_200 = arith.muli %add3A_198, %mul3A_199 : i32
        %and3A_201 = arith.constant 3 : i32
        %and3A_202 = arith.andi %add3A_195, %and3A_201 : i32
        %and3A_203 = arith.constant 3 : i32
        %and3A_204 = arith.andi %add3A_195, %and3A_203 : i32
        %dma_start3A_205 = arith.constant 0 : i32
        %dma_start3A_206 = arith.constant 0 : i32
        %dma_start3A_207 = tpu.memref_slice %arg4[%and3A_202, %dma_start3A_205, %dma_start3A_206] : memref<4x2x128xi32, #tpu.memory_space<vmem>> -> memref<1x2x128xi32, #tpu.memory_space<vmem>>
        %dma_start3A_208 = tpu.memref_squeeze %dma_start3A_207 : memref<1x2x128xi32, #tpu.memory_space<vmem>> -> memref<2x128xi32, #tpu.memory_space<vmem>>
        %dma_start3A_209 = arith.constant 0 : i32
        %dma_start3A_210 = tpu.memref_slice %arg2[%dma_start3A_209, %mul3A_200] : memref<2x320000xi32, #tpu.memory_space<hbm>> -> memref<2x128xi32, #tpu.memory_space<hbm>>
        %dma_start3A_211 = tpu.memref_slice %arg7[%and3A_204] : memref<4x!tpu.dma_semaphore, #tpu.memory_space<semaphore_mem>> -> memref<1x!tpu.dma_semaphore, #tpu.memory_space<semaphore_mem>>
        %dma_start3A_212 = tpu.memref_squeeze %dma_start3A_211 : memref<1x!tpu.dma_semaphore, #tpu.memory_space<semaphore_mem>> -> memref<!tpu.dma_semaphore, #tpu.memory_space<semaphore_mem>>
        %dma_start3A_213 = arith.constant 0 : i32
        %dma_start3A_214 = arith.constant 0 : i32
        %dma_start3A_215 = tpu.memref_slice %arg4[%and3A_202, %dma_start3A_213, %dma_start3A_214] : memref<4x2x128xi32, #tpu.memory_space<vmem>> -> memref<1x2x128xi32, #tpu.memory_space<vmem>>
        %dma_start3A_216 = tpu.memref_squeeze %dma_start3A_215 : memref<1x2x128xi32, #tpu.memory_space<vmem>> -> memref<2x128xi32, #tpu.memory_space<vmem>>
        %dma_start3A_217 = arith.constant 0 : i32
        %dma_start3A_218 = tpu.memref_slice %arg2[%dma_start3A_217, %mul3A_200] : memref<2x320000xi32, #tpu.memory_space<hbm>> -> memref<2x128xi32, #tpu.memory_space<hbm>>
        tpu.enqueue_dma source(%dma_start3A_218 : memref<2x128xi32, #tpu.memory_space<hbm>>) target(%dma_start3A_216 : memref<2x128xi32, #tpu.memory_space<vmem>>) target_semaphore(%dma_start3A_212 : memref<!tpu.dma_semaphore, #tpu.memory_space<semaphore_mem>>)
      } else {
      }
      %and3A_162 = arith.constant 3 : i32
      %and3A_163 = arith.andi %add3A_151, %and3A_162 : i32
      %and3A_164 = arith.constant 3 : i32
      %and3A_165 = arith.andi %add3A_151, %and3A_164 : i32
      %dma_wait3A_166 = arith.constant 0 : i32
      %dma_wait3A_167 = arith.constant 0 : i32
      %dma_wait3A_168 = tpu.memref_slice %arg4[%and3A_163, %dma_wait3A_166, %dma_wait3A_167] : memref<4x2x128xi32, #tpu.memory_space<vmem>> -> memref<1x2x128xi32, #tpu.memory_space<vmem>>
      %dma_wait3A_169 = tpu.memref_squeeze %dma_wait3A_168 : memref<1x2x128xi32, #tpu.memory_space<vmem>> -> memref<2x128xi32, #tpu.memory_space<vmem>>
      %dma_wait3A_170 = arith.constant 0 : i32
      %dma_wait3A_171 = arith.constant 0 : i32
      %dma_wait3A_172 = tpu.memref_slice %arg2[%dma_wait3A_170, %dma_wait3A_171] : memref<2x320000xi32, #tpu.memory_space<hbm>> -> memref<2x128xi32, #tpu.memory_space<hbm>>
      %dma_wait3A_173 = tpu.memref_slice %arg7[%and3A_165] : memref<4x!tpu.dma_semaphore, #tpu.memory_space<semaphore_mem>> -> memref<1x!tpu.dma_semaphore, #tpu.memory_space<semaphore_mem>>
      %dma_wait3A_174 = tpu.memref_squeeze %dma_wait3A_173 : memref<1x!tpu.dma_semaphore, #tpu.memory_space<semaphore_mem>> -> memref<!tpu.dma_semaphore, #tpu.memory_space<semaphore_mem>>
      %dma_wait3A_175 = arith.constant 0 : i32
      %dma_wait3A_176 = arith.constant 0 : i32
      %dma_wait3A_177 = tpu.memref_slice %arg4[%and3A_163, %dma_wait3A_175, %dma_wait3A_176] : memref<4x2x128xi32, #tpu.memory_space<vmem>> -> memref<1x2x128xi32, #tpu.memory_space<vmem>>
      %dma_wait3A_178 = tpu.memref_squeeze %dma_wait3A_177 : memref<1x2x128xi32, #tpu.memory_space<vmem>> -> memref<2x128xi32, #tpu.memory_space<vmem>>
      %dma_wait3A_179 = arith.constant 0 : i32
      %dma_wait3A_180 = arith.constant 0 : i32
      %dma_wait3A_181 = tpu.memref_slice %arg2[%dma_wait3A_179, %dma_wait3A_180] : memref<2x320000xi32, #tpu.memory_space<hbm>> -> memref<2x128xi32, #tpu.memory_space<hbm>>
      tpu.wait_dma2 semaphore(%dma_wait3A_174 : memref<!tpu.dma_semaphore, #tpu.memory_space<semaphore_mem>>) src(%dma_wait3A_181 : memref<2x128xi32, #tpu.memory_space<hbm>>) dst(%dma_wait3A_178 : memref<2x128xi32, #tpu.memory_space<vmem>>)
      %and3A_182 = arith.constant 3 : i32
      %and3A_183 = arith.andi %add3A_151, %and3A_182 : i32
      %and3A_184 = arith.constant 1 : i32
      %and3A_185 = arith.andi %add3A_151, %and3A_184 : i32
      %dma_start3A_186 = arith.constant 1 : i32
      %dma_start3A_187 = arith.constant 0 : i32
      %dma_start3A_188 = tpu.memref_slice %arg4[%and3A_183, %dma_start3A_186, %dma_start3A_187] : memref<4x2x128xi32, #tpu.memory_space<vmem>> -> memref<1x1x128xi32, #tpu.memory_space<vmem>>
      %dma_start3A_189 = tpu.memref_squeeze %dma_start3A_188 : memref<1x1x128xi32, #tpu.memory_space<vmem>> -> memref<128xi32, #tpu.memory_space<vmem>>
      %dma_start3A_190 = arith.constant 0 : i32
      %dma_start3A_191 = tpu.memref_slice %arg9[%dma_start3A_190] : memref<10000xf32, #tpu.memory_space<vmem_shared>> -> memref<10000xf32, #tpu.memory_space<vmem_shared>>
      %dma_start3A_192 = tpu.memref_slice %arg8[%and3A_185] : memref<2x!tpu.dma_semaphore, #tpu.memory_space<semaphore_mem>> -> memref<1x!tpu.dma_semaphore, #tpu.memory_space<semaphore_mem>>
      %dma_start3A_193 = tpu.memref_squeeze %dma_start3A_192 : memref<1x!tpu.dma_semaphore, #tpu.memory_space<semaphore_mem>> -> memref<!tpu.dma_semaphore, #tpu.memory_space<semaphore_mem>>
      tpu.enqueue_indirect_dma source(%arg5 : memref<128xf32, #tpu.memory_space<vmem>>) target(%dma_start3A_191 : memref<10000xf32, #tpu.memory_space<vmem_shared>>) offsets(%dma_start3A_189 : memref<128xi32, #tpu.memory_space<vmem>>) semaphore(%dma_start3A_193 : memref<!tpu.dma_semaphore, #tpu.memory_space<semaphore_mem>>) {add = true}
    }
    %scan3A_105 = arith.constant 78 : i32
    %lt3A_106 = arith.constant 4 : i32
    %lt3A_107 = arith.cmpi slt, %add3A, %lt3A_106 : i32
    %convert_element_type3A_108 = arith.extui %lt3A_107 : i1 to i32
    %cond3A_109 = arith.constant 0 : i32
    %cond3A_110 = arith.cmpi ne, %convert_element_type3A_108, %cond3A_109 : i32
    scf.if %cond3A_110 {
      %dma_wait3A_147 = arith.constant 0 : i32
      %dma_wait3A_148 = arith.constant 1 : i32
      %dma_wait3A_149 = arith.constant 0 : i32
      %dma_wait3A_150 = arith.constant 0 : i32
      %dma_wait3A_151 = tpu.memref_slice %arg4[%dma_wait3A_147, %dma_wait3A_148, %dma_wait3A_150] : memref<4x2x128xi32, #tpu.memory_space<vmem>> -> memref<1x1x128xi32, #tpu.memory_space<vmem>>
      %dma_wait3A_152 = tpu.memref_squeeze %dma_wait3A_151 : memref<1x1x128xi32, #tpu.memory_space<vmem>> -> memref<128xi32, #tpu.memory_space<vmem>>
      %dma_wait3A_153 = arith.constant 0 : i32
      %dma_wait3A_154 = tpu.memref_slice %arg9[%dma_wait3A_153] : memref<10000xf32, #tpu.memory_space<vmem_shared>> -> memref<10000xf32, #tpu.memory_space<vmem_shared>>
      %dma_wait3A_155 = tpu.memref_slice %arg8[%dma_wait3A_149] : memref<2x!tpu.dma_semaphore, #tpu.memory_space<semaphore_mem>> -> memref<1x!tpu.dma_semaphore, #tpu.memory_space<semaphore_mem>>
      %dma_wait3A_156 = tpu.memref_squeeze %dma_wait3A_155 : memref<1x!tpu.dma_semaphore, #tpu.memory_space<semaphore_mem>> -> memref<!tpu.dma_semaphore, #tpu.memory_space<semaphore_mem>>
      tpu.wait_indirect_dma semaphore(%dma_wait3A_156 : memref<!tpu.dma_semaphore, #tpu.memory_space<semaphore_mem>>) src(%arg5 : memref<128xf32, #tpu.memory_space<vmem>>) dst(%dma_wait3A_154 : memref<10000xf32, #tpu.memory_space<vmem_shared>>)
      %dma_wait3A_157 = arith.constant 2 : i32
      %dma_wait3A_158 = arith.constant 2 : i32
      %dma_wait3A_159 = arith.constant 0 : i32
      %dma_wait3A_160 = arith.constant 0 : i32
      %dma_wait3A_161 = tpu.memref_slice %arg4[%dma_wait3A_157, %dma_wait3A_159, %dma_wait3A_160] : memref<4x2x128xi32, #tpu.memory_space<vmem>> -> memref<1x2x128xi32, #tpu.memory_space<vmem>>
      %dma_wait3A_162 = tpu.memref_squeeze %dma_wait3A_161 : memref<1x2x128xi32, #tpu.memory_space<vmem>> -> memref<2x128xi32, #tpu.memory_space<vmem>>
      %dma_wait3A_163 = arith.constant 0 : i32
      %dma_wait3A_164 = arith.constant 0 : i32
      %dma_wait3A_165 = tpu.memref_slice %arg2[%dma_wait3A_163, %dma_wait3A_164] : memref<2x320000xi32, #tpu.memory_space<hbm>> -> memref<2x128xi32, #tpu.memory_space<hbm>>
      %dma_wait3A_166 = tpu.memref_slice %arg7[%dma_wait3A_158] : memref<4x!tpu.dma_semaphore, #tpu.memory_space<semaphore_mem>> -> memref<1x!tpu.dma_semaphore, #tpu.memory_space<semaphore_mem>>
      %dma_wait3A_167 = tpu.memref_squeeze %dma_wait3A_166 : memref<1x!tpu.dma_semaphore, #tpu.memory_space<semaphore_mem>> -> memref<!tpu.dma_semaphore, #tpu.memory_space<semaphore_mem>>
      %dma_wait3A_168 = arith.constant 0 : i32
      %dma_wait3A_169 = arith.constant 0 : i32
      %dma_wait3A_170 = tpu.memref_slice %arg4[%dma_wait3A_157, %dma_wait3A_168, %dma_wait3A_169] : memref<4x2x128xi32, #tpu.memory_space<vmem>> -> memref<1x2x128xi32, #tpu.memory_space<vmem>>
      %dma_wait3A_171 = tpu.memref_squeeze %dma_wait3A_170 : memref<1x2x128xi32, #tpu.memory_space<vmem>> -> memref<2x128xi32, #tpu.memory_space<vmem>>
      %dma_wait3A_172 = arith.constant 0 : i32
      %dma_wait3A_173 = arith.constant 0 : i32
      %dma_wait3A_174 = tpu.memref_slice %arg2[%dma_wait3A_172, %dma_wait3A_173] : memref<2x320000xi32, #tpu.memory_space<hbm>> -> memref<2x128xi32, #tpu.memory_space<hbm>>
      tpu.wait_dma2 semaphore(%dma_wait3A_167 : memref<!tpu.dma_semaphore, #tpu.memory_space<semaphore_mem>>) src(%dma_wait3A_174 : memref<2x128xi32, #tpu.memory_space<hbm>>) dst(%dma_wait3A_171 : memref<2x128xi32, #tpu.memory_space<vmem>>)
      %dma_start3A_175 = arith.constant 2 : i32
      %dma_start3A_176 = arith.constant 1 : i32
      %dma_start3A_177 = arith.constant 0 : i32
      %dma_start3A_178 = arith.constant 0 : i32
      %dma_start3A_179 = tpu.memref_slice %arg4[%dma_start3A_175, %dma_start3A_176, %dma_start3A_178] : memref<4x2x128xi32, #tpu.memory_space<vmem>> -> memref<1x1x128xi32, #tpu.memory_space<vmem>>
      %dma_start3A_180 = tpu.memref_squeeze %dma_start3A_179 : memref<1x1x128xi32, #tpu.memory_space<vmem>> -> memref<128xi32, #tpu.memory_space<vmem>>
      %dma_start3A_181 = arith.constant 0 : i32
      %dma_start3A_182 = tpu.memref_slice %arg9[%dma_start3A_181] : memref<10000xf32, #tpu.memory_space<vmem_shared>> -> memref<10000xf32, #tpu.memory_space<vmem_shared>>
      %dma_start3A_183 = tpu.memref_slice %arg8[%dma_start3A_177] : memref<2x!tpu.dma_semaphore, #tpu.memory_space<semaphore_mem>> -> memref<1x!tpu.dma_semaphore, #tpu.memory_space<semaphore_mem>>
      %dma_start3A_184 = tpu.memref_squeeze %dma_start3A_183 : memref<1x!tpu.dma_semaphore, #tpu.memory_space<semaphore_mem>> -> memref<!tpu.dma_semaphore, #tpu.memory_space<semaphore_mem>>
      tpu.enqueue_indirect_dma source(%arg5 : memref<128xf32, #tpu.memory_space<vmem>>) target(%dma_start3A_182 : memref<10000xf32, #tpu.memory_space<vmem_shared>>) offsets(%dma_start3A_180 : memref<128xi32, #tpu.memory_space<vmem>>) semaphore(%dma_start3A_184 : memref<!tpu.dma_semaphore, #tpu.memory_space<semaphore_mem>>) {add = true}
    } else {
    }
    %sub3A = arith.constant 2 : i32
    %sub3A_111 = arith.subi %add3A_4, %sub3A : i32
    %and3A = arith.constant 3 : i32
    %and3A_112 = arith.andi %sub3A_111, %and3A : i32
    %and3A_113 = arith.constant 1 : i32
    %and3A_114 = arith.andi %sub3A_111, %and3A_113 : i32
    %dma_wait3A = arith.constant 1 : i32
    %dma_wait3A_115 = arith.constant 0 : i32
    %dma_wait3A_116 = tpu.memref_slice %arg4[%and3A_112, %dma_wait3A, %dma_wait3A_115] : memref<4x2x128xi32, #tpu.memory_space<vmem>> -> memref<1x1x128xi32, #tpu.memory_space<vmem>>
    %dma_wait3A_117 = tpu.memref_squeeze %dma_wait3A_116 : memref<1x1x128xi32, #tpu.memory_space<vmem>> -> memref<128xi32, #tpu.memory_space<vmem>>
    %dma_wait3A_118 = arith.constant 0 : i32
    %dma_wait3A_119 = tpu.memref_slice %arg9[%dma_wait3A_118] : memref<10000xf32, #tpu.memory_space<vmem_shared>> -> memref<10000xf32, #tpu.memory_space<vmem_shared>>
    %dma_wait3A_120 = tpu.memref_slice %arg8[%and3A_114] : memref<2x!tpu.dma_semaphore, #tpu.memory_space<semaphore_mem>> -> memref<1x!tpu.dma_semaphore, #tpu.memory_space<semaphore_mem>>
    %dma_wait3A_121 = tpu.memref_squeeze %dma_wait3A_120 : memref<1x!tpu.dma_semaphore, #tpu.memory_space<semaphore_mem>> -> memref<!tpu.dma_semaphore, #tpu.memory_space<semaphore_mem>>
    tpu.wait_indirect_dma semaphore(%dma_wait3A_121 : memref<!tpu.dma_semaphore, #tpu.memory_space<semaphore_mem>>) src(%arg5 : memref<128xf32, #tpu.memory_space<vmem>>) dst(%dma_wait3A_119 : memref<10000xf32, #tpu.memory_space<vmem_shared>>)
    %sub3A_122 = arith.constant 1 : i32
    %sub3A_123 = arith.subi %add3A_4, %sub3A_122 : i32
    %and3A_124 = arith.constant 3 : i32
    %and3A_125 = arith.andi %sub3A_123, %and3A_124 : i32
    %and3A_126 = arith.constant 1 : i32
    %and3A_127 = arith.andi %sub3A_123, %and3A_126 : i32
    %dma_wait3A_128 = arith.constant 1 : i32
    %dma_wait3A_129 = arith.constant 0 : i32
    %dma_wait3A_130 = tpu.memref_slice %arg4[%and3A_125, %dma_wait3A_128, %dma_wait3A_129] : memref<4x2x128xi32, #tpu.memory_space<vmem>> -> memref<1x1x128xi32, #tpu.memory_space<vmem>>
    %dma_wait3A_131 = tpu.memref_squeeze %dma_wait3A_130 : memref<1x1x128xi32, #tpu.memory_space<vmem>> -> memref<128xi32, #tpu.memory_space<vmem>>
    %dma_wait3A_132 = arith.constant 0 : i32
    %dma_wait3A_133 = tpu.memref_slice %arg9[%dma_wait3A_132] : memref<10000xf32, #tpu.memory_space<vmem_shared>> -> memref<10000xf32, #tpu.memory_space<vmem_shared>>
    %dma_wait3A_134 = tpu.memref_slice %arg8[%and3A_127] : memref<2x!tpu.dma_semaphore, #tpu.memory_space<semaphore_mem>> -> memref<1x!tpu.dma_semaphore, #tpu.memory_space<semaphore_mem>>
    %dma_wait3A_135 = tpu.memref_squeeze %dma_wait3A_134 : memref<1x!tpu.dma_semaphore, #tpu.memory_space<semaphore_mem>> -> memref<!tpu.dma_semaphore, #tpu.memory_space<semaphore_mem>>
    tpu.wait_indirect_dma semaphore(%dma_wait3A_135 : memref<!tpu.dma_semaphore, #tpu.memory_space<semaphore_mem>>) src(%arg5 : memref<128xf32, #tpu.memory_space<vmem>>) dst(%dma_wait3A_133 : memref<10000xf32, #tpu.memory_space<vmem_shared>>)
    %barrier3A_136 = arith.constant 0 : index
    tpu.barrier barrier_id(%barrier3A_136)
    %lt3A_137 = arith.constant 15 : i32
    %lt3A_138 = arith.cmpi slt, %arg1, %lt3A_137 : i32
    %convert_element_type3A_139 = arith.extui %lt3A_138 : i1 to i32
    %cond3A_140 = arith.constant 0 : i32
    %cond3A_141 = arith.cmpi ne, %convert_element_type3A_139, %cond3A_140 : i32
    scf.if %cond3A_141 {
      %mul3A_147 = arith.constant 624 : i32
      %mul3A_148 = arith.muli %arg1, %mul3A_147 : i32
      "tpu.region"() ({
        %run_scoped3A = tpu.sem_alloc : memref<!tpu.dma_semaphore, #tpu.memory_space<semaphore_mem>>
        %dma_start3A_154 = arith.constant 0 : i32
        %dma_start3A_155 = tpu.memref_slice %arg6[%dma_start3A_154] : memref<640xf32, #tpu.memory_space<vmem>> -> memref<624xf32, #tpu.memory_space<vmem>>
        %dma_start3A_156 = tpu.memref_slice %arg9[%mul3A_148] : memref<10000xf32, #tpu.memory_space<vmem_shared>> -> memref<624xf32, #tpu.memory_space<vmem_shared>>
        %dma_start3A_157 = arith.constant 0 : i32
        %dma_start3A_158 = tpu.memref_slice %arg6[%dma_start3A_157] : memref<640xf32, #tpu.memory_space<vmem>> -> memref<624xf32, #tpu.memory_space<vmem>>
        %dma_start3A_159 = tpu.memref_slice %arg9[%mul3A_148] : memref<10000xf32, #tpu.memory_space<vmem_shared>> -> memref<624xf32, #tpu.memory_space<vmem_shared>>
        tpu.enqueue_dma source(%dma_start3A_159 : memref<624xf32, #tpu.memory_space<vmem_shared>>) target(%dma_start3A_158 : memref<624xf32, #tpu.memory_space<vmem>>) target_semaphore(%run_scoped3A : memref<!tpu.dma_semaphore, #tpu.memory_space<semaphore_mem>>)
        %dma_wait3A_160 = arith.constant 0 : i32
        %dma_wait3A_161 = tpu.memref_slice %arg6[%dma_wait3A_160] : memref<640xf32, #tpu.memory_space<vmem>> -> memref<624xf32, #tpu.memory_space<vmem>>
        %dma_wait3A_162 = tpu.memref_slice %arg9[%mul3A_148] : memref<10000xf32, #tpu.memory_space<vmem_shared>> -> memref<624xf32, #tpu.memory_space<vmem_shared>>
        %dma_wait3A_163 = arith.constant 0 : i32
        %dma_wait3A_164 = tpu.memref_slice %arg6[%dma_wait3A_163] : memref<640xf32, #tpu.memory_space<vmem>> -> memref<624xf32, #tpu.memory_space<vmem>>
        %dma_wait3A_165 = tpu.memref_slice %arg9[%mul3A_148] : memref<10000xf32, #tpu.memory_space<vmem_shared>> -> memref<624xf32, #tpu.memory_space<vmem_shared>>
        tpu.wait_dma2 semaphore(%run_scoped3A : memref<!tpu.dma_semaphore, #tpu.memory_space<semaphore_mem>>) src(%dma_wait3A_165 : memref<624xf32, #tpu.memory_space<vmem_shared>>) dst(%dma_wait3A_164 : memref<624xf32, #tpu.memory_space<vmem>>)
        tpu.yield
      }) : () -> ()
      %mul3A_149 = arith.constant 10000 : i32
      %mul3A_150 = arith.muli %arg0, %mul3A_149 : i32
      %mul3A_151 = arith.constant 624 : i32
      %mul3A_152 = arith.muli %arg1, %mul3A_151 : i32
      %add3A_153 = arith.addi %mul3A_150, %mul3A_152 : i32
      "tpu.region"() ({
        %run_scoped3A = tpu.sem_alloc : memref<!tpu.dma_semaphore, #tpu.memory_space<semaphore_mem>>
        %dma_start3A_154 = arith.constant 0 : i32
        %dma_start3A_155 = tpu.memref_slice %arg6[%dma_start3A_154] : memref<640xf32, #tpu.memory_space<vmem>> -> memref<624xf32, #tpu.memory_space<vmem>>
        %dma_start3A_156 = tpu.memref_slice %arg3[%add3A_153] : memref<20000xf32, #tpu.memory_space<hbm>> -> memref<624xf32, #tpu.memory_space<hbm>>
        %dma_start3A_157 = tpu.memref_slice %arg3[%add3A_153] : memref<20000xf32, #tpu.memory_space<hbm>> -> memref<624xf32, #tpu.memory_space<hbm>>
        %dma_start3A_158 = arith.constant 0 : i32
        %dma_start3A_159 = tpu.memref_slice %arg6[%dma_start3A_158] : memref<640xf32, #tpu.memory_space<vmem>> -> memref<624xf32, #tpu.memory_space<vmem>>
        tpu.enqueue_dma source(%dma_start3A_159 : memref<624xf32, #tpu.memory_space<vmem>>) target(%dma_start3A_157 : memref<624xf32, #tpu.memory_space<hbm>>) target_semaphore(%run_scoped3A : memref<!tpu.dma_semaphore, #tpu.memory_space<semaphore_mem>>)
        %dma_wait3A_160 = arith.constant 0 : i32
        %dma_wait3A_161 = tpu.memref_slice %arg6[%dma_wait3A_160] : memref<640xf32, #tpu.memory_space<vmem>> -> memref<624xf32, #tpu.memory_space<vmem>>
        %dma_wait3A_162 = tpu.memref_slice %arg3[%add3A_153] : memref<20000xf32, #tpu.memory_space<hbm>> -> memref<624xf32, #tpu.memory_space<hbm>>
        %dma_wait3A_163 = tpu.memref_slice %arg3[%add3A_153] : memref<20000xf32, #tpu.memory_space<hbm>> -> memref<624xf32, #tpu.memory_space<hbm>>
        %dma_wait3A_164 = arith.constant 0 : i32
        %dma_wait3A_165 = tpu.memref_slice %arg6[%dma_wait3A_164] : memref<640xf32, #tpu.memory_space<vmem>> -> memref<624xf32, #tpu.memory_space<vmem>>
        tpu.wait_dma2 semaphore(%run_scoped3A : memref<!tpu.dma_semaphore, #tpu.memory_space<semaphore_mem>>) src(%dma_wait3A_165 : memref<624xf32, #tpu.memory_space<vmem>>) dst(%dma_wait3A_163 : memref<624xf32, #tpu.memory_space<hbm>>)
        tpu.yield
      }) : () -> ()
    } else {
    }
    %eq3A_142 = arith.constant 15 : i32
    %eq3A_143 = arith.cmpi eq, %arg1, %eq3A_142 : i32
    %convert_element_type3A_144 = arith.extui %eq3A_143 : i1 to i32
    %cond3A_145 = arith.constant 0 : i32
    %cond3A_146 = arith.cmpi ne, %convert_element_type3A_144, %cond3A_145 : i32
    scf.if %cond3A_146 {
      "tpu.region"() ({
        %run_scoped3A = tpu.sem_alloc : memref<!tpu.dma_semaphore, #tpu.memory_space<semaphore_mem>>
        %dma_start3A_151 = arith.constant 9360 : i32
        %dma_start3A_152 = tpu.memref_slice %arg9[%dma_start3A_151] : memref<10000xf32, #tpu.memory_space<vmem_shared>> -> memref<640xf32, #tpu.memory_space<vmem_shared>>
        %dma_start3A_153 = arith.constant 9360 : i32
        %dma_start3A_154 = tpu.memref_slice %arg9[%dma_start3A_153] : memref<10000xf32, #tpu.memory_space<vmem_shared>> -> memref<640xf32, #tpu.memory_space<vmem_shared>>
        tpu.enqueue_dma source(%dma_start3A_154 : memref<640xf32, #tpu.memory_space<vmem_shared>>) target(%arg6 : memref<640xf32, #tpu.memory_space<vmem>>) target_semaphore(%run_scoped3A : memref<!tpu.dma_semaphore, #tpu.memory_space<semaphore_mem>>)
        %dma_wait3A_155 = arith.constant 9360 : i32
        %dma_wait3A_156 = tpu.memref_slice %arg9[%dma_wait3A_155] : memref<10000xf32, #tpu.memory_space<vmem_shared>> -> memref<640xf32, #tpu.memory_space<vmem_shared>>
        %dma_wait3A_157 = arith.constant 9360 : i32
        %dma_wait3A_158 = tpu.memref_slice %arg9[%dma_wait3A_157] : memref<10000xf32, #tpu.memory_space<vmem_shared>> -> memref<640xf32, #tpu.memory_space<vmem_shared>>
        tpu.wait_dma2 semaphore(%run_scoped3A : memref<!tpu.dma_semaphore, #tpu.memory_space<semaphore_mem>>) src(%dma_wait3A_158 : memref<640xf32, #tpu.memory_space<vmem_shared>>) dst(%arg6 : memref<640xf32, #tpu.memory_space<vmem>>)
        tpu.yield
      }) : () -> ()
      %mul3A_147 = arith.constant 10000 : i32
      %mul3A_148 = arith.muli %arg0, %mul3A_147 : i32
      %add3A_149 = arith.constant 9360 : i32
      %add3A_150 = arith.addi %mul3A_148, %add3A_149 : i32
      "tpu.region"() ({
        %run_scoped3A = tpu.sem_alloc : memref<!tpu.dma_semaphore, #tpu.memory_space<semaphore_mem>>
        %dma_start3A_151 = tpu.memref_slice %arg3[%add3A_150] : memref<20000xf32, #tpu.memory_space<hbm>> -> memref<640xf32, #tpu.memory_space<hbm>>
        %dma_start3A_152 = tpu.memref_slice %arg3[%add3A_150] : memref<20000xf32, #tpu.memory_space<hbm>> -> memref<640xf32, #tpu.memory_space<hbm>>
        tpu.enqueue_dma source(%arg6 : memref<640xf32, #tpu.memory_space<vmem>>) target(%dma_start3A_152 : memref<640xf32, #tpu.memory_space<hbm>>) target_semaphore(%run_scoped3A : memref<!tpu.dma_semaphore, #tpu.memory_space<semaphore_mem>>)
        %dma_wait3A_153 = tpu.memref_slice %arg3[%add3A_150] : memref<20000xf32, #tpu.memory_space<hbm>> -> memref<640xf32, #tpu.memory_space<hbm>>
        %dma_wait3A_154 = tpu.memref_slice %arg3[%add3A_150] : memref<20000xf32, #tpu.memory_space<hbm>> -> memref<640xf32, #tpu.memory_space<hbm>>
        tpu.wait_dma2 semaphore(%run_scoped3A : memref<!tpu.dma_semaphore, #tpu.memory_space<semaphore_mem>>) src(%arg6 : memref<640xf32, #tpu.memory_space<vmem>>) dst(%dma_wait3A_154 : memref<640xf32, #tpu.memory_space<hbm>>)
        tpu.yield
      }) : () -> ()
    } else {
    }
    return
  }
}

#map = affine_map<(d0, d1) -> (0, 0)>
#map1 = affine_map<(d0, d1) -> (0, 0, 0)>
module attributes {stable_mosaic.version = 14 : i64} {
  func.func @_segsum_body(%arg0: i32, %arg1: i32, %arg2: memref<10000x128xf32, #tpu.memory_space<hbm>>, %arg3: memref<2x320000xi32, #tpu.memory_space<hbm>>, %arg4: memref<128x128xf32, #tpu.memory_space<hbm>>, %arg5: memref<2x10000x128xf32, #tpu.memory_space<hbm>>, %arg6: memref<4x2x128xi32, #tpu.memory_space<vmem>>, %arg7: memref<3x128x128xf32, #tpu.memory_space<vmem>>, %arg8: memref<4x!tpu.dma_semaphore, #tpu.memory_space<semaphore_mem>>, %arg9: memref<3x!tpu.dma_semaphore, #tpu.memory_space<semaphore_mem>>, %arg10: memref<3x!tpu.dma_semaphore, #tpu.memory_space<semaphore_mem>>, %arg11: memref<10000x128xf32, #tpu.memory_space<vmem_shared>>) attributes {dimension_semantics = [#tpu.dimension_semantics<core_parallel>, #tpu.dimension_semantics<subcore_parallel>], iteration_bounds = array<i64: 2, 16>, scalar_prefetch = 0 : i64, scratch_operands = 6 : i64, tpu.core_type = #tpu.core_type<sc_vector_subcore>, window_params = [{transform_indices = #map}, {transform_indices = #map}, {transform_indices = #map}, {transform_indices = #map1}]} {
    %mul3A = arith.constant 16 : i32
    %mul3A_0 = arith.muli %arg0, %mul3A : i32
    %add3A = arith.addi %mul3A_0, %arg1 : i32
    %lt3A = arith.constant 4 : i32
    %lt3A_1 = arith.cmpi slt, %add3A, %lt3A : i32
    %jit3A = arith.constant 1 : i32
    %jit3A_2 = arith.constant 0 : i32
    %select_n3A = arith.select %lt3A_1, %jit3A, %jit3A_2 : i32
    %add3A_3 = arith.constant 78 : i32
    %add3A_4 = arith.addi %add3A_3, %select_n3A : i32
    %add3A_5 = arith.constant 0 : i32
    %add3A_6 = arith.addi %add3A, %add3A_5 : i32
    %mul3A_7 = arith.constant 128 : i32
    %mul3A_8 = arith.muli %add3A_6, %mul3A_7 : i32
    %dma_start3A = arith.constant 0 : i32
    %dma_start3A_9 = arith.constant 0 : i32
    %dma_start3A_10 = arith.constant 0 : i32
    %dma_start3A_11 = arith.constant 0 : i32
    %dma_start3A_12 = tpu.memref_slice %arg6[%dma_start3A, %dma_start3A_10, %dma_start3A_11] : memref<4x2x128xi32, #tpu.memory_space<vmem>> -> memref<1x2x128xi32, #tpu.memory_space<vmem>>
    %dma_start3A_13 = tpu.memref_squeeze %dma_start3A_12 : memref<1x2x128xi32, #tpu.memory_space<vmem>> -> memref<2x128xi32, #tpu.memory_space<vmem>>
    %dma_start3A_14 = arith.constant 0 : i32
    %dma_start3A_15 = tpu.memref_slice %arg3[%dma_start3A_14, %mul3A_8] : memref<2x320000xi32, #tpu.memory_space<hbm>> -> memref<2x128xi32, #tpu.memory_space<hbm>>
    %dma_start3A_16 = tpu.memref_slice %arg8[%dma_start3A_9] : memref<4x!tpu.dma_semaphore, #tpu.memory_space<semaphore_mem>> -> memref<1x!tpu.dma_semaphore, #tpu.memory_space<semaphore_mem>>
    %dma_start3A_17 = tpu.memref_squeeze %dma_start3A_16 : memref<1x!tpu.dma_semaphore, #tpu.memory_space<semaphore_mem>> -> memref<!tpu.dma_semaphore, #tpu.memory_space<semaphore_mem>>
    %dma_start3A_18 = arith.constant 0 : i32
    %dma_start3A_19 = arith.constant 0 : i32
    %dma_start3A_20 = tpu.memref_slice %arg6[%dma_start3A, %dma_start3A_18, %dma_start3A_19] : memref<4x2x128xi32, #tpu.memory_space<vmem>> -> memref<1x2x128xi32, #tpu.memory_space<vmem>>
    %dma_start3A_21 = tpu.memref_squeeze %dma_start3A_20 : memref<1x2x128xi32, #tpu.memory_space<vmem>> -> memref<2x128xi32, #tpu.memory_space<vmem>>
    %dma_start3A_22 = arith.constant 0 : i32
    %dma_start3A_23 = tpu.memref_slice %arg3[%dma_start3A_22, %mul3A_8] : memref<2x320000xi32, #tpu.memory_space<hbm>> -> memref<2x128xi32, #tpu.memory_space<hbm>>
    tpu.enqueue_dma source(%dma_start3A_23 : memref<2x128xi32, #tpu.memory_space<hbm>>) target(%dma_start3A_21 : memref<2x128xi32, #tpu.memory_space<vmem>>) target_semaphore(%dma_start3A_17 : memref<!tpu.dma_semaphore, #tpu.memory_space<semaphore_mem>>)
    %add3A_24 = arith.constant 32 : i32
    %add3A_25 = arith.addi %add3A, %add3A_24 : i32
    %mul3A_26 = arith.constant 128 : i32
    %mul3A_27 = arith.muli %add3A_25, %mul3A_26 : i32
    %dma_start3A_28 = arith.constant 1 : i32
    %dma_start3A_29 = arith.constant 1 : i32
    %dma_start3A_30 = arith.constant 0 : i32
    %dma_start3A_31 = arith.constant 0 : i32
    %dma_start3A_32 = tpu.memref_slice %arg6[%dma_start3A_28, %dma_start3A_30, %dma_start3A_31] : memref<4x2x128xi32, #tpu.memory_space<vmem>> -> memref<1x2x128xi32, #tpu.memory_space<vmem>>
    %dma_start3A_33 = tpu.memref_squeeze %dma_start3A_32 : memref<1x2x128xi32, #tpu.memory_space<vmem>> -> memref<2x128xi32, #tpu.memory_space<vmem>>
    %dma_start3A_34 = arith.constant 0 : i32
    %dma_start3A_35 = tpu.memref_slice %arg3[%dma_start3A_34, %mul3A_27] : memref<2x320000xi32, #tpu.memory_space<hbm>> -> memref<2x128xi32, #tpu.memory_space<hbm>>
    %dma_start3A_36 = tpu.memref_slice %arg8[%dma_start3A_29] : memref<4x!tpu.dma_semaphore, #tpu.memory_space<semaphore_mem>> -> memref<1x!tpu.dma_semaphore, #tpu.memory_space<semaphore_mem>>
    %dma_start3A_37 = tpu.memref_squeeze %dma_start3A_36 : memref<1x!tpu.dma_semaphore, #tpu.memory_space<semaphore_mem>> -> memref<!tpu.dma_semaphore, #tpu.memory_space<semaphore_mem>>
    %dma_start3A_38 = arith.constant 0 : i32
    %dma_start3A_39 = arith.constant 0 : i32
    %dma_start3A_40 = tpu.memref_slice %arg6[%dma_start3A_28, %dma_start3A_38, %dma_start3A_39] : memref<4x2x128xi32, #tpu.memory_space<vmem>> -> memref<1x2x128xi32, #tpu.memory_space<vmem>>
    %dma_start3A_41 = tpu.memref_squeeze %dma_start3A_40 : memref<1x2x128xi32, #tpu.memory_space<vmem>> -> memref<2x128xi32, #tpu.memory_space<vmem>>
    %dma_start3A_42 = arith.constant 0 : i32
    %dma_start3A_43 = tpu.memref_slice %arg3[%dma_start3A_42, %mul3A_27] : memref<2x320000xi32, #tpu.memory_space<hbm>> -> memref<2x128xi32, #tpu.memory_space<hbm>>
    tpu.enqueue_dma source(%dma_start3A_43 : memref<2x128xi32, #tpu.memory_space<hbm>>) target(%dma_start3A_41 : memref<2x128xi32, #tpu.memory_space<vmem>>) target_semaphore(%dma_start3A_37 : memref<!tpu.dma_semaphore, #tpu.memory_space<semaphore_mem>>)
    %run_scoped3A = arith.constant 0 : i32
    "tpu.region"() ({
      %run_scoped3A_151 = tpu.sem_alloc : memref<!tpu.dma_semaphore, #tpu.memory_space<semaphore_mem>>
      %dma_start3A_152 = arith.constant 0 : i32
      %dma_start3A_153 = arith.constant 0 : i32
      %dma_start3A_154 = tpu.memref_slice %arg7[%run_scoped3A, %dma_start3A_152, %dma_start3A_153] : memref<3x128x128xf32, #tpu.memory_space<vmem>> -> memref<1x128x128xf32, #tpu.memory_space<vmem>>
      %dma_start3A_155 = tpu.memref_squeeze %dma_start3A_154 : memref<1x128x128xf32, #tpu.memory_space<vmem>> -> memref<128x128xf32, #tpu.memory_space<vmem>>
      %dma_start3A_156 = arith.constant 0 : i32
      %dma_start3A_157 = arith.constant 0 : i32
      %dma_start3A_158 = tpu.memref_slice %arg7[%run_scoped3A, %dma_start3A_156, %dma_start3A_157] : memref<3x128x128xf32, #tpu.memory_space<vmem>> -> memref<1x128x128xf32, #tpu.memory_space<vmem>>
      %dma_start3A_159 = tpu.memref_squeeze %dma_start3A_158 : memref<1x128x128xf32, #tpu.memory_space<vmem>> -> memref<128x128xf32, #tpu.memory_space<vmem>>
      tpu.enqueue_dma source(%arg4 : memref<128x128xf32, #tpu.memory_space<hbm>>) target(%dma_start3A_159 : memref<128x128xf32, #tpu.memory_space<vmem>>) target_semaphore(%run_scoped3A_151 : memref<!tpu.dma_semaphore, #tpu.memory_space<semaphore_mem>>)
      %dma_wait3A_160 = arith.constant 0 : i32
      %dma_wait3A_161 = arith.constant 0 : i32
      %dma_wait3A_162 = tpu.memref_slice %arg7[%run_scoped3A, %dma_wait3A_160, %dma_wait3A_161] : memref<3x128x128xf32, #tpu.memory_space<vmem>> -> memref<1x128x128xf32, #tpu.memory_space<vmem>>
      %dma_wait3A_163 = tpu.memref_squeeze %dma_wait3A_162 : memref<1x128x128xf32, #tpu.memory_space<vmem>> -> memref<128x128xf32, #tpu.memory_space<vmem>>
      %dma_wait3A_164 = arith.constant 0 : i32
      %dma_wait3A_165 = arith.constant 0 : i32
      %dma_wait3A_166 = tpu.memref_slice %arg7[%run_scoped3A, %dma_wait3A_164, %dma_wait3A_165] : memref<3x128x128xf32, #tpu.memory_space<vmem>> -> memref<1x128x128xf32, #tpu.memory_space<vmem>>
      %dma_wait3A_167 = tpu.memref_squeeze %dma_wait3A_166 : memref<1x128x128xf32, #tpu.memory_space<vmem>> -> memref<128x128xf32, #tpu.memory_space<vmem>>
      tpu.wait_dma2 semaphore(%run_scoped3A_151 : memref<!tpu.dma_semaphore, #tpu.memory_space<semaphore_mem>>) src(%arg4 : memref<128x128xf32, #tpu.memory_space<hbm>>) dst(%dma_wait3A_167 : memref<128x128xf32, #tpu.memory_space<vmem>>)
      tpu.yield
    }) : () -> ()
    %mul3A_44 = arith.constant 624 : i32
    %mul3A_45 = arith.muli %arg1, %mul3A_44 : i32
    %lt3A_46 = arith.constant 15 : i32
    %lt3A_47 = arith.cmpi slt, %arg1, %lt3A_46 : i32
    %convert_element_type3A = arith.extui %lt3A_47 : i1 to i32
    %cond3A = arith.constant 0 : i32
    %cond3A_48 = arith.constant 0 : i32
    %cond3A_49 = arith.cmpi ne, %convert_element_type3A, %cond3A_48 : i32
    scf.if %cond3A_49 {
      %add3A_151 = arith.constant 0 : i32
      %add3A_152 = arith.addi %mul3A_45, %add3A_151 : i32
      %dma_start3A_153 = arith.constant 0 : i32
      %dma_start3A_154 = arith.constant 0 : i32
      %dma_start3A_155 = arith.constant 0 : i32
      %dma_start3A_156 = tpu.memref_slice %arg7[%cond3A, %dma_start3A_154, %dma_start3A_155] : memref<3x128x128xf32, #tpu.memory_space<vmem>> -> memref<1x128x128xf32, #tpu.memory_space<vmem>>
      %dma_start3A_157 = tpu.memref_squeeze %dma_start3A_156 : memref<1x128x128xf32, #tpu.memory_space<vmem>> -> memref<128x128xf32, #tpu.memory_space<vmem>>
      %dma_start3A_158 = arith.constant 0 : i32
      %dma_start3A_159 = tpu.memref_slice %arg11[%add3A_152, %dma_start3A_158] : memref<10000x128xf32, #tpu.memory_space<vmem_shared>> -> memref<128x128xf32, #tpu.memory_space<vmem_shared>>
      %dma_start3A_160 = tpu.memref_slice %arg10[%dma_start3A_153] : memref<3x!tpu.dma_semaphore, #tpu.memory_space<semaphore_mem>> -> memref<1x!tpu.dma_semaphore, #tpu.memory_space<semaphore_mem>>
      %dma_start3A_161 = tpu.memref_squeeze %dma_start3A_160 : memref<1x!tpu.dma_semaphore, #tpu.memory_space<semaphore_mem>> -> memref<!tpu.dma_semaphore, #tpu.memory_space<semaphore_mem>>
      %dma_start3A_162 = arith.constant 0 : i32
      %dma_start3A_163 = tpu.memref_slice %arg11[%add3A_152, %dma_start3A_162] : memref<10000x128xf32, #tpu.memory_space<vmem_shared>> -> memref<128x128xf32, #tpu.memory_space<vmem_shared>>
      %dma_start3A_164 = arith.constant 0 : i32
      %dma_start3A_165 = arith.constant 0 : i32
      %dma_start3A_166 = tpu.memref_slice %arg7[%cond3A, %dma_start3A_164, %dma_start3A_165] : memref<3x128x128xf32, #tpu.memory_space<vmem>> -> memref<1x128x128xf32, #tpu.memory_space<vmem>>
      %dma_start3A_167 = tpu.memref_squeeze %dma_start3A_166 : memref<1x128x128xf32, #tpu.memory_space<vmem>> -> memref<128x128xf32, #tpu.memory_space<vmem>>
      tpu.enqueue_dma source(%dma_start3A_167 : memref<128x128xf32, #tpu.memory_space<vmem>>) target(%dma_start3A_163 : memref<128x128xf32, #tpu.memory_space<vmem_shared>>) target_semaphore(%dma_start3A_161 : memref<!tpu.dma_semaphore, #tpu.memory_space<semaphore_mem>>)
      %add3A_168 = arith.constant 128 : i32
      %add3A_169 = arith.addi %mul3A_45, %add3A_168 : i32
      %dma_start3A_170 = arith.constant 0 : i32
      %dma_start3A_171 = arith.constant 0 : i32
      %dma_start3A_172 = arith.constant 0 : i32
      %dma_start3A_173 = tpu.memref_slice %arg7[%cond3A, %dma_start3A_171, %dma_start3A_172] : memref<3x128x128xf32, #tpu.memory_space<vmem>> -> memref<1x128x128xf32, #tpu.memory_space<vmem>>
      %dma_start3A_174 = tpu.memref_squeeze %dma_start3A_173 : memref<1x128x128xf32, #tpu.memory_space<vmem>> -> memref<128x128xf32, #tpu.memory_space<vmem>>
      %dma_start3A_175 = arith.constant 0 : i32
      %dma_start3A_176 = tpu.memref_slice %arg11[%add3A_169, %dma_start3A_175] : memref<10000x128xf32, #tpu.memory_space<vmem_shared>> -> memref<128x128xf32, #tpu.memory_space<vmem_shared>>
      %dma_start3A_177 = tpu.memref_slice %arg10[%dma_start3A_170] : memref<3x!tpu.dma_semaphore, #tpu.memory_space<semaphore_mem>> -> memref<1x!tpu.dma_semaphore, #tpu.memory_space<semaphore_mem>>
      %dma_start3A_178 = tpu.memref_squeeze %dma_start3A_177 : memref<1x!tpu.dma_semaphore, #tpu.memory_space<semaphore_mem>> -> memref<!tpu.dma_semaphore, #tpu.memory_space<semaphore_mem>>
      %dma_start3A_179 = arith.constant 0 : i32
      %dma_start3A_180 = tpu.memref_slice %arg11[%add3A_169, %dma_start3A_179] : memref<10000x128xf32, #tpu.memory_space<vmem_shared>> -> memref<128x128xf32, #tpu.memory_space<vmem_shared>>
      %dma_start3A_181 = arith.constant 0 : i32
      %dma_start3A_182 = arith.constant 0 : i32
      %dma_start3A_183 = tpu.memref_slice %arg7[%cond3A, %dma_start3A_181, %dma_start3A_182] : memref<3x128x128xf32, #tpu.memory_space<vmem>> -> memref<1x128x128xf32, #tpu.memory_space<vmem>>
      %dma_start3A_184 = tpu.memref_squeeze %dma_start3A_183 : memref<1x128x128xf32, #tpu.memory_space<vmem>> -> memref<128x128xf32, #tpu.memory_space<vmem>>
      tpu.enqueue_dma source(%dma_start3A_184 : memref<128x128xf32, #tpu.memory_space<vmem>>) target(%dma_start3A_180 : memref<128x128xf32, #tpu.memory_space<vmem_shared>>) target_semaphore(%dma_start3A_178 : memref<!tpu.dma_semaphore, #tpu.memory_space<semaphore_mem>>)
      %add3A_185 = arith.constant 256 : i32
      %add3A_186 = arith.addi %mul3A_45, %add3A_185 : i32
      %dma_start3A_187 = arith.constant 0 : i32
      %dma_start3A_188 = arith.constant 0 : i32
      %dma_start3A_189 = arith.constant 0 : i32
      %dma_start3A_190 = tpu.memref_slice %arg7[%cond3A, %dma_start3A_188, %dma_start3A_189] : memref<3x128x128xf32, #tpu.memory_space<vmem>> -> memref<1x128x128xf32, #tpu.memory_space<vmem>>
      %dma_start3A_191 = tpu.memref_squeeze %dma_start3A_190 : memref<1x128x128xf32, #tpu.memory_space<vmem>> -> memref<128x128xf32, #tpu.memory_space<vmem>>
      %dma_start3A_192 = arith.constant 0 : i32
      %dma_start3A_193 = tpu.memref_slice %arg11[%add3A_186, %dma_start3A_192] : memref<10000x128xf32, #tpu.memory_space<vmem_shared>> -> memref<128x128xf32, #tpu.memory_space<vmem_shared>>
      %dma_start3A_194 = tpu.memref_slice %arg10[%dma_start3A_187] : memref<3x!tpu.dma_semaphore, #tpu.memory_space<semaphore_mem>> -> memref<1x!tpu.dma_semaphore, #tpu.memory_space<semaphore_mem>>
      %dma_start3A_195 = tpu.memref_squeeze %dma_start3A_194 : memref<1x!tpu.dma_semaphore, #tpu.memory_space<semaphore_mem>> -> memref<!tpu.dma_semaphore, #tpu.memory_space<semaphore_mem>>
      %dma_start3A_196 = arith.constant 0 : i32
      %dma_start3A_197 = tpu.memref_slice %arg11[%add3A_186, %dma_start3A_196] : memref<10000x128xf32, #tpu.memory_space<vmem_shared>> -> memref<128x128xf32, #tpu.memory_space<vmem_shared>>
      %dma_start3A_198 = arith.constant 0 : i32
      %dma_start3A_199 = arith.constant 0 : i32
      %dma_start3A_200 = tpu.memref_slice %arg7[%cond3A, %dma_start3A_198, %dma_start3A_199] : memref<3x128x128xf32, #tpu.memory_space<vmem>> -> memref<1x128x128xf32, #tpu.memory_space<vmem>>
      %dma_start3A_201 = tpu.memref_squeeze %dma_start3A_200 : memref<1x128x128xf32, #tpu.memory_space<vmem>> -> memref<128x128xf32, #tpu.memory_space<vmem>>
      tpu.enqueue_dma source(%dma_start3A_201 : memref<128x128xf32, #tpu.memory_space<vmem>>) target(%dma_start3A_197 : memref<128x128xf32, #tpu.memory_space<vmem_shared>>) target_semaphore(%dma_start3A_195 : memref<!tpu.dma_semaphore, #tpu.memory_space<semaphore_mem>>)
      %add3A_202 = arith.constant 384 : i32
      %add3A_203 = arith.addi %mul3A_45, %add3A_202 : i32
      %dma_start3A_204 = arith.constant 0 : i32
      %dma_start3A_205 = arith.constant 0 : i32
      %dma_start3A_206 = arith.constant 0 : i32
      %dma_start3A_207 = tpu.memref_slice %arg7[%cond3A, %dma_start3A_205, %dma_start3A_206] : memref<3x128x128xf32, #tpu.memory_space<vmem>> -> memref<1x128x128xf32, #tpu.memory_space<vmem>>
      %dma_start3A_208 = tpu.memref_squeeze %dma_start3A_207 : memref<1x128x128xf32, #tpu.memory_space<vmem>> -> memref<128x128xf32, #tpu.memory_space<vmem>>
      %dma_start3A_209 = arith.constant 0 : i32
      %dma_start3A_210 = tpu.memref_slice %arg11[%add3A_203, %dma_start3A_209] : memref<10000x128xf32, #tpu.memory_space<vmem_shared>> -> memref<128x128xf32, #tpu.memory_space<vmem_shared>>
      %dma_start3A_211 = tpu.memref_slice %arg10[%dma_start3A_204] : memref<3x!tpu.dma_semaphore, #tpu.memory_space<semaphore_mem>> -> memref<1x!tpu.dma_semaphore, #tpu.memory_space<semaphore_mem>>
      %dma_start3A_212 = tpu.memref_squeeze %dma_start3A_211 : memref<1x!tpu.dma_semaphore, #tpu.memory_space<semaphore_mem>> -> memref<!tpu.dma_semaphore, #tpu.memory_space<semaphore_mem>>
      %dma_start3A_213 = arith.constant 0 : i32
      %dma_start3A_214 = tpu.memref_slice %arg11[%add3A_203, %dma_start3A_213] : memref<10000x128xf32, #tpu.memory_space<vmem_shared>> -> memref<128x128xf32, #tpu.memory_space<vmem_shared>>
      %dma_start3A_215 = arith.constant 0 : i32
      %dma_start3A_216 = arith.constant 0 : i32
      %dma_start3A_217 = tpu.memref_slice %arg7[%cond3A, %dma_start3A_215, %dma_start3A_216] : memref<3x128x128xf32, #tpu.memory_space<vmem>> -> memref<1x128x128xf32, #tpu.memory_space<vmem>>
      %dma_start3A_218 = tpu.memref_squeeze %dma_start3A_217 : memref<1x128x128xf32, #tpu.memory_space<vmem>> -> memref<128x128xf32, #tpu.memory_space<vmem>>
      tpu.enqueue_dma source(%dma_start3A_218 : memref<128x128xf32, #tpu.memory_space<vmem>>) target(%dma_start3A_214 : memref<128x128xf32, #tpu.memory_space<vmem_shared>>) target_semaphore(%dma_start3A_212 : memref<!tpu.dma_semaphore, #tpu.memory_space<semaphore_mem>>)
      %add3A_219 = arith.constant 512 : i32
      %add3A_220 = arith.addi %mul3A_45, %add3A_219 : i32
      %dma_start3A_221 = arith.constant 1 : i32
      %dma_start3A_222 = arith.constant 0 : i32
      %dma_start3A_223 = arith.constant 0 : i32
      %dma_start3A_224 = tpu.memref_slice %arg7[%cond3A, %dma_start3A_222, %dma_start3A_223] : memref<3x128x128xf32, #tpu.memory_space<vmem>> -> memref<1x128x128xf32, #tpu.memory_space<vmem>>
      %dma_start3A_225 = tpu.memref_squeeze %dma_start3A_224 : memref<1x128x128xf32, #tpu.memory_space<vmem>> -> memref<128x128xf32, #tpu.memory_space<vmem>>
      %dma_start3A_226 = arith.constant 0 : i32
      %dma_start3A_227 = arith.constant 0 : i32
      %dma_start3A_228 = tpu.memref_slice %dma_start3A_225[%dma_start3A_226, %dma_start3A_227] : memref<128x128xf32, #tpu.memory_space<vmem>> -> memref<112x128xf32, #tpu.memory_space<vmem>>
      %dma_start3A_229 = arith.constant 0 : i32
      %dma_start3A_230 = tpu.memref_slice %arg11[%add3A_220, %dma_start3A_229] : memref<10000x128xf32, #tpu.memory_space<vmem_shared>> -> memref<112x128xf32, #tpu.memory_space<vmem_shared>>
      %dma_start3A_231 = tpu.memref_slice %arg10[%dma_start3A_221] : memref<3x!tpu.dma_semaphore, #tpu.memory_space<semaphore_mem>> -> memref<1x!tpu.dma_semaphore, #tpu.memory_space<semaphore_mem>>
      %dma_start3A_232 = tpu.memref_squeeze %dma_start3A_231 : memref<1x!tpu.dma_semaphore, #tpu.memory_space<semaphore_mem>> -> memref<!tpu.dma_semaphore, #tpu.memory_space<semaphore_mem>>
      %dma_start3A_233 = arith.constant 0 : i32
      %dma_start3A_234 = tpu.memref_slice %arg11[%add3A_220, %dma_start3A_233] : memref<10000x128xf32, #tpu.memory_space<vmem_shared>> -> memref<112x128xf32, #tpu.memory_space<vmem_shared>>
      %dma_start3A_235 = arith.constant 0 : i32
      %dma_start3A_236 = arith.constant 0 : i32
      %dma_start3A_237 = tpu.memref_slice %arg7[%cond3A, %dma_start3A_235, %dma_start3A_236] : memref<3x128x128xf32, #tpu.memory_space<vmem>> -> memref<1x128x128xf32, #tpu.memory_space<vmem>>
      %dma_start3A_238 = tpu.memref_squeeze %dma_start3A_237 : memref<1x128x128xf32, #tpu.memory_space<vmem>> -> memref<128x128xf32, #tpu.memory_space<vmem>>
      %dma_start3A_239 = arith.constant 0 : i32
      %dma_start3A_240 = arith.constant 0 : i32
      %dma_start3A_241 = tpu.memref_slice %dma_start3A_238[%dma_start3A_239, %dma_start3A_240] : memref<128x128xf32, #tpu.memory_space<vmem>> -> memref<112x128xf32, #tpu.memory_space<vmem>>
      tpu.enqueue_dma source(%dma_start3A_241 : memref<112x128xf32, #tpu.memory_space<vmem>>) target(%dma_start3A_234 : memref<112x128xf32, #tpu.memory_space<vmem_shared>>) target_semaphore(%dma_start3A_232 : memref<!tpu.dma_semaphore, #tpu.memory_space<semaphore_mem>>)
      %dma_wait3A_242 = arith.constant 0 : i32
      %dma_wait3A_243 = arith.constant 0 : i32
      %dma_wait3A_244 = arith.constant 0 : i32
      %dma_wait3A_245 = tpu.memref_slice %arg7[%cond3A, %dma_wait3A_243, %dma_wait3A_244] : memref<3x128x128xf32, #tpu.memory_space<vmem>> -> memref<1x128x128xf32, #tpu.memory_space<vmem>>
      %dma_wait3A_246 = tpu.memref_squeeze %dma_wait3A_245 : memref<1x128x128xf32, #tpu.memory_space<vmem>> -> memref<128x128xf32, #tpu.memory_space<vmem>>
      %dma_wait3A_247 = arith.constant 0 : i32
      %dma_wait3A_248 = tpu.memref_slice %arg11[%mul3A_45, %dma_wait3A_247] : memref<10000x128xf32, #tpu.memory_space<vmem_shared>> -> memref<128x128xf32, #tpu.memory_space<vmem_shared>>
      %dma_wait3A_249 = tpu.memref_slice %arg10[%dma_wait3A_242] : memref<3x!tpu.dma_semaphore, #tpu.memory_space<semaphore_mem>> -> memref<1x!tpu.dma_semaphore, #tpu.memory_space<semaphore_mem>>
      %dma_wait3A_250 = tpu.memref_squeeze %dma_wait3A_249 : memref<1x!tpu.dma_semaphore, #tpu.memory_space<semaphore_mem>> -> memref<!tpu.dma_semaphore, #tpu.memory_space<semaphore_mem>>
      %dma_wait3A_251 = arith.constant 0 : i32
      %dma_wait3A_252 = tpu.memref_slice %arg11[%mul3A_45, %dma_wait3A_251] : memref<10000x128xf32, #tpu.memory_space<vmem_shared>> -> memref<128x128xf32, #tpu.memory_space<vmem_shared>>
      %dma_wait3A_253 = arith.constant 0 : i32
      %dma_wait3A_254 = arith.constant 0 : i32
      %dma_wait3A_255 = tpu.memref_slice %arg7[%cond3A, %dma_wait3A_253, %dma_wait3A_254] : memref<3x128x128xf32, #tpu.memory_space<vmem>> -> memref<1x128x128xf32, #tpu.memory_space<vmem>>
      %dma_wait3A_256 = tpu.memref_squeeze %dma_wait3A_255 : memref<1x128x128xf32, #tpu.memory_space<vmem>> -> memref<128x128xf32, #tpu.memory_space<vmem>>
      tpu.wait_dma2 semaphore(%dma_wait3A_250 : memref<!tpu.dma_semaphore, #tpu.memory_space<semaphore_mem>>) src(%dma_wait3A_256 : memref<128x128xf32, #tpu.memory_space<vmem>>) dst(%dma_wait3A_252 : memref<128x128xf32, #tpu.memory_space<vmem_shared>>)
      %dma_wait3A_257 = arith.constant 0 : i32
      %dma_wait3A_258 = arith.constant 0 : i32
      %dma_wait3A_259 = arith.constant 0 : i32
      %dma_wait3A_260 = tpu.memref_slice %arg7[%cond3A, %dma_wait3A_258, %dma_wait3A_259] : memref<3x128x128xf32, #tpu.memory_space<vmem>> -> memref<1x128x128xf32, #tpu.memory_space<vmem>>
      %dma_wait3A_261 = tpu.memref_squeeze %dma_wait3A_260 : memref<1x128x128xf32, #tpu.memory_space<vmem>> -> memref<128x128xf32, #tpu.memory_space<vmem>>
      %dma_wait3A_262 = arith.constant 0 : i32
      %dma_wait3A_263 = tpu.memref_slice %arg11[%mul3A_45, %dma_wait3A_262] : memref<10000x128xf32, #tpu.memory_space<vmem_shared>> -> memref<128x128xf32, #tpu.memory_space<vmem_shared>>
      %dma_wait3A_264 = tpu.memref_slice %arg10[%dma_wait3A_257] : memref<3x!tpu.dma_semaphore, #tpu.memory_space<semaphore_mem>> -> memref<1x!tpu.dma_semaphore, #tpu.memory_space<semaphore_mem>>
      %dma_wait3A_265 = tpu.memref_squeeze %dma_wait3A_264 : memref<1x!tpu.dma_semaphore, #tpu.memory_space<semaphore_mem>> -> memref<!tpu.dma_semaphore, #tpu.memory_space<semaphore_mem>>
      %dma_wait3A_266 = arith.constant 0 : i32
      %dma_wait3A_267 = tpu.memref_slice %arg11[%mul3A_45, %dma_wait3A_266] : memref<10000x128xf32, #tpu.memory_space<vmem_shared>> -> memref<128x128xf32, #tpu.memory_space<vmem_shared>>
      %dma_wait3A_268 = arith.constant 0 : i32
      %dma_wait3A_269 = arith.constant 0 : i32
      %dma_wait3A_270 = tpu.memref_slice %arg7[%cond3A, %dma_wait3A_268, %dma_wait3A_269] : memref<3x128x128xf32, #tpu.memory_space<vmem>> -> memref<1x128x128xf32, #tpu.memory_space<vmem>>
      %dma_wait3A_271 = tpu.memref_squeeze %dma_wait3A_270 : memref<1x128x128xf32, #tpu.memory_space<vmem>> -> memref<128x128xf32, #tpu.memory_space<vmem>>
      tpu.wait_dma2 semaphore(%dma_wait3A_265 : memref<!tpu.dma_semaphore, #tpu.memory_space<semaphore_mem>>) src(%dma_wait3A_271 : memref<128x128xf32, #tpu.memory_space<vmem>>) dst(%dma_wait3A_267 : memref<128x128xf32, #tpu.memory_space<vmem_shared>>)
      %dma_wait3A_272 = arith.constant 0 : i32
      %dma_wait3A_273 = arith.constant 0 : i32
      %dma_wait3A_274 = arith.constant 0 : i32
      %dma_wait3A_275 = tpu.memref_slice %arg7[%cond3A, %dma_wait3A_273, %dma_wait3A_274] : memref<3x128x128xf32, #tpu.memory_space<vmem>> -> memref<1x128x128xf32, #tpu.memory_space<vmem>>
      %dma_wait3A_276 = tpu.memref_squeeze %dma_wait3A_275 : memref<1x128x128xf32, #tpu.memory_space<vmem>> -> memref<128x128xf32, #tpu.memory_space<vmem>>
      %dma_wait3A_277 = arith.constant 0 : i32
      %dma_wait3A_278 = tpu.memref_slice %arg11[%mul3A_45, %dma_wait3A_277] : memref<10000x128xf32, #tpu.memory_space<vmem_shared>> -> memref<128x128xf32, #tpu.memory_space<vmem_shared>>
      %dma_wait3A_279 = tpu.memref_slice %arg10[%dma_wait3A_272] : memref<3x!tpu.dma_semaphore, #tpu.memory_space<semaphore_mem>> -> memref<1x!tpu.dma_semaphore, #tpu.memory_space<semaphore_mem>>
      %dma_wait3A_280 = tpu.memref_squeeze %dma_wait3A_279 : memref<1x!tpu.dma_semaphore, #tpu.memory_space<semaphore_mem>> -> memref<!tpu.dma_semaphore, #tpu.memory_space<semaphore_mem>>
      %dma_wait3A_281 = arith.constant 0 : i32
      %dma_wait3A_282 = tpu.memref_slice %arg11[%mul3A_45, %dma_wait3A_281] : memref<10000x128xf32, #tpu.memory_space<vmem_shared>> -> memref<128x128xf32, #tpu.memory_space<vmem_shared>>
      %dma_wait3A_283 = arith.constant 0 : i32
      %dma_wait3A_284 = arith.constant 0 : i32
      %dma_wait3A_285 = tpu.memref_slice %arg7[%cond3A, %dma_wait3A_283, %dma_wait3A_284] : memref<3x128x128xf32, #tpu.memory_space<vmem>> -> memref<1x128x128xf32, #tpu.memory_space<vmem>>
      %dma_wait3A_286 = tpu.memref_squeeze %dma_wait3A_285 : memref<1x128x128xf32, #tpu.memory_space<vmem>> -> memref<128x128xf32, #tpu.memory_space<vmem>>
      tpu.wait_dma2 semaphore(%dma_wait3A_280 : memref<!tpu.dma_semaphore, #tpu.memory_space<semaphore_mem>>) src(%dma_wait3A_286 : memref<128x128xf32, #tpu.memory_space<vmem>>) dst(%dma_wait3A_282 : memref<128x128xf32, #tpu.memory_space<vmem_shared>>)
      %dma_wait3A_287 = arith.constant 0 : i32
      %dma_wait3A_288 = arith.constant 0 : i32
      %dma_wait3A_289 = arith.constant 0 : i32
      %dma_wait3A_290 = tpu.memref_slice %arg7[%cond3A, %dma_wait3A_288, %dma_wait3A_289] : memref<3x128x128xf32, #tpu.memory_space<vmem>> -> memref<1x128x128xf32, #tpu.memory_space<vmem>>
      %dma_wait3A_291 = tpu.memref_squeeze %dma_wait3A_290 : memref<1x128x128xf32, #tpu.memory_space<vmem>> -> memref<128x128xf32, #tpu.memory_space<vmem>>
      %dma_wait3A_292 = arith.constant 0 : i32
      %dma_wait3A_293 = tpu.memref_slice %arg11[%mul3A_45, %dma_wait3A_292] : memref<10000x128xf32, #tpu.memory_space<vmem_shared>> -> memref<128x128xf32, #tpu.memory_space<vmem_shared>>
      %dma_wait3A_294 = tpu.memref_slice %arg10[%dma_wait3A_287] : memref<3x!tpu.dma_semaphore, #tpu.memory_space<semaphore_mem>> -> memref<1x!tpu.dma_semaphore, #tpu.memory_space<semaphore_mem>>
      %dma_wait3A_295 = tpu.memref_squeeze %dma_wait3A_294 : memref<1x!tpu.dma_semaphore, #tpu.memory_space<semaphore_mem>> -> memref<!tpu.dma_semaphore, #tpu.memory_space<semaphore_mem>>
      %dma_wait3A_296 = arith.constant 0 : i32
      %dma_wait3A_297 = tpu.memref_slice %arg11[%mul3A_45, %dma_wait3A_296] : memref<10000x128xf32, #tpu.memory_space<vmem_shared>> -> memref<128x128xf32, #tpu.memory_space<vmem_shared>>
      %dma_wait3A_298 = arith.constant 0 : i32
      %dma_wait3A_299 = arith.constant 0 : i32
      %dma_wait3A_300 = tpu.memref_slice %arg7[%cond3A, %dma_wait3A_298, %dma_wait3A_299] : memref<3x128x128xf32, #tpu.memory_space<vmem>> -> memref<1x128x128xf32, #tpu.memory_space<vmem>>
      %dma_wait3A_301 = tpu.memref_squeeze %dma_wait3A_300 : memref<1x128x128xf32, #tpu.memory_space<vmem>> -> memref<128x128xf32, #tpu.memory_space<vmem>>
      tpu.wait_dma2 semaphore(%dma_wait3A_295 : memref<!tpu.dma_semaphore, #tpu.memory_space<semaphore_mem>>) src(%dma_wait3A_301 : memref<128x128xf32, #tpu.memory_space<vmem>>) dst(%dma_wait3A_297 : memref<128x128xf32, #tpu.memory_space<vmem_shared>>)
      %add3A_302 = arith.constant 512 : i32
      %add3A_303 = arith.addi %mul3A_45, %add3A_302 : i32
      %dma_wait3A_304 = arith.constant 1 : i32
      %dma_wait3A_305 = arith.constant 0 : i32
      %dma_wait3A_306 = arith.constant 0 : i32
      %dma_wait3A_307 = tpu.memref_slice %arg7[%cond3A, %dma_wait3A_305, %dma_wait3A_306] : memref<3x128x128xf32, #tpu.memory_space<vmem>> -> memref<1x128x128xf32, #tpu.memory_space<vmem>>
      %dma_wait3A_308 = tpu.memref_squeeze %dma_wait3A_307 : memref<1x128x128xf32, #tpu.memory_space<vmem>> -> memref<128x128xf32, #tpu.memory_space<vmem>>
      %dma_wait3A_309 = arith.constant 0 : i32
      %dma_wait3A_310 = arith.constant 0 : i32
      %dma_wait3A_311 = tpu.memref_slice %dma_wait3A_308[%dma_wait3A_309, %dma_wait3A_310] : memref<128x128xf32, #tpu.memory_space<vmem>> -> memref<112x128xf32, #tpu.memory_space<vmem>>
      %dma_wait3A_312 = arith.constant 0 : i32
      %dma_wait3A_313 = tpu.memref_slice %arg11[%add3A_303, %dma_wait3A_312] : memref<10000x128xf32, #tpu.memory_space<vmem_shared>> -> memref<112x128xf32, #tpu.memory_space<vmem_shared>>
      %dma_wait3A_314 = tpu.memref_slice %arg10[%dma_wait3A_304] : memref<3x!tpu.dma_semaphore, #tpu.memory_space<semaphore_mem>> -> memref<1x!tpu.dma_semaphore, #tpu.memory_space<semaphore_mem>>
      %dma_wait3A_315 = tpu.memref_squeeze %dma_wait3A_314 : memref<1x!tpu.dma_semaphore, #tpu.memory_space<semaphore_mem>> -> memref<!tpu.dma_semaphore, #tpu.memory_space<semaphore_mem>>
      %dma_wait3A_316 = arith.constant 0 : i32
      %dma_wait3A_317 = tpu.memref_slice %arg11[%add3A_303, %dma_wait3A_316] : memref<10000x128xf32, #tpu.memory_space<vmem_shared>> -> memref<112x128xf32, #tpu.memory_space<vmem_shared>>
      %dma_wait3A_318 = arith.constant 0 : i32
      %dma_wait3A_319 = arith.constant 0 : i32
      %dma_wait3A_320 = tpu.memref_slice %arg7[%cond3A, %dma_wait3A_318, %dma_wait3A_319] : memref<3x128x128xf32, #tpu.memory_space<vmem>> -> memref<1x128x128xf32, #tpu.memory_space<vmem>>
      %dma_wait3A_321 = tpu.memref_squeeze %dma_wait3A_320 : memref<1x128x128xf32, #tpu.memory_space<vmem>> -> memref<128x128xf32, #tpu.memory_space<vmem>>
      %dma_wait3A_322 = arith.constant 0 : i32
      %dma_wait3A_323 = arith.constant 0 : i32
      %dma_wait3A_324 = tpu.memref_slice %dma_wait3A_321[%dma_wait3A_322, %dma_wait3A_323] : memref<128x128xf32, #tpu.memory_space<vmem>> -> memref<112x128xf32, #tpu.memory_space<vmem>>
      tpu.wait_dma2 semaphore(%dma_wait3A_315 : memref<!tpu.dma_semaphore, #tpu.memory_space<semaphore_mem>>) src(%dma_wait3A_324 : memref<112x128xf32, #tpu.memory_space<vmem>>) dst(%dma_wait3A_317 : memref<112x128xf32, #tpu.memory_space<vmem_shared>>)
    } else {
    }
    %eq3A = arith.constant 15 : i32
    %eq3A_50 = arith.cmpi eq, %arg1, %eq3A : i32
    %convert_element_type3A_51 = arith.extui %eq3A_50 : i1 to i32
    %cond3A_52 = arith.constant 0 : i32
    %cond3A_53 = arith.constant 0 : i32
    %cond3A_54 = arith.cmpi ne, %convert_element_type3A_51, %cond3A_53 : i32
    scf.if %cond3A_54 {
      %add3A_151 = arith.constant 0 : i32
      %add3A_152 = arith.addi %mul3A_45, %add3A_151 : i32
      %dma_start3A_153 = arith.constant 0 : i32
      %dma_start3A_154 = arith.constant 0 : i32
      %dma_start3A_155 = arith.constant 0 : i32
      %dma_start3A_156 = tpu.memref_slice %arg7[%cond3A_52, %dma_start3A_154, %dma_start3A_155] : memref<3x128x128xf32, #tpu.memory_space<vmem>> -> memref<1x128x128xf32, #tpu.memory_space<vmem>>
      %dma_start3A_157 = tpu.memref_squeeze %dma_start3A_156 : memref<1x128x128xf32, #tpu.memory_space<vmem>> -> memref<128x128xf32, #tpu.memory_space<vmem>>
      %dma_start3A_158 = arith.constant 0 : i32
      %dma_start3A_159 = tpu.memref_slice %arg11[%add3A_152, %dma_start3A_158] : memref<10000x128xf32, #tpu.memory_space<vmem_shared>> -> memref<128x128xf32, #tpu.memory_space<vmem_shared>>
      %dma_start3A_160 = tpu.memref_slice %arg10[%dma_start3A_153] : memref<3x!tpu.dma_semaphore, #tpu.memory_space<semaphore_mem>> -> memref<1x!tpu.dma_semaphore, #tpu.memory_space<semaphore_mem>>
      %dma_start3A_161 = tpu.memref_squeeze %dma_start3A_160 : memref<1x!tpu.dma_semaphore, #tpu.memory_space<semaphore_mem>> -> memref<!tpu.dma_semaphore, #tpu.memory_space<semaphore_mem>>
      %dma_start3A_162 = arith.constant 0 : i32
      %dma_start3A_163 = tpu.memref_slice %arg11[%add3A_152, %dma_start3A_162] : memref<10000x128xf32, #tpu.memory_space<vmem_shared>> -> memref<128x128xf32, #tpu.memory_space<vmem_shared>>
      %dma_start3A_164 = arith.constant 0 : i32
      %dma_start3A_165 = arith.constant 0 : i32
      %dma_start3A_166 = tpu.memref_slice %arg7[%cond3A_52, %dma_start3A_164, %dma_start3A_165] : memref<3x128x128xf32, #tpu.memory_space<vmem>> -> memref<1x128x128xf32, #tpu.memory_space<vmem>>
      %dma_start3A_167 = tpu.memref_squeeze %dma_start3A_166 : memref<1x128x128xf32, #tpu.memory_space<vmem>> -> memref<128x128xf32, #tpu.memory_space<vmem>>
      tpu.enqueue_dma source(%dma_start3A_167 : memref<128x128xf32, #tpu.memory_space<vmem>>) target(%dma_start3A_163 : memref<128x128xf32, #tpu.memory_space<vmem_shared>>) target_semaphore(%dma_start3A_161 : memref<!tpu.dma_semaphore, #tpu.memory_space<semaphore_mem>>)
      %add3A_168 = arith.constant 128 : i32
      %add3A_169 = arith.addi %mul3A_45, %add3A_168 : i32
      %dma_start3A_170 = arith.constant 0 : i32
      %dma_start3A_171 = arith.constant 0 : i32
      %dma_start3A_172 = arith.constant 0 : i32
      %dma_start3A_173 = tpu.memref_slice %arg7[%cond3A_52, %dma_start3A_171, %dma_start3A_172] : memref<3x128x128xf32, #tpu.memory_space<vmem>> -> memref<1x128x128xf32, #tpu.memory_space<vmem>>
      %dma_start3A_174 = tpu.memref_squeeze %dma_start3A_173 : memref<1x128x128xf32, #tpu.memory_space<vmem>> -> memref<128x128xf32, #tpu.memory_space<vmem>>
      %dma_start3A_175 = arith.constant 0 : i32
      %dma_start3A_176 = tpu.memref_slice %arg11[%add3A_169, %dma_start3A_175] : memref<10000x128xf32, #tpu.memory_space<vmem_shared>> -> memref<128x128xf32, #tpu.memory_space<vmem_shared>>
      %dma_start3A_177 = tpu.memref_slice %arg10[%dma_start3A_170] : memref<3x!tpu.dma_semaphore, #tpu.memory_space<semaphore_mem>> -> memref<1x!tpu.dma_semaphore, #tpu.memory_space<semaphore_mem>>
      %dma_start3A_178 = tpu.memref_squeeze %dma_start3A_177 : memref<1x!tpu.dma_semaphore, #tpu.memory_space<semaphore_mem>> -> memref<!tpu.dma_semaphore, #tpu.memory_space<semaphore_mem>>
      %dma_start3A_179 = arith.constant 0 : i32
      %dma_start3A_180 = tpu.memref_slice %arg11[%add3A_169, %dma_start3A_179] : memref<10000x128xf32, #tpu.memory_space<vmem_shared>> -> memref<128x128xf32, #tpu.memory_space<vmem_shared>>
      %dma_start3A_181 = arith.constant 0 : i32
      %dma_start3A_182 = arith.constant 0 : i32
      %dma_start3A_183 = tpu.memref_slice %arg7[%cond3A_52, %dma_start3A_181, %dma_start3A_182] : memref<3x128x128xf32, #tpu.memory_space<vmem>> -> memref<1x128x128xf32, #tpu.memory_space<vmem>>
      %dma_start3A_184 = tpu.memref_squeeze %dma_start3A_183 : memref<1x128x128xf32, #tpu.memory_space<vmem>> -> memref<128x128xf32, #tpu.memory_space<vmem>>
      tpu.enqueue_dma source(%dma_start3A_184 : memref<128x128xf32, #tpu.memory_space<vmem>>) target(%dma_start3A_180 : memref<128x128xf32, #tpu.memory_space<vmem_shared>>) target_semaphore(%dma_start3A_178 : memref<!tpu.dma_semaphore, #tpu.memory_space<semaphore_mem>>)
      %add3A_185 = arith.constant 256 : i32
      %add3A_186 = arith.addi %mul3A_45, %add3A_185 : i32
      %dma_start3A_187 = arith.constant 0 : i32
      %dma_start3A_188 = arith.constant 0 : i32
      %dma_start3A_189 = arith.constant 0 : i32
      %dma_start3A_190 = tpu.memref_slice %arg7[%cond3A_52, %dma_start3A_188, %dma_start3A_189] : memref<3x128x128xf32, #tpu.memory_space<vmem>> -> memref<1x128x128xf32, #tpu.memory_space<vmem>>
      %dma_start3A_191 = tpu.memref_squeeze %dma_start3A_190 : memref<1x128x128xf32, #tpu.memory_space<vmem>> -> memref<128x128xf32, #tpu.memory_space<vmem>>
      %dma_start3A_192 = arith.constant 0 : i32
      %dma_start3A_193 = tpu.memref_slice %arg11[%add3A_186, %dma_start3A_192] : memref<10000x128xf32, #tpu.memory_space<vmem_shared>> -> memref<128x128xf32, #tpu.memory_space<vmem_shared>>
      %dma_start3A_194 = tpu.memref_slice %arg10[%dma_start3A_187] : memref<3x!tpu.dma_semaphore, #tpu.memory_space<semaphore_mem>> -> memref<1x!tpu.dma_semaphore, #tpu.memory_space<semaphore_mem>>
      %dma_start3A_195 = tpu.memref_squeeze %dma_start3A_194 : memref<1x!tpu.dma_semaphore, #tpu.memory_space<semaphore_mem>> -> memref<!tpu.dma_semaphore, #tpu.memory_space<semaphore_mem>>
      %dma_start3A_196 = arith.constant 0 : i32
      %dma_start3A_197 = tpu.memref_slice %arg11[%add3A_186, %dma_start3A_196] : memref<10000x128xf32, #tpu.memory_space<vmem_shared>> -> memref<128x128xf32, #tpu.memory_space<vmem_shared>>
      %dma_start3A_198 = arith.constant 0 : i32
      %dma_start3A_199 = arith.constant 0 : i32
      %dma_start3A_200 = tpu.memref_slice %arg7[%cond3A_52, %dma_start3A_198, %dma_start3A_199] : memref<3x128x128xf32, #tpu.memory_space<vmem>> -> memref<1x128x128xf32, #tpu.memory_space<vmem>>
      %dma_start3A_201 = tpu.memref_squeeze %dma_start3A_200 : memref<1x128x128xf32, #tpu.memory_space<vmem>> -> memref<128x128xf32, #tpu.memory_space<vmem>>
      tpu.enqueue_dma source(%dma_start3A_201 : memref<128x128xf32, #tpu.memory_space<vmem>>) target(%dma_start3A_197 : memref<128x128xf32, #tpu.memory_space<vmem_shared>>) target_semaphore(%dma_start3A_195 : memref<!tpu.dma_semaphore, #tpu.memory_space<semaphore_mem>>)
      %add3A_202 = arith.constant 384 : i32
      %add3A_203 = arith.addi %mul3A_45, %add3A_202 : i32
      %dma_start3A_204 = arith.constant 0 : i32
      %dma_start3A_205 = arith.constant 0 : i32
      %dma_start3A_206 = arith.constant 0 : i32
      %dma_start3A_207 = tpu.memref_slice %arg7[%cond3A_52, %dma_start3A_205, %dma_start3A_206] : memref<3x128x128xf32, #tpu.memory_space<vmem>> -> memref<1x128x128xf32, #tpu.memory_space<vmem>>
      %dma_start3A_208 = tpu.memref_squeeze %dma_start3A_207 : memref<1x128x128xf32, #tpu.memory_space<vmem>> -> memref<128x128xf32, #tpu.memory_space<vmem>>
      %dma_start3A_209 = arith.constant 0 : i32
      %dma_start3A_210 = tpu.memref_slice %arg11[%add3A_203, %dma_start3A_209] : memref<10000x128xf32, #tpu.memory_space<vmem_shared>> -> memref<128x128xf32, #tpu.memory_space<vmem_shared>>
      %dma_start3A_211 = tpu.memref_slice %arg10[%dma_start3A_204] : memref<3x!tpu.dma_semaphore, #tpu.memory_space<semaphore_mem>> -> memref<1x!tpu.dma_semaphore, #tpu.memory_space<semaphore_mem>>
      %dma_start3A_212 = tpu.memref_squeeze %dma_start3A_211 : memref<1x!tpu.dma_semaphore, #tpu.memory_space<semaphore_mem>> -> memref<!tpu.dma_semaphore, #tpu.memory_space<semaphore_mem>>
      %dma_start3A_213 = arith.constant 0 : i32
      %dma_start3A_214 = tpu.memref_slice %arg11[%add3A_203, %dma_start3A_213] : memref<10000x128xf32, #tpu.memory_space<vmem_shared>> -> memref<128x128xf32, #tpu.memory_space<vmem_shared>>
      %dma_start3A_215 = arith.constant 0 : i32
      %dma_start3A_216 = arith.constant 0 : i32
      %dma_start3A_217 = tpu.memref_slice %arg7[%cond3A_52, %dma_start3A_215, %dma_start3A_216] : memref<3x128x128xf32, #tpu.memory_space<vmem>> -> memref<1x128x128xf32, #tpu.memory_space<vmem>>
      %dma_start3A_218 = tpu.memref_squeeze %dma_start3A_217 : memref<1x128x128xf32, #tpu.memory_space<vmem>> -> memref<128x128xf32, #tpu.memory_space<vmem>>
      tpu.enqueue_dma source(%dma_start3A_218 : memref<128x128xf32, #tpu.memory_space<vmem>>) target(%dma_start3A_214 : memref<128x128xf32, #tpu.memory_space<vmem_shared>>) target_semaphore(%dma_start3A_212 : memref<!tpu.dma_semaphore, #tpu.memory_space<semaphore_mem>>)
      %add3A_219 = arith.constant 512 : i32
      %add3A_220 = arith.addi %mul3A_45, %add3A_219 : i32
      %dma_start3A_221 = arith.constant 0 : i32
      %dma_start3A_222 = arith.constant 0 : i32
      %dma_start3A_223 = arith.constant 0 : i32
      %dma_start3A_224 = tpu.memref_slice %arg7[%cond3A_52, %dma_start3A_222, %dma_start3A_223] : memref<3x128x128xf32, #tpu.memory_space<vmem>> -> memref<1x128x128xf32, #tpu.memory_space<vmem>>
      %dma_start3A_225 = tpu.memref_squeeze %dma_start3A_224 : memref<1x128x128xf32, #tpu.memory_space<vmem>> -> memref<128x128xf32, #tpu.memory_space<vmem>>
      %dma_start3A_226 = arith.constant 0 : i32
      %dma_start3A_227 = tpu.memref_slice %arg11[%add3A_220, %dma_start3A_226] : memref<10000x128xf32, #tpu.memory_space<vmem_shared>> -> memref<128x128xf32, #tpu.memory_space<vmem_shared>>
      %dma_start3A_228 = tpu.memref_slice %arg10[%dma_start3A_221] : memref<3x!tpu.dma_semaphore, #tpu.memory_space<semaphore_mem>> -> memref<1x!tpu.dma_semaphore, #tpu.memory_space<semaphore_mem>>
      %dma_start3A_229 = tpu.memref_squeeze %dma_start3A_228 : memref<1x!tpu.dma_semaphore, #tpu.memory_space<semaphore_mem>> -> memref<!tpu.dma_semaphore, #tpu.memory_space<semaphore_mem>>
      %dma_start3A_230 = arith.constant 0 : i32
      %dma_start3A_231 = tpu.memref_slice %arg11[%add3A_220, %dma_start3A_230] : memref<10000x128xf32, #tpu.memory_space<vmem_shared>> -> memref<128x128xf32, #tpu.memory_space<vmem_shared>>
      %dma_start3A_232 = arith.constant 0 : i32
      %dma_start3A_233 = arith.constant 0 : i32
      %dma_start3A_234 = tpu.memref_slice %arg7[%cond3A_52, %dma_start3A_232, %dma_start3A_233] : memref<3x128x128xf32, #tpu.memory_space<vmem>> -> memref<1x128x128xf32, #tpu.memory_space<vmem>>
      %dma_start3A_235 = tpu.memref_squeeze %dma_start3A_234 : memref<1x128x128xf32, #tpu.memory_space<vmem>> -> memref<128x128xf32, #tpu.memory_space<vmem>>
      tpu.enqueue_dma source(%dma_start3A_235 : memref<128x128xf32, #tpu.memory_space<vmem>>) target(%dma_start3A_231 : memref<128x128xf32, #tpu.memory_space<vmem_shared>>) target_semaphore(%dma_start3A_229 : memref<!tpu.dma_semaphore, #tpu.memory_space<semaphore_mem>>)
      %dma_wait3A_236 = arith.constant 0 : i32
      %dma_wait3A_237 = arith.constant 0 : i32
      %dma_wait3A_238 = arith.constant 0 : i32
      %dma_wait3A_239 = tpu.memref_slice %arg7[%cond3A_52, %dma_wait3A_237, %dma_wait3A_238] : memref<3x128x128xf32, #tpu.memory_space<vmem>> -> memref<1x128x128xf32, #tpu.memory_space<vmem>>
      %dma_wait3A_240 = tpu.memref_squeeze %dma_wait3A_239 : memref<1x128x128xf32, #tpu.memory_space<vmem>> -> memref<128x128xf32, #tpu.memory_space<vmem>>
      %dma_wait3A_241 = arith.constant 0 : i32
      %dma_wait3A_242 = tpu.memref_slice %arg11[%mul3A_45, %dma_wait3A_241] : memref<10000x128xf32, #tpu.memory_space<vmem_shared>> -> memref<128x128xf32, #tpu.memory_space<vmem_shared>>
      %dma_wait3A_243 = tpu.memref_slice %arg10[%dma_wait3A_236] : memref<3x!tpu.dma_semaphore, #tpu.memory_space<semaphore_mem>> -> memref<1x!tpu.dma_semaphore, #tpu.memory_space<semaphore_mem>>
      %dma_wait3A_244 = tpu.memref_squeeze %dma_wait3A_243 : memref<1x!tpu.dma_semaphore, #tpu.memory_space<semaphore_mem>> -> memref<!tpu.dma_semaphore, #tpu.memory_space<semaphore_mem>>
      %dma_wait3A_245 = arith.constant 0 : i32
      %dma_wait3A_246 = tpu.memref_slice %arg11[%mul3A_45, %dma_wait3A_245] : memref<10000x128xf32, #tpu.memory_space<vmem_shared>> -> memref<128x128xf32, #tpu.memory_space<vmem_shared>>
      %dma_wait3A_247 = arith.constant 0 : i32
      %dma_wait3A_248 = arith.constant 0 : i32
      %dma_wait3A_249 = tpu.memref_slice %arg7[%cond3A_52, %dma_wait3A_247, %dma_wait3A_248] : memref<3x128x128xf32, #tpu.memory_space<vmem>> -> memref<1x128x128xf32, #tpu.memory_space<vmem>>
      %dma_wait3A_250 = tpu.memref_squeeze %dma_wait3A_249 : memref<1x128x128xf32, #tpu.memory_space<vmem>> -> memref<128x128xf32, #tpu.memory_space<vmem>>
      tpu.wait_dma2 semaphore(%dma_wait3A_244 : memref<!tpu.dma_semaphore, #tpu.memory_space<semaphore_mem>>) src(%dma_wait3A_250 : memref<128x128xf32, #tpu.memory_space<vmem>>) dst(%dma_wait3A_246 : memref<128x128xf32, #tpu.memory_space<vmem_shared>>)
      %dma_wait3A_251 = arith.constant 0 : i32
      %dma_wait3A_252 = arith.constant 0 : i32
      %dma_wait3A_253 = arith.constant 0 : i32
      %dma_wait3A_254 = tpu.memref_slice %arg7[%cond3A_52, %dma_wait3A_252, %dma_wait3A_253] : memref<3x128x128xf32, #tpu.memory_space<vmem>> -> memref<1x128x128xf32, #tpu.memory_space<vmem>>
      %dma_wait3A_255 = tpu.memref_squeeze %dma_wait3A_254 : memref<1x128x128xf32, #tpu.memory_space<vmem>> -> memref<128x128xf32, #tpu.memory_space<vmem>>
      %dma_wait3A_256 = arith.constant 0 : i32
      %dma_wait3A_257 = tpu.memref_slice %arg11[%mul3A_45, %dma_wait3A_256] : memref<10000x128xf32, #tpu.memory_space<vmem_shared>> -> memref<128x128xf32, #tpu.memory_space<vmem_shared>>
      %dma_wait3A_258 = tpu.memref_slice %arg10[%dma_wait3A_251] : memref<3x!tpu.dma_semaphore, #tpu.memory_space<semaphore_mem>> -> memref<1x!tpu.dma_semaphore, #tpu.memory_space<semaphore_mem>>
      %dma_wait3A_259 = tpu.memref_squeeze %dma_wait3A_258 : memref<1x!tpu.dma_semaphore, #tpu.memory_space<semaphore_mem>> -> memref<!tpu.dma_semaphore, #tpu.memory_space<semaphore_mem>>
      %dma_wait3A_260 = arith.constant 0 : i32
      %dma_wait3A_261 = tpu.memref_slice %arg11[%mul3A_45, %dma_wait3A_260] : memref<10000x128xf32, #tpu.memory_space<vmem_shared>> -> memref<128x128xf32, #tpu.memory_space<vmem_shared>>
      %dma_wait3A_262 = arith.constant 0 : i32
      %dma_wait3A_263 = arith.constant 0 : i32
      %dma_wait3A_264 = tpu.memref_slice %arg7[%cond3A_52, %dma_wait3A_262, %dma_wait3A_263] : memref<3x128x128xf32, #tpu.memory_space<vmem>> -> memref<1x128x128xf32, #tpu.memory_space<vmem>>
      %dma_wait3A_265 = tpu.memref_squeeze %dma_wait3A_264 : memref<1x128x128xf32, #tpu.memory_space<vmem>> -> memref<128x128xf32, #tpu.memory_space<vmem>>
      tpu.wait_dma2 semaphore(%dma_wait3A_259 : memref<!tpu.dma_semaphore, #tpu.memory_space<semaphore_mem>>) src(%dma_wait3A_265 : memref<128x128xf32, #tpu.memory_space<vmem>>) dst(%dma_wait3A_261 : memref<128x128xf32, #tpu.memory_space<vmem_shared>>)
      %dma_wait3A_266 = arith.constant 0 : i32
      %dma_wait3A_267 = arith.constant 0 : i32
      %dma_wait3A_268 = arith.constant 0 : i32
      %dma_wait3A_269 = tpu.memref_slice %arg7[%cond3A_52, %dma_wait3A_267, %dma_wait3A_268] : memref<3x128x128xf32, #tpu.memory_space<vmem>> -> memref<1x128x128xf32, #tpu.memory_space<vmem>>
      %dma_wait3A_270 = tpu.memref_squeeze %dma_wait3A_269 : memref<1x128x128xf32, #tpu.memory_space<vmem>> -> memref<128x128xf32, #tpu.memory_space<vmem>>
      %dma_wait3A_271 = arith.constant 0 : i32
      %dma_wait3A_272 = tpu.memref_slice %arg11[%mul3A_45, %dma_wait3A_271] : memref<10000x128xf32, #tpu.memory_space<vmem_shared>> -> memref<128x128xf32, #tpu.memory_space<vmem_shared>>
      %dma_wait3A_273 = tpu.memref_slice %arg10[%dma_wait3A_266] : memref<3x!tpu.dma_semaphore, #tpu.memory_space<semaphore_mem>> -> memref<1x!tpu.dma_semaphore, #tpu.memory_space<semaphore_mem>>
      %dma_wait3A_274 = tpu.memref_squeeze %dma_wait3A_273 : memref<1x!tpu.dma_semaphore, #tpu.memory_space<semaphore_mem>> -> memref<!tpu.dma_semaphore, #tpu.memory_space<semaphore_mem>>
      %dma_wait3A_275 = arith.constant 0 : i32
      %dma_wait3A_276 = tpu.memref_slice %arg11[%mul3A_45, %dma_wait3A_275] : memref<10000x128xf32, #tpu.memory_space<vmem_shared>> -> memref<128x128xf32, #tpu.memory_space<vmem_shared>>
      %dma_wait3A_277 = arith.constant 0 : i32
      %dma_wait3A_278 = arith.constant 0 : i32
      %dma_wait3A_279 = tpu.memref_slice %arg7[%cond3A_52, %dma_wait3A_277, %dma_wait3A_278] : memref<3x128x128xf32, #tpu.memory_space<vmem>> -> memref<1x128x128xf32, #tpu.memory_space<vmem>>
      %dma_wait3A_280 = tpu.memref_squeeze %dma_wait3A_279 : memref<1x128x128xf32, #tpu.memory_space<vmem>> -> memref<128x128xf32, #tpu.memory_space<vmem>>
      tpu.wait_dma2 semaphore(%dma_wait3A_274 : memref<!tpu.dma_semaphore, #tpu.memory_space<semaphore_mem>>) src(%dma_wait3A_280 : memref<128x128xf32, #tpu.memory_space<vmem>>) dst(%dma_wait3A_276 : memref<128x128xf32, #tpu.memory_space<vmem_shared>>)
      %dma_wait3A_281 = arith.constant 0 : i32
      %dma_wait3A_282 = arith.constant 0 : i32
      %dma_wait3A_283 = arith.constant 0 : i32
      %dma_wait3A_284 = tpu.memref_slice %arg7[%cond3A_52, %dma_wait3A_282, %dma_wait3A_283] : memref<3x128x128xf32, #tpu.memory_space<vmem>> -> memref<1x128x128xf32, #tpu.memory_space<vmem>>
      %dma_wait3A_285 = tpu.memref_squeeze %dma_wait3A_284 : memref<1x128x128xf32, #tpu.memory_space<vmem>> -> memref<128x128xf32, #tpu.memory_space<vmem>>
      %dma_wait3A_286 = arith.constant 0 : i32
      %dma_wait3A_287 = tpu.memref_slice %arg11[%mul3A_45, %dma_wait3A_286] : memref<10000x128xf32, #tpu.memory_space<vmem_shared>> -> memref<128x128xf32, #tpu.memory_space<vmem_shared>>
      %dma_wait3A_288 = tpu.memref_slice %arg10[%dma_wait3A_281] : memref<3x!tpu.dma_semaphore, #tpu.memory_space<semaphore_mem>> -> memref<1x!tpu.dma_semaphore, #tpu.memory_space<semaphore_mem>>
      %dma_wait3A_289 = tpu.memref_squeeze %dma_wait3A_288 : memref<1x!tpu.dma_semaphore, #tpu.memory_space<semaphore_mem>> -> memref<!tpu.dma_semaphore, #tpu.memory_space<semaphore_mem>>
      %dma_wait3A_290 = arith.constant 0 : i32
      %dma_wait3A_291 = tpu.memref_slice %arg11[%mul3A_45, %dma_wait3A_290] : memref<10000x128xf32, #tpu.memory_space<vmem_shared>> -> memref<128x128xf32, #tpu.memory_space<vmem_shared>>
      %dma_wait3A_292 = arith.constant 0 : i32
      %dma_wait3A_293 = arith.constant 0 : i32
      %dma_wait3A_294 = tpu.memref_slice %arg7[%cond3A_52, %dma_wait3A_292, %dma_wait3A_293] : memref<3x128x128xf32, #tpu.memory_space<vmem>> -> memref<1x128x128xf32, #tpu.memory_space<vmem>>
      %dma_wait3A_295 = tpu.memref_squeeze %dma_wait3A_294 : memref<1x128x128xf32, #tpu.memory_space<vmem>> -> memref<128x128xf32, #tpu.memory_space<vmem>>
      tpu.wait_dma2 semaphore(%dma_wait3A_289 : memref<!tpu.dma_semaphore, #tpu.memory_space<semaphore_mem>>) src(%dma_wait3A_295 : memref<128x128xf32, #tpu.memory_space<vmem>>) dst(%dma_wait3A_291 : memref<128x128xf32, #tpu.memory_space<vmem_shared>>)
      %dma_wait3A_296 = arith.constant 0 : i32
      %dma_wait3A_297 = arith.constant 0 : i32
      %dma_wait3A_298 = arith.constant 0 : i32
      %dma_wait3A_299 = tpu.memref_slice %arg7[%cond3A_52, %dma_wait3A_297, %dma_wait3A_298] : memref<3x128x128xf32, #tpu.memory_space<vmem>> -> memref<1x128x128xf32, #tpu.memory_space<vmem>>
      %dma_wait3A_300 = tpu.memref_squeeze %dma_wait3A_299 : memref<1x128x128xf32, #tpu.memory_space<vmem>> -> memref<128x128xf32, #tpu.memory_space<vmem>>
      %dma_wait3A_301 = arith.constant 0 : i32
      %dma_wait3A_302 = tpu.memref_slice %arg11[%mul3A_45, %dma_wait3A_301] : memref<10000x128xf32, #tpu.memory_space<vmem_shared>> -> memref<128x128xf32, #tpu.memory_space<vmem_shared>>
      %dma_wait3A_303 = tpu.memref_slice %arg10[%dma_wait3A_296] : memref<3x!tpu.dma_semaphore, #tpu.memory_space<semaphore_mem>> -> memref<1x!tpu.dma_semaphore, #tpu.memory_space<semaphore_mem>>
      %dma_wait3A_304 = tpu.memref_squeeze %dma_wait3A_303 : memref<1x!tpu.dma_semaphore, #tpu.memory_space<semaphore_mem>> -> memref<!tpu.dma_semaphore, #tpu.memory_space<semaphore_mem>>
      %dma_wait3A_305 = arith.constant 0 : i32
      %dma_wait3A_306 = tpu.memref_slice %arg11[%mul3A_45, %dma_wait3A_305] : memref<10000x128xf32, #tpu.memory_space<vmem_shared>> -> memref<128x128xf32, #tpu.memory_space<vmem_shared>>
      %dma_wait3A_307 = arith.constant 0 : i32
      %dma_wait3A_308 = arith.constant 0 : i32
      %dma_wait3A_309 = tpu.memref_slice %arg7[%cond3A_52, %dma_wait3A_307, %dma_wait3A_308] : memref<3x128x128xf32, #tpu.memory_space<vmem>> -> memref<1x128x128xf32, #tpu.memory_space<vmem>>
      %dma_wait3A_310 = tpu.memref_squeeze %dma_wait3A_309 : memref<1x128x128xf32, #tpu.memory_space<vmem>> -> memref<128x128xf32, #tpu.memory_space<vmem>>
      tpu.wait_dma2 semaphore(%dma_wait3A_304 : memref<!tpu.dma_semaphore, #tpu.memory_space<semaphore_mem>>) src(%dma_wait3A_310 : memref<128x128xf32, #tpu.memory_space<vmem>>) dst(%dma_wait3A_306 : memref<128x128xf32, #tpu.memory_space<vmem_shared>>)
    } else {
    }
    %barrier3A = arith.constant 0 : index
    tpu.barrier barrier_id(%barrier3A)
    %dma_wait3A = arith.constant 0 : i32
    %dma_wait3A_55 = arith.constant 0 : i32
    %dma_wait3A_56 = arith.constant 0 : i32
    %dma_wait3A_57 = arith.constant 0 : i32
    %dma_wait3A_58 = tpu.memref_slice %arg6[%dma_wait3A, %dma_wait3A_56, %dma_wait3A_57] : memref<4x2x128xi32, #tpu.memory_space<vmem>> -> memref<1x2x128xi32, #tpu.memory_space<vmem>>
    %dma_wait3A_59 = tpu.memref_squeeze %dma_wait3A_58 : memref<1x2x128xi32, #tpu.memory_space<vmem>> -> memref<2x128xi32, #tpu.memory_space<vmem>>
    %dma_wait3A_60 = arith.constant 0 : i32
    %dma_wait3A_61 = arith.constant 0 : i32
    %dma_wait3A_62 = tpu.memref_slice %arg3[%dma_wait3A_60, %dma_wait3A_61] : memref<2x320000xi32, #tpu.memory_space<hbm>> -> memref<2x128xi32, #tpu.memory_space<hbm>>
    %dma_wait3A_63 = tpu.memref_slice %arg8[%dma_wait3A_55] : memref<4x!tpu.dma_semaphore, #tpu.memory_space<semaphore_mem>> -> memref<1x!tpu.dma_semaphore, #tpu.memory_space<semaphore_mem>>
    %dma_wait3A_64 = tpu.memref_squeeze %dma_wait3A_63 : memref<1x!tpu.dma_semaphore, #tpu.memory_space<semaphore_mem>> -> memref<!tpu.dma_semaphore, #tpu.memory_space<semaphore_mem>>
    %dma_wait3A_65 = arith.constant 0 : i32
    %dma_wait3A_66 = arith.constant 0 : i32
    %dma_wait3A_67 = tpu.memref_slice %arg6[%dma_wait3A, %dma_wait3A_65, %dma_wait3A_66] : memref<4x2x128xi32, #tpu.memory_space<vmem>> -> memref<1x2x128xi32, #tpu.memory_space<vmem>>
    %dma_wait3A_68 = tpu.memref_squeeze %dma_wait3A_67 : memref<1x2x128xi32, #tpu.memory_space<vmem>> -> memref<2x128xi32, #tpu.memory_space<vmem>>
    %dma_wait3A_69 = arith.constant 0 : i32
    %dma_wait3A_70 = arith.constant 0 : i32
    %dma_wait3A_71 = tpu.memref_slice %arg3[%dma_wait3A_69, %dma_wait3A_70] : memref<2x320000xi32, #tpu.memory_space<hbm>> -> memref<2x128xi32, #tpu.memory_space<hbm>>
    tpu.wait_dma2 semaphore(%dma_wait3A_64 : memref<!tpu.dma_semaphore, #tpu.memory_space<semaphore_mem>>) src(%dma_wait3A_71 : memref<2x128xi32, #tpu.memory_space<hbm>>) dst(%dma_wait3A_68 : memref<2x128xi32, #tpu.memory_space<vmem>>)
    %rem3A = arith.constant 0 : i32
    %rem3A_72 = arith.constant 3 : i32
    %rem3A_73 = arith.remsi %rem3A, %rem3A_72 : i32
    %rem3A_74 = arith.constant 0 : i32
    %rem3A_75 = arith.constant 3 : i32
    %rem3A_76 = arith.remsi %rem3A_74, %rem3A_75 : i32
    %dma_start3A_77 = arith.constant 0 : i32
    %dma_start3A_78 = arith.constant 0 : i32
    %dma_start3A_79 = arith.constant 0 : i32
    %dma_start3A_80 = arith.constant 0 : i32
    %dma_start3A_81 = tpu.memref_slice %arg7[%rem3A_73, %dma_start3A_79, %dma_start3A_80] : memref<3x128x128xf32, #tpu.memory_space<vmem>> -> memref<1x128x128xf32, #tpu.memory_space<vmem>>
    %dma_start3A_82 = tpu.memref_squeeze %dma_start3A_81 : memref<1x128x128xf32, #tpu.memory_space<vmem>> -> memref<128x128xf32, #tpu.memory_space<vmem>>
    %dma_start3A_83 = arith.constant 0 : i32
    %dma_start3A_84 = tpu.memref_slice %arg6[%dma_start3A_77, %dma_start3A_78, %dma_start3A_83] : memref<4x2x128xi32, #tpu.memory_space<vmem>> -> memref<1x1x128xi32, #tpu.memory_space<vmem>>
    %dma_start3A_85 = tpu.memref_squeeze %dma_start3A_84 : memref<1x1x128xi32, #tpu.memory_space<vmem>> -> memref<128xi32, #tpu.memory_space<vmem>>
    %dma_start3A_86 = arith.constant 0 : i32
    %dma_start3A_87 = arith.constant 0 : i32
    %dma_start3A_88 = tpu.memref_slice %arg2[%dma_start3A_86, %dma_start3A_87] : memref<10000x128xf32, #tpu.memory_space<hbm>> -> memref<10000x128xf32, #tpu.memory_space<hbm>>
    %dma_start3A_89 = tpu.memref_slice %arg9[%rem3A_76] : memref<3x!tpu.dma_semaphore, #tpu.memory_space<semaphore_mem>> -> memref<1x!tpu.dma_semaphore, #tpu.memory_space<semaphore_mem>>
    %dma_start3A_90 = tpu.memref_squeeze %dma_start3A_89 : memref<1x!tpu.dma_semaphore, #tpu.memory_space<semaphore_mem>> -> memref<!tpu.dma_semaphore, #tpu.memory_space<semaphore_mem>>
    tpu.enqueue_indirect_dma source(%dma_start3A_88 : memref<10000x128xf32, #tpu.memory_space<hbm>>) target(%dma_start3A_82 : memref<128x128xf32, #tpu.memory_space<vmem>>) offsets(%dma_start3A_85 : memref<128xi32, #tpu.memory_space<vmem>>) semaphore(%dma_start3A_90 : memref<!tpu.dma_semaphore, #tpu.memory_space<semaphore_mem>>)
    %scan3A = arith.constant 0 : i32
    %scan3A_91 = arith.constant 78 : i32
    %scan3A_92 = arith.addi %scan3A, %scan3A_91 : i32
    %scan3A_93 = arith.constant 1 : i32
    scf.for %scan3A_151 = %scan3A to %scan3A_92 step %scan3A_93  : i32 {
      %mul3A_152 = arith.constant 1 : i32
      %mul3A_153 = arith.muli %scan3A_151, %mul3A_152 : i32
      %add3A_154 = arith.constant 0 : i32
      %add3A_155 = arith.addi %add3A_154, %mul3A_153 : i32
      %ge3A = arith.constant 2 : i32
      %ge3A_156 = arith.cmpi sge, %add3A_155, %ge3A : i32
      %convert_element_type3A_157 = arith.extui %ge3A_156 : i1 to i32
      %cond3A_158 = arith.constant 0 : i32
      %cond3A_159 = arith.cmpi ne, %convert_element_type3A_157, %cond3A_158 : i32
      scf.if %cond3A_159 {
        %sub3A_210 = arith.constant 2 : i32
        %sub3A_211 = arith.subi %add3A_155, %sub3A_210 : i32
        %rem3A_212 = arith.constant 3 : i32
        %rem3A_213 = arith.remsi %sub3A_211, %rem3A_212 : i32
        %and3A_214 = arith.constant 3 : i32
        %and3A_215 = arith.andi %sub3A_211, %and3A_214 : i32
        %rem3A_216 = arith.constant 3 : i32
        %rem3A_217 = arith.remsi %sub3A_211, %rem3A_216 : i32
        %dma_wait3A_218 = arith.constant 1 : i32
        %dma_wait3A_219 = arith.constant 0 : i32
        %dma_wait3A_220 = arith.constant 0 : i32
        %dma_wait3A_221 = tpu.memref_slice %arg7[%rem3A_213, %dma_wait3A_219, %dma_wait3A_220] : memref<3x128x128xf32, #tpu.memory_space<vmem>> -> memref<1x128x128xf32, #tpu.memory_space<vmem>>
        %dma_wait3A_222 = tpu.memref_squeeze %dma_wait3A_221 : memref<1x128x128xf32, #tpu.memory_space<vmem>> -> memref<128x128xf32, #tpu.memory_space<vmem>>
        %dma_wait3A_223 = arith.constant 0 : i32
        %dma_wait3A_224 = tpu.memref_slice %arg6[%and3A_215, %dma_wait3A_218, %dma_wait3A_223] : memref<4x2x128xi32, #tpu.memory_space<vmem>> -> memref<1x1x128xi32, #tpu.memory_space<vmem>>
        %dma_wait3A_225 = tpu.memref_squeeze %dma_wait3A_224 : memref<1x1x128xi32, #tpu.memory_space<vmem>> -> memref<128xi32, #tpu.memory_space<vmem>>
        %dma_wait3A_226 = arith.constant 0 : i32
        %dma_wait3A_227 = arith.constant 0 : i32
        %dma_wait3A_228 = tpu.memref_slice %arg11[%dma_wait3A_226, %dma_wait3A_227] : memref<10000x128xf32, #tpu.memory_space<vmem_shared>> -> memref<10000x128xf32, #tpu.memory_space<vmem_shared>>
        %dma_wait3A_229 = tpu.memref_slice %arg10[%rem3A_217] : memref<3x!tpu.dma_semaphore, #tpu.memory_space<semaphore_mem>> -> memref<1x!tpu.dma_semaphore, #tpu.memory_space<semaphore_mem>>
        %dma_wait3A_230 = tpu.memref_squeeze %dma_wait3A_229 : memref<1x!tpu.dma_semaphore, #tpu.memory_space<semaphore_mem>> -> memref<!tpu.dma_semaphore, #tpu.memory_space<semaphore_mem>>
        tpu.wait_indirect_dma semaphore(%dma_wait3A_230 : memref<!tpu.dma_semaphore, #tpu.memory_space<semaphore_mem>>) src(%dma_wait3A_222 : memref<128x128xf32, #tpu.memory_space<vmem>>) dst(%dma_wait3A_228 : memref<10000x128xf32, #tpu.memory_space<vmem_shared>>)
      } else {
      }
      %add3A_160 = arith.constant 2 : i32
      %add3A_161 = arith.addi %add3A_155, %add3A_160 : i32
      %lt3A_162 = arith.cmpi slt, %add3A_161, %add3A_4 : i32
      %convert_element_type3A_163 = arith.extui %lt3A_162 : i1 to i32
      %cond3A_164 = arith.constant 0 : i32
      %cond3A_165 = arith.cmpi ne, %convert_element_type3A_163, %cond3A_164 : i32
      scf.if %cond3A_165 {
        %add3A_210 = arith.constant 2 : i32
        %add3A_211 = arith.addi %add3A_155, %add3A_210 : i32
        %mul3A_212 = arith.constant 32 : i32
        %mul3A_213 = arith.muli %mul3A_212, %add3A_211 : i32
        %add3A_214 = arith.addi %add3A, %mul3A_213 : i32
        %mul3A_215 = arith.constant 128 : i32
        %mul3A_216 = arith.muli %add3A_214, %mul3A_215 : i32
        %and3A_217 = arith.constant 3 : i32
        %and3A_218 = arith.andi %add3A_211, %and3A_217 : i32
        %and3A_219 = arith.constant 3 : i32
        %and3A_220 = arith.andi %add3A_211, %and3A_219 : i32
        %dma_start3A_221 = arith.constant 0 : i32
        %dma_start3A_222 = arith.constant 0 : i32
        %dma_start3A_223 = tpu.memref_slice %arg6[%and3A_218, %dma_start3A_221, %dma_start3A_222] : memref<4x2x128xi32, #tpu.memory_space<vmem>> -> memref<1x2x128xi32, #tpu.memory_space<vmem>>
        %dma_start3A_224 = tpu.memref_squeeze %dma_start3A_223 : memref<1x2x128xi32, #tpu.memory_space<vmem>> -> memref<2x128xi32, #tpu.memory_space<vmem>>
        %dma_start3A_225 = arith.constant 0 : i32
        %dma_start3A_226 = tpu.memref_slice %arg3[%dma_start3A_225, %mul3A_216] : memref<2x320000xi32, #tpu.memory_space<hbm>> -> memref<2x128xi32, #tpu.memory_space<hbm>>
        %dma_start3A_227 = tpu.memref_slice %arg8[%and3A_220] : memref<4x!tpu.dma_semaphore, #tpu.memory_space<semaphore_mem>> -> memref<1x!tpu.dma_semaphore, #tpu.memory_space<semaphore_mem>>
        %dma_start3A_228 = tpu.memref_squeeze %dma_start3A_227 : memref<1x!tpu.dma_semaphore, #tpu.memory_space<semaphore_mem>> -> memref<!tpu.dma_semaphore, #tpu.memory_space<semaphore_mem>>
        %dma_start3A_229 = arith.constant 0 : i32
        %dma_start3A_230 = arith.constant 0 : i32
        %dma_start3A_231 = tpu.memref_slice %arg6[%and3A_218, %dma_start3A_229, %dma_start3A_230] : memref<4x2x128xi32, #tpu.memory_space<vmem>> -> memref<1x2x128xi32, #tpu.memory_space<vmem>>
        %dma_start3A_232 = tpu.memref_squeeze %dma_start3A_231 : memref<1x2x128xi32, #tpu.memory_space<vmem>> -> memref<2x128xi32, #tpu.memory_space<vmem>>
        %dma_start3A_233 = arith.constant 0 : i32
        %dma_start3A_234 = tpu.memref_slice %arg3[%dma_start3A_233, %mul3A_216] : memref<2x320000xi32, #tpu.memory_space<hbm>> -> memref<2x128xi32, #tpu.memory_space<hbm>>
        tpu.enqueue_dma source(%dma_start3A_234 : memref<2x128xi32, #tpu.memory_space<hbm>>) target(%dma_start3A_232 : memref<2x128xi32, #tpu.memory_space<vmem>>) target_semaphore(%dma_start3A_228 : memref<!tpu.dma_semaphore, #tpu.memory_space<semaphore_mem>>)
      } else {
      }
      %add3A_166 = arith.constant 1 : i32
      %add3A_167 = arith.addi %add3A_155, %add3A_166 : i32
      %lt3A_168 = arith.cmpi slt, %add3A_167, %add3A_4 : i32
      %convert_element_type3A_169 = arith.extui %lt3A_168 : i1 to i32
      %cond3A_170 = arith.constant 0 : i32
      %cond3A_171 = arith.cmpi ne, %convert_element_type3A_169, %cond3A_170 : i32
      scf.if %cond3A_171 {
        %add3A_210 = arith.constant 1 : i32
        %add3A_211 = arith.addi %add3A_155, %add3A_210 : i32
        %and3A_212 = arith.constant 3 : i32
        %and3A_213 = arith.andi %add3A_211, %and3A_212 : i32
        %and3A_214 = arith.constant 3 : i32
        %and3A_215 = arith.andi %add3A_211, %and3A_214 : i32
        %dma_wait3A_216 = arith.constant 0 : i32
        %dma_wait3A_217 = arith.constant 0 : i32
        %dma_wait3A_218 = tpu.memref_slice %arg6[%and3A_213, %dma_wait3A_216, %dma_wait3A_217] : memref<4x2x128xi32, #tpu.memory_space<vmem>> -> memref<1x2x128xi32, #tpu.memory_space<vmem>>
        %dma_wait3A_219 = tpu.memref_squeeze %dma_wait3A_218 : memref<1x2x128xi32, #tpu.memory_space<vmem>> -> memref<2x128xi32, #tpu.memory_space<vmem>>
        %dma_wait3A_220 = arith.constant 0 : i32
        %dma_wait3A_221 = arith.constant 0 : i32
        %dma_wait3A_222 = tpu.memref_slice %arg3[%dma_wait3A_220, %dma_wait3A_221] : memref<2x320000xi32, #tpu.memory_space<hbm>> -> memref<2x128xi32, #tpu.memory_space<hbm>>
        %dma_wait3A_223 = tpu.memref_slice %arg8[%and3A_215] : memref<4x!tpu.dma_semaphore, #tpu.memory_space<semaphore_mem>> -> memref<1x!tpu.dma_semaphore, #tpu.memory_space<semaphore_mem>>
        %dma_wait3A_224 = tpu.memref_squeeze %dma_wait3A_223 : memref<1x!tpu.dma_semaphore, #tpu.memory_space<semaphore_mem>> -> memref<!tpu.dma_semaphore, #tpu.memory_space<semaphore_mem>>
        %dma_wait3A_225 = arith.constant 0 : i32
        %dma_wait3A_226 = arith.constant 0 : i32
        %dma_wait3A_227 = tpu.memref_slice %arg6[%and3A_213, %dma_wait3A_225, %dma_wait3A_226] : memref<4x2x128xi32, #tpu.memory_space<vmem>> -> memref<1x2x128xi32, #tpu.memory_space<vmem>>
        %dma_wait3A_228 = tpu.memref_squeeze %dma_wait3A_227 : memref<1x2x128xi32, #tpu.memory_space<vmem>> -> memref<2x128xi32, #tpu.memory_space<vmem>>
        %dma_wait3A_229 = arith.constant 0 : i32
        %dma_wait3A_230 = arith.constant 0 : i32
        %dma_wait3A_231 = tpu.memref_slice %arg3[%dma_wait3A_229, %dma_wait3A_230] : memref<2x320000xi32, #tpu.memory_space<hbm>> -> memref<2x128xi32, #tpu.memory_space<hbm>>
        tpu.wait_dma2 semaphore(%dma_wait3A_224 : memref<!tpu.dma_semaphore, #tpu.memory_space<semaphore_mem>>) src(%dma_wait3A_231 : memref<2x128xi32, #tpu.memory_space<hbm>>) dst(%dma_wait3A_228 : memref<2x128xi32, #tpu.memory_space<vmem>>)
        %add3A_232 = arith.constant 1 : i32
        %add3A_233 = arith.addi %add3A_155, %add3A_232 : i32
        %and3A_234 = arith.constant 3 : i32
        %and3A_235 = arith.andi %add3A_233, %and3A_234 : i32
        %rem3A_236 = arith.constant 3 : i32
        %rem3A_237 = arith.remsi %add3A_233, %rem3A_236 : i32
        %rem3A_238 = arith.constant 3 : i32
        %rem3A_239 = arith.remsi %add3A_233, %rem3A_238 : i32
        %dma_start3A_240 = arith.constant 0 : i32
        %dma_start3A_241 = arith.constant 0 : i32
        %dma_start3A_242 = arith.constant 0 : i32
        %dma_start3A_243 = tpu.memref_slice %arg7[%rem3A_237, %dma_start3A_241, %dma_start3A_242] : memref<3x128x128xf32, #tpu.memory_space<vmem>> -> memref<1x128x128xf32, #tpu.memory_space<vmem>>
        %dma_start3A_244 = tpu.memref_squeeze %dma_start3A_243 : memref<1x128x128xf32, #tpu.memory_space<vmem>> -> memref<128x128xf32, #tpu.memory_space<vmem>>
        %dma_start3A_245 = arith.constant 0 : i32
        %dma_start3A_246 = tpu.memref_slice %arg6[%and3A_235, %dma_start3A_240, %dma_start3A_245] : memref<4x2x128xi32, #tpu.memory_space<vmem>> -> memref<1x1x128xi32, #tpu.memory_space<vmem>>
        %dma_start3A_247 = tpu.memref_squeeze %dma_start3A_246 : memref<1x1x128xi32, #tpu.memory_space<vmem>> -> memref<128xi32, #tpu.memory_space<vmem>>
        %dma_start3A_248 = arith.constant 0 : i32
        %dma_start3A_249 = arith.constant 0 : i32
        %dma_start3A_250 = tpu.memref_slice %arg2[%dma_start3A_248, %dma_start3A_249] : memref<10000x128xf32, #tpu.memory_space<hbm>> -> memref<10000x128xf32, #tpu.memory_space<hbm>>
        %dma_start3A_251 = tpu.memref_slice %arg9[%rem3A_239] : memref<3x!tpu.dma_semaphore, #tpu.memory_space<semaphore_mem>> -> memref<1x!tpu.dma_semaphore, #tpu.memory_space<semaphore_mem>>
        %dma_start3A_252 = tpu.memref_squeeze %dma_start3A_251 : memref<1x!tpu.dma_semaphore, #tpu.memory_space<semaphore_mem>> -> memref<!tpu.dma_semaphore, #tpu.memory_space<semaphore_mem>>
        tpu.enqueue_indirect_dma source(%dma_start3A_250 : memref<10000x128xf32, #tpu.memory_space<hbm>>) target(%dma_start3A_244 : memref<128x128xf32, #tpu.memory_space<vmem>>) offsets(%dma_start3A_247 : memref<128xi32, #tpu.memory_space<vmem>>) semaphore(%dma_start3A_252 : memref<!tpu.dma_semaphore, #tpu.memory_space<semaphore_mem>>)
      } else {
      }
      %and3A_172 = arith.constant 3 : i32
      %and3A_173 = arith.andi %add3A_155, %and3A_172 : i32
      %rem3A_174 = arith.constant 3 : i32
      %rem3A_175 = arith.remsi %add3A_155, %rem3A_174 : i32
      %rem3A_176 = arith.constant 3 : i32
      %rem3A_177 = arith.remsi %add3A_155, %rem3A_176 : i32
      %dma_wait3A_178 = arith.constant 0 : i32
      %dma_wait3A_179 = arith.constant 0 : i32
      %dma_wait3A_180 = arith.constant 0 : i32
      %dma_wait3A_181 = tpu.memref_slice %arg7[%rem3A_175, %dma_wait3A_179, %dma_wait3A_180] : memref<3x128x128xf32, #tpu.memory_space<vmem>> -> memref<1x128x128xf32, #tpu.memory_space<vmem>>
      %dma_wait3A_182 = tpu.memref_squeeze %dma_wait3A_181 : memref<1x128x128xf32, #tpu.memory_space<vmem>> -> memref<128x128xf32, #tpu.memory_space<vmem>>
      %dma_wait3A_183 = arith.constant 0 : i32
      %dma_wait3A_184 = tpu.memref_slice %arg6[%and3A_173, %dma_wait3A_178, %dma_wait3A_183] : memref<4x2x128xi32, #tpu.memory_space<vmem>> -> memref<1x1x128xi32, #tpu.memory_space<vmem>>
      %dma_wait3A_185 = tpu.memref_squeeze %dma_wait3A_184 : memref<1x1x128xi32, #tpu.memory_space<vmem>> -> memref<128xi32, #tpu.memory_space<vmem>>
      %dma_wait3A_186 = arith.constant 0 : i32
      %dma_wait3A_187 = arith.constant 0 : i32
      %dma_wait3A_188 = tpu.memref_slice %arg2[%dma_wait3A_186, %dma_wait3A_187] : memref<10000x128xf32, #tpu.memory_space<hbm>> -> memref<10000x128xf32, #tpu.memory_space<hbm>>
      %dma_wait3A_189 = tpu.memref_slice %arg9[%rem3A_177] : memref<3x!tpu.dma_semaphore, #tpu.memory_space<semaphore_mem>> -> memref<1x!tpu.dma_semaphore, #tpu.memory_space<semaphore_mem>>
      %dma_wait3A_190 = tpu.memref_squeeze %dma_wait3A_189 : memref<1x!tpu.dma_semaphore, #tpu.memory_space<semaphore_mem>> -> memref<!tpu.dma_semaphore, #tpu.memory_space<semaphore_mem>>
      tpu.wait_indirect_dma semaphore(%dma_wait3A_190 : memref<!tpu.dma_semaphore, #tpu.memory_space<semaphore_mem>>) src(%dma_wait3A_188 : memref<10000x128xf32, #tpu.memory_space<hbm>>) dst(%dma_wait3A_182 : memref<128x128xf32, #tpu.memory_space<vmem>>)
      %rem3A_191 = arith.constant 3 : i32
      %rem3A_192 = arith.remsi %add3A_155, %rem3A_191 : i32
      %and3A_193 = arith.constant 3 : i32
      %and3A_194 = arith.andi %add3A_155, %and3A_193 : i32
      %rem3A_195 = arith.constant 3 : i32
      %rem3A_196 = arith.remsi %add3A_155, %rem3A_195 : i32
      %dma_start3A_197 = arith.constant 1 : i32
      %dma_start3A_198 = arith.constant 0 : i32
      %dma_start3A_199 = arith.constant 0 : i32
      %dma_start3A_200 = tpu.memref_slice %arg7[%rem3A_192, %dma_start3A_198, %dma_start3A_199] : memref<3x128x128xf32, #tpu.memory_space<vmem>> -> memref<1x128x128xf32, #tpu.memory_space<vmem>>
      %dma_start3A_201 = tpu.memref_squeeze %dma_start3A_200 : memref<1x128x128xf32, #tpu.memory_space<vmem>> -> memref<128x128xf32, #tpu.memory_space<vmem>>
      %dma_start3A_202 = arith.constant 0 : i32
      %dma_start3A_203 = tpu.memref_slice %arg6[%and3A_194, %dma_start3A_197, %dma_start3A_202] : memref<4x2x128xi32, #tpu.memory_space<vmem>> -> memref<1x1x128xi32, #tpu.memory_space<vmem>>
      %dma_start3A_204 = tpu.memref_squeeze %dma_start3A_203 : memref<1x1x128xi32, #tpu.memory_space<vmem>> -> memref<128xi32, #tpu.memory_space<vmem>>
      %dma_start3A_205 = arith.constant 0 : i32
      %dma_start3A_206 = arith.constant 0 : i32
      %dma_start3A_207 = tpu.memref_slice %arg11[%dma_start3A_205, %dma_start3A_206] : memref<10000x128xf32, #tpu.memory_space<vmem_shared>> -> memref<10000x128xf32, #tpu.memory_space<vmem_shared>>
      %dma_start3A_208 = tpu.memref_slice %arg10[%rem3A_196] : memref<3x!tpu.dma_semaphore, #tpu.memory_space<semaphore_mem>> -> memref<1x!tpu.dma_semaphore, #tpu.memory_space<semaphore_mem>>
      %dma_start3A_209 = tpu.memref_squeeze %dma_start3A_208 : memref<1x!tpu.dma_semaphore, #tpu.memory_space<semaphore_mem>> -> memref<!tpu.dma_semaphore, #tpu.memory_space<semaphore_mem>>
      tpu.enqueue_indirect_dma source(%dma_start3A_201 : memref<128x128xf32, #tpu.memory_space<vmem>>) target(%dma_start3A_207 : memref<10000x128xf32, #tpu.memory_space<vmem_shared>>) offsets(%dma_start3A_204 : memref<128xi32, #tpu.memory_space<vmem>>) semaphore(%dma_start3A_209 : memref<!tpu.dma_semaphore, #tpu.memory_space<semaphore_mem>>) {add = true}
    }
    %scan3A_94 = arith.constant 78 : i32
    %lt3A_95 = arith.constant 4 : i32
    %lt3A_96 = arith.cmpi slt, %add3A, %lt3A_95 : i32
    %convert_element_type3A_97 = arith.extui %lt3A_96 : i1 to i32
    %cond3A_98 = arith.constant 0 : i32
    %cond3A_99 = arith.cmpi ne, %convert_element_type3A_97, %cond3A_98 : i32
    scf.if %cond3A_99 {
      %rem3A_151 = arith.constant 76 : i32
      %rem3A_152 = arith.constant 3 : i32
      %rem3A_153 = arith.remsi %rem3A_151, %rem3A_152 : i32
      %rem3A_154 = arith.constant 76 : i32
      %rem3A_155 = arith.constant 3 : i32
      %rem3A_156 = arith.remsi %rem3A_154, %rem3A_155 : i32
      %dma_wait3A_157 = arith.constant 0 : i32
      %dma_wait3A_158 = arith.constant 1 : i32
      %dma_wait3A_159 = arith.constant 0 : i32
      %dma_wait3A_160 = arith.constant 0 : i32
      %dma_wait3A_161 = tpu.memref_slice %arg7[%rem3A_153, %dma_wait3A_159, %dma_wait3A_160] : memref<3x128x128xf32, #tpu.memory_space<vmem>> -> memref<1x128x128xf32, #tpu.memory_space<vmem>>
      %dma_wait3A_162 = tpu.memref_squeeze %dma_wait3A_161 : memref<1x128x128xf32, #tpu.memory_space<vmem>> -> memref<128x128xf32, #tpu.memory_space<vmem>>
      %dma_wait3A_163 = arith.constant 0 : i32
      %dma_wait3A_164 = tpu.memref_slice %arg6[%dma_wait3A_157, %dma_wait3A_158, %dma_wait3A_163] : memref<4x2x128xi32, #tpu.memory_space<vmem>> -> memref<1x1x128xi32, #tpu.memory_space<vmem>>
      %dma_wait3A_165 = tpu.memref_squeeze %dma_wait3A_164 : memref<1x1x128xi32, #tpu.memory_space<vmem>> -> memref<128xi32, #tpu.memory_space<vmem>>
      %dma_wait3A_166 = arith.constant 0 : i32
      %dma_wait3A_167 = arith.constant 0 : i32
      %dma_wait3A_168 = tpu.memref_slice %arg11[%dma_wait3A_166, %dma_wait3A_167] : memref<10000x128xf32, #tpu.memory_space<vmem_shared>> -> memref<10000x128xf32, #tpu.memory_space<vmem_shared>>
      %dma_wait3A_169 = tpu.memref_slice %arg10[%rem3A_156] : memref<3x!tpu.dma_semaphore, #tpu.memory_space<semaphore_mem>> -> memref<1x!tpu.dma_semaphore, #tpu.memory_space<semaphore_mem>>
      %dma_wait3A_170 = tpu.memref_squeeze %dma_wait3A_169 : memref<1x!tpu.dma_semaphore, #tpu.memory_space<semaphore_mem>> -> memref<!tpu.dma_semaphore, #tpu.memory_space<semaphore_mem>>
      tpu.wait_indirect_dma semaphore(%dma_wait3A_170 : memref<!tpu.dma_semaphore, #tpu.memory_space<semaphore_mem>>) src(%dma_wait3A_162 : memref<128x128xf32, #tpu.memory_space<vmem>>) dst(%dma_wait3A_168 : memref<10000x128xf32, #tpu.memory_space<vmem_shared>>)
      %rem3A_171 = arith.constant 78 : i32
      %rem3A_172 = arith.constant 3 : i32
      %rem3A_173 = arith.remsi %rem3A_171, %rem3A_172 : i32
      %rem3A_174 = arith.constant 78 : i32
      %rem3A_175 = arith.constant 3 : i32
      %rem3A_176 = arith.remsi %rem3A_174, %rem3A_175 : i32
      %dma_wait3A_177 = arith.constant 2 : i32
      %dma_wait3A_178 = arith.constant 0 : i32
      %dma_wait3A_179 = arith.constant 0 : i32
      %dma_wait3A_180 = arith.constant 0 : i32
      %dma_wait3A_181 = tpu.memref_slice %arg7[%rem3A_173, %dma_wait3A_179, %dma_wait3A_180] : memref<3x128x128xf32, #tpu.memory_space<vmem>> -> memref<1x128x128xf32, #tpu.memory_space<vmem>>
      %dma_wait3A_182 = tpu.memref_squeeze %dma_wait3A_181 : memref<1x128x128xf32, #tpu.memory_space<vmem>> -> memref<128x128xf32, #tpu.memory_space<vmem>>
      %dma_wait3A_183 = arith.constant 0 : i32
      %dma_wait3A_184 = tpu.memref_slice %arg6[%dma_wait3A_177, %dma_wait3A_178, %dma_wait3A_183] : memref<4x2x128xi32, #tpu.memory_space<vmem>> -> memref<1x1x128xi32, #tpu.memory_space<vmem>>
      %dma_wait3A_185 = tpu.memref_squeeze %dma_wait3A_184 : memref<1x1x128xi32, #tpu.memory_space<vmem>> -> memref<128xi32, #tpu.memory_space<vmem>>
      %dma_wait3A_186 = arith.constant 0 : i32
      %dma_wait3A_187 = arith.constant 0 : i32
      %dma_wait3A_188 = tpu.memref_slice %arg2[%dma_wait3A_186, %dma_wait3A_187] : memref<10000x128xf32, #tpu.memory_space<hbm>> -> memref<10000x128xf32, #tpu.memory_space<hbm>>
      %dma_wait3A_189 = tpu.memref_slice %arg9[%rem3A_176] : memref<3x!tpu.dma_semaphore, #tpu.memory_space<semaphore_mem>> -> memref<1x!tpu.dma_semaphore, #tpu.memory_space<semaphore_mem>>
      %dma_wait3A_190 = tpu.memref_squeeze %dma_wait3A_189 : memref<1x!tpu.dma_semaphore, #tpu.memory_space<semaphore_mem>> -> memref<!tpu.dma_semaphore, #tpu.memory_space<semaphore_mem>>
      tpu.wait_indirect_dma semaphore(%dma_wait3A_190 : memref<!tpu.dma_semaphore, #tpu.memory_space<semaphore_mem>>) src(%dma_wait3A_188 : memref<10000x128xf32, #tpu.memory_space<hbm>>) dst(%dma_wait3A_182 : memref<128x128xf32, #tpu.memory_space<vmem>>)
      %rem3A_191 = arith.constant 78 : i32
      %rem3A_192 = arith.constant 3 : i32
      %rem3A_193 = arith.remsi %rem3A_191, %rem3A_192 : i32
      %rem3A_194 = arith.constant 78 : i32
      %rem3A_195 = arith.constant 3 : i32
      %rem3A_196 = arith.remsi %rem3A_194, %rem3A_195 : i32
      %dma_start3A_197 = arith.constant 2 : i32
      %dma_start3A_198 = arith.constant 1 : i32
      %dma_start3A_199 = arith.constant 0 : i32
      %dma_start3A_200 = arith.constant 0 : i32
      %dma_start3A_201 = tpu.memref_slice %arg7[%rem3A_193, %dma_start3A_199, %dma_start3A_200] : memref<3x128x128xf32, #tpu.memory_space<vmem>> -> memref<1x128x128xf32, #tpu.memory_space<vmem>>
      %dma_start3A_202 = tpu.memref_squeeze %dma_start3A_201 : memref<1x128x128xf32, #tpu.memory_space<vmem>> -> memref<128x128xf32, #tpu.memory_space<vmem>>
      %dma_start3A_203 = arith.constant 0 : i32
      %dma_start3A_204 = tpu.memref_slice %arg6[%dma_start3A_197, %dma_start3A_198, %dma_start3A_203] : memref<4x2x128xi32, #tpu.memory_space<vmem>> -> memref<1x1x128xi32, #tpu.memory_space<vmem>>
      %dma_start3A_205 = tpu.memref_squeeze %dma_start3A_204 : memref<1x1x128xi32, #tpu.memory_space<vmem>> -> memref<128xi32, #tpu.memory_space<vmem>>
      %dma_start3A_206 = arith.constant 0 : i32
      %dma_start3A_207 = arith.constant 0 : i32
      %dma_start3A_208 = tpu.memref_slice %arg11[%dma_start3A_206, %dma_start3A_207] : memref<10000x128xf32, #tpu.memory_space<vmem_shared>> -> memref<10000x128xf32, #tpu.memory_space<vmem_shared>>
      %dma_start3A_209 = tpu.memref_slice %arg10[%rem3A_196] : memref<3x!tpu.dma_semaphore, #tpu.memory_space<semaphore_mem>> -> memref<1x!tpu.dma_semaphore, #tpu.memory_space<semaphore_mem>>
      %dma_start3A_210 = tpu.memref_squeeze %dma_start3A_209 : memref<1x!tpu.dma_semaphore, #tpu.memory_space<semaphore_mem>> -> memref<!tpu.dma_semaphore, #tpu.memory_space<semaphore_mem>>
      tpu.enqueue_indirect_dma source(%dma_start3A_202 : memref<128x128xf32, #tpu.memory_space<vmem>>) target(%dma_start3A_208 : memref<10000x128xf32, #tpu.memory_space<vmem_shared>>) offsets(%dma_start3A_205 : memref<128xi32, #tpu.memory_space<vmem>>) semaphore(%dma_start3A_210 : memref<!tpu.dma_semaphore, #tpu.memory_space<semaphore_mem>>) {add = true}
    } else {
    }
    %sub3A = arith.constant 2 : i32
    %sub3A_100 = arith.subi %add3A_4, %sub3A : i32
    %rem3A_101 = arith.constant 3 : i32
    %rem3A_102 = arith.remsi %sub3A_100, %rem3A_101 : i32
    %and3A = arith.constant 3 : i32
    %and3A_103 = arith.andi %sub3A_100, %and3A : i32
    %rem3A_104 = arith.constant 3 : i32
    %rem3A_105 = arith.remsi %sub3A_100, %rem3A_104 : i32
    %dma_wait3A_106 = arith.constant 1 : i32
    %dma_wait3A_107 = arith.constant 0 : i32
    %dma_wait3A_108 = arith.constant 0 : i32
    %dma_wait3A_109 = tpu.memref_slice %arg7[%rem3A_102, %dma_wait3A_107, %dma_wait3A_108] : memref<3x128x128xf32, #tpu.memory_space<vmem>> -> memref<1x128x128xf32, #tpu.memory_space<vmem>>
    %dma_wait3A_110 = tpu.memref_squeeze %dma_wait3A_109 : memref<1x128x128xf32, #tpu.memory_space<vmem>> -> memref<128x128xf32, #tpu.memory_space<vmem>>
    %dma_wait3A_111 = arith.constant 0 : i32
    %dma_wait3A_112 = tpu.memref_slice %arg6[%and3A_103, %dma_wait3A_106, %dma_wait3A_111] : memref<4x2x128xi32, #tpu.memory_space<vmem>> -> memref<1x1x128xi32, #tpu.memory_space<vmem>>
    %dma_wait3A_113 = tpu.memref_squeeze %dma_wait3A_112 : memref<1x1x128xi32, #tpu.memory_space<vmem>> -> memref<128xi32, #tpu.memory_space<vmem>>
    %dma_wait3A_114 = arith.constant 0 : i32
    %dma_wait3A_115 = arith.constant 0 : i32
    %dma_wait3A_116 = tpu.memref_slice %arg11[%dma_wait3A_114, %dma_wait3A_115] : memref<10000x128xf32, #tpu.memory_space<vmem_shared>> -> memref<10000x128xf32, #tpu.memory_space<vmem_shared>>
    %dma_wait3A_117 = tpu.memref_slice %arg10[%rem3A_105] : memref<3x!tpu.dma_semaphore, #tpu.memory_space<semaphore_mem>> -> memref<1x!tpu.dma_semaphore, #tpu.memory_space<semaphore_mem>>
    %dma_wait3A_118 = tpu.memref_squeeze %dma_wait3A_117 : memref<1x!tpu.dma_semaphore, #tpu.memory_space<semaphore_mem>> -> memref<!tpu.dma_semaphore, #tpu.memory_space<semaphore_mem>>
    tpu.wait_indirect_dma semaphore(%dma_wait3A_118 : memref<!tpu.dma_semaphore, #tpu.memory_space<semaphore_mem>>) src(%dma_wait3A_110 : memref<128x128xf32, #tpu.memory_space<vmem>>) dst(%dma_wait3A_116 : memref<10000x128xf32, #tpu.memory_space<vmem_shared>>)
    %sub3A_119 = arith.constant 1 : i32
    %sub3A_120 = arith.subi %add3A_4, %sub3A_119 : i32
    %rem3A_121 = arith.constant 3 : i32
    %rem3A_122 = arith.remsi %sub3A_120, %rem3A_121 : i32
    %and3A_123 = arith.constant 3 : i32
    %and3A_124 = arith.andi %sub3A_120, %and3A_123 : i32
    %rem3A_125 = arith.constant 3 : i32
    %rem3A_126 = arith.remsi %sub3A_120, %rem3A_125 : i32
    %dma_wait3A_127 = arith.constant 1 : i32
    %dma_wait3A_128 = arith.constant 0 : i32
    %dma_wait3A_129 = arith.constant 0 : i32
    %dma_wait3A_130 = tpu.memref_slice %arg7[%rem3A_122, %dma_wait3A_128, %dma_wait3A_129] : memref<3x128x128xf32, #tpu.memory_space<vmem>> -> memref<1x128x128xf32, #tpu.memory_space<vmem>>
    %dma_wait3A_131 = tpu.memref_squeeze %dma_wait3A_130 : memref<1x128x128xf32, #tpu.memory_space<vmem>> -> memref<128x128xf32, #tpu.memory_space<vmem>>
    %dma_wait3A_132 = arith.constant 0 : i32
    %dma_wait3A_133 = tpu.memref_slice %arg6[%and3A_124, %dma_wait3A_127, %dma_wait3A_132] : memref<4x2x128xi32, #tpu.memory_space<vmem>> -> memref<1x1x128xi32, #tpu.memory_space<vmem>>
    %dma_wait3A_134 = tpu.memref_squeeze %dma_wait3A_133 : memref<1x1x128xi32, #tpu.memory_space<vmem>> -> memref<128xi32, #tpu.memory_space<vmem>>
    %dma_wait3A_135 = arith.constant 0 : i32
    %dma_wait3A_136 = arith.constant 0 : i32
    %dma_wait3A_137 = tpu.memref_slice %arg11[%dma_wait3A_135, %dma_wait3A_136] : memref<10000x128xf32, #tpu.memory_space<vmem_shared>> -> memref<10000x128xf32, #tpu.memory_space<vmem_shared>>
    %dma_wait3A_138 = tpu.memref_slice %arg10[%rem3A_126] : memref<3x!tpu.dma_semaphore, #tpu.memory_space<semaphore_mem>> -> memref<1x!tpu.dma_semaphore, #tpu.memory_space<semaphore_mem>>
    %dma_wait3A_139 = tpu.memref_squeeze %dma_wait3A_138 : memref<1x!tpu.dma_semaphore, #tpu.memory_space<semaphore_mem>> -> memref<!tpu.dma_semaphore, #tpu.memory_space<semaphore_mem>>
    tpu.wait_indirect_dma semaphore(%dma_wait3A_139 : memref<!tpu.dma_semaphore, #tpu.memory_space<semaphore_mem>>) src(%dma_wait3A_131 : memref<128x128xf32, #tpu.memory_space<vmem>>) dst(%dma_wait3A_137 : memref<10000x128xf32, #tpu.memory_space<vmem_shared>>)
    %barrier3A_140 = arith.constant 0 : index
    tpu.barrier barrier_id(%barrier3A_140)
    %lt3A_141 = arith.constant 15 : i32
    %lt3A_142 = arith.cmpi slt, %arg1, %lt3A_141 : i32
    %convert_element_type3A_143 = arith.extui %lt3A_142 : i1 to i32
    %cond3A_144 = arith.constant 0 : i32
    %cond3A_145 = arith.cmpi ne, %convert_element_type3A_143, %cond3A_144 : i32
    scf.if %cond3A_145 {
      %add3A_151 = arith.constant 0 : i32
      %add3A_152 = arith.addi %mul3A_45, %add3A_151 : i32
      %run_scoped3A_153 = arith.constant 0 : i32
      "tpu.region"() ({
        %run_scoped3A_378 = tpu.sem_alloc : memref<!tpu.dma_semaphore, #tpu.memory_space<semaphore_mem>>
        %dma_start3A_379 = arith.constant 0 : i32
        %dma_start3A_380 = arith.constant 0 : i32
        %dma_start3A_381 = tpu.memref_slice %arg7[%run_scoped3A_153, %dma_start3A_379, %dma_start3A_380] : memref<3x128x128xf32, #tpu.memory_space<vmem>> -> memref<1x128x128xf32, #tpu.memory_space<vmem>>
        %dma_start3A_382 = tpu.memref_squeeze %dma_start3A_381 : memref<1x128x128xf32, #tpu.memory_space<vmem>> -> memref<128x128xf32, #tpu.memory_space<vmem>>
        %dma_start3A_383 = arith.constant 0 : i32
        %dma_start3A_384 = tpu.memref_slice %arg11[%add3A_152, %dma_start3A_383] : memref<10000x128xf32, #tpu.memory_space<vmem_shared>> -> memref<128x128xf32, #tpu.memory_space<vmem_shared>>
        %dma_start3A_385 = arith.constant 0 : i32
        %dma_start3A_386 = arith.constant 0 : i32
        %dma_start3A_387 = tpu.memref_slice %arg7[%run_scoped3A_153, %dma_start3A_385, %dma_start3A_386] : memref<3x128x128xf32, #tpu.memory_space<vmem>> -> memref<1x128x128xf32, #tpu.memory_space<vmem>>
        %dma_start3A_388 = tpu.memref_squeeze %dma_start3A_387 : memref<1x128x128xf32, #tpu.memory_space<vmem>> -> memref<128x128xf32, #tpu.memory_space<vmem>>
        %dma_start3A_389 = arith.constant 0 : i32
        %dma_start3A_390 = tpu.memref_slice %arg11[%add3A_152, %dma_start3A_389] : memref<10000x128xf32, #tpu.memory_space<vmem_shared>> -> memref<128x128xf32, #tpu.memory_space<vmem_shared>>
        tpu.enqueue_dma source(%dma_start3A_390 : memref<128x128xf32, #tpu.memory_space<vmem_shared>>) target(%dma_start3A_388 : memref<128x128xf32, #tpu.memory_space<vmem>>) target_semaphore(%run_scoped3A_378 : memref<!tpu.dma_semaphore, #tpu.memory_space<semaphore_mem>>)
        %dma_wait3A_391 = arith.constant 0 : i32
        %dma_wait3A_392 = arith.constant 0 : i32
        %dma_wait3A_393 = tpu.memref_slice %arg7[%run_scoped3A_153, %dma_wait3A_391, %dma_wait3A_392] : memref<3x128x128xf32, #tpu.memory_space<vmem>> -> memref<1x128x128xf32, #tpu.memory_space<vmem>>
        %dma_wait3A_394 = tpu.memref_squeeze %dma_wait3A_393 : memref<1x128x128xf32, #tpu.memory_space<vmem>> -> memref<128x128xf32, #tpu.memory_space<vmem>>
        %dma_wait3A_395 = arith.constant 0 : i32
        %dma_wait3A_396 = tpu.memref_slice %arg11[%add3A_152, %dma_wait3A_395] : memref<10000x128xf32, #tpu.memory_space<vmem_shared>> -> memref<128x128xf32, #tpu.memory_space<vmem_shared>>
        %dma_wait3A_397 = arith.constant 0 : i32
        %dma_wait3A_398 = arith.constant 0 : i32
        %dma_wait3A_399 = tpu.memref_slice %arg7[%run_scoped3A_153, %dma_wait3A_397, %dma_wait3A_398] : memref<3x128x128xf32, #tpu.memory_space<vmem>> -> memref<1x128x128xf32, #tpu.memory_space<vmem>>
        %dma_wait3A_400 = tpu.memref_squeeze %dma_wait3A_399 : memref<1x128x128xf32, #tpu.memory_space<vmem>> -> memref<128x128xf32, #tpu.memory_space<vmem>>
        %dma_wait3A_401 = arith.constant 0 : i32
        %dma_wait3A_402 = tpu.memref_slice %arg11[%add3A_152, %dma_wait3A_401] : memref<10000x128xf32, #tpu.memory_space<vmem_shared>> -> memref<128x128xf32, #tpu.memory_space<vmem_shared>>
        tpu.wait_dma2 semaphore(%run_scoped3A_378 : memref<!tpu.dma_semaphore, #tpu.memory_space<semaphore_mem>>) src(%dma_wait3A_402 : memref<128x128xf32, #tpu.memory_space<vmem_shared>>) dst(%dma_wait3A_400 : memref<128x128xf32, #tpu.memory_space<vmem>>)
        tpu.yield
      }) : () -> ()
      %add3A_154 = arith.constant 0 : i32
      %add3A_155 = arith.addi %mul3A_45, %add3A_154 : i32
      %dma_start3A_156 = arith.constant 0 : i32
      %dma_start3A_157 = arith.constant 0 : i32
      %dma_start3A_158 = arith.constant 0 : i32
      %dma_start3A_159 = arith.constant 0 : i32
      %dma_start3A_160 = tpu.memref_slice %arg7[%dma_start3A_156, %dma_start3A_158, %dma_start3A_159] : memref<3x128x128xf32, #tpu.memory_space<vmem>> -> memref<1x128x128xf32, #tpu.memory_space<vmem>>
      %dma_start3A_161 = tpu.memref_squeeze %dma_start3A_160 : memref<1x128x128xf32, #tpu.memory_space<vmem>> -> memref<128x128xf32, #tpu.memory_space<vmem>>
      %dma_start3A_162 = arith.constant 0 : i32
      %dma_start3A_163 = tpu.memref_slice %arg5[%arg0, %add3A_155, %dma_start3A_162] : memref<2x10000x128xf32, #tpu.memory_space<hbm>> -> memref<1x128x128xf32, #tpu.memory_space<hbm>>
      %dma_start3A_164 = tpu.memref_squeeze %dma_start3A_163 : memref<1x128x128xf32, #tpu.memory_space<hbm>> -> memref<128x128xf32, #tpu.memory_space<hbm>>
      %dma_start3A_165 = tpu.memref_slice %arg10[%dma_start3A_157] : memref<3x!tpu.dma_semaphore, #tpu.memory_space<semaphore_mem>> -> memref<1x!tpu.dma_semaphore, #tpu.memory_space<semaphore_mem>>
      %dma_start3A_166 = tpu.memref_squeeze %dma_start3A_165 : memref<1x!tpu.dma_semaphore, #tpu.memory_space<semaphore_mem>> -> memref<!tpu.dma_semaphore, #tpu.memory_space<semaphore_mem>>
      %dma_start3A_167 = arith.constant 0 : i32
      %dma_start3A_168 = tpu.memref_slice %arg5[%arg0, %add3A_155, %dma_start3A_167] : memref<2x10000x128xf32, #tpu.memory_space<hbm>> -> memref<1x128x128xf32, #tpu.memory_space<hbm>>
      %dma_start3A_169 = tpu.memref_squeeze %dma_start3A_168 : memref<1x128x128xf32, #tpu.memory_space<hbm>> -> memref<128x128xf32, #tpu.memory_space<hbm>>
      %dma_start3A_170 = arith.constant 0 : i32
      %dma_start3A_171 = arith.constant 0 : i32
      %dma_start3A_172 = tpu.memref_slice %arg7[%dma_start3A_156, %dma_start3A_170, %dma_start3A_171] : memref<3x128x128xf32, #tpu.memory_space<vmem>> -> memref<1x128x128xf32, #tpu.memory_space<vmem>>
      %dma_start3A_173 = tpu.memref_squeeze %dma_start3A_172 : memref<1x128x128xf32, #tpu.memory_space<vmem>> -> memref<128x128xf32, #tpu.memory_space<vmem>>
      tpu.enqueue_dma source(%dma_start3A_173 : memref<128x128xf32, #tpu.memory_space<vmem>>) target(%dma_start3A_169 : memref<128x128xf32, #tpu.memory_space<hbm>>) target_semaphore(%dma_start3A_166 : memref<!tpu.dma_semaphore, #tpu.memory_space<semaphore_mem>>)
      %add3A_174 = arith.constant 128 : i32
      %add3A_175 = arith.addi %mul3A_45, %add3A_174 : i32
      %run_scoped3A_176 = arith.constant 1 : i32
      "tpu.region"() ({
        %run_scoped3A_378 = tpu.sem_alloc : memref<!tpu.dma_semaphore, #tpu.memory_space<semaphore_mem>>
        %dma_start3A_379 = arith.constant 0 : i32
        %dma_start3A_380 = arith.constant 0 : i32
        %dma_start3A_381 = tpu.memref_slice %arg7[%run_scoped3A_176, %dma_start3A_379, %dma_start3A_380] : memref<3x128x128xf32, #tpu.memory_space<vmem>> -> memref<1x128x128xf32, #tpu.memory_space<vmem>>
        %dma_start3A_382 = tpu.memref_squeeze %dma_start3A_381 : memref<1x128x128xf32, #tpu.memory_space<vmem>> -> memref<128x128xf32, #tpu.memory_space<vmem>>
        %dma_start3A_383 = arith.constant 0 : i32
        %dma_start3A_384 = tpu.memref_slice %arg11[%add3A_175, %dma_start3A_383] : memref<10000x128xf32, #tpu.memory_space<vmem_shared>> -> memref<128x128xf32, #tpu.memory_space<vmem_shared>>
        %dma_start3A_385 = arith.constant 0 : i32
        %dma_start3A_386 = arith.constant 0 : i32
        %dma_start3A_387 = tpu.memref_slice %arg7[%run_scoped3A_176, %dma_start3A_385, %dma_start3A_386] : memref<3x128x128xf32, #tpu.memory_space<vmem>> -> memref<1x128x128xf32, #tpu.memory_space<vmem>>
        %dma_start3A_388 = tpu.memref_squeeze %dma_start3A_387 : memref<1x128x128xf32, #tpu.memory_space<vmem>> -> memref<128x128xf32, #tpu.memory_space<vmem>>
        %dma_start3A_389 = arith.constant 0 : i32
        %dma_start3A_390 = tpu.memref_slice %arg11[%add3A_175, %dma_start3A_389] : memref<10000x128xf32, #tpu.memory_space<vmem_shared>> -> memref<128x128xf32, #tpu.memory_space<vmem_shared>>
        tpu.enqueue_dma source(%dma_start3A_390 : memref<128x128xf32, #tpu.memory_space<vmem_shared>>) target(%dma_start3A_388 : memref<128x128xf32, #tpu.memory_space<vmem>>) target_semaphore(%run_scoped3A_378 : memref<!tpu.dma_semaphore, #tpu.memory_space<semaphore_mem>>)
        %dma_wait3A_391 = arith.constant 0 : i32
        %dma_wait3A_392 = arith.constant 0 : i32
        %dma_wait3A_393 = tpu.memref_slice %arg7[%run_scoped3A_176, %dma_wait3A_391, %dma_wait3A_392] : memref<3x128x128xf32, #tpu.memory_space<vmem>> -> memref<1x128x128xf32, #tpu.memory_space<vmem>>
        %dma_wait3A_394 = tpu.memref_squeeze %dma_wait3A_393 : memref<1x128x128xf32, #tpu.memory_space<vmem>> -> memref<128x128xf32, #tpu.memory_space<vmem>>
        %dma_wait3A_395 = arith.constant 0 : i32
        %dma_wait3A_396 = tpu.memref_slice %arg11[%add3A_175, %dma_wait3A_395] : memref<10000x128xf32, #tpu.memory_space<vmem_shared>> -> memref<128x128xf32, #tpu.memory_space<vmem_shared>>
        %dma_wait3A_397 = arith.constant 0 : i32
        %dma_wait3A_398 = arith.constant 0 : i32
        %dma_wait3A_399 = tpu.memref_slice %arg7[%run_scoped3A_176, %dma_wait3A_397, %dma_wait3A_398] : memref<3x128x128xf32, #tpu.memory_space<vmem>> -> memref<1x128x128xf32, #tpu.memory_space<vmem>>
        %dma_wait3A_400 = tpu.memref_squeeze %dma_wait3A_399 : memref<1x128x128xf32, #tpu.memory_space<vmem>> -> memref<128x128xf32, #tpu.memory_space<vmem>>
        %dma_wait3A_401 = arith.constant 0 : i32
        %dma_wait3A_402 = tpu.memref_slice %arg11[%add3A_175, %dma_wait3A_401] : memref<10000x128xf32, #tpu.memory_space<vmem_shared>> -> memref<128x128xf32, #tpu.memory_space<vmem_shared>>
        tpu.wait_dma2 semaphore(%run_scoped3A_378 : memref<!tpu.dma_semaphore, #tpu.memory_space<semaphore_mem>>) src(%dma_wait3A_402 : memref<128x128xf32, #tpu.memory_space<vmem_shared>>) dst(%dma_wait3A_400 : memref<128x128xf32, #tpu.memory_space<vmem>>)
        tpu.yield
      }) : () -> ()
      %add3A_177 = arith.constant 128 : i32
      %add3A_178 = arith.addi %mul3A_45, %add3A_177 : i32
      %dma_start3A_179 = arith.constant 1 : i32
      %dma_start3A_180 = arith.constant 1 : i32
      %dma_start3A_181 = arith.constant 0 : i32
      %dma_start3A_182 = arith.constant 0 : i32
      %dma_start3A_183 = tpu.memref_slice %arg7[%dma_start3A_179, %dma_start3A_181, %dma_start3A_182] : memref<3x128x128xf32, #tpu.memory_space<vmem>> -> memref<1x128x128xf32, #tpu.memory_space<vmem>>
      %dma_start3A_184 = tpu.memref_squeeze %dma_start3A_183 : memref<1x128x128xf32, #tpu.memory_space<vmem>> -> memref<128x128xf32, #tpu.memory_space<vmem>>
      %dma_start3A_185 = arith.constant 0 : i32
      %dma_start3A_186 = tpu.memref_slice %arg5[%arg0, %add3A_178, %dma_start3A_185] : memref<2x10000x128xf32, #tpu.memory_space<hbm>> -> memref<1x128x128xf32, #tpu.memory_space<hbm>>
      %dma_start3A_187 = tpu.memref_squeeze %dma_start3A_186 : memref<1x128x128xf32, #tpu.memory_space<hbm>> -> memref<128x128xf32, #tpu.memory_space<hbm>>
      %dma_start3A_188 = tpu.memref_slice %arg10[%dma_start3A_180] : memref<3x!tpu.dma_semaphore, #tpu.memory_space<semaphore_mem>> -> memref<1x!tpu.dma_semaphore, #tpu.memory_space<semaphore_mem>>
      %dma_start3A_189 = tpu.memref_squeeze %dma_start3A_188 : memref<1x!tpu.dma_semaphore, #tpu.memory_space<semaphore_mem>> -> memref<!tpu.dma_semaphore, #tpu.memory_space<semaphore_mem>>
      %dma_start3A_190 = arith.constant 0 : i32
      %dma_start3A_191 = tpu.memref_slice %arg5[%arg0, %add3A_178, %dma_start3A_190] : memref<2x10000x128xf32, #tpu.memory_space<hbm>> -> memref<1x128x128xf32, #tpu.memory_space<hbm>>
      %dma_start3A_192 = tpu.memref_squeeze %dma_start3A_191 : memref<1x128x128xf32, #tpu.memory_space<hbm>> -> memref<128x128xf32, #tpu.memory_space<hbm>>
      %dma_start3A_193 = arith.constant 0 : i32
      %dma_start3A_194 = arith.constant 0 : i32
      %dma_start3A_195 = tpu.memref_slice %arg7[%dma_start3A_179, %dma_start3A_193, %dma_start3A_194] : memref<3x128x128xf32, #tpu.memory_space<vmem>> -> memref<1x128x128xf32, #tpu.memory_space<vmem>>
      %dma_start3A_196 = tpu.memref_squeeze %dma_start3A_195 : memref<1x128x128xf32, #tpu.memory_space<vmem>> -> memref<128x128xf32, #tpu.memory_space<vmem>>
      tpu.enqueue_dma source(%dma_start3A_196 : memref<128x128xf32, #tpu.memory_space<vmem>>) target(%dma_start3A_192 : memref<128x128xf32, #tpu.memory_space<hbm>>) target_semaphore(%dma_start3A_189 : memref<!tpu.dma_semaphore, #tpu.memory_space<semaphore_mem>>)
      %add3A_197 = arith.constant 0 : i32
      %add3A_198 = arith.addi %mul3A_45, %add3A_197 : i32
      %dma_wait3A_199 = arith.constant 0 : i32
      %dma_wait3A_200 = arith.constant 0 : i32
      %dma_wait3A_201 = arith.constant 0 : i32
      %dma_wait3A_202 = arith.constant 0 : i32
      %dma_wait3A_203 = tpu.memref_slice %arg7[%dma_wait3A_199, %dma_wait3A_201, %dma_wait3A_202] : memref<3x128x128xf32, #tpu.memory_space<vmem>> -> memref<1x128x128xf32, #tpu.memory_space<vmem>>
      %dma_wait3A_204 = tpu.memref_squeeze %dma_wait3A_203 : memref<1x128x128xf32, #tpu.memory_space<vmem>> -> memref<128x128xf32, #tpu.memory_space<vmem>>
      %dma_wait3A_205 = arith.constant 0 : i32
      %dma_wait3A_206 = tpu.memref_slice %arg5[%arg0, %add3A_198, %dma_wait3A_205] : memref<2x10000x128xf32, #tpu.memory_space<hbm>> -> memref<1x128x128xf32, #tpu.memory_space<hbm>>
      %dma_wait3A_207 = tpu.memref_squeeze %dma_wait3A_206 : memref<1x128x128xf32, #tpu.memory_space<hbm>> -> memref<128x128xf32, #tpu.memory_space<hbm>>
      %dma_wait3A_208 = tpu.memref_slice %arg10[%dma_wait3A_200] : memref<3x!tpu.dma_semaphore, #tpu.memory_space<semaphore_mem>> -> memref<1x!tpu.dma_semaphore, #tpu.memory_space<semaphore_mem>>
      %dma_wait3A_209 = tpu.memref_squeeze %dma_wait3A_208 : memref<1x!tpu.dma_semaphore, #tpu.memory_space<semaphore_mem>> -> memref<!tpu.dma_semaphore, #tpu.memory_space<semaphore_mem>>
      %dma_wait3A_210 = arith.constant 0 : i32
      %dma_wait3A_211 = tpu.memref_slice %arg5[%arg0, %add3A_198, %dma_wait3A_210] : memref<2x10000x128xf32, #tpu.memory_space<hbm>> -> memref<1x128x128xf32, #tpu.memory_space<hbm>>
      %dma_wait3A_212 = tpu.memref_squeeze %dma_wait3A_211 : memref<1x128x128xf32, #tpu.memory_space<hbm>> -> memref<128x128xf32, #tpu.memory_space<hbm>>
      %dma_wait3A_213 = arith.constant 0 : i32
      %dma_wait3A_214 = arith.constant 0 : i32
      %dma_wait3A_215 = tpu.memref_slice %arg7[%dma_wait3A_199, %dma_wait3A_213, %dma_wait3A_214] : memref<3x128x128xf32, #tpu.memory_space<vmem>> -> memref<1x128x128xf32, #tpu.memory_space<vmem>>
      %dma_wait3A_216 = tpu.memref_squeeze %dma_wait3A_215 : memref<1x128x128xf32, #tpu.memory_space<vmem>> -> memref<128x128xf32, #tpu.memory_space<vmem>>
      tpu.wait_dma2 semaphore(%dma_wait3A_209 : memref<!tpu.dma_semaphore, #tpu.memory_space<semaphore_mem>>) src(%dma_wait3A_216 : memref<128x128xf32, #tpu.memory_space<vmem>>) dst(%dma_wait3A_212 : memref<128x128xf32, #tpu.memory_space<hbm>>)
      %add3A_217 = arith.constant 256 : i32
      %add3A_218 = arith.addi %mul3A_45, %add3A_217 : i32
      %run_scoped3A_219 = arith.constant 0 : i32
      "tpu.region"() ({
        %run_scoped3A_378 = tpu.sem_alloc : memref<!tpu.dma_semaphore, #tpu.memory_space<semaphore_mem>>
        %dma_start3A_379 = arith.constant 0 : i32
        %dma_start3A_380 = arith.constant 0 : i32
        %dma_start3A_381 = tpu.memref_slice %arg7[%run_scoped3A_219, %dma_start3A_379, %dma_start3A_380] : memref<3x128x128xf32, #tpu.memory_space<vmem>> -> memref<1x128x128xf32, #tpu.memory_space<vmem>>
        %dma_start3A_382 = tpu.memref_squeeze %dma_start3A_381 : memref<1x128x128xf32, #tpu.memory_space<vmem>> -> memref<128x128xf32, #tpu.memory_space<vmem>>
        %dma_start3A_383 = arith.constant 0 : i32
        %dma_start3A_384 = tpu.memref_slice %arg11[%add3A_218, %dma_start3A_383] : memref<10000x128xf32, #tpu.memory_space<vmem_shared>> -> memref<128x128xf32, #tpu.memory_space<vmem_shared>>
        %dma_start3A_385 = arith.constant 0 : i32
        %dma_start3A_386 = arith.constant 0 : i32
        %dma_start3A_387 = tpu.memref_slice %arg7[%run_scoped3A_219, %dma_start3A_385, %dma_start3A_386] : memref<3x128x128xf32, #tpu.memory_space<vmem>> -> memref<1x128x128xf32, #tpu.memory_space<vmem>>
        %dma_start3A_388 = tpu.memref_squeeze %dma_start3A_387 : memref<1x128x128xf32, #tpu.memory_space<vmem>> -> memref<128x128xf32, #tpu.memory_space<vmem>>
        %dma_start3A_389 = arith.constant 0 : i32
        %dma_start3A_390 = tpu.memref_slice %arg11[%add3A_218, %dma_start3A_389] : memref<10000x128xf32, #tpu.memory_space<vmem_shared>> -> memref<128x128xf32, #tpu.memory_space<vmem_shared>>
        tpu.enqueue_dma source(%dma_start3A_390 : memref<128x128xf32, #tpu.memory_space<vmem_shared>>) target(%dma_start3A_388 : memref<128x128xf32, #tpu.memory_space<vmem>>) target_semaphore(%run_scoped3A_378 : memref<!tpu.dma_semaphore, #tpu.memory_space<semaphore_mem>>)
        %dma_wait3A_391 = arith.constant 0 : i32
        %dma_wait3A_392 = arith.constant 0 : i32
        %dma_wait3A_393 = tpu.memref_slice %arg7[%run_scoped3A_219, %dma_wait3A_391, %dma_wait3A_392] : memref<3x128x128xf32, #tpu.memory_space<vmem>> -> memref<1x128x128xf32, #tpu.memory_space<vmem>>
        %dma_wait3A_394 = tpu.memref_squeeze %dma_wait3A_393 : memref<1x128x128xf32, #tpu.memory_space<vmem>> -> memref<128x128xf32, #tpu.memory_space<vmem>>
        %dma_wait3A_395 = arith.constant 0 : i32
        %dma_wait3A_396 = tpu.memref_slice %arg11[%add3A_218, %dma_wait3A_395] : memref<10000x128xf32, #tpu.memory_space<vmem_shared>> -> memref<128x128xf32, #tpu.memory_space<vmem_shared>>
        %dma_wait3A_397 = arith.constant 0 : i32
        %dma_wait3A_398 = arith.constant 0 : i32
        %dma_wait3A_399 = tpu.memref_slice %arg7[%run_scoped3A_219, %dma_wait3A_397, %dma_wait3A_398] : memref<3x128x128xf32, #tpu.memory_space<vmem>> -> memref<1x128x128xf32, #tpu.memory_space<vmem>>
        %dma_wait3A_400 = tpu.memref_squeeze %dma_wait3A_399 : memref<1x128x128xf32, #tpu.memory_space<vmem>> -> memref<128x128xf32, #tpu.memory_space<vmem>>
        %dma_wait3A_401 = arith.constant 0 : i32
        %dma_wait3A_402 = tpu.memref_slice %arg11[%add3A_218, %dma_wait3A_401] : memref<10000x128xf32, #tpu.memory_space<vmem_shared>> -> memref<128x128xf32, #tpu.memory_space<vmem_shared>>
        tpu.wait_dma2 semaphore(%run_scoped3A_378 : memref<!tpu.dma_semaphore, #tpu.memory_space<semaphore_mem>>) src(%dma_wait3A_402 : memref<128x128xf32, #tpu.memory_space<vmem_shared>>) dst(%dma_wait3A_400 : memref<128x128xf32, #tpu.memory_space<vmem>>)
        tpu.yield
      }) : () -> ()
      %add3A_220 = arith.constant 256 : i32
      %add3A_221 = arith.addi %mul3A_45, %add3A_220 : i32
      %dma_start3A_222 = arith.constant 0 : i32
      %dma_start3A_223 = arith.constant 0 : i32
      %dma_start3A_224 = arith.constant 0 : i32
      %dma_start3A_225 = arith.constant 0 : i32
      %dma_start3A_226 = tpu.memref_slice %arg7[%dma_start3A_222, %dma_start3A_224, %dma_start3A_225] : memref<3x128x128xf32, #tpu.memory_space<vmem>> -> memref<1x128x128xf32, #tpu.memory_space<vmem>>
      %dma_start3A_227 = tpu.memref_squeeze %dma_start3A_226 : memref<1x128x128xf32, #tpu.memory_space<vmem>> -> memref<128x128xf32, #tpu.memory_space<vmem>>
      %dma_start3A_228 = arith.constant 0 : i32
      %dma_start3A_229 = tpu.memref_slice %arg5[%arg0, %add3A_221, %dma_start3A_228] : memref<2x10000x128xf32, #tpu.memory_space<hbm>> -> memref<1x128x128xf32, #tpu.memory_space<hbm>>
      %dma_start3A_230 = tpu.memref_squeeze %dma_start3A_229 : memref<1x128x128xf32, #tpu.memory_space<hbm>> -> memref<128x128xf32, #tpu.memory_space<hbm>>
      %dma_start3A_231 = tpu.memref_slice %arg10[%dma_start3A_223] : memref<3x!tpu.dma_semaphore, #tpu.memory_space<semaphore_mem>> -> memref<1x!tpu.dma_semaphore, #tpu.memory_space<semaphore_mem>>
      %dma_start3A_232 = tpu.memref_squeeze %dma_start3A_231 : memref<1x!tpu.dma_semaphore, #tpu.memory_space<semaphore_mem>> -> memref<!tpu.dma_semaphore, #tpu.memory_space<semaphore_mem>>
      %dma_start3A_233 = arith.constant 0 : i32
      %dma_start3A_234 = tpu.memref_slice %arg5[%arg0, %add3A_221, %dma_start3A_233] : memref<2x10000x128xf32, #tpu.memory_space<hbm>> -> memref<1x128x128xf32, #tpu.memory_space<hbm>>
      %dma_start3A_235 = tpu.memref_squeeze %dma_start3A_234 : memref<1x128x128xf32, #tpu.memory_space<hbm>> -> memref<128x128xf32, #tpu.memory_space<hbm>>
      %dma_start3A_236 = arith.constant 0 : i32
      %dma_start3A_237 = arith.constant 0 : i32
      %dma_start3A_238 = tpu.memref_slice %arg7[%dma_start3A_222, %dma_start3A_236, %dma_start3A_237] : memref<3x128x128xf32, #tpu.memory_space<vmem>> -> memref<1x128x128xf32, #tpu.memory_space<vmem>>
      %dma_start3A_239 = tpu.memref_squeeze %dma_start3A_238 : memref<1x128x128xf32, #tpu.memory_space<vmem>> -> memref<128x128xf32, #tpu.memory_space<vmem>>
      tpu.enqueue_dma source(%dma_start3A_239 : memref<128x128xf32, #tpu.memory_space<vmem>>) target(%dma_start3A_235 : memref<128x128xf32, #tpu.memory_space<hbm>>) target_semaphore(%dma_start3A_232 : memref<!tpu.dma_semaphore, #tpu.memory_space<semaphore_mem>>)
      %add3A_240 = arith.constant 128 : i32
      %add3A_241 = arith.addi %mul3A_45, %add3A_240 : i32
      %dma_wait3A_242 = arith.constant 1 : i32
      %dma_wait3A_243 = arith.constant 1 : i32
      %dma_wait3A_244 = arith.constant 0 : i32
      %dma_wait3A_245 = arith.constant 0 : i32
      %dma_wait3A_246 = tpu.memref_slice %arg7[%dma_wait3A_242, %dma_wait3A_244, %dma_wait3A_245] : memref<3x128x128xf32, #tpu.memory_space<vmem>> -> memref<1x128x128xf32, #tpu.memory_space<vmem>>
      %dma_wait3A_247 = tpu.memref_squeeze %dma_wait3A_246 : memref<1x128x128xf32, #tpu.memory_space<vmem>> -> memref<128x128xf32, #tpu.memory_space<vmem>>
      %dma_wait3A_248 = arith.constant 0 : i32
      %dma_wait3A_249 = tpu.memref_slice %arg5[%arg0, %add3A_241, %dma_wait3A_248] : memref<2x10000x128xf32, #tpu.memory_space<hbm>> -> memref<1x128x128xf32, #tpu.memory_space<hbm>>
      %dma_wait3A_250 = tpu.memref_squeeze %dma_wait3A_249 : memref<1x128x128xf32, #tpu.memory_space<hbm>> -> memref<128x128xf32, #tpu.memory_space<hbm>>
      %dma_wait3A_251 = tpu.memref_slice %arg10[%dma_wait3A_243] : memref<3x!tpu.dma_semaphore, #tpu.memory_space<semaphore_mem>> -> memref<1x!tpu.dma_semaphore, #tpu.memory_space<semaphore_mem>>
      %dma_wait3A_252 = tpu.memref_squeeze %dma_wait3A_251 : memref<1x!tpu.dma_semaphore, #tpu.memory_space<semaphore_mem>> -> memref<!tpu.dma_semaphore, #tpu.memory_space<semaphore_mem>>
      %dma_wait3A_253 = arith.constant 0 : i32
      %dma_wait3A_254 = tpu.memref_slice %arg5[%arg0, %add3A_241, %dma_wait3A_253] : memref<2x10000x128xf32, #tpu.memory_space<hbm>> -> memref<1x128x128xf32, #tpu.memory_space<hbm>>
      %dma_wait3A_255 = tpu.memref_squeeze %dma_wait3A_254 : memref<1x128x128xf32, #tpu.memory_space<hbm>> -> memref<128x128xf32, #tpu.memory_space<hbm>>
      %dma_wait3A_256 = arith.constant 0 : i32
      %dma_wait3A_257 = arith.constant 0 : i32
      %dma_wait3A_258 = tpu.memref_slice %arg7[%dma_wait3A_242, %dma_wait3A_256, %dma_wait3A_257] : memref<3x128x128xf32, #tpu.memory_space<vmem>> -> memref<1x128x128xf32, #tpu.memory_space<vmem>>
      %dma_wait3A_259 = tpu.memref_squeeze %dma_wait3A_258 : memref<1x128x128xf32, #tpu.memory_space<vmem>> -> memref<128x128xf32, #tpu.memory_space<vmem>>
      tpu.wait_dma2 semaphore(%dma_wait3A_252 : memref<!tpu.dma_semaphore, #tpu.memory_space<semaphore_mem>>) src(%dma_wait3A_259 : memref<128x128xf32, #tpu.memory_space<vmem>>) dst(%dma_wait3A_255 : memref<128x128xf32, #tpu.memory_space<hbm>>)
      %add3A_260 = arith.constant 384 : i32
      %add3A_261 = arith.addi %mul3A_45, %add3A_260 : i32
      %run_scoped3A_262 = arith.constant 1 : i32
      "tpu.region"() ({
        %run_scoped3A_378 = tpu.sem_alloc : memref<!tpu.dma_semaphore, #tpu.memory_space<semaphore_mem>>
        %dma_start3A_379 = arith.constant 0 : i32
        %dma_start3A_380 = arith.constant 0 : i32
        %dma_start3A_381 = tpu.memref_slice %arg7[%run_scoped3A_262, %dma_start3A_379, %dma_start3A_380] : memref<3x128x128xf32, #tpu.memory_space<vmem>> -> memref<1x128x128xf32, #tpu.memory_space<vmem>>
        %dma_start3A_382 = tpu.memref_squeeze %dma_start3A_381 : memref<1x128x128xf32, #tpu.memory_space<vmem>> -> memref<128x128xf32, #tpu.memory_space<vmem>>
        %dma_start3A_383 = arith.constant 0 : i32
        %dma_start3A_384 = tpu.memref_slice %arg11[%add3A_261, %dma_start3A_383] : memref<10000x128xf32, #tpu.memory_space<vmem_shared>> -> memref<128x128xf32, #tpu.memory_space<vmem_shared>>
        %dma_start3A_385 = arith.constant 0 : i32
        %dma_start3A_386 = arith.constant 0 : i32
        %dma_start3A_387 = tpu.memref_slice %arg7[%run_scoped3A_262, %dma_start3A_385, %dma_start3A_386] : memref<3x128x128xf32, #tpu.memory_space<vmem>> -> memref<1x128x128xf32, #tpu.memory_space<vmem>>
        %dma_start3A_388 = tpu.memref_squeeze %dma_start3A_387 : memref<1x128x128xf32, #tpu.memory_space<vmem>> -> memref<128x128xf32, #tpu.memory_space<vmem>>
        %dma_start3A_389 = arith.constant 0 : i32
        %dma_start3A_390 = tpu.memref_slice %arg11[%add3A_261, %dma_start3A_389] : memref<10000x128xf32, #tpu.memory_space<vmem_shared>> -> memref<128x128xf32, #tpu.memory_space<vmem_shared>>
        tpu.enqueue_dma source(%dma_start3A_390 : memref<128x128xf32, #tpu.memory_space<vmem_shared>>) target(%dma_start3A_388 : memref<128x128xf32, #tpu.memory_space<vmem>>) target_semaphore(%run_scoped3A_378 : memref<!tpu.dma_semaphore, #tpu.memory_space<semaphore_mem>>)
        %dma_wait3A_391 = arith.constant 0 : i32
        %dma_wait3A_392 = arith.constant 0 : i32
        %dma_wait3A_393 = tpu.memref_slice %arg7[%run_scoped3A_262, %dma_wait3A_391, %dma_wait3A_392] : memref<3x128x128xf32, #tpu.memory_space<vmem>> -> memref<1x128x128xf32, #tpu.memory_space<vmem>>
        %dma_wait3A_394 = tpu.memref_squeeze %dma_wait3A_393 : memref<1x128x128xf32, #tpu.memory_space<vmem>> -> memref<128x128xf32, #tpu.memory_space<vmem>>
        %dma_wait3A_395 = arith.constant 0 : i32
        %dma_wait3A_396 = tpu.memref_slice %arg11[%add3A_261, %dma_wait3A_395] : memref<10000x128xf32, #tpu.memory_space<vmem_shared>> -> memref<128x128xf32, #tpu.memory_space<vmem_shared>>
        %dma_wait3A_397 = arith.constant 0 : i32
        %dma_wait3A_398 = arith.constant 0 : i32
        %dma_wait3A_399 = tpu.memref_slice %arg7[%run_scoped3A_262, %dma_wait3A_397, %dma_wait3A_398] : memref<3x128x128xf32, #tpu.memory_space<vmem>> -> memref<1x128x128xf32, #tpu.memory_space<vmem>>
        %dma_wait3A_400 = tpu.memref_squeeze %dma_wait3A_399 : memref<1x128x128xf32, #tpu.memory_space<vmem>> -> memref<128x128xf32, #tpu.memory_space<vmem>>
        %dma_wait3A_401 = arith.constant 0 : i32
        %dma_wait3A_402 = tpu.memref_slice %arg11[%add3A_261, %dma_wait3A_401] : memref<10000x128xf32, #tpu.memory_space<vmem_shared>> -> memref<128x128xf32, #tpu.memory_space<vmem_shared>>
        tpu.wait_dma2 semaphore(%run_scoped3A_378 : memref<!tpu.dma_semaphore, #tpu.memory_space<semaphore_mem>>) src(%dma_wait3A_402 : memref<128x128xf32, #tpu.memory_space<vmem_shared>>) dst(%dma_wait3A_400 : memref<128x128xf32, #tpu.memory_space<vmem>>)
        tpu.yield
      }) : () -> ()
      %add3A_263 = arith.constant 384 : i32
      %add3A_264 = arith.addi %mul3A_45, %add3A_263 : i32
      %dma_start3A_265 = arith.constant 1 : i32
      %dma_start3A_266 = arith.constant 1 : i32
      %dma_start3A_267 = arith.constant 0 : i32
      %dma_start3A_268 = arith.constant 0 : i32
      %dma_start3A_269 = tpu.memref_slice %arg7[%dma_start3A_265, %dma_start3A_267, %dma_start3A_268] : memref<3x128x128xf32, #tpu.memory_space<vmem>> -> memref<1x128x128xf32, #tpu.memory_space<vmem>>
      %dma_start3A_270 = tpu.memref_squeeze %dma_start3A_269 : memref<1x128x128xf32, #tpu.memory_space<vmem>> -> memref<128x128xf32, #tpu.memory_space<vmem>>
      %dma_start3A_271 = arith.constant 0 : i32
      %dma_start3A_272 = tpu.memref_slice %arg5[%arg0, %add3A_264, %dma_start3A_271] : memref<2x10000x128xf32, #tpu.memory_space<hbm>> -> memref<1x128x128xf32, #tpu.memory_space<hbm>>
      %dma_start3A_273 = tpu.memref_squeeze %dma_start3A_272 : memref<1x128x128xf32, #tpu.memory_space<hbm>> -> memref<128x128xf32, #tpu.memory_space<hbm>>
      %dma_start3A_274 = tpu.memref_slice %arg10[%dma_start3A_266] : memref<3x!tpu.dma_semaphore, #tpu.memory_space<semaphore_mem>> -> memref<1x!tpu.dma_semaphore, #tpu.memory_space<semaphore_mem>>
      %dma_start3A_275 = tpu.memref_squeeze %dma_start3A_274 : memref<1x!tpu.dma_semaphore, #tpu.memory_space<semaphore_mem>> -> memref<!tpu.dma_semaphore, #tpu.memory_space<semaphore_mem>>
      %dma_start3A_276 = arith.constant 0 : i32
      %dma_start3A_277 = tpu.memref_slice %arg5[%arg0, %add3A_264, %dma_start3A_276] : memref<2x10000x128xf32, #tpu.memory_space<hbm>> -> memref<1x128x128xf32, #tpu.memory_space<hbm>>
      %dma_start3A_278 = tpu.memref_squeeze %dma_start3A_277 : memref<1x128x128xf32, #tpu.memory_space<hbm>> -> memref<128x128xf32, #tpu.memory_space<hbm>>
      %dma_start3A_279 = arith.constant 0 : i32
      %dma_start3A_280 = arith.constant 0 : i32
      %dma_start3A_281 = tpu.memref_slice %arg7[%dma_start3A_265, %dma_start3A_279, %dma_start3A_280] : memref<3x128x128xf32, #tpu.memory_space<vmem>> -> memref<1x128x128xf32, #tpu.memory_space<vmem>>
      %dma_start3A_282 = tpu.memref_squeeze %dma_start3A_281 : memref<1x128x128xf32, #tpu.memory_space<vmem>> -> memref<128x128xf32, #tpu.memory_space<vmem>>
      tpu.enqueue_dma source(%dma_start3A_282 : memref<128x128xf32, #tpu.memory_space<vmem>>) target(%dma_start3A_278 : memref<128x128xf32, #tpu.memory_space<hbm>>) target_semaphore(%dma_start3A_275 : memref<!tpu.dma_semaphore, #tpu.memory_space<semaphore_mem>>)
      %add3A_283 = arith.constant 256 : i32
      %add3A_284 = arith.addi %mul3A_45, %add3A_283 : i32
      %dma_wait3A_285 = arith.constant 0 : i32
      %dma_wait3A_286 = arith.constant 0 : i32
      %dma_wait3A_287 = arith.constant 0 : i32
      %dma_wait3A_288 = arith.constant 0 : i32
      %dma_wait3A_289 = tpu.memref_slice %arg7[%dma_wait3A_285, %dma_wait3A_287, %dma_wait3A_288] : memref<3x128x128xf32, #tpu.memory_space<vmem>> -> memref<1x128x128xf32, #tpu.memory_space<vmem>>
      %dma_wait3A_290 = tpu.memref_squeeze %dma_wait3A_289 : memref<1x128x128xf32, #tpu.memory_space<vmem>> -> memref<128x128xf32, #tpu.memory_space<vmem>>
      %dma_wait3A_291 = arith.constant 0 : i32
      %dma_wait3A_292 = tpu.memref_slice %arg5[%arg0, %add3A_284, %dma_wait3A_291] : memref<2x10000x128xf32, #tpu.memory_space<hbm>> -> memref<1x128x128xf32, #tpu.memory_space<hbm>>
      %dma_wait3A_293 = tpu.memref_squeeze %dma_wait3A_292 : memref<1x128x128xf32, #tpu.memory_space<hbm>> -> memref<128x128xf32, #tpu.memory_space<hbm>>
      %dma_wait3A_294 = tpu.memref_slice %arg10[%dma_wait3A_286] : memref<3x!tpu.dma_semaphore, #tpu.memory_space<semaphore_mem>> -> memref<1x!tpu.dma_semaphore, #tpu.memory_space<semaphore_mem>>
      %dma_wait3A_295 = tpu.memref_squeeze %dma_wait3A_294 : memref<1x!tpu.dma_semaphore, #tpu.memory_space<semaphore_mem>> -> memref<!tpu.dma_semaphore, #tpu.memory_space<semaphore_mem>>
      %dma_wait3A_296 = arith.constant 0 : i32
      %dma_wait3A_297 = tpu.memref_slice %arg5[%arg0, %add3A_284, %dma_wait3A_296] : memref<2x10000x128xf32, #tpu.memory_space<hbm>> -> memref<1x128x128xf32, #tpu.memory_space<hbm>>
      %dma_wait3A_298 = tpu.memref_squeeze %dma_wait3A_297 : memref<1x128x128xf32, #tpu.memory_space<hbm>> -> memref<128x128xf32, #tpu.memory_space<hbm>>
      %dma_wait3A_299 = arith.constant 0 : i32
      %dma_wait3A_300 = arith.constant 0 : i32
      %dma_wait3A_301 = tpu.memref_slice %arg7[%dma_wait3A_285, %dma_wait3A_299, %dma_wait3A_300] : memref<3x128x128xf32, #tpu.memory_space<vmem>> -> memref<1x128x128xf32, #tpu.memory_space<vmem>>
      %dma_wait3A_302 = tpu.memref_squeeze %dma_wait3A_301 : memref<1x128x128xf32, #tpu.memory_space<vmem>> -> memref<128x128xf32, #tpu.memory_space<vmem>>
      tpu.wait_dma2 semaphore(%dma_wait3A_295 : memref<!tpu.dma_semaphore, #tpu.memory_space<semaphore_mem>>) src(%dma_wait3A_302 : memref<128x128xf32, #tpu.memory_space<vmem>>) dst(%dma_wait3A_298 : memref<128x128xf32, #tpu.memory_space<hbm>>)
      %add3A_303 = arith.constant 512 : i32
      %add3A_304 = arith.addi %mul3A_45, %add3A_303 : i32
      %run_scoped3A_305 = arith.constant 0 : i32
      "tpu.region"() ({
        %run_scoped3A_378 = tpu.sem_alloc : memref<!tpu.dma_semaphore, #tpu.memory_space<semaphore_mem>>
        %dma_start3A_379 = arith.constant 0 : i32
        %dma_start3A_380 = arith.constant 0 : i32
        %dma_start3A_381 = tpu.memref_slice %arg7[%run_scoped3A_305, %dma_start3A_379, %dma_start3A_380] : memref<3x128x128xf32, #tpu.memory_space<vmem>> -> memref<1x128x128xf32, #tpu.memory_space<vmem>>
        %dma_start3A_382 = tpu.memref_squeeze %dma_start3A_381 : memref<1x128x128xf32, #tpu.memory_space<vmem>> -> memref<128x128xf32, #tpu.memory_space<vmem>>
        %dma_start3A_383 = arith.constant 0 : i32
        %dma_start3A_384 = arith.constant 0 : i32
        %dma_start3A_385 = tpu.memref_slice %dma_start3A_382[%dma_start3A_383, %dma_start3A_384] : memref<128x128xf32, #tpu.memory_space<vmem>> -> memref<112x128xf32, #tpu.memory_space<vmem>>
        %dma_start3A_386 = arith.constant 0 : i32
        %dma_start3A_387 = tpu.memref_slice %arg11[%add3A_304, %dma_start3A_386] : memref<10000x128xf32, #tpu.memory_space<vmem_shared>> -> memref<112x128xf32, #tpu.memory_space<vmem_shared>>
        %dma_start3A_388 = arith.constant 0 : i32
        %dma_start3A_389 = arith.constant 0 : i32
        %dma_start3A_390 = tpu.memref_slice %arg7[%run_scoped3A_305, %dma_start3A_388, %dma_start3A_389] : memref<3x128x128xf32, #tpu.memory_space<vmem>> -> memref<1x128x128xf32, #tpu.memory_space<vmem>>
        %dma_start3A_391 = tpu.memref_squeeze %dma_start3A_390 : memref<1x128x128xf32, #tpu.memory_space<vmem>> -> memref<128x128xf32, #tpu.memory_space<vmem>>
        %dma_start3A_392 = arith.constant 0 : i32
        %dma_start3A_393 = arith.constant 0 : i32
        %dma_start3A_394 = tpu.memref_slice %dma_start3A_391[%dma_start3A_392, %dma_start3A_393] : memref<128x128xf32, #tpu.memory_space<vmem>> -> memref<112x128xf32, #tpu.memory_space<vmem>>
        %dma_start3A_395 = arith.constant 0 : i32
        %dma_start3A_396 = tpu.memref_slice %arg11[%add3A_304, %dma_start3A_395] : memref<10000x128xf32, #tpu.memory_space<vmem_shared>> -> memref<112x128xf32, #tpu.memory_space<vmem_shared>>
        tpu.enqueue_dma source(%dma_start3A_396 : memref<112x128xf32, #tpu.memory_space<vmem_shared>>) target(%dma_start3A_394 : memref<112x128xf32, #tpu.memory_space<vmem>>) target_semaphore(%run_scoped3A_378 : memref<!tpu.dma_semaphore, #tpu.memory_space<semaphore_mem>>)
        %dma_wait3A_397 = arith.constant 0 : i32
        %dma_wait3A_398 = arith.constant 0 : i32
        %dma_wait3A_399 = tpu.memref_slice %arg7[%run_scoped3A_305, %dma_wait3A_397, %dma_wait3A_398] : memref<3x128x128xf32, #tpu.memory_space<vmem>> -> memref<1x128x128xf32, #tpu.memory_space<vmem>>
        %dma_wait3A_400 = tpu.memref_squeeze %dma_wait3A_399 : memref<1x128x128xf32, #tpu.memory_space<vmem>> -> memref<128x128xf32, #tpu.memory_space<vmem>>
        %dma_wait3A_401 = arith.constant 0 : i32
        %dma_wait3A_402 = arith.constant 0 : i32
        %dma_wait3A_403 = tpu.memref_slice %dma_wait3A_400[%dma_wait3A_401, %dma_wait3A_402] : memref<128x128xf32, #tpu.memory_space<vmem>> -> memref<112x128xf32, #tpu.memory_space<vmem>>
        %dma_wait3A_404 = arith.constant 0 : i32
        %dma_wait3A_405 = tpu.memref_slice %arg11[%add3A_304, %dma_wait3A_404] : memref<10000x128xf32, #tpu.memory_space<vmem_shared>> -> memref<112x128xf32, #tpu.memory_space<vmem_shared>>
        %dma_wait3A_406 = arith.constant 0 : i32
        %dma_wait3A_407 = arith.constant 0 : i32
        %dma_wait3A_408 = tpu.memref_slice %arg7[%run_scoped3A_305, %dma_wait3A_406, %dma_wait3A_407] : memref<3x128x128xf32, #tpu.memory_space<vmem>> -> memref<1x128x128xf32, #tpu.memory_space<vmem>>
        %dma_wait3A_409 = tpu.memref_squeeze %dma_wait3A_408 : memref<1x128x128xf32, #tpu.memory_space<vmem>> -> memref<128x128xf32, #tpu.memory_space<vmem>>
        %dma_wait3A_410 = arith.constant 0 : i32
        %dma_wait3A_411 = arith.constant 0 : i32
        %dma_wait3A_412 = tpu.memref_slice %dma_wait3A_409[%dma_wait3A_410, %dma_wait3A_411] : memref<128x128xf32, #tpu.memory_space<vmem>> -> memref<112x128xf32, #tpu.memory_space<vmem>>
        %dma_wait3A_413 = arith.constant 0 : i32
        %dma_wait3A_414 = tpu.memref_slice %arg11[%add3A_304, %dma_wait3A_413] : memref<10000x128xf32, #tpu.memory_space<vmem_shared>> -> memref<112x128xf32, #tpu.memory_space<vmem_shared>>
        tpu.wait_dma2 semaphore(%run_scoped3A_378 : memref<!tpu.dma_semaphore, #tpu.memory_space<semaphore_mem>>) src(%dma_wait3A_414 : memref<112x128xf32, #tpu.memory_space<vmem_shared>>) dst(%dma_wait3A_412 : memref<112x128xf32, #tpu.memory_space<vmem>>)
        tpu.yield
      }) : () -> ()
      %add3A_306 = arith.constant 512 : i32
      %add3A_307 = arith.addi %mul3A_45, %add3A_306 : i32
      %dma_start3A_308 = arith.constant 0 : i32
      %dma_start3A_309 = arith.constant 0 : i32
      %dma_start3A_310 = arith.constant 0 : i32
      %dma_start3A_311 = arith.constant 0 : i32
      %dma_start3A_312 = tpu.memref_slice %arg7[%dma_start3A_308, %dma_start3A_310, %dma_start3A_311] : memref<3x128x128xf32, #tpu.memory_space<vmem>> -> memref<1x128x128xf32, #tpu.memory_space<vmem>>
      %dma_start3A_313 = tpu.memref_squeeze %dma_start3A_312 : memref<1x128x128xf32, #tpu.memory_space<vmem>> -> memref<128x128xf32, #tpu.memory_space<vmem>>
      %dma_start3A_314 = arith.constant 0 : i32
      %dma_start3A_315 = arith.constant 0 : i32
      %dma_start3A_316 = tpu.memref_slice %dma_start3A_313[%dma_start3A_314, %dma_start3A_315] : memref<128x128xf32, #tpu.memory_space<vmem>> -> memref<112x128xf32, #tpu.memory_space<vmem>>
      %dma_start3A_317 = arith.constant 0 : i32
      %dma_start3A_318 = tpu.memref_slice %arg5[%arg0, %add3A_307, %dma_start3A_317] : memref<2x10000x128xf32, #tpu.memory_space<hbm>> -> memref<1x112x128xf32, #tpu.memory_space<hbm>>
      %dma_start3A_319 = tpu.memref_squeeze %dma_start3A_318 : memref<1x112x128xf32, #tpu.memory_space<hbm>> -> memref<112x128xf32, #tpu.memory_space<hbm>>
      %dma_start3A_320 = tpu.memref_slice %arg10[%dma_start3A_309] : memref<3x!tpu.dma_semaphore, #tpu.memory_space<semaphore_mem>> -> memref<1x!tpu.dma_semaphore, #tpu.memory_space<semaphore_mem>>
      %dma_start3A_321 = tpu.memref_squeeze %dma_start3A_320 : memref<1x!tpu.dma_semaphore, #tpu.memory_space<semaphore_mem>> -> memref<!tpu.dma_semaphore, #tpu.memory_space<semaphore_mem>>
      %dma_start3A_322 = arith.constant 0 : i32
      %dma_start3A_323 = tpu.memref_slice %arg5[%arg0, %add3A_307, %dma_start3A_322] : memref<2x10000x128xf32, #tpu.memory_space<hbm>> -> memref<1x112x128xf32, #tpu.memory_space<hbm>>
      %dma_start3A_324 = tpu.memref_squeeze %dma_start3A_323 : memref<1x112x128xf32, #tpu.memory_space<hbm>> -> memref<112x128xf32, #tpu.memory_space<hbm>>
      %dma_start3A_325 = arith.constant 0 : i32
      %dma_start3A_326 = arith.constant 0 : i32
      %dma_start3A_327 = tpu.memref_slice %arg7[%dma_start3A_308, %dma_start3A_325, %dma_start3A_326] : memref<3x128x128xf32, #tpu.memory_space<vmem>> -> memref<1x128x128xf32, #tpu.memory_space<vmem>>
      %dma_start3A_328 = tpu.memref_squeeze %dma_start3A_327 : memref<1x128x128xf32, #tpu.memory_space<vmem>> -> memref<128x128xf32, #tpu.memory_space<vmem>>
      %dma_start3A_329 = arith.constant 0 : i32
      %dma_start3A_330 = arith.constant 0 : i32
      %dma_start3A_331 = tpu.memref_slice %dma_start3A_328[%dma_start3A_329, %dma_start3A_330] : memref<128x128xf32, #tpu.memory_space<vmem>> -> memref<112x128xf32, #tpu.memory_space<vmem>>
      tpu.enqueue_dma source(%dma_start3A_331 : memref<112x128xf32, #tpu.memory_space<vmem>>) target(%dma_start3A_324 : memref<112x128xf32, #tpu.memory_space<hbm>>) target_semaphore(%dma_start3A_321 : memref<!tpu.dma_semaphore, #tpu.memory_space<semaphore_mem>>)
      %add3A_332 = arith.constant 384 : i32
      %add3A_333 = arith.addi %mul3A_45, %add3A_332 : i32
      %dma_wait3A_334 = arith.constant 1 : i32
      %dma_wait3A_335 = arith.constant 1 : i32
      %dma_wait3A_336 = arith.constant 0 : i32
      %dma_wait3A_337 = arith.constant 0 : i32
      %dma_wait3A_338 = tpu.memref_slice %arg7[%dma_wait3A_334, %dma_wait3A_336, %dma_wait3A_337] : memref<3x128x128xf32, #tpu.memory_space<vmem>> -> memref<1x128x128xf32, #tpu.memory_space<vmem>>
      %dma_wait3A_339 = tpu.memref_squeeze %dma_wait3A_338 : memref<1x128x128xf32, #tpu.memory_space<vmem>> -> memref<128x128xf32, #tpu.memory_space<vmem>>
      %dma_wait3A_340 = arith.constant 0 : i32
      %dma_wait3A_341 = tpu.memref_slice %arg5[%arg0, %add3A_333, %dma_wait3A_340] : memref<2x10000x128xf32, #tpu.memory_space<hbm>> -> memref<1x128x128xf32, #tpu.memory_space<hbm>>
      %dma_wait3A_342 = tpu.memref_squeeze %dma_wait3A_341 : memref<1x128x128xf32, #tpu.memory_space<hbm>> -> memref<128x128xf32, #tpu.memory_space<hbm>>
      %dma_wait3A_343 = tpu.memref_slice %arg10[%dma_wait3A_335] : memref<3x!tpu.dma_semaphore, #tpu.memory_space<semaphore_mem>> -> memref<1x!tpu.dma_semaphore, #tpu.memory_space<semaphore_mem>>
      %dma_wait3A_344 = tpu.memref_squeeze %dma_wait3A_343 : memref<1x!tpu.dma_semaphore, #tpu.memory_space<semaphore_mem>> -> memref<!tpu.dma_semaphore, #tpu.memory_space<semaphore_mem>>
      %dma_wait3A_345 = arith.constant 0 : i32
      %dma_wait3A_346 = tpu.memref_slice %arg5[%arg0, %add3A_333, %dma_wait3A_345] : memref<2x10000x128xf32, #tpu.memory_space<hbm>> -> memref<1x128x128xf32, #tpu.memory_space<hbm>>
      %dma_wait3A_347 = tpu.memref_squeeze %dma_wait3A_346 : memref<1x128x128xf32, #tpu.memory_space<hbm>> -> memref<128x128xf32, #tpu.memory_space<hbm>>
      %dma_wait3A_348 = arith.constant 0 : i32
      %dma_wait3A_349 = arith.constant 0 : i32
      %dma_wait3A_350 = tpu.memref_slice %arg7[%dma_wait3A_334, %dma_wait3A_348, %dma_wait3A_349] : memref<3x128x128xf32, #tpu.memory_space<vmem>> -> memref<1x128x128xf32, #tpu.memory_space<vmem>>
      %dma_wait3A_351 = tpu.memref_squeeze %dma_wait3A_350 : memref<1x128x128xf32, #tpu.memory_space<vmem>> -> memref<128x128xf32, #tpu.memory_space<vmem>>
      tpu.wait_dma2 semaphore(%dma_wait3A_344 : memref<!tpu.dma_semaphore, #tpu.memory_space<semaphore_mem>>) src(%dma_wait3A_351 : memref<128x128xf32, #tpu.memory_space<vmem>>) dst(%dma_wait3A_347 : memref<128x128xf32, #tpu.memory_space<hbm>>)
      %add3A_352 = arith.constant 512 : i32
      %add3A_353 = arith.addi %mul3A_45, %add3A_352 : i32
      %dma_wait3A_354 = arith.constant 0 : i32
      %dma_wait3A_355 = arith.constant 0 : i32
      %dma_wait3A_356 = arith.constant 0 : i32
      %dma_wait3A_357 = arith.constant 0 : i32
      %dma_wait3A_358 = tpu.memref_slice %arg7[%dma_wait3A_354, %dma_wait3A_356, %dma_wait3A_357] : memref<3x128x128xf32, #tpu.memory_space<vmem>> -> memref<1x128x128xf32, #tpu.memory_space<vmem>>
      %dma_wait3A_359 = tpu.memref_squeeze %dma_wait3A_358 : memref<1x128x128xf32, #tpu.memory_space<vmem>> -> memref<128x128xf32, #tpu.memory_space<vmem>>
      %dma_wait3A_360 = arith.constant 0 : i32
      %dma_wait3A_361 = arith.constant 0 : i32
      %dma_wait3A_362 = tpu.memref_slice %dma_wait3A_359[%dma_wait3A_360, %dma_wait3A_361] : memref<128x128xf32, #tpu.memory_space<vmem>> -> memref<112x128xf32, #tpu.memory_space<vmem>>
      %dma_wait3A_363 = arith.constant 0 : i32
      %dma_wait3A_364 = tpu.memref_slice %arg5[%arg0, %add3A_353, %dma_wait3A_363] : memref<2x10000x128xf32, #tpu.memory_space<hbm>> -> memref<1x112x128xf32, #tpu.memory_space<hbm>>
      %dma_wait3A_365 = tpu.memref_squeeze %dma_wait3A_364 : memref<1x112x128xf32, #tpu.memory_space<hbm>> -> memref<112x128xf32, #tpu.memory_space<hbm>>
      %dma_wait3A_366 = tpu.memref_slice %arg10[%dma_wait3A_355] : memref<3x!tpu.dma_semaphore, #tpu.memory_space<semaphore_mem>> -> memref<1x!tpu.dma_semaphore, #tpu.memory_space<semaphore_mem>>
      %dma_wait3A_367 = tpu.memref_squeeze %dma_wait3A_366 : memref<1x!tpu.dma_semaphore, #tpu.memory_space<semaphore_mem>> -> memref<!tpu.dma_semaphore, #tpu.memory_space<semaphore_mem>>
      %dma_wait3A_368 = arith.constant 0 : i32
      %dma_wait3A_369 = tpu.memref_slice %arg5[%arg0, %add3A_353, %dma_wait3A_368] : memref<2x10000x128xf32, #tpu.memory_space<hbm>> -> memref<1x112x128xf32, #tpu.memory_space<hbm>>
      %dma_wait3A_370 = tpu.memref_squeeze %dma_wait3A_369 : memref<1x112x128xf32, #tpu.memory_space<hbm>> -> memref<112x128xf32, #tpu.memory_space<hbm>>
      %dma_wait3A_371 = arith.constant 0 : i32
      %dma_wait3A_372 = arith.constant 0 : i32
      %dma_wait3A_373 = tpu.memref_slice %arg7[%dma_wait3A_354, %dma_wait3A_371, %dma_wait3A_372] : memref<3x128x128xf32, #tpu.memory_space<vmem>> -> memref<1x128x128xf32, #tpu.memory_space<vmem>>
      %dma_wait3A_374 = tpu.memref_squeeze %dma_wait3A_373 : memref<1x128x128xf32, #tpu.memory_space<vmem>> -> memref<128x128xf32, #tpu.memory_space<vmem>>
      %dma_wait3A_375 = arith.constant 0 : i32
      %dma_wait3A_376 = arith.constant 0 : i32
      %dma_wait3A_377 = tpu.memref_slice %dma_wait3A_374[%dma_wait3A_375, %dma_wait3A_376] : memref<128x128xf32, #tpu.memory_space<vmem>> -> memref<112x128xf32, #tpu.memory_space<vmem>>
      tpu.wait_dma2 semaphore(%dma_wait3A_367 : memref<!tpu.dma_semaphore, #tpu.memory_space<semaphore_mem>>) src(%dma_wait3A_377 : memref<112x128xf32, #tpu.memory_space<vmem>>) dst(%dma_wait3A_370 : memref<112x128xf32, #tpu.memory_space<hbm>>)
    } else {
    }
    %eq3A_146 = arith.constant 15 : i32
    %eq3A_147 = arith.cmpi eq, %arg1, %eq3A_146 : i32
    %convert_element_type3A_148 = arith.extui %eq3A_147 : i1 to i32
    %cond3A_149 = arith.constant 0 : i32
    %cond3A_150 = arith.cmpi ne, %convert_element_type3A_148, %cond3A_149 : i32
    scf.if %cond3A_150 {
      %add3A_151 = arith.constant 0 : i32
      %add3A_152 = arith.addi %mul3A_45, %add3A_151 : i32
      %run_scoped3A_153 = arith.constant 0 : i32
      "tpu.region"() ({
        %run_scoped3A_366 = tpu.sem_alloc : memref<!tpu.dma_semaphore, #tpu.memory_space<semaphore_mem>>
        %dma_start3A_367 = arith.constant 0 : i32
        %dma_start3A_368 = arith.constant 0 : i32
        %dma_start3A_369 = tpu.memref_slice %arg7[%run_scoped3A_153, %dma_start3A_367, %dma_start3A_368] : memref<3x128x128xf32, #tpu.memory_space<vmem>> -> memref<1x128x128xf32, #tpu.memory_space<vmem>>
        %dma_start3A_370 = tpu.memref_squeeze %dma_start3A_369 : memref<1x128x128xf32, #tpu.memory_space<vmem>> -> memref<128x128xf32, #tpu.memory_space<vmem>>
        %dma_start3A_371 = arith.constant 0 : i32
        %dma_start3A_372 = tpu.memref_slice %arg11[%add3A_152, %dma_start3A_371] : memref<10000x128xf32, #tpu.memory_space<vmem_shared>> -> memref<128x128xf32, #tpu.memory_space<vmem_shared>>
        %dma_start3A_373 = arith.constant 0 : i32
        %dma_start3A_374 = arith.constant 0 : i32
        %dma_start3A_375 = tpu.memref_slice %arg7[%run_scoped3A_153, %dma_start3A_373, %dma_start3A_374] : memref<3x128x128xf32, #tpu.memory_space<vmem>> -> memref<1x128x128xf32, #tpu.memory_space<vmem>>
        %dma_start3A_376 = tpu.memref_squeeze %dma_start3A_375 : memref<1x128x128xf32, #tpu.memory_space<vmem>> -> memref<128x128xf32, #tpu.memory_space<vmem>>
        %dma_start3A_377 = arith.constant 0 : i32
        %dma_start3A_378 = tpu.memref_slice %arg11[%add3A_152, %dma_start3A_377] : memref<10000x128xf32, #tpu.memory_space<vmem_shared>> -> memref<128x128xf32, #tpu.memory_space<vmem_shared>>
        tpu.enqueue_dma source(%dma_start3A_378 : memref<128x128xf32, #tpu.memory_space<vmem_shared>>) target(%dma_start3A_376 : memref<128x128xf32, #tpu.memory_space<vmem>>) target_semaphore(%run_scoped3A_366 : memref<!tpu.dma_semaphore, #tpu.memory_space<semaphore_mem>>)
        %dma_wait3A_379 = arith.constant 0 : i32
        %dma_wait3A_380 = arith.constant 0 : i32
        %dma_wait3A_381 = tpu.memref_slice %arg7[%run_scoped3A_153, %dma_wait3A_379, %dma_wait3A_380] : memref<3x128x128xf32, #tpu.memory_space<vmem>> -> memref<1x128x128xf32, #tpu.memory_space<vmem>>
        %dma_wait3A_382 = tpu.memref_squeeze %dma_wait3A_381 : memref<1x128x128xf32, #tpu.memory_space<vmem>> -> memref<128x128xf32, #tpu.memory_space<vmem>>
        %dma_wait3A_383 = arith.constant 0 : i32
        %dma_wait3A_384 = tpu.memref_slice %arg11[%add3A_152, %dma_wait3A_383] : memref<10000x128xf32, #tpu.memory_space<vmem_shared>> -> memref<128x128xf32, #tpu.memory_space<vmem_shared>>
        %dma_wait3A_385 = arith.constant 0 : i32
        %dma_wait3A_386 = arith.constant 0 : i32
        %dma_wait3A_387 = tpu.memref_slice %arg7[%run_scoped3A_153, %dma_wait3A_385, %dma_wait3A_386] : memref<3x128x128xf32, #tpu.memory_space<vmem>> -> memref<1x128x128xf32, #tpu.memory_space<vmem>>
        %dma_wait3A_388 = tpu.memref_squeeze %dma_wait3A_387 : memref<1x128x128xf32, #tpu.memory_space<vmem>> -> memref<128x128xf32, #tpu.memory_space<vmem>>
        %dma_wait3A_389 = arith.constant 0 : i32
        %dma_wait3A_390 = tpu.memref_slice %arg11[%add3A_152, %dma_wait3A_389] : memref<10000x128xf32, #tpu.memory_space<vmem_shared>> -> memref<128x128xf32, #tpu.memory_space<vmem_shared>>
        tpu.wait_dma2 semaphore(%run_scoped3A_366 : memref<!tpu.dma_semaphore, #tpu.memory_space<semaphore_mem>>) src(%dma_wait3A_390 : memref<128x128xf32, #tpu.memory_space<vmem_shared>>) dst(%dma_wait3A_388 : memref<128x128xf32, #tpu.memory_space<vmem>>)
        tpu.yield
      }) : () -> ()
      %add3A_154 = arith.constant 0 : i32
      %add3A_155 = arith.addi %mul3A_45, %add3A_154 : i32
      %dma_start3A_156 = arith.constant 0 : i32
      %dma_start3A_157 = arith.constant 0 : i32
      %dma_start3A_158 = arith.constant 0 : i32
      %dma_start3A_159 = arith.constant 0 : i32
      %dma_start3A_160 = tpu.memref_slice %arg7[%dma_start3A_156, %dma_start3A_158, %dma_start3A_159] : memref<3x128x128xf32, #tpu.memory_space<vmem>> -> memref<1x128x128xf32, #tpu.memory_space<vmem>>
      %dma_start3A_161 = tpu.memref_squeeze %dma_start3A_160 : memref<1x128x128xf32, #tpu.memory_space<vmem>> -> memref<128x128xf32, #tpu.memory_space<vmem>>
      %dma_start3A_162 = arith.constant 0 : i32
      %dma_start3A_163 = tpu.memref_slice %arg5[%arg0, %add3A_155, %dma_start3A_162] : memref<2x10000x128xf32, #tpu.memory_space<hbm>> -> memref<1x128x128xf32, #tpu.memory_space<hbm>>
      %dma_start3A_164 = tpu.memref_squeeze %dma_start3A_163 : memref<1x128x128xf32, #tpu.memory_space<hbm>> -> memref<128x128xf32, #tpu.memory_space<hbm>>
      %dma_start3A_165 = tpu.memref_slice %arg10[%dma_start3A_157] : memref<3x!tpu.dma_semaphore, #tpu.memory_space<semaphore_mem>> -> memref<1x!tpu.dma_semaphore, #tpu.memory_space<semaphore_mem>>
      %dma_start3A_166 = tpu.memref_squeeze %dma_start3A_165 : memref<1x!tpu.dma_semaphore, #tpu.memory_space<semaphore_mem>> -> memref<!tpu.dma_semaphore, #tpu.memory_space<semaphore_mem>>
      %dma_start3A_167 = arith.constant 0 : i32
      %dma_start3A_168 = tpu.memref_slice %arg5[%arg0, %add3A_155, %dma_start3A_167] : memref<2x10000x128xf32, #tpu.memory_space<hbm>> -> memref<1x128x128xf32, #tpu.memory_space<hbm>>
      %dma_start3A_169 = tpu.memref_squeeze %dma_start3A_168 : memref<1x128x128xf32, #tpu.memory_space<hbm>> -> memref<128x128xf32, #tpu.memory_space<hbm>>
      %dma_start3A_170 = arith.constant 0 : i32
      %dma_start3A_171 = arith.constant 0 : i32
      %dma_start3A_172 = tpu.memref_slice %arg7[%dma_start3A_156, %dma_start3A_170, %dma_start3A_171] : memref<3x128x128xf32, #tpu.memory_space<vmem>> -> memref<1x128x128xf32, #tpu.memory_space<vmem>>
      %dma_start3A_173 = tpu.memref_squeeze %dma_start3A_172 : memref<1x128x128xf32, #tpu.memory_space<vmem>> -> memref<128x128xf32, #tpu.memory_space<vmem>>
      tpu.enqueue_dma source(%dma_start3A_173 : memref<128x128xf32, #tpu.memory_space<vmem>>) target(%dma_start3A_169 : memref<128x128xf32, #tpu.memory_space<hbm>>) target_semaphore(%dma_start3A_166 : memref<!tpu.dma_semaphore, #tpu.memory_space<semaphore_mem>>)
      %add3A_174 = arith.constant 128 : i32
      %add3A_175 = arith.addi %mul3A_45, %add3A_174 : i32
      %run_scoped3A_176 = arith.constant 1 : i32
      "tpu.region"() ({
        %run_scoped3A_366 = tpu.sem_alloc : memref<!tpu.dma_semaphore, #tpu.memory_space<semaphore_mem>>
        %dma_start3A_367 = arith.constant 0 : i32
        %dma_start3A_368 = arith.constant 0 : i32
        %dma_start3A_369 = tpu.memref_slice %arg7[%run_scoped3A_176, %dma_start3A_367, %dma_start3A_368] : memref<3x128x128xf32, #tpu.memory_space<vmem>> -> memref<1x128x128xf32, #tpu.memory_space<vmem>>
        %dma_start3A_370 = tpu.memref_squeeze %dma_start3A_369 : memref<1x128x128xf32, #tpu.memory_space<vmem>> -> memref<128x128xf32, #tpu.memory_space<vmem>>
        %dma_start3A_371 = arith.constant 0 : i32
        %dma_start3A_372 = tpu.memref_slice %arg11[%add3A_175, %dma_start3A_371] : memref<10000x128xf32, #tpu.memory_space<vmem_shared>> -> memref<128x128xf32, #tpu.memory_space<vmem_shared>>
        %dma_start3A_373 = arith.constant 0 : i32
        %dma_start3A_374 = arith.constant 0 : i32
        %dma_start3A_375 = tpu.memref_slice %arg7[%run_scoped3A_176, %dma_start3A_373, %dma_start3A_374] : memref<3x128x128xf32, #tpu.memory_space<vmem>> -> memref<1x128x128xf32, #tpu.memory_space<vmem>>
        %dma_start3A_376 = tpu.memref_squeeze %dma_start3A_375 : memref<1x128x128xf32, #tpu.memory_space<vmem>> -> memref<128x128xf32, #tpu.memory_space<vmem>>
        %dma_start3A_377 = arith.constant 0 : i32
        %dma_start3A_378 = tpu.memref_slice %arg11[%add3A_175, %dma_start3A_377] : memref<10000x128xf32, #tpu.memory_space<vmem_shared>> -> memref<128x128xf32, #tpu.memory_space<vmem_shared>>
        tpu.enqueue_dma source(%dma_start3A_378 : memref<128x128xf32, #tpu.memory_space<vmem_shared>>) target(%dma_start3A_376 : memref<128x128xf32, #tpu.memory_space<vmem>>) target_semaphore(%run_scoped3A_366 : memref<!tpu.dma_semaphore, #tpu.memory_space<semaphore_mem>>)
        %dma_wait3A_379 = arith.constant 0 : i32
        %dma_wait3A_380 = arith.constant 0 : i32
        %dma_wait3A_381 = tpu.memref_slice %arg7[%run_scoped3A_176, %dma_wait3A_379, %dma_wait3A_380] : memref<3x128x128xf32, #tpu.memory_space<vmem>> -> memref<1x128x128xf32, #tpu.memory_space<vmem>>
        %dma_wait3A_382 = tpu.memref_squeeze %dma_wait3A_381 : memref<1x128x128xf32, #tpu.memory_space<vmem>> -> memref<128x128xf32, #tpu.memory_space<vmem>>
        %dma_wait3A_383 = arith.constant 0 : i32
        %dma_wait3A_384 = tpu.memref_slice %arg11[%add3A_175, %dma_wait3A_383] : memref<10000x128xf32, #tpu.memory_space<vmem_shared>> -> memref<128x128xf32, #tpu.memory_space<vmem_shared>>
        %dma_wait3A_385 = arith.constant 0 : i32
        %dma_wait3A_386 = arith.constant 0 : i32
        %dma_wait3A_387 = tpu.memref_slice %arg7[%run_scoped3A_176, %dma_wait3A_385, %dma_wait3A_386] : memref<3x128x128xf32, #tpu.memory_space<vmem>> -> memref<1x128x128xf32, #tpu.memory_space<vmem>>
        %dma_wait3A_388 = tpu.memref_squeeze %dma_wait3A_387 : memref<1x128x128xf32, #tpu.memory_space<vmem>> -> memref<128x128xf32, #tpu.memory_space<vmem>>
        %dma_wait3A_389 = arith.constant 0 : i32
        %dma_wait3A_390 = tpu.memref_slice %arg11[%add3A_175, %dma_wait3A_389] : memref<10000x128xf32, #tpu.memory_space<vmem_shared>> -> memref<128x128xf32, #tpu.memory_space<vmem_shared>>
        tpu.wait_dma2 semaphore(%run_scoped3A_366 : memref<!tpu.dma_semaphore, #tpu.memory_space<semaphore_mem>>) src(%dma_wait3A_390 : memref<128x128xf32, #tpu.memory_space<vmem_shared>>) dst(%dma_wait3A_388 : memref<128x128xf32, #tpu.memory_space<vmem>>)
        tpu.yield
      }) : () -> ()
      %add3A_177 = arith.constant 128 : i32
      %add3A_178 = arith.addi %mul3A_45, %add3A_177 : i32
      %dma_start3A_179 = arith.constant 1 : i32
      %dma_start3A_180 = arith.constant 1 : i32
      %dma_start3A_181 = arith.constant 0 : i32
      %dma_start3A_182 = arith.constant 0 : i32
      %dma_start3A_183 = tpu.memref_slice %arg7[%dma_start3A_179, %dma_start3A_181, %dma_start3A_182] : memref<3x128x128xf32, #tpu.memory_space<vmem>> -> memref<1x128x128xf32, #tpu.memory_space<vmem>>
      %dma_start3A_184 = tpu.memref_squeeze %dma_start3A_183 : memref<1x128x128xf32, #tpu.memory_space<vmem>> -> memref<128x128xf32, #tpu.memory_space<vmem>>
      %dma_start3A_185 = arith.constant 0 : i32
      %dma_start3A_186 = tpu.memref_slice %arg5[%arg0, %add3A_178, %dma_start3A_185] : memref<2x10000x128xf32, #tpu.memory_space<hbm>> -> memref<1x128x128xf32, #tpu.memory_space<hbm>>
      %dma_start3A_187 = tpu.memref_squeeze %dma_start3A_186 : memref<1x128x128xf32, #tpu.memory_space<hbm>> -> memref<128x128xf32, #tpu.memory_space<hbm>>
      %dma_start3A_188 = tpu.memref_slice %arg10[%dma_start3A_180] : memref<3x!tpu.dma_semaphore, #tpu.memory_space<semaphore_mem>> -> memref<1x!tpu.dma_semaphore, #tpu.memory_space<semaphore_mem>>
      %dma_start3A_189 = tpu.memref_squeeze %dma_start3A_188 : memref<1x!tpu.dma_semaphore, #tpu.memory_space<semaphore_mem>> -> memref<!tpu.dma_semaphore, #tpu.memory_space<semaphore_mem>>
      %dma_start3A_190 = arith.constant 0 : i32
      %dma_start3A_191 = tpu.memref_slice %arg5[%arg0, %add3A_178, %dma_start3A_190] : memref<2x10000x128xf32, #tpu.memory_space<hbm>> -> memref<1x128x128xf32, #tpu.memory_space<hbm>>
      %dma_start3A_192 = tpu.memref_squeeze %dma_start3A_191 : memref<1x128x128xf32, #tpu.memory_space<hbm>> -> memref<128x128xf32, #tpu.memory_space<hbm>>
      %dma_start3A_193 = arith.constant 0 : i32
      %dma_start3A_194 = arith.constant 0 : i32
      %dma_start3A_195 = tpu.memref_slice %arg7[%dma_start3A_179, %dma_start3A_193, %dma_start3A_194] : memref<3x128x128xf32, #tpu.memory_space<vmem>> -> memref<1x128x128xf32, #tpu.memory_space<vmem>>
      %dma_start3A_196 = tpu.memref_squeeze %dma_start3A_195 : memref<1x128x128xf32, #tpu.memory_space<vmem>> -> memref<128x128xf32, #tpu.memory_space<vmem>>
      tpu.enqueue_dma source(%dma_start3A_196 : memref<128x128xf32, #tpu.memory_space<vmem>>) target(%dma_start3A_192 : memref<128x128xf32, #tpu.memory_space<hbm>>) target_semaphore(%dma_start3A_189 : memref<!tpu.dma_semaphore, #tpu.memory_space<semaphore_mem>>)
      %add3A_197 = arith.constant 0 : i32
      %add3A_198 = arith.addi %mul3A_45, %add3A_197 : i32
      %dma_wait3A_199 = arith.constant 0 : i32
      %dma_wait3A_200 = arith.constant 0 : i32
      %dma_wait3A_201 = arith.constant 0 : i32
      %dma_wait3A_202 = arith.constant 0 : i32
      %dma_wait3A_203 = tpu.memref_slice %arg7[%dma_wait3A_199, %dma_wait3A_201, %dma_wait3A_202] : memref<3x128x128xf32, #tpu.memory_space<vmem>> -> memref<1x128x128xf32, #tpu.memory_space<vmem>>
      %dma_wait3A_204 = tpu.memref_squeeze %dma_wait3A_203 : memref<1x128x128xf32, #tpu.memory_space<vmem>> -> memref<128x128xf32, #tpu.memory_space<vmem>>
      %dma_wait3A_205 = arith.constant 0 : i32
      %dma_wait3A_206 = tpu.memref_slice %arg5[%arg0, %add3A_198, %dma_wait3A_205] : memref<2x10000x128xf32, #tpu.memory_space<hbm>> -> memref<1x128x128xf32, #tpu.memory_space<hbm>>
      %dma_wait3A_207 = tpu.memref_squeeze %dma_wait3A_206 : memref<1x128x128xf32, #tpu.memory_space<hbm>> -> memref<128x128xf32, #tpu.memory_space<hbm>>
      %dma_wait3A_208 = tpu.memref_slice %arg10[%dma_wait3A_200] : memref<3x!tpu.dma_semaphore, #tpu.memory_space<semaphore_mem>> -> memref<1x!tpu.dma_semaphore, #tpu.memory_space<semaphore_mem>>
      %dma_wait3A_209 = tpu.memref_squeeze %dma_wait3A_208 : memref<1x!tpu.dma_semaphore, #tpu.memory_space<semaphore_mem>> -> memref<!tpu.dma_semaphore, #tpu.memory_space<semaphore_mem>>
      %dma_wait3A_210 = arith.constant 0 : i32
      %dma_wait3A_211 = tpu.memref_slice %arg5[%arg0, %add3A_198, %dma_wait3A_210] : memref<2x10000x128xf32, #tpu.memory_space<hbm>> -> memref<1x128x128xf32, #tpu.memory_space<hbm>>
      %dma_wait3A_212 = tpu.memref_squeeze %dma_wait3A_211 : memref<1x128x128xf32, #tpu.memory_space<hbm>> -> memref<128x128xf32, #tpu.memory_space<hbm>>
      %dma_wait3A_213 = arith.constant 0 : i32
      %dma_wait3A_214 = arith.constant 0 : i32
      %dma_wait3A_215 = tpu.memref_slice %arg7[%dma_wait3A_199, %dma_wait3A_213, %dma_wait3A_214] : memref<3x128x128xf32, #tpu.memory_space<vmem>> -> memref<1x128x128xf32, #tpu.memory_space<vmem>>
      %dma_wait3A_216 = tpu.memref_squeeze %dma_wait3A_215 : memref<1x128x128xf32, #tpu.memory_space<vmem>> -> memref<128x128xf32, #tpu.memory_space<vmem>>
      tpu.wait_dma2 semaphore(%dma_wait3A_209 : memref<!tpu.dma_semaphore, #tpu.memory_space<semaphore_mem>>) src(%dma_wait3A_216 : memref<128x128xf32, #tpu.memory_space<vmem>>) dst(%dma_wait3A_212 : memref<128x128xf32, #tpu.memory_space<hbm>>)
      %add3A_217 = arith.constant 256 : i32
      %add3A_218 = arith.addi %mul3A_45, %add3A_217 : i32
      %run_scoped3A_219 = arith.constant 0 : i32
      "tpu.region"() ({
        %run_scoped3A_366 = tpu.sem_alloc : memref<!tpu.dma_semaphore, #tpu.memory_space<semaphore_mem>>
        %dma_start3A_367 = arith.constant 0 : i32
        %dma_start3A_368 = arith.constant 0 : i32
        %dma_start3A_369 = tpu.memref_slice %arg7[%run_scoped3A_219, %dma_start3A_367, %dma_start3A_368] : memref<3x128x128xf32, #tpu.memory_space<vmem>> -> memref<1x128x128xf32, #tpu.memory_space<vmem>>
        %dma_start3A_370 = tpu.memref_squeeze %dma_start3A_369 : memref<1x128x128xf32, #tpu.memory_space<vmem>> -> memref<128x128xf32, #tpu.memory_space<vmem>>
        %dma_start3A_371 = arith.constant 0 : i32
        %dma_start3A_372 = tpu.memref_slice %arg11[%add3A_218, %dma_start3A_371] : memref<10000x128xf32, #tpu.memory_space<vmem_shared>> -> memref<128x128xf32, #tpu.memory_space<vmem_shared>>
        %dma_start3A_373 = arith.constant 0 : i32
        %dma_start3A_374 = arith.constant 0 : i32
        %dma_start3A_375 = tpu.memref_slice %arg7[%run_scoped3A_219, %dma_start3A_373, %dma_start3A_374] : memref<3x128x128xf32, #tpu.memory_space<vmem>> -> memref<1x128x128xf32, #tpu.memory_space<vmem>>
        %dma_start3A_376 = tpu.memref_squeeze %dma_start3A_375 : memref<1x128x128xf32, #tpu.memory_space<vmem>> -> memref<128x128xf32, #tpu.memory_space<vmem>>
        %dma_start3A_377 = arith.constant 0 : i32
        %dma_start3A_378 = tpu.memref_slice %arg11[%add3A_218, %dma_start3A_377] : memref<10000x128xf32, #tpu.memory_space<vmem_shared>> -> memref<128x128xf32, #tpu.memory_space<vmem_shared>>
        tpu.enqueue_dma source(%dma_start3A_378 : memref<128x128xf32, #tpu.memory_space<vmem_shared>>) target(%dma_start3A_376 : memref<128x128xf32, #tpu.memory_space<vmem>>) target_semaphore(%run_scoped3A_366 : memref<!tpu.dma_semaphore, #tpu.memory_space<semaphore_mem>>)
        %dma_wait3A_379 = arith.constant 0 : i32
        %dma_wait3A_380 = arith.constant 0 : i32
        %dma_wait3A_381 = tpu.memref_slice %arg7[%run_scoped3A_219, %dma_wait3A_379, %dma_wait3A_380] : memref<3x128x128xf32, #tpu.memory_space<vmem>> -> memref<1x128x128xf32, #tpu.memory_space<vmem>>
        %dma_wait3A_382 = tpu.memref_squeeze %dma_wait3A_381 : memref<1x128x128xf32, #tpu.memory_space<vmem>> -> memref<128x128xf32, #tpu.memory_space<vmem>>
        %dma_wait3A_383 = arith.constant 0 : i32
        %dma_wait3A_384 = tpu.memref_slice %arg11[%add3A_218, %dma_wait3A_383] : memref<10000x128xf32, #tpu.memory_space<vmem_shared>> -> memref<128x128xf32, #tpu.memory_space<vmem_shared>>
        %dma_wait3A_385 = arith.constant 0 : i32
        %dma_wait3A_386 = arith.constant 0 : i32
        %dma_wait3A_387 = tpu.memref_slice %arg7[%run_scoped3A_219, %dma_wait3A_385, %dma_wait3A_386] : memref<3x128x128xf32, #tpu.memory_space<vmem>> -> memref<1x128x128xf32, #tpu.memory_space<vmem>>
        %dma_wait3A_388 = tpu.memref_squeeze %dma_wait3A_387 : memref<1x128x128xf32, #tpu.memory_space<vmem>> -> memref<128x128xf32, #tpu.memory_space<vmem>>
        %dma_wait3A_389 = arith.constant 0 : i32
        %dma_wait3A_390 = tpu.memref_slice %arg11[%add3A_218, %dma_wait3A_389] : memref<10000x128xf32, #tpu.memory_space<vmem_shared>> -> memref<128x128xf32, #tpu.memory_space<vmem_shared>>
        tpu.wait_dma2 semaphore(%run_scoped3A_366 : memref<!tpu.dma_semaphore, #tpu.memory_space<semaphore_mem>>) src(%dma_wait3A_390 : memref<128x128xf32, #tpu.memory_space<vmem_shared>>) dst(%dma_wait3A_388 : memref<128x128xf32, #tpu.memory_space<vmem>>)
        tpu.yield
      }) : () -> ()
      %add3A_220 = arith.constant 256 : i32
      %add3A_221 = arith.addi %mul3A_45, %add3A_220 : i32
      %dma_start3A_222 = arith.constant 0 : i32
      %dma_start3A_223 = arith.constant 0 : i32
      %dma_start3A_224 = arith.constant 0 : i32
      %dma_start3A_225 = arith.constant 0 : i32
      %dma_start3A_226 = tpu.memref_slice %arg7[%dma_start3A_222, %dma_start3A_224, %dma_start3A_225] : memref<3x128x128xf32, #tpu.memory_space<vmem>> -> memref<1x128x128xf32, #tpu.memory_space<vmem>>
      %dma_start3A_227 = tpu.memref_squeeze %dma_start3A_226 : memref<1x128x128xf32, #tpu.memory_space<vmem>> -> memref<128x128xf32, #tpu.memory_space<vmem>>
      %dma_start3A_228 = arith.constant 0 : i32
      %dma_start3A_229 = tpu.memref_slice %arg5[%arg0, %add3A_221, %dma_start3A_228] : memref<2x10000x128xf32, #tpu.memory_space<hbm>> -> memref<1x128x128xf32, #tpu.memory_space<hbm>>
      %dma_start3A_230 = tpu.memref_squeeze %dma_start3A_229 : memref<1x128x128xf32, #tpu.memory_space<hbm>> -> memref<128x128xf32, #tpu.memory_space<hbm>>
      %dma_start3A_231 = tpu.memref_slice %arg10[%dma_start3A_223] : memref<3x!tpu.dma_semaphore, #tpu.memory_space<semaphore_mem>> -> memref<1x!tpu.dma_semaphore, #tpu.memory_space<semaphore_mem>>
      %dma_start3A_232 = tpu.memref_squeeze %dma_start3A_231 : memref<1x!tpu.dma_semaphore, #tpu.memory_space<semaphore_mem>> -> memref<!tpu.dma_semaphore, #tpu.memory_space<semaphore_mem>>
      %dma_start3A_233 = arith.constant 0 : i32
      %dma_start3A_234 = tpu.memref_slice %arg5[%arg0, %add3A_221, %dma_start3A_233] : memref<2x10000x128xf32, #tpu.memory_space<hbm>> -> memref<1x128x128xf32, #tpu.memory_space<hbm>>
      %dma_start3A_235 = tpu.memref_squeeze %dma_start3A_234 : memref<1x128x128xf32, #tpu.memory_space<hbm>> -> memref<128x128xf32, #tpu.memory_space<hbm>>
      %dma_start3A_236 = arith.constant 0 : i32
      %dma_start3A_237 = arith.constant 0 : i32
      %dma_start3A_238 = tpu.memref_slice %arg7[%dma_start3A_222, %dma_start3A_236, %dma_start3A_237] : memref<3x128x128xf32, #tpu.memory_space<vmem>> -> memref<1x128x128xf32, #tpu.memory_space<vmem>>
      %dma_start3A_239 = tpu.memref_squeeze %dma_start3A_238 : memref<1x128x128xf32, #tpu.memory_space<vmem>> -> memref<128x128xf32, #tpu.memory_space<vmem>>
      tpu.enqueue_dma source(%dma_start3A_239 : memref<128x128xf32, #tpu.memory_space<vmem>>) target(%dma_start3A_235 : memref<128x128xf32, #tpu.memory_space<hbm>>) target_semaphore(%dma_start3A_232 : memref<!tpu.dma_semaphore, #tpu.memory_space<semaphore_mem>>)
      %add3A_240 = arith.constant 128 : i32
      %add3A_241 = arith.addi %mul3A_45, %add3A_240 : i32
      %dma_wait3A_242 = arith.constant 1 : i32
      %dma_wait3A_243 = arith.constant 1 : i32
      %dma_wait3A_244 = arith.constant 0 : i32
      %dma_wait3A_245 = arith.constant 0 : i32
      %dma_wait3A_246 = tpu.memref_slice %arg7[%dma_wait3A_242, %dma_wait3A_244, %dma_wait3A_245] : memref<3x128x128xf32, #tpu.memory_space<vmem>> -> memref<1x128x128xf32, #tpu.memory_space<vmem>>
      %dma_wait3A_247 = tpu.memref_squeeze %dma_wait3A_246 : memref<1x128x128xf32, #tpu.memory_space<vmem>> -> memref<128x128xf32, #tpu.memory_space<vmem>>
      %dma_wait3A_248 = arith.constant 0 : i32
      %dma_wait3A_249 = tpu.memref_slice %arg5[%arg0, %add3A_241, %dma_wait3A_248] : memref<2x10000x128xf32, #tpu.memory_space<hbm>> -> memref<1x128x128xf32, #tpu.memory_space<hbm>>
      %dma_wait3A_250 = tpu.memref_squeeze %dma_wait3A_249 : memref<1x128x128xf32, #tpu.memory_space<hbm>> -> memref<128x128xf32, #tpu.memory_space<hbm>>
      %dma_wait3A_251 = tpu.memref_slice %arg10[%dma_wait3A_243] : memref<3x!tpu.dma_semaphore, #tpu.memory_space<semaphore_mem>> -> memref<1x!tpu.dma_semaphore, #tpu.memory_space<semaphore_mem>>
      %dma_wait3A_252 = tpu.memref_squeeze %dma_wait3A_251 : memref<1x!tpu.dma_semaphore, #tpu.memory_space<semaphore_mem>> -> memref<!tpu.dma_semaphore, #tpu.memory_space<semaphore_mem>>
      %dma_wait3A_253 = arith.constant 0 : i32
      %dma_wait3A_254 = tpu.memref_slice %arg5[%arg0, %add3A_241, %dma_wait3A_253] : memref<2x10000x128xf32, #tpu.memory_space<hbm>> -> memref<1x128x128xf32, #tpu.memory_space<hbm>>
      %dma_wait3A_255 = tpu.memref_squeeze %dma_wait3A_254 : memref<1x128x128xf32, #tpu.memory_space<hbm>> -> memref<128x128xf32, #tpu.memory_space<hbm>>
      %dma_wait3A_256 = arith.constant 0 : i32
      %dma_wait3A_257 = arith.constant 0 : i32
      %dma_wait3A_258 = tpu.memref_slice %arg7[%dma_wait3A_242, %dma_wait3A_256, %dma_wait3A_257] : memref<3x128x128xf32, #tpu.memory_space<vmem>> -> memref<1x128x128xf32, #tpu.memory_space<vmem>>
      %dma_wait3A_259 = tpu.memref_squeeze %dma_wait3A_258 : memref<1x128x128xf32, #tpu.memory_space<vmem>> -> memref<128x128xf32, #tpu.memory_space<vmem>>
      tpu.wait_dma2 semaphore(%dma_wait3A_252 : memref<!tpu.dma_semaphore, #tpu.memory_space<semaphore_mem>>) src(%dma_wait3A_259 : memref<128x128xf32, #tpu.memory_space<vmem>>) dst(%dma_wait3A_255 : memref<128x128xf32, #tpu.memory_space<hbm>>)
      %add3A_260 = arith.constant 384 : i32
      %add3A_261 = arith.addi %mul3A_45, %add3A_260 : i32
      %run_scoped3A_262 = arith.constant 1 : i32
      "tpu.region"() ({
        %run_scoped3A_366 = tpu.sem_alloc : memref<!tpu.dma_semaphore, #tpu.memory_space<semaphore_mem>>
        %dma_start3A_367 = arith.constant 0 : i32
        %dma_start3A_368 = arith.constant 0 : i32
        %dma_start3A_369 = tpu.memref_slice %arg7[%run_scoped3A_262, %dma_start3A_367, %dma_start3A_368] : memref<3x128x128xf32, #tpu.memory_space<vmem>> -> memref<1x128x128xf32, #tpu.memory_space<vmem>>
        %dma_start3A_370 = tpu.memref_squeeze %dma_start3A_369 : memref<1x128x128xf32, #tpu.memory_space<vmem>> -> memref<128x128xf32, #tpu.memory_space<vmem>>
        %dma_start3A_371 = arith.constant 0 : i32
        %dma_start3A_372 = tpu.memref_slice %arg11[%add3A_261, %dma_start3A_371] : memref<10000x128xf32, #tpu.memory_space<vmem_shared>> -> memref<128x128xf32, #tpu.memory_space<vmem_shared>>
        %dma_start3A_373 = arith.constant 0 : i32
        %dma_start3A_374 = arith.constant 0 : i32
        %dma_start3A_375 = tpu.memref_slice %arg7[%run_scoped3A_262, %dma_start3A_373, %dma_start3A_374] : memref<3x128x128xf32, #tpu.memory_space<vmem>> -> memref<1x128x128xf32, #tpu.memory_space<vmem>>
        %dma_start3A_376 = tpu.memref_squeeze %dma_start3A_375 : memref<1x128x128xf32, #tpu.memory_space<vmem>> -> memref<128x128xf32, #tpu.memory_space<vmem>>
        %dma_start3A_377 = arith.constant 0 : i32
        %dma_start3A_378 = tpu.memref_slice %arg11[%add3A_261, %dma_start3A_377] : memref<10000x128xf32, #tpu.memory_space<vmem_shared>> -> memref<128x128xf32, #tpu.memory_space<vmem_shared>>
        tpu.enqueue_dma source(%dma_start3A_378 : memref<128x128xf32, #tpu.memory_space<vmem_shared>>) target(%dma_start3A_376 : memref<128x128xf32, #tpu.memory_space<vmem>>) target_semaphore(%run_scoped3A_366 : memref<!tpu.dma_semaphore, #tpu.memory_space<semaphore_mem>>)
        %dma_wait3A_379 = arith.constant 0 : i32
        %dma_wait3A_380 = arith.constant 0 : i32
        %dma_wait3A_381 = tpu.memref_slice %arg7[%run_scoped3A_262, %dma_wait3A_379, %dma_wait3A_380] : memref<3x128x128xf32, #tpu.memory_space<vmem>> -> memref<1x128x128xf32, #tpu.memory_space<vmem>>
        %dma_wait3A_382 = tpu.memref_squeeze %dma_wait3A_381 : memref<1x128x128xf32, #tpu.memory_space<vmem>> -> memref<128x128xf32, #tpu.memory_space<vmem>>
        %dma_wait3A_383 = arith.constant 0 : i32
        %dma_wait3A_384 = tpu.memref_slice %arg11[%add3A_261, %dma_wait3A_383] : memref<10000x128xf32, #tpu.memory_space<vmem_shared>> -> memref<128x128xf32, #tpu.memory_space<vmem_shared>>
        %dma_wait3A_385 = arith.constant 0 : i32
        %dma_wait3A_386 = arith.constant 0 : i32
        %dma_wait3A_387 = tpu.memref_slice %arg7[%run_scoped3A_262, %dma_wait3A_385, %dma_wait3A_386] : memref<3x128x128xf32, #tpu.memory_space<vmem>> -> memref<1x128x128xf32, #tpu.memory_space<vmem>>
        %dma_wait3A_388 = tpu.memref_squeeze %dma_wait3A_387 : memref<1x128x128xf32, #tpu.memory_space<vmem>> -> memref<128x128xf32, #tpu.memory_space<vmem>>
        %dma_wait3A_389 = arith.constant 0 : i32
        %dma_wait3A_390 = tpu.memref_slice %arg11[%add3A_261, %dma_wait3A_389] : memref<10000x128xf32, #tpu.memory_space<vmem_shared>> -> memref<128x128xf32, #tpu.memory_space<vmem_shared>>
        tpu.wait_dma2 semaphore(%run_scoped3A_366 : memref<!tpu.dma_semaphore, #tpu.memory_space<semaphore_mem>>) src(%dma_wait3A_390 : memref<128x128xf32, #tpu.memory_space<vmem_shared>>) dst(%dma_wait3A_388 : memref<128x128xf32, #tpu.memory_space<vmem>>)
        tpu.yield
      }) : () -> ()
      %add3A_263 = arith.constant 384 : i32
      %add3A_264 = arith.addi %mul3A_45, %add3A_263 : i32
      %dma_start3A_265 = arith.constant 1 : i32
      %dma_start3A_266 = arith.constant 1 : i32
      %dma_start3A_267 = arith.constant 0 : i32
      %dma_start3A_268 = arith.constant 0 : i32
      %dma_start3A_269 = tpu.memref_slice %arg7[%dma_start3A_265, %dma_start3A_267, %dma_start3A_268] : memref<3x128x128xf32, #tpu.memory_space<vmem>> -> memref<1x128x128xf32, #tpu.memory_space<vmem>>
      %dma_start3A_270 = tpu.memref_squeeze %dma_start3A_269 : memref<1x128x128xf32, #tpu.memory_space<vmem>> -> memref<128x128xf32, #tpu.memory_space<vmem>>
      %dma_start3A_271 = arith.constant 0 : i32
      %dma_start3A_272 = tpu.memref_slice %arg5[%arg0, %add3A_264, %dma_start3A_271] : memref<2x10000x128xf32, #tpu.memory_space<hbm>> -> memref<1x128x128xf32, #tpu.memory_space<hbm>>
      %dma_start3A_273 = tpu.memref_squeeze %dma_start3A_272 : memref<1x128x128xf32, #tpu.memory_space<hbm>> -> memref<128x128xf32, #tpu.memory_space<hbm>>
      %dma_start3A_274 = tpu.memref_slice %arg10[%dma_start3A_266] : memref<3x!tpu.dma_semaphore, #tpu.memory_space<semaphore_mem>> -> memref<1x!tpu.dma_semaphore, #tpu.memory_space<semaphore_mem>>
      %dma_start3A_275 = tpu.memref_squeeze %dma_start3A_274 : memref<1x!tpu.dma_semaphore, #tpu.memory_space<semaphore_mem>> -> memref<!tpu.dma_semaphore, #tpu.memory_space<semaphore_mem>>
      %dma_start3A_276 = arith.constant 0 : i32
      %dma_start3A_277 = tpu.memref_slice %arg5[%arg0, %add3A_264, %dma_start3A_276] : memref<2x10000x128xf32, #tpu.memory_space<hbm>> -> memref<1x128x128xf32, #tpu.memory_space<hbm>>
      %dma_start3A_278 = tpu.memref_squeeze %dma_start3A_277 : memref<1x128x128xf32, #tpu.memory_space<hbm>> -> memref<128x128xf32, #tpu.memory_space<hbm>>
      %dma_start3A_279 = arith.constant 0 : i32
      %dma_start3A_280 = arith.constant 0 : i32
      %dma_start3A_281 = tpu.memref_slice %arg7[%dma_start3A_265, %dma_start3A_279, %dma_start3A_280] : memref<3x128x128xf32, #tpu.memory_space<vmem>> -> memref<1x128x128xf32, #tpu.memory_space<vmem>>
      %dma_start3A_282 = tpu.memref_squeeze %dma_start3A_281 : memref<1x128x128xf32, #tpu.memory_space<vmem>> -> memref<128x128xf32, #tpu.memory_space<vmem>>
      tpu.enqueue_dma source(%dma_start3A_282 : memref<128x128xf32, #tpu.memory_space<vmem>>) target(%dma_start3A_278 : memref<128x128xf32, #tpu.memory_space<hbm>>) target_semaphore(%dma_start3A_275 : memref<!tpu.dma_semaphore, #tpu.memory_space<semaphore_mem>>)
      %add3A_283 = arith.constant 256 : i32
      %add3A_284 = arith.addi %mul3A_45, %add3A_283 : i32
      %dma_wait3A_285 = arith.constant 0 : i32
      %dma_wait3A_286 = arith.constant 0 : i32
      %dma_wait3A_287 = arith.constant 0 : i32
      %dma_wait3A_288 = arith.constant 0 : i32
      %dma_wait3A_289 = tpu.memref_slice %arg7[%dma_wait3A_285, %dma_wait3A_287, %dma_wait3A_288] : memref<3x128x128xf32, #tpu.memory_space<vmem>> -> memref<1x128x128xf32, #tpu.memory_space<vmem>>
      %dma_wait3A_290 = tpu.memref_squeeze %dma_wait3A_289 : memref<1x128x128xf32, #tpu.memory_space<vmem>> -> memref<128x128xf32, #tpu.memory_space<vmem>>
      %dma_wait3A_291 = arith.constant 0 : i32
      %dma_wait3A_292 = tpu.memref_slice %arg5[%arg0, %add3A_284, %dma_wait3A_291] : memref<2x10000x128xf32, #tpu.memory_space<hbm>> -> memref<1x128x128xf32, #tpu.memory_space<hbm>>
      %dma_wait3A_293 = tpu.memref_squeeze %dma_wait3A_292 : memref<1x128x128xf32, #tpu.memory_space<hbm>> -> memref<128x128xf32, #tpu.memory_space<hbm>>
      %dma_wait3A_294 = tpu.memref_slice %arg10[%dma_wait3A_286] : memref<3x!tpu.dma_semaphore, #tpu.memory_space<semaphore_mem>> -> memref<1x!tpu.dma_semaphore, #tpu.memory_space<semaphore_mem>>
      %dma_wait3A_295 = tpu.memref_squeeze %dma_wait3A_294 : memref<1x!tpu.dma_semaphore, #tpu.memory_space<semaphore_mem>> -> memref<!tpu.dma_semaphore, #tpu.memory_space<semaphore_mem>>
      %dma_wait3A_296 = arith.constant 0 : i32
      %dma_wait3A_297 = tpu.memref_slice %arg5[%arg0, %add3A_284, %dma_wait3A_296] : memref<2x10000x128xf32, #tpu.memory_space<hbm>> -> memref<1x128x128xf32, #tpu.memory_space<hbm>>
      %dma_wait3A_298 = tpu.memref_squeeze %dma_wait3A_297 : memref<1x128x128xf32, #tpu.memory_space<hbm>> -> memref<128x128xf32, #tpu.memory_space<hbm>>
      %dma_wait3A_299 = arith.constant 0 : i32
      %dma_wait3A_300 = arith.constant 0 : i32
      %dma_wait3A_301 = tpu.memref_slice %arg7[%dma_wait3A_285, %dma_wait3A_299, %dma_wait3A_300] : memref<3x128x128xf32, #tpu.memory_space<vmem>> -> memref<1x128x128xf32, #tpu.memory_space<vmem>>
      %dma_wait3A_302 = tpu.memref_squeeze %dma_wait3A_301 : memref<1x128x128xf32, #tpu.memory_space<vmem>> -> memref<128x128xf32, #tpu.memory_space<vmem>>
      tpu.wait_dma2 semaphore(%dma_wait3A_295 : memref<!tpu.dma_semaphore, #tpu.memory_space<semaphore_mem>>) src(%dma_wait3A_302 : memref<128x128xf32, #tpu.memory_space<vmem>>) dst(%dma_wait3A_298 : memref<128x128xf32, #tpu.memory_space<hbm>>)
      %add3A_303 = arith.constant 512 : i32
      %add3A_304 = arith.addi %mul3A_45, %add3A_303 : i32
      %run_scoped3A_305 = arith.constant 0 : i32
      "tpu.region"() ({
        %run_scoped3A_366 = tpu.sem_alloc : memref<!tpu.dma_semaphore, #tpu.memory_space<semaphore_mem>>
        %dma_start3A_367 = arith.constant 0 : i32
        %dma_start3A_368 = arith.constant 0 : i32
        %dma_start3A_369 = tpu.memref_slice %arg7[%run_scoped3A_305, %dma_start3A_367, %dma_start3A_368] : memref<3x128x128xf32, #tpu.memory_space<vmem>> -> memref<1x128x128xf32, #tpu.memory_space<vmem>>
        %dma_start3A_370 = tpu.memref_squeeze %dma_start3A_369 : memref<1x128x128xf32, #tpu.memory_space<vmem>> -> memref<128x128xf32, #tpu.memory_space<vmem>>
        %dma_start3A_371 = arith.constant 0 : i32
        %dma_start3A_372 = tpu.memref_slice %arg11[%add3A_304, %dma_start3A_371] : memref<10000x128xf32, #tpu.memory_space<vmem_shared>> -> memref<128x128xf32, #tpu.memory_space<vmem_shared>>
        %dma_start3A_373 = arith.constant 0 : i32
        %dma_start3A_374 = arith.constant 0 : i32
        %dma_start3A_375 = tpu.memref_slice %arg7[%run_scoped3A_305, %dma_start3A_373, %dma_start3A_374] : memref<3x128x128xf32, #tpu.memory_space<vmem>> -> memref<1x128x128xf32, #tpu.memory_space<vmem>>
        %dma_start3A_376 = tpu.memref_squeeze %dma_start3A_375 : memref<1x128x128xf32, #tpu.memory_space<vmem>> -> memref<128x128xf32, #tpu.memory_space<vmem>>
        %dma_start3A_377 = arith.constant 0 : i32
        %dma_start3A_378 = tpu.memref_slice %arg11[%add3A_304, %dma_start3A_377] : memref<10000x128xf32, #tpu.memory_space<vmem_shared>> -> memref<128x128xf32, #tpu.memory_space<vmem_shared>>
        tpu.enqueue_dma source(%dma_start3A_378 : memref<128x128xf32, #tpu.memory_space<vmem_shared>>) target(%dma_start3A_376 : memref<128x128xf32, #tpu.memory_space<vmem>>) target_semaphore(%run_scoped3A_366 : memref<!tpu.dma_semaphore, #tpu.memory_space<semaphore_mem>>)
        %dma_wait3A_379 = arith.constant 0 : i32
        %dma_wait3A_380 = arith.constant 0 : i32
        %dma_wait3A_381 = tpu.memref_slice %arg7[%run_scoped3A_305, %dma_wait3A_379, %dma_wait3A_380] : memref<3x128x128xf32, #tpu.memory_space<vmem>> -> memref<1x128x128xf32, #tpu.memory_space<vmem>>
        %dma_wait3A_382 = tpu.memref_squeeze %dma_wait3A_381 : memref<1x128x128xf32, #tpu.memory_space<vmem>> -> memref<128x128xf32, #tpu.memory_space<vmem>>
        %dma_wait3A_383 = arith.constant 0 : i32
        %dma_wait3A_384 = tpu.memref_slice %arg11[%add3A_304, %dma_wait3A_383] : memref<10000x128xf32, #tpu.memory_space<vmem_shared>> -> memref<128x128xf32, #tpu.memory_space<vmem_shared>>
        %dma_wait3A_385 = arith.constant 0 : i32
        %dma_wait3A_386 = arith.constant 0 : i32
        %dma_wait3A_387 = tpu.memref_slice %arg7[%run_scoped3A_305, %dma_wait3A_385, %dma_wait3A_386] : memref<3x128x128xf32, #tpu.memory_space<vmem>> -> memref<1x128x128xf32, #tpu.memory_space<vmem>>
        %dma_wait3A_388 = tpu.memref_squeeze %dma_wait3A_387 : memref<1x128x128xf32, #tpu.memory_space<vmem>> -> memref<128x128xf32, #tpu.memory_space<vmem>>
        %dma_wait3A_389 = arith.constant 0 : i32
        %dma_wait3A_390 = tpu.memref_slice %arg11[%add3A_304, %dma_wait3A_389] : memref<10000x128xf32, #tpu.memory_space<vmem_shared>> -> memref<128x128xf32, #tpu.memory_space<vmem_shared>>
        tpu.wait_dma2 semaphore(%run_scoped3A_366 : memref<!tpu.dma_semaphore, #tpu.memory_space<semaphore_mem>>) src(%dma_wait3A_390 : memref<128x128xf32, #tpu.memory_space<vmem_shared>>) dst(%dma_wait3A_388 : memref<128x128xf32, #tpu.memory_space<vmem>>)
        tpu.yield
      }) : () -> ()
      %add3A_306 = arith.constant 512 : i32
      %add3A_307 = arith.addi %mul3A_45, %add3A_306 : i32
      %dma_start3A_308 = arith.constant 0 : i32
      %dma_start3A_309 = arith.constant 0 : i32
      %dma_start3A_310 = arith.constant 0 : i32
      %dma_start3A_311 = arith.constant 0 : i32
      %dma_start3A_312 = tpu.memref_slice %arg7[%dma_start3A_308, %dma_start3A_310, %dma_start3A_311] : memref<3x128x128xf32, #tpu.memory_space<vmem>> -> memref<1x128x128xf32, #tpu.memory_space<vmem>>
      %dma_start3A_313 = tpu.memref_squeeze %dma_start3A_312 : memref<1x128x128xf32, #tpu.memory_space<vmem>> -> memref<128x128xf32, #tpu.memory_space<vmem>>
      %dma_start3A_314 = arith.constant 0 : i32
      %dma_start3A_315 = tpu.memref_slice %arg5[%arg0, %add3A_307, %dma_start3A_314] : memref<2x10000x128xf32, #tpu.memory_space<hbm>> -> memref<1x128x128xf32, #tpu.memory_space<hbm>>
      %dma_start3A_316 = tpu.memref_squeeze %dma_start3A_315 : memref<1x128x128xf32, #tpu.memory_space<hbm>> -> memref<128x128xf32, #tpu.memory_space<hbm>>
      %dma_start3A_317 = tpu.memref_slice %arg10[%dma_start3A_309] : memref<3x!tpu.dma_semaphore, #tpu.memory_space<semaphore_mem>> -> memref<1x!tpu.dma_semaphore, #tpu.memory_space<semaphore_mem>>
      %dma_start3A_318 = tpu.memref_squeeze %dma_start3A_317 : memref<1x!tpu.dma_semaphore, #tpu.memory_space<semaphore_mem>> -> memref<!tpu.dma_semaphore, #tpu.memory_space<semaphore_mem>>
      %dma_start3A_319 = arith.constant 0 : i32
      %dma_start3A_320 = tpu.memref_slice %arg5[%arg0, %add3A_307, %dma_start3A_319] : memref<2x10000x128xf32, #tpu.memory_space<hbm>> -> memref<1x128x128xf32, #tpu.memory_space<hbm>>
      %dma_start3A_321 = tpu.memref_squeeze %dma_start3A_320 : memref<1x128x128xf32, #tpu.memory_space<hbm>> -> memref<128x128xf32, #tpu.memory_space<hbm>>
      %dma_start3A_322 = arith.constant 0 : i32
      %dma_start3A_323 = arith.constant 0 : i32
      %dma_start3A_324 = tpu.memref_slice %arg7[%dma_start3A_308, %dma_start3A_322, %dma_start3A_323] : memref<3x128x128xf32, #tpu.memory_space<vmem>> -> memref<1x128x128xf32, #tpu.memory_space<vmem>>
      %dma_start3A_325 = tpu.memref_squeeze %dma_start3A_324 : memref<1x128x128xf32, #tpu.memory_space<vmem>> -> memref<128x128xf32, #tpu.memory_space<vmem>>
      tpu.enqueue_dma source(%dma_start3A_325 : memref<128x128xf32, #tpu.memory_space<vmem>>) target(%dma_start3A_321 : memref<128x128xf32, #tpu.memory_space<hbm>>) target_semaphore(%dma_start3A_318 : memref<!tpu.dma_semaphore, #tpu.memory_space<semaphore_mem>>)
      %add3A_326 = arith.constant 384 : i32
      %add3A_327 = arith.addi %mul3A_45, %add3A_326 : i32
      %dma_wait3A_328 = arith.constant 1 : i32
      %dma_wait3A_329 = arith.constant 1 : i32
      %dma_wait3A_330 = arith.constant 0 : i32
      %dma_wait3A_331 = arith.constant 0 : i32
      %dma_wait3A_332 = tpu.memref_slice %arg7[%dma_wait3A_328, %dma_wait3A_330, %dma_wait3A_331] : memref<3x128x128xf32, #tpu.memory_space<vmem>> -> memref<1x128x128xf32, #tpu.memory_space<vmem>>
      %dma_wait3A_333 = tpu.memref_squeeze %dma_wait3A_332 : memref<1x128x128xf32, #tpu.memory_space<vmem>> -> memref<128x128xf32, #tpu.memory_space<vmem>>
      %dma_wait3A_334 = arith.constant 0 : i32
      %dma_wait3A_335 = tpu.memref_slice %arg5[%arg0, %add3A_327, %dma_wait3A_334] : memref<2x10000x128xf32, #tpu.memory_space<hbm>> -> memref<1x128x128xf32, #tpu.memory_space<hbm>>
      %dma_wait3A_336 = tpu.memref_squeeze %dma_wait3A_335 : memref<1x128x128xf32, #tpu.memory_space<hbm>> -> memref<128x128xf32, #tpu.memory_space<hbm>>
      %dma_wait3A_337 = tpu.memref_slice %arg10[%dma_wait3A_329] : memref<3x!tpu.dma_semaphore, #tpu.memory_space<semaphore_mem>> -> memref<1x!tpu.dma_semaphore, #tpu.memory_space<semaphore_mem>>
      %dma_wait3A_338 = tpu.memref_squeeze %dma_wait3A_337 : memref<1x!tpu.dma_semaphore, #tpu.memory_space<semaphore_mem>> -> memref<!tpu.dma_semaphore, #tpu.memory_space<semaphore_mem>>
      %dma_wait3A_339 = arith.constant 0 : i32
      %dma_wait3A_340 = tpu.memref_slice %arg5[%arg0, %add3A_327, %dma_wait3A_339] : memref<2x10000x128xf32, #tpu.memory_space<hbm>> -> memref<1x128x128xf32, #tpu.memory_space<hbm>>
      %dma_wait3A_341 = tpu.memref_squeeze %dma_wait3A_340 : memref<1x128x128xf32, #tpu.memory_space<hbm>> -> memref<128x128xf32, #tpu.memory_space<hbm>>
      %dma_wait3A_342 = arith.constant 0 : i32
      %dma_wait3A_343 = arith.constant 0 : i32
      %dma_wait3A_344 = tpu.memref_slice %arg7[%dma_wait3A_328, %dma_wait3A_342, %dma_wait3A_343] : memref<3x128x128xf32, #tpu.memory_space<vmem>> -> memref<1x128x128xf32, #tpu.memory_space<vmem>>
      %dma_wait3A_345 = tpu.memref_squeeze %dma_wait3A_344 : memref<1x128x128xf32, #tpu.memory_space<vmem>> -> memref<128x128xf32, #tpu.memory_space<vmem>>
      tpu.wait_dma2 semaphore(%dma_wait3A_338 : memref<!tpu.dma_semaphore, #tpu.memory_space<semaphore_mem>>) src(%dma_wait3A_345 : memref<128x128xf32, #tpu.memory_space<vmem>>) dst(%dma_wait3A_341 : memref<128x128xf32, #tpu.memory_space<hbm>>)
      %add3A_346 = arith.constant 512 : i32
      %add3A_347 = arith.addi %mul3A_45, %add3A_346 : i32
      %dma_wait3A_348 = arith.constant 0 : i32
      %dma_wait3A_349 = arith.constant 0 : i32
      %dma_wait3A_350 = arith.constant 0 : i32
      %dma_wait3A_351 = arith.constant 0 : i32
      %dma_wait3A_352 = tpu.memref_slice %arg7[%dma_wait3A_348, %dma_wait3A_350, %dma_wait3A_351] : memref<3x128x128xf32, #tpu.memory_space<vmem>> -> memref<1x128x128xf32, #tpu.memory_space<vmem>>
      %dma_wait3A_353 = tpu.memref_squeeze %dma_wait3A_352 : memref<1x128x128xf32, #tpu.memory_space<vmem>> -> memref<128x128xf32, #tpu.memory_space<vmem>>
      %dma_wait3A_354 = arith.constant 0 : i32
      %dma_wait3A_355 = tpu.memref_slice %arg5[%arg0, %add3A_347, %dma_wait3A_354] : memref<2x10000x128xf32, #tpu.memory_space<hbm>> -> memref<1x128x128xf32, #tpu.memory_space<hbm>>
      %dma_wait3A_356 = tpu.memref_squeeze %dma_wait3A_355 : memref<1x128x128xf32, #tpu.memory_space<hbm>> -> memref<128x128xf32, #tpu.memory_space<hbm>>
      %dma_wait3A_357 = tpu.memref_slice %arg10[%dma_wait3A_349] : memref<3x!tpu.dma_semaphore, #tpu.memory_space<semaphore_mem>> -> memref<1x!tpu.dma_semaphore, #tpu.memory_space<semaphore_mem>>
      %dma_wait3A_358 = tpu.memref_squeeze %dma_wait3A_357 : memref<1x!tpu.dma_semaphore, #tpu.memory_space<semaphore_mem>> -> memref<!tpu.dma_semaphore, #tpu.memory_space<semaphore_mem>>
      %dma_wait3A_359 = arith.constant 0 : i32
      %dma_wait3A_360 = tpu.memref_slice %arg5[%arg0, %add3A_347, %dma_wait3A_359] : memref<2x10000x128xf32, #tpu.memory_space<hbm>> -> memref<1x128x128xf32, #tpu.memory_space<hbm>>
      %dma_wait3A_361 = tpu.memref_squeeze %dma_wait3A_360 : memref<1x128x128xf32, #tpu.memory_space<hbm>> -> memref<128x128xf32, #tpu.memory_space<hbm>>
      %dma_wait3A_362 = arith.constant 0 : i32
      %dma_wait3A_363 = arith.constant 0 : i32
      %dma_wait3A_364 = tpu.memref_slice %arg7[%dma_wait3A_348, %dma_wait3A_362, %dma_wait3A_363] : memref<3x128x128xf32, #tpu.memory_space<vmem>> -> memref<1x128x128xf32, #tpu.memory_space<vmem>>
      %dma_wait3A_365 = tpu.memref_squeeze %dma_wait3A_364 : memref<1x128x128xf32, #tpu.memory_space<vmem>> -> memref<128x128xf32, #tpu.memory_space<vmem>>
      tpu.wait_dma2 semaphore(%dma_wait3A_358 : memref<!tpu.dma_semaphore, #tpu.memory_space<semaphore_mem>>) src(%dma_wait3A_365 : memref<128x128xf32, #tpu.memory_space<vmem>>) dst(%dma_wait3A_361 : memref<128x128xf32, #tpu.memory_space<hbm>>)
    } else {
    }
    return
  }
}

module attributes {stable_mosaic.version = 14 : i64} {
  func.func @_tc0_body(%arg0: i32, %arg1: memref<2000x128xf32, #tpu.memory_space<vmem>>, %arg2: memref<128x128xf32, #tpu.memory_space<vmem>>, %arg3: memref<2000x128xf32, #tpu.memory_space<vmem>>) attributes {dimension_semantics = [#tpu.dimension_semantics<arbitrary>], iteration_bounds = array<i64: 5>, scalar_prefetch = 0 : i64, scratch_operands = 0 : i64, tpu.core_type = #tpu.core_type<tc>, window_params = [{transform_indices = @transform_0, window_bounds = array<i64: 2000, 128>}, {pipeline_mode = #tpu.pipeline_mode<synchronous>, transform_indices = @transform_1, window_bounds = array<i64: 128, 128>}, {transform_indices = @transform_2, window_bounds = array<i64: 2000, 128>}]} {
    %get3A = arith.constant 0 : index
    %get3A_0 = arith.constant 0 : index
    %get3A_1 = vector.load %arg1[%get3A, %get3A_0] : memref<2000x128xf32, #tpu.memory_space<vmem>>, vector<2000x128xf32>
    %get3A_2 = arith.constant 0 : index
    %get3A_3 = arith.constant 0 : index
    %get3A_4 = vector.load %arg2[%get3A_2, %get3A_3] : memref<128x128xf32, #tpu.memory_space<vmem>>, vector<128x128xf32>
    %dot_general3A = arith.constant dense<0.000000e+00> : vector<2000x128xf32>
    %dot_general3A_5 = tpu.matmul %get3A_1, %get3A_4, %dot_general3A {dimension_numbers = #tpu.dot_dimension_numbers<[1], [0], [0], [1], [0, 0, 1, 1], [], []>, precision = #tpu.contract_precision<fp32>, transpose_lhs_hint = false} : vector<2000x128xf32>, vector<128x128xf32>, vector<2000x128xf32> -> vector<2000x128xf32>
    %swap3A = arith.constant 0 : index
    %swap3A_6 = arith.constant 0 : index
    %swap3A_7 = vector.load %arg3[%swap3A, %swap3A_6] : memref<2000x128xf32, #tpu.memory_space<vmem>>, vector<2000x128xf32>
    tpu.vector_store %arg3[%swap3A, %swap3A_6], %dot_general3A_5 {strides = array<i32>} : memref<2000x128xf32, #tpu.memory_space<vmem>>, vector<2000x128xf32>,
    return
  }
  func.func @transform_0(%arg0: i32) -> (i32, i32) {
    %c0_i32 = arith.constant 0 : i32
    %c0_i32_0 = arith.constant 0 : i32
    return %arg0, %c0_i32 : i32, i32
  }
  func.func @transform_1(%arg0: i32) -> (i32, i32) {
    %c0_i32 = arith.constant 0 : i32
    %c0_i32_0 = arith.constant 0 : i32
    %c0_i32_1 = arith.constant 0 : i32
    return %c0_i32, %c0_i32_0 : i32, i32
  }
  func.func @transform_2(%arg0: i32) -> (i32, i32) {
    %c0_i32 = arith.constant 0 : i32
    %c0_i32_0 = arith.constant 0 : i32
    return %arg0, %c0_i32 : i32, i32
  }
}

module attributes {stable_mosaic.version = 14 : i64} {
  func.func @_tc1_body(%arg0: i32, %arg1: memref<2000x128xf32, #tpu.memory_space<vmem>>, %arg2: memref<2000x2xf32, #tpu.memory_space<vmem>>, %arg3: memref<2000x128xf32, #tpu.memory_space<vmem>>) attributes {dimension_semantics = [#tpu.dimension_semantics<arbitrary>], iteration_bounds = array<i64: 5>, scalar_prefetch = 0 : i64, scratch_operands = 0 : i64, tpu.core_type = #tpu.core_type<tc>, window_params = [{transform_indices = @transform_0, window_bounds = array<i64: 2000, 128>}, {transform_indices = @transform_1, window_bounds = array<i64: 2000, 2>}, {transform_indices = @transform_2, window_bounds = array<i64: 2000, 128>}]} {
    %get3A = arith.constant 0 : index
    %get3A_0 = arith.constant 0 : index
    %get3A_1 = vector.load %arg1[%get3A, %get3A_0] : memref<2000x128xf32, #tpu.memory_space<vmem>>, vector<2000x128xf32>
    %get3A_2 = arith.constant 0 : index
    %get3A_3 = arith.constant 0 : index
    %get3A_4 = vector.load %arg2[%get3A_2, %get3A_3] : memref<2000x2xf32, #tpu.memory_space<vmem>>, vector<2000x1xf32>
    %get3A_5 = arith.constant 0 : index
    %get3A_6 = arith.constant 1 : index
    %get3A_7 = vector.load %arg2[%get3A_5, %get3A_6] : memref<2000x2xf32, #tpu.memory_space<vmem>>, vector<2000x1xf32>
    %add3A = arith.addf %get3A_4, %get3A_7 : vector<2000x1xf32>
    %gt3A = arith.constant 0.000000e+00 : f32
    %gt3A_8 = vector.broadcast %gt3A : f32 to vector<2000x1xf32>
    %gt3A_9 = arith.cmpf ogt, %add3A, %gt3A_8 : vector<2000x1xf32>
    %max3A = arith.constant 9.99999996E-13 : f32
    %max3A_10 = vector.broadcast %max3A : f32 to vector<2000x1xf32>
    %max3A_11 = arith.maximumf %add3A, %max3A_10 : vector<2000x1xf32>
    %rsqrt3A = math.rsqrt %max3A_11 : vector<2000x1xf32>
    %jit3A = arith.constant 0.000000e+00 : f32
    %broadcast_in_dim3A = vector.broadcast %jit3A : f32 to vector<2000x1xf32>
    %select_n3A = arith.select %gt3A_9, %rsqrt3A, %broadcast_in_dim3A : vector<2000x1xi1>, vector<2000x1xf32>
    %mul3A = vector.broadcast %select_n3A : vector<2000x1xf32> to vector<2000x128xf32>
    %mul3A_12 = arith.mulf %get3A_1, %mul3A : vector<2000x128xf32>
    %swap3A = arith.constant 0 : index
    %swap3A_13 = arith.constant 0 : index
    %swap3A_14 = vector.load %arg3[%swap3A, %swap3A_13] : memref<2000x128xf32, #tpu.memory_space<vmem>>, vector<2000x128xf32>
    tpu.vector_store %arg3[%swap3A, %swap3A_13], %mul3A_12 {strides = array<i32>} : memref<2000x128xf32, #tpu.memory_space<vmem>>, vector<2000x128xf32>,
    return
  }
  func.func @transform_0(%arg0: i32) -> (i32, i32) {
    %c0_i32 = arith.constant 0 : i32
    %c0_i32_0 = arith.constant 0 : i32
    return %arg0, %c0_i32 : i32, i32
  }
  func.func @transform_1(%arg0: i32) -> (i32, i32) {
    %c0_i32 = arith.constant 0 : i32
    %c0_i32_0 = arith.constant 0 : i32
    return %arg0, %c0_i32 : i32, i32
  }
  func.func @transform_2(%arg0: i32) -> (i32, i32) {
    %c0_i32 = arith.constant 0 : i32
    %c0_i32_0 = arith.constant 0 : i32
    return %arg0, %c0_i32 : i32, i32
  }
}

module attributes {stable_mosaic.version = 14 : i64} {
  func.func @_tc2_body(%arg0: i32, %arg1: memref<2x2000x128xf32, #tpu.memory_space<vmem>>, %arg2: memref<2000x2xf32, #tpu.memory_space<vmem>>, %arg3: memref<128xf32, #tpu.memory_space<vmem>>, %arg4: memref<128x128xf32, #tpu.memory_space<vmem>>, %arg5: memref<2000x128xf32, #tpu.memory_space<vmem>>, %arg6: memref<2000x128xf32, #tpu.memory_space<vmem>>) attributes {dimension_semantics = [#tpu.dimension_semantics<arbitrary>], iteration_bounds = array<i64: 5>, scalar_prefetch = 0 : i64, scratch_operands = 0 : i64, tpu.core_type = #tpu.core_type<tc>, window_params = [{transform_indices = @transform_0, window_bounds = array<i64: 2, 2000, 128>}, {transform_indices = @transform_1, window_bounds = array<i64: 2000, 2>}, {pipeline_mode = #tpu.pipeline_mode<synchronous>, transform_indices = @transform_2, window_bounds = array<i64: 128>}, {pipeline_mode = #tpu.pipeline_mode<synchronous>, transform_indices = @transform_3, window_bounds = array<i64: 128, 128>}, {transform_indices = @transform_4, window_bounds = array<i64: 2000, 128>}, {transform_indices = @transform_5, window_bounds = array<i64: 2000, 128>}]} {
    %get3A = arith.constant 0 : index
    %get3A_0 = arith.constant 0 : index
    %get3A_1 = vector.load %arg2[%get3A, %get3A_0] : memref<2000x2xf32, #tpu.memory_space<vmem>>, vector<2000x1xf32>
    %get3A_2 = arith.constant 0 : index
    %get3A_3 = arith.constant 1 : index
    %get3A_4 = vector.load %arg2[%get3A_2, %get3A_3] : memref<2000x2xf32, #tpu.memory_space<vmem>>, vector<2000x1xf32>
    %add3A = arith.addf %get3A_1, %get3A_4 : vector<2000x1xf32>
    %gt3A = arith.constant 0.000000e+00 : f32
    %gt3A_5 = vector.broadcast %gt3A : f32 to vector<2000x1xf32>
    %gt3A_6 = arith.cmpf ogt, %add3A, %gt3A_5 : vector<2000x1xf32>
    %max3A = arith.constant 9.99999996E-13 : f32
    %max3A_7 = vector.broadcast %max3A : f32 to vector<2000x1xf32>
    %max3A_8 = arith.maximumf %add3A, %max3A_7 : vector<2000x1xf32>
    %rsqrt3A = math.rsqrt %max3A_8 : vector<2000x1xf32>
    %jit3A = arith.constant 0.000000e+00 : f32
    %broadcast_in_dim3A = vector.broadcast %jit3A : f32 to vector<2000x1xf32>
    %select_n3A = arith.select %gt3A_6, %rsqrt3A, %broadcast_in_dim3A : vector<2000x1xi1>, vector<2000x1xf32>
    %get3A_9 = arith.constant 0 : index
    %get3A_10 = arith.constant 0 : index
    %get3A_11 = arith.constant 0 : index
    %get3A_12 = vector.load %arg1[%get3A_9, %get3A_10, %get3A_11] : memref<2x2000x128xf32, #tpu.memory_space<vmem>>, vector<1x2000x128xf32>
    %get3A_13 = vector.shape_cast %get3A_12 : vector<1x2000x128xf32> to vector<2000x128xf32>
    %get3A_14 = arith.constant 1 : index
    %get3A_15 = arith.constant 0 : index
    %get3A_16 = arith.constant 0 : index
    %get3A_17 = vector.load %arg1[%get3A_14, %get3A_15, %get3A_16] : memref<2x2000x128xf32, #tpu.memory_space<vmem>>, vector<1x2000x128xf32>
    %get3A_18 = vector.shape_cast %get3A_17 : vector<1x2000x128xf32> to vector<2000x128xf32>
    %add3A_19 = arith.addf %get3A_13, %get3A_18 : vector<2000x128xf32>
    %mul3A = vector.broadcast %select_n3A : vector<2000x1xf32> to vector<2000x128xf32>
    %mul3A_20 = arith.mulf %add3A_19, %mul3A : vector<2000x128xf32>
    %get3A_21 = arith.constant 0 : index
    %get3A_22 = vector.load %arg3[%get3A_21] : memref<128xf32, #tpu.memory_space<vmem>>, vector<128xf32>
    %broadcast_in_dim3A_23 = vector.shape_cast %get3A_22 : vector<128xf32> to vector<1x128xf32>
    %add3A_24 = vector.broadcast %broadcast_in_dim3A_23 : vector<1x128xf32> to vector<2000x128xf32>
    %add3A_25 = arith.addf %mul3A_20, %add3A_24 : vector<2000x128xf32>
    %max3A_26 = arith.constant 0.000000e+00 : f32
    %max3A_27 = vector.broadcast %max3A_26 : f32 to vector<2000x128xf32>
    %max3A_28 = arith.maximumf %add3A_25, %max3A_27 : vector<2000x128xf32>
    %swap3A = arith.constant 0 : index
    %swap3A_29 = arith.constant 0 : index
    %swap3A_30 = vector.load %arg5[%swap3A, %swap3A_29] : memref<2000x128xf32, #tpu.memory_space<vmem>>, vector<2000x128xf32>
    tpu.vector_store %arg5[%swap3A, %swap3A_29], %max3A_28 {strides = array<i32>} : memref<2000x128xf32, #tpu.memory_space<vmem>>, vector<2000x128xf32>,
    %get3A_31 = arith.constant 0 : index
    %get3A_32 = arith.constant 0 : index
    %get3A_33 = vector.load %arg4[%get3A_31, %get3A_32] : memref<128x128xf32, #tpu.memory_space<vmem>>, vector<128x128xf32>
    %dot_general3A = arith.constant dense<0.000000e+00> : vector<2000x128xf32>
    %dot_general3A_34 = tpu.matmul %max3A_28, %get3A_33, %dot_general3A {dimension_numbers = #tpu.dot_dimension_numbers<[1], [0], [0], [1], [0, 0, 1, 1], [], []>, precision = #tpu.contract_precision<fp32>, transpose_lhs_hint = false} : vector<2000x128xf32>, vector<128x128xf32>, vector<2000x128xf32> -> vector<2000x128xf32>
    %mul3A_35 = vector.broadcast %select_n3A : vector<2000x1xf32> to vector<2000x128xf32>
    %mul3A_36 = arith.mulf %dot_general3A_34, %mul3A_35 : vector<2000x128xf32>
    %swap3A_37 = arith.constant 0 : index
    %swap3A_38 = arith.constant 0 : index
    %swap3A_39 = vector.load %arg6[%swap3A_37, %swap3A_38] : memref<2000x128xf32, #tpu.memory_space<vmem>>, vector<2000x128xf32>
    tpu.vector_store %arg6[%swap3A_37, %swap3A_38], %mul3A_36 {strides = array<i32>} : memref<2000x128xf32, #tpu.memory_space<vmem>>, vector<2000x128xf32>,
    return
  }
  func.func @transform_0(%arg0: i32) -> (i32, i32, i32) {
    %c0_i32 = arith.constant 0 : i32
    %c0_i32_0 = arith.constant 0 : i32
    %c0_i32_1 = arith.constant 0 : i32
    return %c0_i32, %arg0, %c0_i32_0 : i32, i32, i32
  }
  func.func @transform_1(%arg0: i32) -> (i32, i32) {
    %c0_i32 = arith.constant 0 : i32
    %c0_i32_0 = arith.constant 0 : i32
    return %arg0, %c0_i32 : i32, i32
  }
  func.func @transform_2(%arg0: i32) -> i32 {
    %c0_i32 = arith.constant 0 : i32
    %c0_i32_0 = arith.constant 0 : i32
    return %c0_i32 : i32
  }
  func.func @transform_3(%arg0: i32) -> (i32, i32) {
    %c0_i32 = arith.constant 0 : i32
    %c0_i32_0 = arith.constant 0 : i32
    %c0_i32_1 = arith.constant 0 : i32
    return %c0_i32, %c0_i32_0 : i32, i32
  }
  func.func @transform_4(%arg0: i32) -> (i32, i32) {
    %c0_i32 = arith.constant 0 : i32
    %c0_i32_0 = arith.constant 0 : i32
    return %arg0, %c0_i32 : i32, i32
  }
  func.func @transform_5(%arg0: i32) -> (i32, i32) {
    %c0_i32 = arith.constant 0 : i32
    %c0_i32_0 = arith.constant 0 : i32
    return %arg0, %c0_i32 : i32, i32
  }
}

module attributes {stable_mosaic.version = 14 : i64} {
  func.func @_tc3_body(%arg0: i32, %arg1: memref<2x2000x128xf32, #tpu.memory_space<vmem>>, %arg2: memref<2000x2xf32, #tpu.memory_space<vmem>>, %arg3: memref<128xf32, #tpu.memory_space<vmem>>, %arg4: memref<2000x128xf32, #tpu.memory_space<vmem>>, %arg5: memref<128x128xf32, #tpu.memory_space<vmem>>, %arg6: memref<128xf32, #tpu.memory_space<vmem>>, %arg7: memref<2000x128xf32, #tpu.memory_space<vmem>>) attributes {dimension_semantics = [#tpu.dimension_semantics<arbitrary>], iteration_bounds = array<i64: 5>, scalar_prefetch = 0 : i64, scratch_operands = 0 : i64, tpu.core_type = #tpu.core_type<tc>, window_params = [{transform_indices = @transform_0, window_bounds = array<i64: 2, 2000, 128>}, {transform_indices = @transform_1, window_bounds = array<i64: 2000, 2>}, {pipeline_mode = #tpu.pipeline_mode<synchronous>, transform_indices = @transform_2, window_bounds = array<i64: 128>}, {transform_indices = @transform_3, window_bounds = array<i64: 2000, 128>}, {pipeline_mode = #tpu.pipeline_mode<synchronous>, transform_indices = @transform_4, window_bounds = array<i64: 128, 128>}, {pipeline_mode = #tpu.pipeline_mode<synchronous>, transform_indices = @transform_5, window_bounds = array<i64: 128>}, {transform_indices = @transform_6, window_bounds = array<i64: 2000, 128>}]} {
    %get3A = arith.constant 0 : index
    %get3A_0 = arith.constant 0 : index
    %get3A_1 = vector.load %arg2[%get3A, %get3A_0] : memref<2000x2xf32, #tpu.memory_space<vmem>>, vector<2000x1xf32>
    %get3A_2 = arith.constant 0 : index
    %get3A_3 = arith.constant 1 : index
    %get3A_4 = vector.load %arg2[%get3A_2, %get3A_3] : memref<2000x2xf32, #tpu.memory_space<vmem>>, vector<2000x1xf32>
    %add3A = arith.addf %get3A_1, %get3A_4 : vector<2000x1xf32>
    %gt3A = arith.constant 0.000000e+00 : f32
    %gt3A_5 = vector.broadcast %gt3A : f32 to vector<2000x1xf32>
    %gt3A_6 = arith.cmpf ogt, %add3A, %gt3A_5 : vector<2000x1xf32>
    %max3A = arith.constant 9.99999996E-13 : f32
    %max3A_7 = vector.broadcast %max3A : f32 to vector<2000x1xf32>
    %max3A_8 = arith.maximumf %add3A, %max3A_7 : vector<2000x1xf32>
    %rsqrt3A = math.rsqrt %max3A_8 : vector<2000x1xf32>
    %jit3A = arith.constant 0.000000e+00 : f32
    %broadcast_in_dim3A = vector.broadcast %jit3A : f32 to vector<2000x1xf32>
    %select_n3A = arith.select %gt3A_6, %rsqrt3A, %broadcast_in_dim3A : vector<2000x1xi1>, vector<2000x1xf32>
    %get3A_9 = arith.constant 0 : index
    %get3A_10 = arith.constant 0 : index
    %get3A_11 = arith.constant 0 : index
    %get3A_12 = vector.load %arg1[%get3A_9, %get3A_10, %get3A_11] : memref<2x2000x128xf32, #tpu.memory_space<vmem>>, vector<1x2000x128xf32>
    %get3A_13 = vector.shape_cast %get3A_12 : vector<1x2000x128xf32> to vector<2000x128xf32>
    %get3A_14 = arith.constant 1 : index
    %get3A_15 = arith.constant 0 : index
    %get3A_16 = arith.constant 0 : index
    %get3A_17 = vector.load %arg1[%get3A_14, %get3A_15, %get3A_16] : memref<2x2000x128xf32, #tpu.memory_space<vmem>>, vector<1x2000x128xf32>
    %get3A_18 = vector.shape_cast %get3A_17 : vector<1x2000x128xf32> to vector<2000x128xf32>
    %add3A_19 = arith.addf %get3A_13, %get3A_18 : vector<2000x128xf32>
    %mul3A = vector.broadcast %select_n3A : vector<2000x1xf32> to vector<2000x128xf32>
    %mul3A_20 = arith.mulf %add3A_19, %mul3A : vector<2000x128xf32>
    %get3A_21 = arith.constant 0 : index
    %get3A_22 = vector.load %arg3[%get3A_21] : memref<128xf32, #tpu.memory_space<vmem>>, vector<128xf32>
    %broadcast_in_dim3A_23 = vector.shape_cast %get3A_22 : vector<128xf32> to vector<1x128xf32>
    %add3A_24 = vector.broadcast %broadcast_in_dim3A_23 : vector<1x128xf32> to vector<2000x128xf32>
    %add3A_25 = arith.addf %mul3A_20, %add3A_24 : vector<2000x128xf32>
    %max3A_26 = arith.constant 0.000000e+00 : f32
    %max3A_27 = vector.broadcast %max3A_26 : f32 to vector<2000x128xf32>
    %max3A_28 = arith.maximumf %add3A_25, %max3A_27 : vector<2000x128xf32>
    %get3A_29 = arith.constant 0 : index
    %get3A_30 = arith.constant 0 : index
    %get3A_31 = vector.load %arg4[%get3A_29, %get3A_30] : memref<2000x128xf32, #tpu.memory_space<vmem>>, vector<2000x128xf32>
    %add3A_32 = arith.addf %max3A_28, %get3A_31 : vector<2000x128xf32>
    %get3A_33 = arith.constant 0 : index
    %get3A_34 = arith.constant 0 : index
    %get3A_35 = vector.load %arg5[%get3A_33, %get3A_34] : memref<128x128xf32, #tpu.memory_space<vmem>>, vector<128x128xf32>
    %dot_general3A = arith.constant dense<0.000000e+00> : vector<2000x128xf32>
    %dot_general3A_36 = tpu.matmul %add3A_32, %get3A_35, %dot_general3A {dimension_numbers = #tpu.dot_dimension_numbers<[1], [0], [0], [1], [0, 0, 1, 1], [], []>, precision = #tpu.contract_precision<fp32>, transpose_lhs_hint = false} : vector<2000x128xf32>, vector<128x128xf32>, vector<2000x128xf32> -> vector<2000x128xf32>
    %get3A_37 = arith.constant 0 : index
    %get3A_38 = vector.load %arg6[%get3A_37] : memref<128xf32, #tpu.memory_space<vmem>>, vector<128xf32>
    %broadcast_in_dim3A_39 = vector.shape_cast %get3A_38 : vector<128xf32> to vector<1x128xf32>
    %add3A_40 = vector.broadcast %broadcast_in_dim3A_39 : vector<1x128xf32> to vector<2000x128xf32>
    %add3A_41 = arith.addf %dot_general3A_36, %add3A_40 : vector<2000x128xf32>
    %swap3A = arith.constant 0 : index
    %swap3A_42 = arith.constant 0 : index
    %swap3A_43 = vector.load %arg7[%swap3A, %swap3A_42] : memref<2000x128xf32, #tpu.memory_space<vmem>>, vector<2000x128xf32>
    tpu.vector_store %arg7[%swap3A, %swap3A_42], %add3A_41 {strides = array<i32>} : memref<2000x128xf32, #tpu.memory_space<vmem>>, vector<2000x128xf32>,
    return
  }
  func.func @transform_0(%arg0: i32) -> (i32, i32, i32) {
    %c0_i32 = arith.constant 0 : i32
    %c0_i32_0 = arith.constant 0 : i32
    %c0_i32_1 = arith.constant 0 : i32
    return %c0_i32, %arg0, %c0_i32_0 : i32, i32, i32
  }
  func.func @transform_1(%arg0: i32) -> (i32, i32) {
    %c0_i32 = arith.constant 0 : i32
    %c0_i32_0 = arith.constant 0 : i32
    return %arg0, %c0_i32 : i32, i32
  }
  func.func @transform_2(%arg0: i32) -> i32 {
    %c0_i32 = arith.constant 0 : i32
    %c0_i32_0 = arith.constant 0 : i32
    return %c0_i32 : i32
  }
  func.func @transform_3(%arg0: i32) -> (i32, i32) {
    %c0_i32 = arith.constant 0 : i32
    %c0_i32_0 = arith.constant 0 : i32
    return %arg0, %c0_i32 : i32, i32
  }
  func.func @transform_4(%arg0: i32) -> (i32, i32) {
    %c0_i32 = arith.constant 0 : i32
    %c0_i32_0 = arith.constant 0 : i32
    %c0_i32_1 = arith.constant 0 : i32
    return %c0_i32, %c0_i32_0 : i32, i32
  }
  func.func @transform_5(%arg0: i32) -> i32 {
    %c0_i32 = arith.constant 0 : i32
    %c0_i32_0 = arith.constant 0 : i32
    return %c0_i32 : i32
  }
  func.func @transform_6(%arg0: i32) -> (i32, i32) {
    %c0_i32 = arith.constant 0 : i32
    %c0_i32_0 = arith.constant 0 : i32
    return %arg0, %c0_i32 : i32, i32
  }
}

</mosaic_0001>

<sc_bundles>
// kernel: kernel.12.cloned.1.call-start
scs
__scs_entry_jumppad:
0x0: {  	(pc) =	sbr.rel $0x88, $3  }
0x1: {  	(tag) =	ssettag $0x0;
	lr =	simm.s32 $0x1  }
0x2: {  	[smem:$0x3F99] =	sst lr;
	_ =	strace $0xD0000000  }
0x3: {  	_ = 	snop  }
0x4: {  	_ = 	snop  }
0x5: {  	_ = 	snop  }
0x6: {  	_ = 	snop  }
0x7: {  	_ = 	snop  }
__scs_overlays_trampoline_lowered:
0x8: {  	[smem:$0x3FA8] =	sst s0  }
0x9: {  	[smem:$0x3FA9] =	sst s1  }
0xa: {  	[smem:$0x3FAA] =	sst s2  }
0xb: {  	[smem:$0x3FAB] =	sst s3  }
0xc: {  	[smem:$0x3FAC] =	sst s4  }
0xd: {  	[smem:$0x3FAD] =	sst s5  }
0xe: {  	[smem:$0x3FAE] =	sst s6  }
0xf: {  	[smem:$0x3FAF] =	sst s7  }
0x10: {  	[smem:$0x3FB0] =	sst s8  }
0x11: {  	[smem:$0x3FB1] =	sst s9;
	s0 =	simm.s32 @!p0 $0x0  }
0x12: {  	s1 =	sld [smem:$0x3F97];
	s0 =	simm.s32 @p0 $0x1  }
0x13: {  	[smem:$0x3FB2] =	sst s0;
	s0 =	simm.s32 @!p1 $0x0  }
0x14: {  	s2 =	sld [smem:$0x3F96];
	s0 =	simm.s32 @p1 $0x1  }
0x15: {  	[smem:$0x3FB3] =	sst s0;
	s0 =	simm.s32 @!p2 $0x0  }
0x16: {  	s3 =	sld [smem:$0x3FDB];
	s0 =	simm.s32 @p2 $0x1  }
0x17: {  	s4 =	simm.s32 $0x1BF5;
	[smem:$0x3FB5] =	sst s0  }
0x18: {  	s0 =	sld [smem:$0x3F98];
	_ =	swait.ge [sflag:s4], $0x0  }
0x19: {  	s7 =	sld [smem:$0x3F99]  }
0x1a: {  	s8 =	sadd.s32 $0xFFFFE003, lr  }
0x1b: {  	s9 =	sadd.s32 $0xFFFFFEF7, lr;
	s5 =	simm.s32 $0xFFFFFFFF;
	p2 =	slt.u32 s8, $0xFFFFF086  }
0x1c: {  	p1 =	slt.u32 s9, $0xF7A;
	s5 =	simm.s32 @!p2 $0x0  }
0x1d: {  	s5 =	simm.s32 @p1 $0x1;
	p0 =	seq.s32 s7, s2  }
0x1e: {  	s7 =	smul.u32 @!p0 $0xF7A, s2;
	p2 =	seq.s32 @!p0 s5, $0x0  }
0x1f: {  	s9 =	smul.u32 $0xF7A, s1;
	s8 =	simm.s32 @!p0 $0x1BF5;
	p2 =	por !p2, p0  }
0x20: {  	[sflag:s8] =	ssyncset.s32 @!p0 $0xFFFFF086;
	s6 =	sadd.s32 @!p0 s3, s7;
	s7 =	simm.s32 @!p0 $0x108  }
0x21: {  	s3 =	sadd.s32 s3, s9;
	s6 =	sadd.s32 @!p0 $0x88, s6;
	s7 =	simm.s32 @p2 $0x1082  }
0x22: {  	[simem:s7], [sflag:s8] =	dma.local @!p0 [hbm:s6], $0xF7A  }
0x23: {  	s9 =	sor.u32 $0xD0000000, s2;
	s6 =	simm.s32 $0x108;
	_ =	swait.ge @!p0 [sflag:s8], $0x0  }
0x24: {  	s3 =	sadd.s32 $0x88, s3;
	s6 =	simm.s32 @!p1 $0x1082;
	[sflag:s4] =	ssyncset.s32 $0xFFFFF086  }
0x25: {  	[simem:s6], [sflag:s4] =	dma.local [hbm:s3], $0xF7A  }
0x26: {  	[smem:$0x3F99] =	sst s1;
	(tag) =	ssettag s2;
	_ =	strace s9  }
0x27: {  	s1 =	sld [smem:$0x3FA9]  }
0x28: {  	s2 =	sld [smem:$0x3FAA]  }
0x29: {  	s4 =	sld [smem:$0x3FAC]  }
0x2a: {  	p0 =	seq.s32 s5, $0x0;
	s5 =	sld [smem:$0x3FAD]  }
0x2b: {  	s6 =	sld [smem:$0x3FAE]  }
0x2c: {  	s7 =	sld [smem:$0x3FAF]  }
0x2d: {  	s3 =	simm.s32 $0x108;
	s8 =	sld [smem:$0x3FB0]  }
0x2e: {  	s3 =	simm.s32 @!p0 $0x1082;
	s9 =	sld [smem:$0x3FB1]  }
0x2f: {  	lr =	sadd.s32 s0, s3;
	s0 =	sld [smem:$0x3FA8]  }
0x30: {  	s3 =	sld [smem:$0x3FAB]  }
0x31: {  	[smem:$0x3FB4] =	sst s10  }
0x32: {  	s10 =	sld [smem:$0x3FB2];
	_ =	sdelay $0x3  }
0x33: {  	p0 =	seq.s32 s10, $0x1;
	s10 =	sld [smem:$0x3FB4];
	_ =	sdelay $0x3  }
0x34: {  	[smem:$0x3FB4] =	sst s10  }
0x35: {  	s10 =	sld [smem:$0x3FB3];
	_ =	sdelay $0x3  }
0x36: {  	p1 =	seq.s32 s10, $0x1;
	s10 =	sld [smem:$0x3FB4];
	_ =	sdelay $0x3  }
0x37: {  	[smem:$0x3FB4] =	sst s10  }
0x38: {  	s10 =	sld [smem:$0x3FB5]  }
0x39: {  	_ = 	snop;
	(pc) =	sbr.ind lr, $3  }
0x3a: {  	_ = 	snop  }
0x3b: {  	_ = 	snop  }
0x3c: {  	p2 =	seq.s32 s10, $0x1;
	s10 =	sld [smem:$0x3FB4]  }
0x3d: {  	_ =	shalt  }
0x3e: {  	_ =	shalt  }
0x3f: {  	_ =	shalt  }
0x40: {  	_ =	shalt  }
0x41: {  	_ =	shalt  }
0x42: {  	_ =	shalt  }
0x43: {  	_ =	shalt  }
0x44: {  	_ =	shalt  }
0x45: {  	_ =	shalt  }
0x46: {  	_ =	shalt  }
0x47: {  	_ =	shalt  }
0x48: {  	_ =	shalt  }
0x49: {  	_ =	shalt  }
0x4a: {  	_ =	shalt  }
0x4b: {  	_ =	shalt  }
0x4c: {  	_ =	shalt  }
0x4d: {  	_ =	shalt  }
0x4e: {  	_ =	shalt  }
0x4f: {  	_ =	shalt  }
0x50: {  	_ =	shalt  }
0x51: {  	_ =	shalt  }
0x52: {  	_ =	shalt  }
0x53: {  	_ =	shalt  }
0x54: {  	_ =	shalt  }
0x55: {  	_ =	shalt  }
0x56: {  	_ =	shalt  }
0x57: {  	_ =	shalt  }
0x58: {  	_ =	shalt  }
0x59: {  	_ =	shalt  }
0x5a: {  	_ =	shalt  }
0x5b: {  	_ =	shalt  }
0x5c: {  	_ =	shalt  }
0x5d: {  	_ =	shalt  }
0x5e: {  	_ =	shalt  }
0x5f: {  	_ =	shalt  }
0x60: {  	_ =	shalt  }
0x61: {  	_ =	shalt  }
0x62: {  	_ =	shalt  }
0x63: {  	_ =	shalt  }
0x64: {  	_ =	shalt  }
0x65: {  	_ =	shalt  }
0x66: {  	_ =	shalt  }
0x67: {  	_ =	shalt  }
0x68: {  	_ =	shalt  }
0x69: {  	_ =	shalt  }
0x6a: {  	_ =	shalt  }
0x6b: {  	_ =	shalt  }
0x6c: {  	_ =	shalt  }
0x6d: {  	_ =	shalt  }
0x6e: {  	_ =	shalt  }
0x6f: {  	_ =	shalt  }
0x70: {  	_ =	shalt  }
0x71: {  	_ =	shalt  }
0x72: {  	_ =	shalt  }
0x73: {  	_ =	shalt  }
0x74: {  	_ =	shalt  }
0x75: {  	_ =	shalt  }
0x76: {  	_ =	shalt  }
0x77: {  	_ =	shalt  }
0x78: {  	_ =	shalt  }
0x79: {  	_ =	shalt  }
0x7a: {  	_ =	shalt  }
0x7b: {  	_ =	shalt  }
0x7c: {  	_ =	shalt  }
0x7d: {  	_ =	shalt  }
0x7e: {  	_ =	shalt  }
0x7f: {  	_ =	shalt  }
0x80: {  	_ =	shalt  }
0x81: {  	_ =	shalt  }
0x82: {  	_ =	shalt  }
0x83: {  	_ =	shalt  }
0x84: {  	_ =	shalt  }
0x85: {  	_ =	shalt  }
0x86: {  	_ =	shalt  }
0x87: {  	_ =	shalt  }
.Lfunc_end0:
.L_simem_size_0:
called_computation.1_lowered:
.L_overlay_start_0:
0x88: {  	s2 =	sld [smem:$0x3FD9]  }
0x89: {  	s3 =	sld [smem:$0x3FFE];
	_ =	sdelay $0x1  }
0x8a: {  	s1 =	srdreg.scid  }
0x8b: {  	s0 =	sand.u32 $0x1, s1  }
0x8c: {  	s17 =	sshll.u32 s0, $0xA;
	s2 =	sadd.s32 s3, s2  }
0x8d: {  	s2 =	sadd.s32 s2, s17  }
0x8e: {  	[smem:$0x3FC0] =	sst s2  }
0x8f: {  	_ = 	snop  }
0x90: {  	s2 =	sld [smem:$0x3FC8]  }
0x91: {  	s18 =	sld [smem:$0x3FD0];
	(tm) =	ssettm $0x1  }
0x92: {  	s4 =	sld [smem:$0x3FFB];
	_ =	sdelay $0x3  }
0x93: {  	_ =	strace s4  }
0x94: {  	s4 =	sld [smem:$0x3FFC];
	_ =	sdelay $0x3  }
0x95: {  	_ =	strace s4  }
0x96: {  	s4 =	sld [smem:$0x3FFD];
	_ =	sdelay $0x3  }
0x97: {  	_ =	strace s4  }
0x98: {  	_ =	strace $0x8FFFFFFF  }
0x99: {  	s19 =	sld [smem:$0x3FDB];
	_ =	sdelay $0x1  }
0x9a: {  	s5 =	simm.s32 $_scs_section_size  }
0x9b: {  	s6 =	simm.s32 $_size__tile_overlayer_lowered;
	s7 =	simm.s32 $_tile_overlayer_lowered  }
0x9c: {  	s22 =	simm.s32 $0x1BFF;
	s21 =	sshll.u32 s7, $0x1;
	s4 =	sadd.s32 s5, s19  }
0x9d: {  	s8 =	simm.s32 $0x0;
	s20 =	sshll.u32 s6, $0x1;
	s6 =	sadd.s32 s21, s4  }
0x9e: {  	[timem:s8], [sflag:s22] =	dma.local [hbm:s6], s20  }
0x9f: {  	_ =	swait.ge [sflag:s22], s20  }
0xa0: {  	s5 =	ssub.s32 $0x0, s20;
	[sflag:s22] =	ssyncset.done $0x0  }
0xa1: {  	[sflag:s22] =	ssyncadd.s32 s5;
	_ =	sdelay $0x1  }
0xa2: {  	s23 =	simm.s32 $0x1B8B  }
0xa3: {  	_ =	swait.ge [sflag:s23], $0x1  }
0xa4: {  	[sflag:s23] =	ssyncset.done $0x0  }
0xa5: {  	s25 =	simm.s32 $0x1B8E;
	s24 =	sld [smem:$0x3FFE];
	[sflag:s23] =	ssyncadd.s32 $0xFFFFFFFF  }
0xa6: {  	s26 =	simm.s32 $execute0_lowered;
	[smem:$0x3FD2] =	sst s25  }
0xa7: {  	s6 =	sshll.u32 s26, $0x1;
	_ =	strace $0x80000049;
	[dreg:$0x1] =	wrdreg $0xFFFFFFFF  }
0xa8: {  	s28 =	simm.s32 $_size_execute0_lowered;
	s4 =	sadd.s32 s4, s6;
	[dreg:$0x0] =	wrdreg $0x0  }
0xa9: {  	s6 =	sshll.u32 s28, $0x1;
	[dreg:$0x2] =	wrdreg s4  }
0xaa: {  	[dreg:$0x3] =	wrdreg s6  }
0xab: {  	[dreg:$0x4] =	wrdreg $0xC0  }
0xac: {  	_ =	task [dreg:s8], $0x5FFFF  }
0xad: {  	[dreg:$0x1] =	wrdreg $0xFFFFFFFF  }
0xae: {  	[dreg:$0x0] =	wrdreg $0x60  }
0xaf: {  	[dreg:$0x2] =	wrdreg s18  }
0xb0: {  	[dreg:$0x3] =	wrdreg s2  }
0xb1: {  	[dreg:$0x4] =	wrdreg s24  }
0xb2: {  	[dreg:$0x5] =	wrdreg $0xC4000  }
0xb3: {  	[dreg:$0x6] =	wrdreg $0x9  }
0xb4: {  	_ =	task.clear_ibuf [dreg:s8], $0x7FFFF;
	_ =	strace $0x90000049  }
0xb5: {  	s29 =	simm.s32 $0x9;
	_ =	strace $0x8000004B  }
0xb6: {  	_ =	swait.ge [sflag:s29], $0x1  }
0xb7: {  	[sflag:s29] =	ssyncadd.s32 $0xFFFFFFFF  }
0xb8: {  	_ =	strace $0x9000004B  }
0xb9: {  	_ =	sfence  }
0xba: {  	s30 =	sld [smem:$0x0];
	_ =	sdelay $0x2  }
0xbb: {  	s31 =	sshll.u32 s1, $0xD;
	s1 =	sshrl.u32 s1, $0x2  }
0xbc: {  	s3 =	sand.u32 $0x4000, s31;
	s1 =	sadd.s32 s1, s30  }
0xbd: {  	s0 =	sor.u32 s3, s0;
	s1 =	sshll.u32 s1, $0x11  }
0xbe: {  	s0 =	sor.u32 s1, s0  }
0xbf: {  	s0 =	sadd.s32 $0x8F2B, s0  }
0xc0: {  	[sflag:s0] =	ssyncadd.remote.s32 $0x1  }
0xc1: {  	_ =	sfence.sel $0xFFFF  }
0xc2: {  	[dreg:$0x0] =	wrdreg $0xFFFFFFFF;
	(pc) =	sbr.abs _section_cstart, $3  }
0xc3: {  	[dreg:$0x1] =	wrdreg $0xFFFFFFFF  }
0xc4: {  	_ =	task.clear_ibuf [dreg:s8], $0x2FFFF;
	_ =	strace $0x9FFFFFFF  }
0xc5: {  	(tm) =	ssettm $0x7FFFFFFF  }
tec
execute0_lowered:
.L_overlay_start_1:
0x0: {  	(tag) =	ssettag $0x1  }
0x1: {  	s1 =	rddreg [dreg:$0x0]  }
0x2: {  	s0 =	rddreg [dreg:$0x1]  }
0x3: {  	s4 =	rddreg [dreg:$0x2]  }
0x4: {  	s2 =	rddreg [dreg:$0x3];
	s3 =	simm.s32 $0x0;
	s5 =	srdreg.scid  }
0x5: {  	s15 =	stileid.u32;
	[smem:$0x7FF] =	sst s3;
	s5 =	sand.u32 $0x1, s5  }
0x6: {  	s6 =	sadd.s32 $0x2200, s4;
	s4 =	sadd.s32 $0x2A00, s4;
	s11 =	smul.u32 $0x13800, s15  }
0x7: {  	s22 =	smul.u32 $0x4E000, s15;
	p1 =	seq.s32 s15, $0xF;
	s29 =	sadd.s32 $0x124800, s2  }
0x8: {  	s19 =	sshll.u32 s15, $0x5;
	s31 =	sadd.s32 $0x128800, s2;
	_ =	strace $0x8000004A  }
0x9: {  	[dreg:$0x5] =	wrdreg s6;
	s21 =	ssub.s32 $0x2, s5;
	s8 =	sshll.u32 s5, $0x4  }
0xa: {  	s10 =	smul.u32 $0x138800, s5;
	s6 =	simm.s32 $0x4F;
	s5 =	sshll.u32 s5, $0x9  }
0xb: {  	s7 =	sshrl.u32 s21, $0x1;
	s8 =	sor.u32 s15, s8;
	s13 =	sadd.s32 $0x4000, s11  }
0xc: {  	s25 =	sadd.s32 $0x8000, s11;
	s14 =	sadd.s32 $0xC000, s11;
	s7 =	ssub.s32 s21, s7  }
0xd: {  	p0 =	slt.u32 s8, $0x4;
	s9 =	sshll.u32 s8, $0x5;
	s23 =	sadd.s32 s11, s10  }
0xe: {  	s24 =	sadd.s32 s10, s13;
	s13 =	sadd.s32 s13, s2;
	s26 =	sadd.s32 s10, s25  }
0xf: {  	s28 =	sadd.s32 s10, s14;
	s16 =	sadd.s32 s14, s2;
	[dreg:$0x9] =	wrdreg s13  }
0x10: {  	s11 =	sadd.s32 $0x10000, s11;
	s12 =	sadd.s32 s0, s9;
	[dreg:$0xd] =	wrdreg s16  }
0x11: {  	s9 =	sshrl.u32 s22, $0x2;
	s13 =	sadd.s32 s25, s2;
	[dreg:$0x6] =	wrdreg s12  }
0x12: {  	s17 =	sadd.s32 s10, s11;
	s11 =	sadd.s32 s11, s2;
	[dreg:$0xb] =	wrdreg s13  }
0x13: {  	s12 =	sadd.s32 $0x400, s12;
	[dreg:$0xf] =	wrdreg s11;
	s18 =	sshrl.u32 s17, $0x3  }
0x14: {  	s9 =	sadd.s32 s9, s2;
	[dreg:$0x7] =	wrdreg s12;
	s11 =	sadd.s32 s4, s18  }
0x15: {  	s30 =	sshrl.u32 s28, $0x3;
	s25 =	sadd.s32 $0x8000, s9;
	[dreg:$0x10] =	wrdreg s11  }
0x16: {  	s12 =	sshrl.u32 s23, $0x3;
	s28 =	sadd.s32 $0x10000, s9;
	[dreg:$0x17] =	wrdreg s25  }
0x17: {  	s6 =	simm.s32 @!p0 $0x4E;
	s12 =	sadd.s32 s4, s12;
	[dreg:$0x19] =	wrdreg s28  }
0x18: {  	[dreg:$0x8] =	wrdreg s12;
	s12 =	sshrl.u32 s24, $0x3;
	s24 =	sadd.s32 $0x4000, s9  }
0x19: {  	s10 =	sshrl.u32 s10, $0x3;
	s12 =	sadd.s32 s4, s12;
	[dreg:$0x16] =	wrdreg s24  }
0x1a: {  	[dreg:$0xa] =	wrdreg s12;
	s12 =	sshrl.u32 s26, $0x3;
	s26 =	sadd.s32 $0xC000, s9  }
0x1b: {  	s0 =	sadd.s32 s5, s0;
	s12 =	sadd.s32 s4, s12;
	[dreg:$0x18] =	wrdreg s26  }
0x1c: {  	p0 =	sgt.u32 s8, $0x3;
	[dreg:$0xc] =	wrdreg s12;
	s12 =	sadd.s32 s4, s30  }
0x1d: {  	s4 =	sadd.s32 s4, s10;
	s30 =	smax.u32 s7, $0x1;
	[dreg:$0xe] =	wrdreg s12  }
0x1e: {  	s8 =	sadd.s32 $0x134800, s2;
	s10 =	sadd.s32 $0x24900, s4;
	[dreg:$0x1a] =	wrdreg s30  }
0x1f: {  	s5 =	sadd.s32 s19, s0;
	s20 =	sadd.s32 $0x25100, s4;
	[dreg:$0x11] =	wrdreg s10  }
0x20: {  	s0 =	sadd.s32 $0x12C800, s2;
	s21 =	sadd.s32 $0x25900, s4;
	[dreg:$0x12] =	wrdreg s20  }
0x21: {  	s13 =	simm.s32 $0x0;
	s22 =	sadd.s32 $0x26100, s4;
	[dreg:$0x13] =	wrdreg s21  }
0x22: {  	s23 =	sadd.s32 $0x26900, s4;
	s4 =	sadd.s32 $0x800, s5;
	[dreg:$0x14] =	wrdreg s22  }
0x23: {  	s5 =	sadd.s32 $0x130800, s2;
	s12 =	simm.s32 $0x80;
	[dreg:$0x15] =	wrdreg s23  }
.LBB2_1:
0x24: {  	s7 =	rddreg [dreg:$0x6]  }
0x25: {  	[tilespmem:s3], [sflag:$0x1] =	stream.linear.gather [hbm4b:s7+s3], $0x100, $0x38;
	[tilespmem:$0x1FC80] =	vst v63  }
0x26: {  	s21 =	rddreg [dreg:$0x7];
	s10 =	simm.s32 $0x100  }
0x27: {  	[tilespmem:s10], [sflag:$0x2] =	stream.linear.gather [hbm4b:s21+s3], $0x100, $0x38;
	[tilespmem:$0x1FC80] =	vst v63  }
0x28: {  	s22 =	rddreg [dreg:$0x5];
	s23 =	simm.s32 $0x400;
	s24 =	simm.s32 $0xB  }
0x29: {  	[tilespmem:s23], [sflag:$0xB] =	stream.linear.gather [hbm4b:s22+s3], $0x4000, $0x38;
	[tilespmem:$0x1FC80] =	vst v63  }
0x2a: {  	_ =	swait.ge [sflag:s24], $0x4000  }
0x2b: {  	[sflag:s24] =	ssyncset.done $0x0  }
0x2c: {  	s17 =	simm.s32 @p1 $0x400;
	[sflag:s24] =	ssyncadd.s32 $0xFFFFC000  }
0x2d: {  	[spmem:s29] =	stream.linear.scatter @p1 [tilespmem:s17], [sflag:$0x8], $0x4000, $0x38;
	[tilespmem:$0x1FC80] =	vst v63  }
0x2e: {  	_ = 	snop  }
0x2f: {  	[spmem:s31] =	stream.linear.scatter @p1 [tilespmem:s17], [sflag:$0x8], $0x4000, $0x38;
	[tilespmem:$0x1FC80] =	vst v63  }
0x30: {  	_ = 	snop  }
0x31: {  	[spmem:s0] =	stream.linear.scatter @p1 [tilespmem:s17], [sflag:$0x8], $0x4000, $0x38;
	[tilespmem:$0x1FC80] =	vst v63  }
0x32: {  	_ = 	snop  }
0x33: {  	[spmem:s5] =	stream.linear.scatter @p1 [tilespmem:s17], [sflag:$0x8], $0x4000, $0x38;
	[tilespmem:$0x1FC80] =	vst v63  }
0x34: {  	s18 =	simm.s32 @p1 $0x8  }
0x35: {  	[spmem:s8] =	stream.linear.scatter @p1 [tilespmem:s17], [sflag:$0x8], $0x4000, $0x38;
	[tilespmem:$0x1FC80] =	vst v63  }
0x36: {  	_ =	swait.ge @p1 [sflag:s18], $0x4000  }
0x37: {  	[sflag:s18] =	ssyncset.done @p1 $0x0  }
0x38: {  	[sflag:s18] =	ssyncadd.s32 @p1 $0xFFFFC000  }
0x39: {  	_ =	swait.ge @p1 [sflag:s18], $0x4000  }
0x3a: {  	[sflag:s18] =	ssyncset.done @p1 $0x0  }
0x3b: {  	[sflag:s18] =	ssyncadd.s32 @p1 $0xFFFFC000  }
0x3c: {  	_ =	swait.ge @p1 [sflag:s18], $0x4000  }
0x3d: {  	[sflag:s18] =	ssyncset.done @p1 $0x0  }
0x3e: {  	[sflag:s18] =	ssyncadd.s32 @p1 $0xFFFFC000  }
0x3f: {  	_ =	swait.ge @p1 [sflag:s18], $0x4000  }
0x40: {  	[sflag:s18] =	ssyncset.done @p1 $0x0  }
0x41: {  	[sflag:s18] =	ssyncadd.s32 @p1 $0xFFFFC000  }
0x42: {  	_ =	swait.ge @p1 [sflag:s18], $0x4000  }
0x43: {  	[sflag:s18] =	ssyncset.done @p1 $0x0  }
0x44: {  	s15 =	simm.s32 @!p1 $0x400;
	[sflag:s18] =	ssyncadd.s32 @p1 $0xFFFFC000  }
0x45: {  	[spmem:s9] =	stream.linear.scatter @!p1 [tilespmem:s15], [sflag:$0x8], $0x4000, $0x38;
	[tilespmem:$0x1FC80] =	vst v63  }
0x46: {  	s7 =	rddreg [dreg:$0x16]  }
0x47: {  	[spmem:s7] =	stream.linear.scatter @!p1 [tilespmem:s15], [sflag:$0x8], $0x4000, $0x38;
	[tilespmem:$0x1FC80] =	vst v63  }
0x48: {  	s7 =	rddreg [dreg:$0x17]  }
0x49: {  	[spmem:s7] =	stream.linear.scatter @!p1 [tilespmem:s15], [sflag:$0x8], $0x4000, $0x38;
	[tilespmem:$0x1FC80] =	vst v63  }
0x4a: {  	s7 =	rddreg [dreg:$0x18]  }
0x4b: {  	[spmem:s7] =	stream.linear.scatter @!p1 [tilespmem:s15], [sflag:$0x8], $0x4000, $0x38;
	[tilespmem:$0x1FC80] =	vst v63  }
0x4c: {  	s14 =	simm.s32 @!p1 $0x8;
	s7 =	rddreg [dreg:$0x19]  }
0x4d: {  	[spmem:s7] =	stream.linear.scatter @!p1 [tilespmem:s15], [sflag:$0x9], $0x3800, $0x38;
	[tilespmem:$0x1FC80] =	vst v63  }
0x4e: {  	_ =	swait.ge @!p1 [sflag:s14], $0x4000  }
0x4f: {  	[sflag:s14] =	ssyncset.done @!p1 $0x0  }
0x50: {  	[sflag:s14] =	ssyncadd.s32 @!p1 $0xFFFFC000  }
0x51: {  	_ =	swait.ge @!p1 [sflag:s14], $0x4000  }
0x52: {  	[sflag:s14] =	ssyncset.done @!p1 $0x0  }
0x53: {  	[sflag:s14] =	ssyncadd.s32 @!p1 $0xFFFFC000  }
0x54: {  	_ =	swait.ge @!p1 [sflag:s14], $0x4000  }
0x55: {  	[sflag:s14] =	ssyncset.done @!p1 $0x0  }
0x56: {  	p3 =	por $0x1, $0x1;
	[sflag:s14] =	ssyncadd.s32 @!p1 $0xFFFFC000  }
0x57: {  	s19 =	simm.s32 @!p3 $0xFFFFFFFE;
	_ =	swait.ge @!p1 [sflag:s14], $0x4000  }
0x58: {  	s19 =	sand.u32 @!p3 $0xFF, s19;
	[sflag:s14] =	ssyncset.done @!p1 $0x0  }
0x59: {  	s16 =	simm.s32 @!p1 $0x9;
	s19 =	smul.u32 @!p3 $0xAB, s19;
	[sflag:s14] =	ssyncadd.s32 @!p1 $0xFFFFC000  }
0x5a: {  	_ =	swait.ge @!p1 [sflag:s16], $0x3800  }
0x5b: {  	s19 =	sshrl.u32 @!p3 s19, $0x9;
	[sflag:s16] =	ssyncset.done @!p1 $0x0  }
0x5c: {  	s19 =	smul.u32 @!p3 $0x3, s19;
	[sflag:s16] =	ssyncadd.s32 @!p1 $0xFFFFC800  }
0x5d: {  	s25 =	simm.s32 $0x1;
	s20 =	simm.s32 $0x1;
	[bflag:$0x0] =	sbarrier.arrive $0xFFFF  }
0x5e: {  	p2 =	sle.u32 s6, $0x1;
	s19 =	ssub.s32 @!p3 $0xFFFFFFFE, s19;
	_ =	swait.ge [sflag:s25], $0x100  }
0x5f: {  	p4 =	sle.u32 s6, $0x2;
	s19 =	sor.u32 @!p3 $0x8, s19;
	[sflag:s25] =	ssyncset.done $0x0  }
0x60: {  	s21 =	smul.u32 @!p2 $0xAB, s20;
	s19 =	sand.u32 @!p3 $0xFF, s19;
	[sflag:s25] =	ssyncadd.s32 $0xFFFFFF00  }
0x61: {  	[tilespmem:s23], [sflag:$0x5] =	stream.indirect.gather [hbm4b:s1+s12], $0x80, s3, s12, $0xb8;
	[tilespmem:$0x1FC80] =	vst v63  }
0x62: {  	s26 =	smul.u32 $0xAB, s3;
	s21 =	sshrl.u32 @!p2 s21, $0x9;
	_ =	swait.ge @!p3 [sflag:s19], $0x4000  }
0x63: {  	s22 =	simm.s32 $0x2;
	s21 =	sand.u32 @!p2 $0x7F, s21;
	[sflag:s19] =	ssyncset.done @!p3 $0x0  }
0x64: {  	s21 =	smul.u32 @!p2 $0x3, s21;
	[sflag:s19] =	ssyncadd.s32 @!p3 $0xFFFFC000;
	s19 =	sand.u32 @!p4 $0x3, s22  }
0x65: {  	s23 =	simm.s32 @!p4 $0x0;
	s22 =	sadd.s32 @!p4 $0x1, s19;
	s19 =	sshll.u32 @!p4 s19, $0x8  }
0x66: {  	[tilespmem:s19], [sflag:s22] =	stream.linear.gather @!p4 [hbm4b:s4+s23], $0x100, $0x38;
	[tilespmem:$0x1FC80] =	vst v63  }
0x67: {  	s20 =	sand.u32 @!p2 $0x3, s20;
	s21 =	ssub.s32 @!p2 $0x1, s21;
	s19 =	sshrl.u32 s26, $0x9  }
0x68: {  	s21 =	sand.u32 @!p2 $0xFF, s21;
	s22 =	sadd.s32 @!p2 $0x1, s20;
	s19 =	sand.u32 $0x7F, s19  }
0x69: {  	s20 =	sshll.u32 @!p2 s20, $0x8;
	_ =	swait.ge @!p2 [sflag:s22], $0x100;
	s28 =	smul.u32 $0x3, s19  }
0x6a: {  	s19 =	sshll.u32 @!p2 s21, $0xE;
	s21 =	sadd.s32 @!p2 $0x5, s21;
	[sflag:s22] =	ssyncset.done @!p2 $0x0  }
0x6b: {  	s19 =	sor.u32 @!p2 $0x400, s19;
	[sflag:s22] =	ssyncadd.s32 @!p2 $0xFFFFFF00;
	s22 =	simm.s32 @!p2 $0x80  }
0x6c: {  	[tilespmem:s19], [sflag:s21] =	stream.indirect.gather @!p2 [hbm4b:s1+s22], $0x80, s20, s22, $0xb8;
	[tilespmem:$0x1FC80] =	vst v63  }
0x6d: {  	p2 =	por $0x1, $0x1  }
.Ltmp0:
0x6e: {  	_ = 	snop;
	(pc) =	sbr.rel @!p2 .LBB2_3-.Ltmp0, $3  }
0x6f: {  	_ =	sdelay $0x1  }
0x70: {  	s19 =	sand.u32 $0x300, s3;
	s20 =	simm.s32 $0x1;
	s30 =	ssub.s32 $0x0, s28  }
0x71: {  	s21 =	sadd.s32 $0x400, s4;
	s22 =	simm.s32 $0x0;
	s23 =	sand.u32 $0xFF, s30  }
.LBB2_2:
0x72: {  	s24 =	sadd.s32 $0x5, s23;
	s25 =	sor.u32 $0x8, s23;
	s22 =	sadd.s32 $0x100, s22  }
0x73: {  	s23 =	sshll.u32 s23, $0xE;
	s26 =	sand.u32 $0x300, s22;
	_ =	swait.ge [sflag:s24], $0x4000  }
0x74: {  	p4 =	slt.u32 s20, $0x2;
	s28 =	sor.u32 $0x400, s23;
	[sflag:s24] =	ssyncset.done $0x0  }
0x75: {  	s30 =	sadd.s32 @!p4 $0xFFFFFFFE, s20;
	s23 =	smov.u32 s20;
	[sflag:s24] =	ssyncadd.s32 $0xFFFFC000  }
0x76: {  	s10 =	sor.u32 $0x80, s19;
	s19 =	smov.u32 s26;
	s24 =	sand.u32 @!p4 $0xFF, s30  }
0x77: {  	s24 =	smul.u32 @!p4 $0xAB, s24  }
0x78: {  	[spmem:s2] =	stream.indirect.scatter.add.f32 [tilespmem:s28], [sflag:s25], $0x80, s10, s12, $0xb8;
	[tilespmem:$0x1FC80] =	vst v63  }
0x79: {  	s10 =	sshrl.u32 @!p4 s24, $0x9;
	s24 =	sadd.s32 $0x2, s20  }
0x7a: {  	s10 =	smul.u32 @!p4 $0x3, s10;
	s20 =	sadd.s32 $0xFFFFFFFF, s24  }
0x7b: {  	s25 =	sadd.s32 $0x1, s23;
	p3 =	sge.u32 s20, s6;
	p2 =	sne.s32 s20, $0x4E  }
0x7c: {  	s10 =	ssub.s32 @!p4 s30, s10;
	s26 =	sand.u32 @!p3 $0x3, s25;
	s28 =	smul.u32 @!p3 $0xAB, s25  }
0x7d: {  	s10 =	sor.u32 @!p4 $0x8, s10;
	s30 =	sadd.s32 @!p3 $0x1, s26;
	s26 =	sshll.u32 @!p3 s26, $0x8  }
0x7e: {  	s11 =	smul.u32 $0xAB, s23;
	s10 =	sand.u32 @!p4 $0xFF, s10;
	s28 =	sshrl.u32 @!p3 s28, $0x9  }
0x7f: {  	p5 =	sge.u32 s24, s6;
	s28 =	sand.u32 @!p3 $0x7F, s28;
	_ =	swait.ge @!p4 [sflag:s10], $0x4000  }
0x80: {  	s11 =	sshrl.u32 s11, $0x9;
	s28 =	smul.u32 @!p3 $0x3, s28;
	[sflag:s10] =	ssyncset.done @!p4 $0x0  }
0x81: {  	s11 =	sand.u32 $0x7F, s11;
	[sflag:s10] =	ssyncadd.s32 @!p4 $0xFFFFC000;
	s10 =	sand.u32 @!p5 $0x3, s24  }
0x82: {  	s7 =	simm.s32 @!p5 $0x0;
	s25 =	ssub.s32 @!p3 s25, s28;
	s24 =	sadd.s32 @!p5 $0x1, s10  }
0x83: {  	s11 =	smul.u32 $0x3, s11;
	s10 =	sshll.u32 @!p5 s10, $0x8;
	s25 =	sand.u32 @!p3 $0xFF, s25  }
0x84: {  	[tilespmem:s10], [sflag:s24] =	stream.linear.gather @!p5 [hbm4b:s21+s7], $0x100, $0x38;
	[tilespmem:$0x1FC80] =	vst v63  }
0x85: {  	s7 =	sshll.u32 @!p3 s25, $0xE  }
.Ltmp1:
0x86: {  	s10 =	sadd.s32 @!p3 $0x5, s25;
	_ =	swait.ge @!p3 [sflag:s30], $0x100;
	(pc) =	sbr.rel @p2 .LBB2_2-.Ltmp1, $4  }
0x87: {  	s24 =	simm.s32 @!p3 $0x80;
	s7 =	sor.u32 @!p3 $0x400, s7;
	[sflag:s30] =	ssyncset.done @!p3 $0x0  }
0x88: {  	s11 =	ssub.s32 s23, s11;
	[sflag:s30] =	ssyncadd.s32 @!p3 $0xFFFFFF00  }
0x89: {  	[tilespmem:s7], [sflag:s10] =	stream.indirect.gather @!p3 [hbm4b:s1+s24], $0x80, s26, s24, $0xb8;
	[tilespmem:$0x1FC80] =	vst v63  }
0x8a: {  	s23 =	sand.u32 $0xFF, s11;
	s21 =	sadd.s32 $0x400, s21  }
.LBB2_3:
0x8b: {  	s7 =	sadd.s32 $0x5, s23  }
0x8c: {  	s10 =	sor.u32 $0x8, s23;
	_ =	swait.ge [sflag:s7], $0x4000  }
0x8d: {  	s11 =	sshll.u32 s23, $0xE;
	s26 =	sor.u32 $0x80, s19;
	[sflag:s7] =	ssyncset.done $0x0  }
0x8e: {  	s11 =	sor.u32 $0x400, s11;
	[sflag:s7] =	ssyncadd.s32 $0xFFFFC000;
	s7 =	simm.s32 @!p0 $0x9  }
0x8f: {  	[spmem:s2] =	stream.indirect.scatter.add.f32 [tilespmem:s11], [sflag:s10], $0x80, s26, s12, $0xb8;
	[tilespmem:$0x1FC80] =	vst v63  }
0x90: {  	_ =	swait.ge @!p0 [sflag:s7], $0x4000  }
0x91: {  	[sflag:s7] =	ssyncset.done @!p0 $0x0  }
0x92: {  	[sflag:s7] =	ssyncadd.s32 @!p0 $0xFFFFC000;
	s7 =	simm.s32 @!p0 $0x5  }
0x93: {  	_ =	swait.ge @!p0 [sflag:s7], $0x4000  }
0x94: {  	s10 =	simm.s32 @!p0 $0x280;
	[sflag:s7] =	ssyncset.done @!p0 $0x0  }
0x95: {  	s11 =	simm.s32 @!p0 $0x400;
	[sflag:s7] =	ssyncadd.s32 @!p0 $0xFFFFC000;
	s7 =	simm.s32 @!p0 $0x80  }
0x96: {  	[spmem:s2] =	stream.indirect.scatter.add.f32 @!p0 [tilespmem:s11], [sflag:$0x8], $0x80, s10, s7, $0xb8;
	[tilespmem:$0x1FC80] =	vst v63  }
0x97: {  	s7 =	simm.s32 @!p0 $0x2  }
0x98: {  	s7 =	simm.s32 @p0 $0x1  }
0x99: {  	s7 =	sor.u32 $0x8, s7  }
0x9a: {  	s10 =	simm.s32 @!p0 $0x0;
	_ =	swait.ge [sflag:s7], $0x4000  }
0x9b: {  	s10 =	simm.s32 @p0 $0x2;
	[sflag:s7] =	ssyncset.done $0x0  }
0x9c: {  	s28 =	sor.u32 $0x8, s10;
	[sflag:s7] =	ssyncadd.s32 $0xFFFFC000  }
0x9d: {  	_ =	swait.ge [sflag:s28], $0x4000  }
0x9e: {  	[sflag:s28] =	ssyncset.done $0x0  }
0x9f: {  	[sflag:s28] =	ssyncadd.s32 $0xFFFFC000  }
0xa0: {  	s7 =	simm.s32 @p1 $0xB;
	[bflag:$0x0] =	sbarrier.arrive $0xFFFF  }
0xa1: {  	[tilespmem:s17], [sflag:$0xB] =	stream.linear.gather @p1 [spmem:s29], $0x4000, $0x38;
	[tilespmem:$0x1FC80] =	vst v63  }
0xa2: {  	_ =	swait.ge @p1 [sflag:s7], $0x4000  }
0xa3: {  	[sflag:s7] =	ssyncset.done @p1 $0x0  }
0xa4: {  	s10 =	simm.s32 @p1 $0x0;
	s11 =	rddreg [dreg:$0x11];
	[sflag:s7] =	ssyncadd.s32 @p1 $0xFFFFC000  }
0xa5: {  	[hbm4b:s11+s10] =	stream.linear.scatter @p1 [tilespmem:s17], [sflag:$0x8], $0x4000, $0x38;
	[tilespmem:$0x1FC80] =	vst v63  }
0xa6: {  	s11 =	simm.s32 @p1 $0x4400  }
0xa7: {  	[tilespmem:s11], [sflag:$0xB] =	stream.linear.gather @p1 [spmem:s31], $0x4000, $0x38;
	[tilespmem:$0x1FC80] =	vst v63  }
0xa8: {  	_ =	swait.ge @p1 [sflag:s7], $0x4000  }
0xa9: {  	[sflag:s7] =	ssyncset.done @p1 $0x0  }
0xaa: {  	s19 =	rddreg [dreg:$0x12];
	[sflag:s7] =	ssyncadd.s32 @p1 $0xFFFFC000  }
0xab: {  	[hbm4b:s19+s10] =	stream.linear.scatter @p1 [tilespmem:s11], [sflag:$0x9], $0x4000, $0x38;
	[tilespmem:$0x1FC80] =	vst v63  }
0xac: {  	_ =	swait.ge @p1 [sflag:s18], $0x4000  }
0xad: {  	[sflag:s18] =	ssyncset.done @p1 $0x0  }
0xae: {  	[sflag:s18] =	ssyncadd.s32 @p1 $0xFFFFC000  }
0xaf: {  	[tilespmem:s17], [sflag:$0xB] =	stream.linear.gather @p1 [spmem:s0], $0x4000, $0x38;
	[tilespmem:$0x1FC80] =	vst v63  }
0xb0: {  	_ =	swait.ge @p1 [sflag:s7], $0x4000  }
0xb1: {  	[sflag:s7] =	ssyncset.done @p1 $0x0  }
0xb2: {  	s19 =	rddreg [dreg:$0x13];
	[sflag:s7] =	ssyncadd.s32 @p1 $0xFFFFC000  }
0xb3: {  	[hbm4b:s19+s10] =	stream.linear.scatter @p1 [tilespmem:s17], [sflag:$0x8], $0x4000, $0x38;
	[tilespmem:$0x1FC80] =	vst v63  }
0xb4: {  	s19 =	simm.s32 @p1 $0x9  }
0xb5: {  	_ =	swait.ge @p1 [sflag:s19], $0x4000  }
0xb6: {  	[sflag:s19] =	ssyncset.done @p1 $0x0  }
0xb7: {  	[sflag:s19] =	ssyncadd.s32 @p1 $0xFFFFC000  }
0xb8: {  	[tilespmem:s11], [sflag:$0xB] =	stream.linear.gather @p1 [spmem:s5], $0x4000, $0x38;
	[tilespmem:$0x1FC80] =	vst v63  }
0xb9: {  	_ =	swait.ge @p1 [sflag:s7], $0x4000  }
0xba: {  	[sflag:s7] =	ssyncset.done @p1 $0x0  }
0xbb: {  	s20 =	rddreg [dreg:$0x14];
	[sflag:s7] =	ssyncadd.s32 @p1 $0xFFFFC000  }
0xbc: {  	[hbm4b:s20+s10] =	stream.linear.scatter @p1 [tilespmem:s11], [sflag:$0x9], $0x4000, $0x38;
	[tilespmem:$0x1FC80] =	vst v63  }
0xbd: {  	_ =	swait.ge @p1 [sflag:s18], $0x4000  }
0xbe: {  	[sflag:s18] =	ssyncset.done @p1 $0x0  }
0xbf: {  	[sflag:s18] =	ssyncadd.s32 @p1 $0xFFFFC000  }
0xc0: {  	[tilespmem:s17], [sflag:$0xB] =	stream.linear.gather @p1 [spmem:s8], $0x4000, $0x38;
	[tilespmem:$0x1FC80] =	vst v63  }
0xc1: {  	_ =	swait.ge @p1 [sflag:s7], $0x4000  }
0xc2: {  	[sflag:s7] =	ssyncset.done @p1 $0x0  }
0xc3: {  	[sflag:s7] =	ssyncadd.s32 @p1 $0xFFFFC000;
	s7 =	rddreg [dreg:$0x15]  }
0xc4: {  	[hbm4b:s7+s10] =	stream.linear.scatter @p1 [tilespmem:s17], [sflag:$0x8], $0x4000, $0x38;
	[tilespmem:$0x1FC80] =	vst v63  }
0xc5: {  	_ =	swait.ge @p1 [sflag:s19], $0x4000  }
0xc6: {  	[sflag:s19] =	ssyncset.done @p1 $0x0  }
0xc7: {  	[sflag:s19] =	ssyncadd.s32 @p1 $0xFFFFC000  }
0xc8: {  	_ =	swait.ge @p1 [sflag:s18], $0x4000  }
0xc9: {  	[sflag:s18] =	ssyncset.done @p1 $0x0  }
0xca: {  	s7 =	simm.s32 @!p1 $0xB;
	[sflag:s18] =	ssyncadd.s32 @p1 $0xFFFFC000  }
0xcb: {  	[tilespmem:s15], [sflag:$0xB] =	stream.linear.gather @!p1 [spmem:s9], $0x4000, $0x38;
	[tilespmem:$0x1FC80] =	vst v63  }
0xcc: {  	_ =	swait.ge @!p1 [sflag:s7], $0x4000  }
0xcd: {  	[sflag:s7] =	ssyncset.done @!p1 $0x0  }
0xce: {  	s10 =	simm.s32 @!p1 $0x0;
	s11 =	rddreg [dreg:$0x8];
	[sflag:s7] =	ssyncadd.s32 @!p1 $0xFFFFC000  }
0xcf: {  	[hbm4b:s11+s10] =	stream.linear.scatter @!p1 [tilespmem:s15], [sflag:$0x8], $0x4000, $0x38;
	[tilespmem:$0x1FC80] =	vst v63  }
0xd0: {  	s17 =	rddreg [dreg:$0x9];
	s11 =	simm.s32 @!p1 $0x4400  }
0xd1: {  	[tilespmem:s11], [sflag:$0xB] =	stream.linear.gather @!p1 [spmem:s17], $0x4000, $0x38;
	[tilespmem:$0x1FC80] =	vst v63  }
0xd2: {  	_ =	swait.ge @!p1 [sflag:s7], $0x4000  }
0xd3: {  	[sflag:s7] =	ssyncset.done @!p1 $0x0  }
0xd4: {  	s17 =	rddreg [dreg:$0xa];
	[sflag:s7] =	ssyncadd.s32 @!p1 $0xFFFFC000  }
0xd5: {  	[hbm4b:s17+s10] =	stream.linear.scatter @!p1 [tilespmem:s11], [sflag:$0x9], $0x4000, $0x38;
	[tilespmem:$0x1FC80] =	vst v63  }
0xd6: {  	_ =	swait.ge @!p1 [sflag:s14], $0x4000  }
0xd7: {  	[sflag:s14] =	ssyncset.done @!p1 $0x0  }
0xd8: {  	s17 =	rddreg [dreg:$0xb];
	[sflag:s14] =	ssyncadd.s32 @!p1 $0xFFFFC000  }
0xd9: {  	[tilespmem:s15], [sflag:$0xB] =	stream.linear.gather @!p1 [spmem:s17], $0x4000, $0x38;
	[tilespmem:$0x1FC80] =	vst v63  }
0xda: {  	_ =	swait.ge @!p1 [sflag:s7], $0x4000  }
0xdb: {  	[sflag:s7] =	ssyncset.done @!p1 $0x0  }
0xdc: {  	s17 =	rddreg [dreg:$0xc];
	[sflag:s7] =	ssyncadd.s32 @!p1 $0xFFFFC000  }
0xdd: {  	[hbm4b:s17+s10] =	stream.linear.scatter @!p1 [tilespmem:s15], [sflag:$0x8], $0x4000, $0x38;
	[tilespmem:$0x1FC80] =	vst v63  }
0xde: {  	_ =	swait.ge @!p1 [sflag:s16], $0x4000  }
0xdf: {  	[sflag:s16] =	ssyncset.done @!p1 $0x0  }
0xe0: {  	s17 =	rddreg [dreg:$0xd];
	[sflag:s16] =	ssyncadd.s32 @!p1 $0xFFFFC000  }
0xe1: {  	[tilespmem:s11], [sflag:$0xB] =	stream.linear.gather @!p1 [spmem:s17], $0x4000, $0x38;
	[tilespmem:$0x1FC80] =	vst v63  }
0xe2: {  	_ =	swait.ge @!p1 [sflag:s7], $0x4000  }
0xe3: {  	[sflag:s7] =	ssyncset.done @!p1 $0x0  }
0xe4: {  	s17 =	rddreg [dreg:$0xe];
	[sflag:s7] =	ssyncadd.s32 @!p1 $0xFFFFC000  }
0xe5: {  	[hbm4b:s17+s10] =	stream.linear.scatter @!p1 [tilespmem:s11], [sflag:$0x9], $0x4000, $0x38;
	[tilespmem:$0x1FC80] =	vst v63  }
0xe6: {  	_ =	swait.ge @!p1 [sflag:s14], $0x4000  }
0xe7: {  	[sflag:s14] =	ssyncset.done @!p1 $0x0  }
0xe8: {  	s11 =	rddreg [dreg:$0xf];
	[sflag:s14] =	ssyncadd.s32 @!p1 $0xFFFFC000  }
0xe9: {  	[tilespmem:s15], [sflag:$0xB] =	stream.linear.gather @!p1 [spmem:s11], $0x3800, $0x38;
	[tilespmem:$0x1FC80] =	vst v63  }
0xea: {  	_ =	swait.ge @!p1 [sflag:s7], $0x3800  }
0xeb: {  	[sflag:s7] =	ssyncset.done @!p1 $0x0  }
0xec: {  	[sflag:s7] =	ssyncadd.s32 @!p1 $0xFFFFC800;
	s7 =	rddreg [dreg:$0x10]  }
0xed: {  	[hbm4b:s7+s10] =	stream.linear.scatter @!p1 [tilespmem:s15], [sflag:$0x8], $0x3800, $0x38;
	[tilespmem:$0x1FC80] =	vst v63  }
0xee: {  	_ =	swait.ge @!p1 [sflag:s16], $0x4000  }
0xef: {  	[sflag:s16] =	ssyncset.done @!p1 $0x0  }
0xf0: {  	[sflag:s16] =	ssyncadd.s32 @!p1 $0xFFFFC000  }
0xf1: {  	_ =	swait.ge @!p1 [sflag:s14], $0x3800  }
0xf2: {  	s13 =	sadd.s32 $0x1, s13;
	s30 =	rddreg [dreg:$0x1a]  }
0xf3: {  	p2 =	sne.s32 s13, s30  }
.Ltmp2:
0xf4: {  	_ = 	snop;
	(pc) =	sbr.rel @p2 .LBB2_1-.Ltmp2, $3  }
0xf5: {  	_ =	sdelay $0x1  }
0xf6: {  	[sflag:s14] =	ssyncset.done @!p1 $0x0  }
0xf7: {  	[sflag:s14] =	ssyncadd.s32 @!p1 $0xFFFFC800  }
0xf8: {  	_ =	sfence.sel $0x180000  }
0xf9: {  	[bflag:$0x0] =	sbarrier.arrive $0xFFFF  }
0xfa: {  	_ =	strace $0x9000004A  }
0xfb: {  	s0 =	stileid.u32;
	[bflag:$0x2] =	sbarrier.arrive $0xFFFF  }
0xfc: {  	p0 =	sne.s32 s0, $0x0;
	s0 =	rddreg [dreg:$0x4]  }
0xfd: {  	s0 =	sadd.s32 @!p0 $0x100000, s0  }
0xfe: {  	[sflag:s0] =	ssyncadd.tile.s32 @!p0 $0x1;
	_ =	shalt  }
.Lfunc_end2:
_tile_overlayer_lowered:
.L_overlay_start_2:
0xff: {  	(tag) =	ssettag $0x2  }
0x100: {  	s0 =	rddreg [dreg:$0x0];
	s2 =	stileid.u32  }
0x101: {  	s1 =	rddreg [dreg:$0x1];
	p0 =	sne.s32 s2, $0x0  }
0x102: {  	s3 =	rddreg [dreg:$0x2];
	[bflag:$0x3] =	sbarrier.arrive $0xFFFF;
	s2 =	simm.s32 @!p0 $0x1C0B  }
0x103: {  	[timem:s3], [sflag:s2] =	dma.local @!p0 [hbm:s0], s1  }
0x104: {  	s0 =	simm.s32 @!p0 $0xB  }
0x105: {  	_ =	swait.ge @!p0 [sflag:s0], s1  }
0x106: {  	s1 =	ssub.s32 @!p0 $0x0, s1;
	[sflag:s0] =	ssyncset.done @!p0 $0x0  }
0x107: {  	[sflag:s0] =	ssyncadd.s32 @!p0 s1  }
0x108: {  	[bflag:$0x3] =	sbarrier.arrive $0xFFFF  }
0x109: {  	_ =	shalt  }

// kernel: kernel.15.cloned.1.call-start
scs
__scs_entry_jumppad:
0x0: {  	(pc) =	sbr.rel $0x88, $3  }
0x1: {  	(tag) =	ssettag $0x0;
	lr =	simm.s32 $0x1  }
0x2: {  	[smem:$0x3F99] =	sst lr;
	_ =	strace $0xD0000000  }
0x3: {  	_ = 	snop  }
0x4: {  	_ = 	snop  }
0x5: {  	_ = 	snop  }
0x6: {  	_ = 	snop  }
0x7: {  	_ = 	snop  }
__scs_overlays_trampoline_lowered:
0x8: {  	[smem:$0x3FA8] =	sst s0  }
0x9: {  	[smem:$0x3FA9] =	sst s1  }
0xa: {  	[smem:$0x3FAA] =	sst s2  }
0xb: {  	[smem:$0x3FAB] =	sst s3  }
0xc: {  	[smem:$0x3FAC] =	sst s4  }
0xd: {  	[smem:$0x3FAD] =	sst s5  }
0xe: {  	[smem:$0x3FAE] =	sst s6  }
0xf: {  	[smem:$0x3FAF] =	sst s7  }
0x10: {  	[smem:$0x3FB0] =	sst s8  }
0x11: {  	[smem:$0x3FB1] =	sst s9;
	s0 =	simm.s32 @!p0 $0x0  }
0x12: {  	s1 =	sld [smem:$0x3F97];
	s0 =	simm.s32 @p0 $0x1  }
0x13: {  	[smem:$0x3FB2] =	sst s0;
	s0 =	simm.s32 @!p1 $0x0  }
0x14: {  	s2 =	sld [smem:$0x3F96];
	s0 =	simm.s32 @p1 $0x1  }
0x15: {  	[smem:$0x3FB3] =	sst s0;
	s0 =	simm.s32 @!p2 $0x0  }
0x16: {  	s3 =	sld [smem:$0x3FDB];
	s0 =	simm.s32 @p2 $0x1  }
0x17: {  	s4 =	simm.s32 $0x1BF5;
	[smem:$0x3FB5] =	sst s0  }
0x18: {  	s0 =	sld [smem:$0x3F98];
	_ =	swait.ge [sflag:s4], $0x0  }
0x19: {  	s7 =	sld [smem:$0x3F99]  }
0x1a: {  	s8 =	sadd.s32 $0xFFFFE003, lr  }
0x1b: {  	s9 =	sadd.s32 $0xFFFFFEF7, lr;
	s5 =	simm.s32 $0xFFFFFFFF;
	p2 =	slt.u32 s8, $0xFFFFF086  }
0x1c: {  	p1 =	slt.u32 s9, $0xF7A;
	s5 =	simm.s32 @!p2 $0x0  }
0x1d: {  	s5 =	simm.s32 @p1 $0x1;
	p0 =	seq.s32 s7, s2  }
0x1e: {  	s7 =	smul.u32 @!p0 $0xF7A, s2;
	p2 =	seq.s32 @!p0 s5, $0x0  }
0x1f: {  	s9 =	smul.u32 $0xF7A, s1;
	s8 =	simm.s32 @!p0 $0x1BF5;
	p2 =	por !p2, p0  }
0x20: {  	[sflag:s8] =	ssyncset.s32 @!p0 $0xFFFFF086;
	s6 =	sadd.s32 @!p0 s3, s7;
	s7 =	simm.s32 @!p0 $0x108  }
0x21: {  	s3 =	sadd.s32 s3, s9;
	s6 =	sadd.s32 @!p0 $0x88, s6;
	s7 =	simm.s32 @p2 $0x1082  }
0x22: {  	[simem:s7], [sflag:s8] =	dma.local @!p0 [hbm:s6], $0xF7A  }
0x23: {  	s9 =	sor.u32 $0xD0000000, s2;
	s6 =	simm.s32 $0x108;
	_ =	swait.ge @!p0 [sflag:s8], $0x0  }
0x24: {  	s3 =	sadd.s32 $0x88, s3;
	s6 =	simm.s32 @!p1 $0x1082;
	[sflag:s4] =	ssyncset.s32 $0xFFFFF086  }
0x25: {  	[simem:s6], [sflag:s4] =	dma.local [hbm:s3], $0xF7A  }
0x26: {  	[smem:$0x3F99] =	sst s1;
	(tag) =	ssettag s2;
	_ =	strace s9  }
0x27: {  	s1 =	sld [smem:$0x3FA9]  }
0x28: {  	s2 =	sld [smem:$0x3FAA]  }
0x29: {  	s4 =	sld [smem:$0x3FAC]  }
0x2a: {  	p0 =	seq.s32 s5, $0x0;
	s5 =	sld [smem:$0x3FAD]  }
0x2b: {  	s6 =	sld [smem:$0x3FAE]  }
0x2c: {  	s7 =	sld [smem:$0x3FAF]  }
0x2d: {  	s3 =	simm.s32 $0x108;
	s8 =	sld [smem:$0x3FB0]  }
0x2e: {  	s3 =	simm.s32 @!p0 $0x1082;
	s9 =	sld [smem:$0x3FB1]  }
0x2f: {  	lr =	sadd.s32 s0, s3;
	s0 =	sld [smem:$0x3FA8]  }
0x30: {  	s3 =	sld [smem:$0x3FAB]  }
0x31: {  	[smem:$0x3FB4] =	sst s10  }
0x32: {  	s10 =	sld [smem:$0x3FB2];
	_ =	sdelay $0x3  }
0x33: {  	p0 =	seq.s32 s10, $0x1;
	s10 =	sld [smem:$0x3FB4];
	_ =	sdelay $0x3  }
0x34: {  	[smem:$0x3FB4] =	sst s10  }
0x35: {  	s10 =	sld [smem:$0x3FB3];
	_ =	sdelay $0x3  }
0x36: {  	p1 =	seq.s32 s10, $0x1;
	s10 =	sld [smem:$0x3FB4];
	_ =	sdelay $0x3  }
0x37: {  	[smem:$0x3FB4] =	sst s10  }
0x38: {  	s10 =	sld [smem:$0x3FB5]  }
0x39: {  	_ = 	snop;
	(pc) =	sbr.ind lr, $3  }
0x3a: {  	_ = 	snop  }
0x3b: {  	_ = 	snop  }
0x3c: {  	p2 =	seq.s32 s10, $0x1;
	s10 =	sld [smem:$0x3FB4]  }
0x3d: {  	_ =	shalt  }
0x3e: {  	_ =	shalt  }
0x3f: {  	_ =	shalt  }
0x40: {  	_ =	shalt  }
0x41: {  	_ =	shalt  }
0x42: {  	_ =	shalt  }
0x43: {  	_ =	shalt  }
0x44: {  	_ =	shalt  }
0x45: {  	_ =	shalt  }
0x46: {  	_ =	shalt  }
0x47: {  	_ =	shalt  }
0x48: {  	_ =	shalt  }
0x49: {  	_ =	shalt  }
0x4a: {  	_ =	shalt  }
0x4b: {  	_ =	shalt  }
0x4c: {  	_ =	shalt  }
0x4d: {  	_ =	shalt  }
0x4e: {  	_ =	shalt  }
0x4f: {  	_ =	shalt  }
0x50: {  	_ =	shalt  }
0x51: {  	_ =	shalt  }
0x52: {  	_ =	shalt  }
0x53: {  	_ =	shalt  }
0x54: {  	_ =	shalt  }
0x55: {  	_ =	shalt  }
0x56: {  	_ =	shalt  }
0x57: {  	_ =	shalt  }
0x58: {  	_ =	shalt  }
0x59: {  	_ =	shalt  }
0x5a: {  	_ =	shalt  }
0x5b: {  	_ =	shalt  }
0x5c: {  	_ =	shalt  }
0x5d: {  	_ =	shalt  }
0x5e: {  	_ =	shalt  }
0x5f: {  	_ =	shalt  }
0x60: {  	_ =	shalt  }
0x61: {  	_ =	shalt  }
0x62: {  	_ =	shalt  }
0x63: {  	_ =	shalt  }
0x64: {  	_ =	shalt  }
0x65: {  	_ =	shalt  }
0x66: {  	_ =	shalt  }
0x67: {  	_ =	shalt  }
0x68: {  	_ =	shalt  }
0x69: {  	_ =	shalt  }
0x6a: {  	_ =	shalt  }
0x6b: {  	_ =	shalt  }
0x6c: {  	_ =	shalt  }
0x6d: {  	_ =	shalt  }
0x6e: {  	_ =	shalt  }
0x6f: {  	_ =	shalt  }
0x70: {  	_ =	shalt  }
0x71: {  	_ =	shalt  }
0x72: {  	_ =	shalt  }
0x73: {  	_ =	shalt  }
0x74: {  	_ =	shalt  }
0x75: {  	_ =	shalt  }
0x76: {  	_ =	shalt  }
0x77: {  	_ =	shalt  }
0x78: {  	_ =	shalt  }
0x79: {  	_ =	shalt  }
0x7a: {  	_ =	shalt  }
0x7b: {  	_ =	shalt  }
0x7c: {  	_ =	shalt  }
0x7d: {  	_ =	shalt  }
0x7e: {  	_ =	shalt  }
0x7f: {  	_ =	shalt  }
0x80: {  	_ =	shalt  }
0x81: {  	_ =	shalt  }
0x82: {  	_ =	shalt  }
0x83: {  	_ =	shalt  }
0x84: {  	_ =	shalt  }
0x85: {  	_ =	shalt  }
0x86: {  	_ =	shalt  }
0x87: {  	_ =	shalt  }
.Lfunc_end0:
.L_simem_size_0:
called_computation.2_lowered:
.L_overlay_start_0:
0x88: {  	s2 =	sld [smem:$0x3FD9]  }
0x89: {  	s3 =	sld [smem:$0x3FFE];
	_ =	sdelay $0x1  }
0x8a: {  	s1 =	srdreg.scid  }
0x8b: {  	s0 =	sand.u32 $0x1, s1  }
0x8c: {  	s17 =	sshll.u32 s0, $0xA;
	s2 =	sadd.s32 s3, s2  }
0x8d: {  	s2 =	sadd.s32 s2, s17  }
0x8e: {  	[smem:$0x3FC0] =	sst s2  }
0x8f: {  	_ = 	snop  }
0x90: {  	s2 =	sld [smem:$0x3FC8]  }
0x91: {  	s18 =	sld [smem:$0x3FD0];
	(tm) =	ssettm $0x1  }
0x92: {  	s4 =	sld [smem:$0x3FFB];
	_ =	sdelay $0x3  }
0x93: {  	_ =	strace s4  }
0x94: {  	s4 =	sld [smem:$0x3FFC];
	_ =	sdelay $0x3  }
0x95: {  	_ =	strace s4  }
0x96: {  	s4 =	sld [smem:$0x3FFD];
	_ =	sdelay $0x3  }
0x97: {  	_ =	strace s4  }
0x98: {  	_ =	strace $0x8FFFFFFF  }
0x99: {  	s19 =	sld [smem:$0x3FDB];
	_ =	sdelay $0x1  }
0x9a: {  	s5 =	simm.s32 $_scs_section_size  }
0x9b: {  	s6 =	simm.s32 $_size__tile_overlayer_lowered;
	s7 =	simm.s32 $_tile_overlayer_lowered  }
0x9c: {  	s22 =	simm.s32 $0x1BFF;
	s21 =	sshll.u32 s7, $0x1;
	s4 =	sadd.s32 s5, s19  }
0x9d: {  	s8 =	simm.s32 $0x0;
	s20 =	sshll.u32 s6, $0x1;
	s6 =	sadd.s32 s21, s4  }
0x9e: {  	[timem:s8], [sflag:s22] =	dma.local [hbm:s6], s20  }
0x9f: {  	_ =	swait.ge [sflag:s22], s20  }
0xa0: {  	s5 =	ssub.s32 $0x0, s20;
	[sflag:s22] =	ssyncset.done $0x0  }
0xa1: {  	[sflag:s22] =	ssyncadd.s32 s5;
	_ =	sdelay $0x1  }
0xa2: {  	s23 =	simm.s32 $0x1B8B  }
0xa3: {  	_ =	swait.ge [sflag:s23], $0x1  }
0xa4: {  	[sflag:s23] =	ssyncset.done $0x0  }
0xa5: {  	s25 =	simm.s32 $0x1B8E;
	s24 =	sld [smem:$0x3FFE];
	[sflag:s23] =	ssyncadd.s32 $0xFFFFFFFF  }
0xa6: {  	s26 =	simm.s32 $execute0_lowered;
	[smem:$0x3FD2] =	sst s25  }
0xa7: {  	s6 =	sshll.u32 s26, $0x1;
	_ =	strace $0x8000004C;
	[dreg:$0x1] =	wrdreg $0xFFFFFFFF  }
0xa8: {  	s28 =	simm.s32 $_size_execute0_lowered;
	s4 =	sadd.s32 s4, s6;
	[dreg:$0x0] =	wrdreg $0x0  }
0xa9: {  	s6 =	sshll.u32 s28, $0x1;
	[dreg:$0x2] =	wrdreg s4  }
0xaa: {  	[dreg:$0x3] =	wrdreg s6  }
0xab: {  	[dreg:$0x4] =	wrdreg $0xC0  }
0xac: {  	_ =	task [dreg:s8], $0x5FFFF  }
0xad: {  	[dreg:$0x1] =	wrdreg $0xFFFFFFFF  }
0xae: {  	[dreg:$0x0] =	wrdreg $0x60  }
0xaf: {  	[dreg:$0x2] =	wrdreg s18  }
0xb0: {  	[dreg:$0x3] =	wrdreg s2  }
0xb1: {  	[dreg:$0x4] =	wrdreg s24  }
0xb2: {  	[dreg:$0x5] =	wrdreg $0xC4000  }
0xb3: {  	[dreg:$0x6] =	wrdreg $0x9  }
0xb4: {  	_ =	task.clear_ibuf [dreg:s8], $0x7FFFF;
	_ =	strace $0x9000004C  }
0xb5: {  	s29 =	simm.s32 $0x9;
	_ =	strace $0x8000004E  }
0xb6: {  	_ =	swait.ge [sflag:s29], $0x1  }
0xb7: {  	[sflag:s29] =	ssyncadd.s32 $0xFFFFFFFF  }
0xb8: {  	_ =	strace $0x9000004E  }
0xb9: {  	_ =	sfence  }
0xba: {  	s30 =	sld [smem:$0x0];
	_ =	sdelay $0x2  }
0xbb: {  	s31 =	sshll.u32 s1, $0xD;
	s1 =	sshrl.u32 s1, $0x2  }
0xbc: {  	s3 =	sand.u32 $0x4000, s31;
	s1 =	sadd.s32 s1, s30  }
0xbd: {  	s0 =	sor.u32 s3, s0;
	s1 =	sshll.u32 s1, $0x11  }
0xbe: {  	s0 =	sor.u32 s1, s0  }
0xbf: {  	s0 =	sadd.s32 $0x8F2B, s0  }
0xc0: {  	[sflag:s0] =	ssyncadd.remote.s32 $0x1  }
0xc1: {  	_ =	sfence.sel $0xFFFF  }
0xc2: {  	[dreg:$0x0] =	wrdreg $0xFFFFFFFF;
	(pc) =	sbr.abs _section_cstart, $3  }
0xc3: {  	[dreg:$0x1] =	wrdreg $0xFFFFFFFF  }
0xc4: {  	_ =	task.clear_ibuf [dreg:s8], $0x2FFFF;
	_ =	strace $0x9FFFFFFF  }
0xc5: {  	(tm) =	ssettm $0x7FFFFFFF  }
tec
execute0_lowered:
.L_overlay_start_1:
0x0: {  	(tag) =	ssettag $0x1  }
0x1: {  	s1 =	rddreg [dreg:$0x0]  }
0x2: {  	s0 =	rddreg [dreg:$0x1]  }
0x3: {  	s4 =	rddreg [dreg:$0x2]  }
0x4: {  	s2 =	rddreg [dreg:$0x3];
	s3 =	simm.s32 $0x0;
	s5 =	srdreg.scid  }
0x5: {  	s15 =	stileid.u32;
	[smem:$0x7FF] =	sst s3;
	s5 =	sand.u32 $0x1, s5  }
0x6: {  	s6 =	sadd.s32 $0x2200, s4;
	s4 =	sadd.s32 $0x2A00, s4;
	s11 =	smul.u32 $0x13800, s15  }
0x7: {  	s22 =	smul.u32 $0x4E000, s15;
	p1 =	seq.s32 s15, $0xF;
	s29 =	sadd.s32 $0x124800, s2  }
0x8: {  	s19 =	sshll.u32 s15, $0x5;
	s31 =	sadd.s32 $0x128800, s2;
	_ =	strace $0x8000004D  }
0x9: {  	[dreg:$0x5] =	wrdreg s6;
	s21 =	ssub.s32 $0x2, s5;
	s8 =	sshll.u32 s5, $0x4  }
0xa: {  	s10 =	smul.u32 $0x138800, s5;
	s6 =	simm.s32 $0x4F;
	s5 =	sshll.u32 s5, $0x9  }
0xb: {  	s7 =	sshrl.u32 s21, $0x1;
	s8 =	sor.u32 s15, s8;
	s13 =	sadd.s32 $0x4000, s11  }
0xc: {  	s25 =	sadd.s32 $0x8000, s11;
	s14 =	sadd.s32 $0xC000, s11;
	s7 =	ssub.s32 s21, s7  }
0xd: {  	p0 =	slt.u32 s8, $0x4;
	s9 =	sshll.u32 s8, $0x5;
	s23 =	sadd.s32 s11, s10  }
0xe: {  	s24 =	sadd.s32 s10, s13;
	s13 =	sadd.s32 s13, s2;
	s26 =	sadd.s32 s10, s25  }
0xf: {  	s28 =	sadd.s32 s10, s14;
	s16 =	sadd.s32 s14, s2;
	[dreg:$0x9] =	wrdreg s13  }
0x10: {  	s11 =	sadd.s32 $0x10000, s11;
	s12 =	sadd.s32 s0, s9;
	[dreg:$0xd] =	wrdreg s16  }
0x11: {  	s9 =	sshrl.u32 s22, $0x2;
	s13 =	sadd.s32 s25, s2;
	[dreg:$0x6] =	wrdreg s12  }
0x12: {  	s17 =	sadd.s32 s10, s11;
	s11 =	sadd.s32 s11, s2;
	[dreg:$0xb] =	wrdreg s13  }
0x13: {  	s12 =	sadd.s32 $0x400, s12;
	[dreg:$0xf] =	wrdreg s11;
	s18 =	sshrl.u32 s17, $0x3  }
0x14: {  	s9 =	sadd.s32 s9, s2;
	[dreg:$0x7] =	wrdreg s12;
	s11 =	sadd.s32 s4, s18  }
0x15: {  	s30 =	sshrl.u32 s28, $0x3;
	s25 =	sadd.s32 $0x8000, s9;
	[dreg:$0x10] =	wrdreg s11  }
0x16: {  	s12 =	sshrl.u32 s23, $0x3;
	s28 =	sadd.s32 $0x10000, s9;
	[dreg:$0x17] =	wrdreg s25  }
0x17: {  	s6 =	simm.s32 @!p0 $0x4E;
	s12 =	sadd.s32 s4, s12;
	[dreg:$0x19] =	wrdreg s28  }
0x18: {  	[dreg:$0x8] =	wrdreg s12;
	s12 =	sshrl.u32 s24, $0x3;
	s24 =	sadd.s32 $0x4000, s9  }
0x19: {  	s10 =	sshrl.u32 s10, $0x3;
	s12 =	sadd.s32 s4, s12;
	[dreg:$0x16] =	wrdreg s24  }
0x1a: {  	[dreg:$0xa] =	wrdreg s12;
	s12 =	sshrl.u32 s26, $0x3;
	s26 =	sadd.s32 $0xC000, s9  }
0x1b: {  	s0 =	sadd.s32 s5, s0;
	s12 =	sadd.s32 s4, s12;
	[dreg:$0x18] =	wrdreg s26  }
0x1c: {  	p0 =	sgt.u32 s8, $0x3;
	[dreg:$0xc] =	wrdreg s12;
	s12 =	sadd.s32 s4, s30  }
0x1d: {  	s4 =	sadd.s32 s4, s10;
	s30 =	smax.u32 s7, $0x1;
	[dreg:$0xe] =	wrdreg s12  }
0x1e: {  	s8 =	sadd.s32 $0x134800, s2;
	s10 =	sadd.s32 $0x24900, s4;
	[dreg:$0x1a] =	wrdreg s30  }
0x1f: {  	s5 =	sadd.s32 s19, s0;
	s20 =	sadd.s32 $0x25100, s4;
	[dreg:$0x11] =	wrdreg s10  }
0x20: {  	s0 =	sadd.s32 $0x12C800, s2;
	s21 =	sadd.s32 $0x25900, s4;
	[dreg:$0x12] =	wrdreg s20  }
0x21: {  	s13 =	simm.s32 $0x0;
	s22 =	sadd.s32 $0x26100, s4;
	[dreg:$0x13] =	wrdreg s21  }
0x22: {  	s23 =	sadd.s32 $0x26900, s4;
	s4 =	sadd.s32 $0x800, s5;
	[dreg:$0x14] =	wrdreg s22  }
0x23: {  	s5 =	sadd.s32 $0x130800, s2;
	s12 =	simm.s32 $0x80;
	[dreg:$0x15] =	wrdreg s23  }
.LBB2_1:
0x24: {  	s7 =	rddreg [dreg:$0x6]  }
0x25: {  	[tilespmem:s3], [sflag:$0x1] =	stream.linear.gather [hbm4b:s7+s3], $0x100, $0x38;
	[tilespmem:$0x1FC80] =	vst v63  }
0x26: {  	s21 =	rddreg [dreg:$0x7];
	s10 =	simm.s32 $0x100  }
0x27: {  	[tilespmem:s10], [sflag:$0x2] =	stream.linear.gather [hbm4b:s21+s3], $0x100, $0x38;
	[tilespmem:$0x1FC80] =	vst v63  }
0x28: {  	s22 =	rddreg [dreg:$0x5];
	s23 =	simm.s32 $0x400;
	s24 =	simm.s32 $0xB  }
0x29: {  	[tilespmem:s23], [sflag:$0xB] =	stream.linear.gather [hbm4b:s22+s3], $0x4000, $0x38;
	[tilespmem:$0x1FC80] =	vst v63  }
0x2a: {  	_ =	swait.ge [sflag:s24], $0x4000  }
0x2b: {  	[sflag:s24] =	ssyncset.done $0x0  }
0x2c: {  	s17 =	simm.s32 @p1 $0x400;
	[sflag:s24] =	ssyncadd.s32 $0xFFFFC000  }
0x2d: {  	[spmem:s29] =	stream.linear.scatter @p1 [tilespmem:s17], [sflag:$0x8], $0x4000, $0x38;
	[tilespmem:$0x1FC80] =	vst v63  }
0x2e: {  	_ = 	snop  }
0x2f: {  	[spmem:s31] =	stream.linear.scatter @p1 [tilespmem:s17], [sflag:$0x8], $0x4000, $0x38;
	[tilespmem:$0x1FC80] =	vst v63  }
0x30: {  	_ = 	snop  }
0x31: {  	[spmem:s0] =	stream.linear.scatter @p1 [tilespmem:s17], [sflag:$0x8], $0x4000, $0x38;
	[tilespmem:$0x1FC80] =	vst v63  }
0x32: {  	_ = 	snop  }
0x33: {  	[spmem:s5] =	stream.linear.scatter @p1 [tilespmem:s17], [sflag:$0x8], $0x4000, $0x38;
	[tilespmem:$0x1FC80] =	vst v63  }
0x34: {  	s18 =	simm.s32 @p1 $0x8  }
0x35: {  	[spmem:s8] =	stream.linear.scatter @p1 [tilespmem:s17], [sflag:$0x8], $0x4000, $0x38;
	[tilespmem:$0x1FC80] =	vst v63  }
0x36: {  	_ =	swait.ge @p1 [sflag:s18], $0x4000  }
0x37: {  	[sflag:s18] =	ssyncset.done @p1 $0x0  }
0x38: {  	[sflag:s18] =	ssyncadd.s32 @p1 $0xFFFFC000  }
0x39: {  	_ =	swait.ge @p1 [sflag:s18], $0x4000  }
0x3a: {  	[sflag:s18] =	ssyncset.done @p1 $0x0  }
0x3b: {  	[sflag:s18] =	ssyncadd.s32 @p1 $0xFFFFC000  }
0x3c: {  	_ =	swait.ge @p1 [sflag:s18], $0x4000  }
0x3d: {  	[sflag:s18] =	ssyncset.done @p1 $0x0  }
0x3e: {  	[sflag:s18] =	ssyncadd.s32 @p1 $0xFFFFC000  }
0x3f: {  	_ =	swait.ge @p1 [sflag:s18], $0x4000  }
0x40: {  	[sflag:s18] =	ssyncset.done @p1 $0x0  }
0x41: {  	[sflag:s18] =	ssyncadd.s32 @p1 $0xFFFFC000  }
0x42: {  	_ =	swait.ge @p1 [sflag:s18], $0x4000  }
0x43: {  	[sflag:s18] =	ssyncset.done @p1 $0x0  }
0x44: {  	s15 =	simm.s32 @!p1 $0x400;
	[sflag:s18] =	ssyncadd.s32 @p1 $0xFFFFC000  }
0x45: {  	[spmem:s9] =	stream.linear.scatter @!p1 [tilespmem:s15], [sflag:$0x8], $0x4000, $0x38;
	[tilespmem:$0x1FC80] =	vst v63  }
0x46: {  	s7 =	rddreg [dreg:$0x16]  }
0x47: {  	[spmem:s7] =	stream.linear.scatter @!p1 [tilespmem:s15], [sflag:$0x8], $0x4000, $0x38;
	[tilespmem:$0x1FC80] =	vst v63  }
0x48: {  	s7 =	rddreg [dreg:$0x17]  }
0x49: {  	[spmem:s7] =	stream.linear.scatter @!p1 [tilespmem:s15], [sflag:$0x8], $0x4000, $0x38;
	[tilespmem:$0x1FC80] =	vst v63  }
0x4a: {  	s7 =	rddreg [dreg:$0x18]  }
0x4b: {  	[spmem:s7] =	stream.linear.scatter @!p1 [tilespmem:s15], [sflag:$0x8], $0x4000, $0x38;
	[tilespmem:$0x1FC80] =	vst v63  }
0x4c: {  	s14 =	simm.s32 @!p1 $0x8;
	s7 =	rddreg [dreg:$0x19]  }
0x4d: {  	[spmem:s7] =	stream.linear.scatter @!p1 [tilespmem:s15], [sflag:$0x9], $0x3800, $0x38;
	[tilespmem:$0x1FC80] =	vst v63  }
0x4e: {  	_ =	swait.ge @!p1 [sflag:s14], $0x4000  }
0x4f: {  	[sflag:s14] =	ssyncset.done @!p1 $0x0  }
0x50: {  	[sflag:s14] =	ssyncadd.s32 @!p1 $0xFFFFC000  }
0x51: {  	_ =	swait.ge @!p1 [sflag:s14], $0x4000  }
0x52: {  	[sflag:s14] =	ssyncset.done @!p1 $0x0  }
0x53: {  	[sflag:s14] =	ssyncadd.s32 @!p1 $0xFFFFC000  }
0x54: {  	_ =	swait.ge @!p1 [sflag:s14], $0x4000  }
0x55: {  	[sflag:s14] =	ssyncset.done @!p1 $0x0  }
0x56: {  	p3 =	por $0x1, $0x1;
	[sflag:s14] =	ssyncadd.s32 @!p1 $0xFFFFC000  }
0x57: {  	s19 =	simm.s32 @!p3 $0xFFFFFFFE;
	_ =	swait.ge @!p1 [sflag:s14], $0x4000  }
0x58: {  	s19 =	sand.u32 @!p3 $0xFF, s19;
	[sflag:s14] =	ssyncset.done @!p1 $0x0  }
0x59: {  	s16 =	simm.s32 @!p1 $0x9;
	s19 =	smul.u32 @!p3 $0xAB, s19;
	[sflag:s14] =	ssyncadd.s32 @!p1 $0xFFFFC000  }
0x5a: {  	_ =	swait.ge @!p1 [sflag:s16], $0x3800  }
0x5b: {  	s19 =	sshrl.u32 @!p3 s19, $0x9;
	[sflag:s16] =	ssyncset.done @!p1 $0x0  }
0x5c: {  	s19 =	smul.u32 @!p3 $0x3, s19;
	[sflag:s16] =	ssyncadd.s32 @!p1 $0xFFFFC800  }
0x5d: {  	s25 =	simm.s32 $0x1;
	s20 =	simm.s32 $0x1;
	[bflag:$0x0] =	sbarrier.arrive $0xFFFF  }
0x5e: {  	p2 =	sle.u32 s6, $0x1;
	s19 =	ssub.s32 @!p3 $0xFFFFFFFE, s19;
	_ =	swait.ge [sflag:s25], $0x100  }
0x5f: {  	p4 =	sle.u32 s6, $0x2;
	s19 =	sor.u32 @!p3 $0x8, s19;
	[sflag:s25] =	ssyncset.done $0x0  }
0x60: {  	s21 =	smul.u32 @!p2 $0xAB, s20;
	s19 =	sand.u32 @!p3 $0xFF, s19;
	[sflag:s25] =	ssyncadd.s32 $0xFFFFFF00  }
0x61: {  	[tilespmem:s23], [sflag:$0x5] =	stream.indirect.gather [hbm4b:s1+s12], $0x80, s3, s12, $0xb8;
	[tilespmem:$0x1FC80] =	vst v63  }
0x62: {  	s26 =	smul.u32 $0xAB, s3;
	s21 =	sshrl.u32 @!p2 s21, $0x9;
	_ =	swait.ge @!p3 [sflag:s19], $0x4000  }
0x63: {  	s22 =	simm.s32 $0x2;
	s21 =	sand.u32 @!p2 $0x7F, s21;
	[sflag:s19] =	ssyncset.done @!p3 $0x0  }
0x64: {  	s21 =	smul.u32 @!p2 $0x3, s21;
	[sflag:s19] =	ssyncadd.s32 @!p3 $0xFFFFC000;
	s19 =	sand.u32 @!p4 $0x3, s22  }
0x65: {  	s23 =	simm.s32 @!p4 $0x0;
	s22 =	sadd.s32 @!p4 $0x1, s19;
	s19 =	sshll.u32 @!p4 s19, $0x8  }
0x66: {  	[tilespmem:s19], [sflag:s22] =	stream.linear.gather @!p4 [hbm4b:s4+s23], $0x100, $0x38;
	[tilespmem:$0x1FC80] =	vst v63  }
0x67: {  	s20 =	sand.u32 @!p2 $0x3, s20;
	s21 =	ssub.s32 @!p2 $0x1, s21;
	s19 =	sshrl.u32 s26, $0x9  }
0x68: {  	s21 =	sand.u32 @!p2 $0xFF, s21;
	s22 =	sadd.s32 @!p2 $0x1, s20;
	s19 =	sand.u32 $0x7F, s19  }
0x69: {  	s20 =	sshll.u32 @!p2 s20, $0x8;
	_ =	swait.ge @!p2 [sflag:s22], $0x100;
	s28 =	smul.u32 $0x3, s19  }
0x6a: {  	s19 =	sshll.u32 @!p2 s21, $0xE;
	s21 =	sadd.s32 @!p2 $0x5, s21;
	[sflag:s22] =	ssyncset.done @!p2 $0x0  }
0x6b: {  	s19 =	sor.u32 @!p2 $0x400, s19;
	[sflag:s22] =	ssyncadd.s32 @!p2 $0xFFFFFF00;
	s22 =	simm.s32 @!p2 $0x80  }
0x6c: {  	[tilespmem:s19], [sflag:s21] =	stream.indirect.gather @!p2 [hbm4b:s1+s22], $0x80, s20, s22, $0xb8;
	[tilespmem:$0x1FC80] =	vst v63  }
0x6d: {  	p2 =	por $0x1, $0x1  }
.Ltmp0:
0x6e: {  	_ = 	snop;
	(pc) =	sbr.rel @!p2 .LBB2_3-.Ltmp0, $3  }
0x6f: {  	_ =	sdelay $0x1  }
0x70: {  	s19 =	sand.u32 $0x300, s3;
	s20 =	simm.s32 $0x1;
	s30 =	ssub.s32 $0x0, s28  }
0x71: {  	s21 =	sadd.s32 $0x400, s4;
	s22 =	simm.s32 $0x0;
	s23 =	sand.u32 $0xFF, s30  }
.LBB2_2:
0x72: {  	s24 =	sadd.s32 $0x5, s23;
	s25 =	sor.u32 $0x8, s23;
	s22 =	sadd.s32 $0x100, s22  }
0x73: {  	s23 =	sshll.u32 s23, $0xE;
	s26 =	sand.u32 $0x300, s22;
	_ =	swait.ge [sflag:s24], $0x4000  }
0x74: {  	p4 =	slt.u32 s20, $0x2;
	s28 =	sor.u32 $0x400, s23;
	[sflag:s24] =	ssyncset.done $0x0  }
0x75: {  	s30 =	sadd.s32 @!p4 $0xFFFFFFFE, s20;
	s23 =	smov.u32 s20;
	[sflag:s24] =	ssyncadd.s32 $0xFFFFC000  }
0x76: {  	s10 =	sor.u32 $0x80, s19;
	s19 =	smov.u32 s26;
	s24 =	sand.u32 @!p4 $0xFF, s30  }
0x77: {  	s24 =	smul.u32 @!p4 $0xAB, s24  }
0x78: {  	[spmem:s2] =	stream.indirect.scatter.add.f32 [tilespmem:s28], [sflag:s25], $0x80, s10, s12, $0xb8;
	[tilespmem:$0x1FC80] =	vst v63  }
0x79: {  	s10 =	sshrl.u32 @!p4 s24, $0x9;
	s24 =	sadd.s32 $0x2, s20  }
0x7a: {  	s10 =	smul.u32 @!p4 $0x3, s10;
	s20 =	sadd.s32 $0xFFFFFFFF, s24  }
0x7b: {  	s25 =	sadd.s32 $0x1, s23;
	p3 =	sge.u32 s20, s6;
	p2 =	sne.s32 s20, $0x4E  }
0x7c: {  	s10 =	ssub.s32 @!p4 s30, s10;
	s26 =	sand.u32 @!p3 $0x3, s25;
	s28 =	smul.u32 @!p3 $0xAB, s25  }
0x7d: {  	s10 =	sor.u32 @!p4 $0x8, s10;
	s30 =	sadd.s32 @!p3 $0x1, s26;
	s26 =	sshll.u32 @!p3 s26, $0x8  }
0x7e: {  	s11 =	smul.u32 $0xAB, s23;
	s10 =	sand.u32 @!p4 $0xFF, s10;
	s28 =	sshrl.u32 @!p3 s28, $0x9  }
0x7f: {  	p5 =	sge.u32 s24, s6;
	s28 =	sand.u32 @!p3 $0x7F, s28;
	_ =	swait.ge @!p4 [sflag:s10], $0x4000  }
0x80: {  	s11 =	sshrl.u32 s11, $0x9;
	s28 =	smul.u32 @!p3 $0x3, s28;
	[sflag:s10] =	ssyncset.done @!p4 $0x0  }
0x81: {  	s11 =	sand.u32 $0x7F, s11;
	[sflag:s10] =	ssyncadd.s32 @!p4 $0xFFFFC000;
	s10 =	sand.u32 @!p5 $0x3, s24  }
0x82: {  	s7 =	simm.s32 @!p5 $0x0;
	s25 =	ssub.s32 @!p3 s25, s28;
	s24 =	sadd.s32 @!p5 $0x1, s10  }
0x83: {  	s11 =	smul.u32 $0x3, s11;
	s10 =	sshll.u32 @!p5 s10, $0x8;
	s25 =	sand.u32 @!p3 $0xFF, s25  }
0x84: {  	[tilespmem:s10], [sflag:s24] =	stream.linear.gather @!p5 [hbm4b:s21+s7], $0x100, $0x38;
	[tilespmem:$0x1FC80] =	vst v63  }
0x85: {  	s7 =	sshll.u32 @!p3 s25, $0xE  }
.Ltmp1:
0x86: {  	s10 =	sadd.s32 @!p3 $0x5, s25;
	_ =	swait.ge @!p3 [sflag:s30], $0x100;
	(pc) =	sbr.rel @p2 .LBB2_2-.Ltmp1, $4  }
0x87: {  	s24 =	simm.s32 @!p3 $0x80;
	s7 =	sor.u32 @!p3 $0x400, s7;
	[sflag:s30] =	ssyncset.done @!p3 $0x0  }
0x88: {  	s11 =	ssub.s32 s23, s11;
	[sflag:s30] =	ssyncadd.s32 @!p3 $0xFFFFFF00  }
0x89: {  	[tilespmem:s7], [sflag:s10] =	stream.indirect.gather @!p3 [hbm4b:s1+s24], $0x80, s26, s24, $0xb8;
	[tilespmem:$0x1FC80] =	vst v63  }
0x8a: {  	s23 =	sand.u32 $0xFF, s11;
	s21 =	sadd.s32 $0x400, s21  }
.LBB2_3:
0x8b: {  	s7 =	sadd.s32 $0x5, s23  }
0x8c: {  	s10 =	sor.u32 $0x8, s23;
	_ =	swait.ge [sflag:s7], $0x4000  }
0x8d: {  	s11 =	sshll.u32 s23, $0xE;
	s26 =	sor.u32 $0x80, s19;
	[sflag:s7] =	ssyncset.done $0x0  }
0x8e: {  	s11 =	sor.u32 $0x400, s11;
	[sflag:s7] =	ssyncadd.s32 $0xFFFFC000;
	s7 =	simm.s32 @!p0 $0x9  }
0x8f: {  	[spmem:s2] =	stream.indirect.scatter.add.f32 [tilespmem:s11], [sflag:s10], $0x80, s26, s12, $0xb8;
	[tilespmem:$0x1FC80] =	vst v63  }
0x90: {  	_ =	swait.ge @!p0 [sflag:s7], $0x4000  }
0x91: {  	[sflag:s7] =	ssyncset.done @!p0 $0x0  }
0x92: {  	[sflag:s7] =	ssyncadd.s32 @!p0 $0xFFFFC000;
	s7 =	simm.s32 @!p0 $0x5  }
0x93: {  	_ =	swait.ge @!p0 [sflag:s7], $0x4000  }
0x94: {  	s10 =	simm.s32 @!p0 $0x280;
	[sflag:s7] =	ssyncset.done @!p0 $0x0  }
0x95: {  	s11 =	simm.s32 @!p0 $0x400;
	[sflag:s7] =	ssyncadd.s32 @!p0 $0xFFFFC000;
	s7 =	simm.s32 @!p0 $0x80  }
0x96: {  	[spmem:s2] =	stream.indirect.scatter.add.f32 @!p0 [tilespmem:s11], [sflag:$0x8], $0x80, s10, s7, $0xb8;
	[tilespmem:$0x1FC80] =	vst v63  }
0x97: {  	s7 =	simm.s32 @!p0 $0x2  }
0x98: {  	s7 =	simm.s32 @p0 $0x1  }
0x99: {  	s7 =	sor.u32 $0x8, s7  }
0x9a: {  	s10 =	simm.s32 @!p0 $0x0;
	_ =	swait.ge [sflag:s7], $0x4000  }
0x9b: {  	s10 =	simm.s32 @p0 $0x2;
	[sflag:s7] =	ssyncset.done $0x0  }
0x9c: {  	s28 =	sor.u32 $0x8, s10;
	[sflag:s7] =	ssyncadd.s32 $0xFFFFC000  }
0x9d: {  	_ =	swait.ge [sflag:s28], $0x4000  }
0x9e: {  	[sflag:s28] =	ssyncset.done $0x0  }
0x9f: {  	[sflag:s28] =	ssyncadd.s32 $0xFFFFC000  }
0xa0: {  	s7 =	simm.s32 @p1 $0xB;
	[bflag:$0x0] =	sbarrier.arrive $0xFFFF  }
0xa1: {  	[tilespmem:s17], [sflag:$0xB] =	stream.linear.gather @p1 [spmem:s29], $0x4000, $0x38;
	[tilespmem:$0x1FC80] =	vst v63  }
0xa2: {  	_ =	swait.ge @p1 [sflag:s7], $0x4000  }
0xa3: {  	[sflag:s7] =	ssyncset.done @p1 $0x0  }
0xa4: {  	s10 =	simm.s32 @p1 $0x0;
	s11 =	rddreg [dreg:$0x11];
	[sflag:s7] =	ssyncadd.s32 @p1 $0xFFFFC000  }
0xa5: {  	[hbm4b:s11+s10] =	stream.linear.scatter @p1 [tilespmem:s17], [sflag:$0x8], $0x4000, $0x38;
	[tilespmem:$0x1FC80] =	vst v63  }
0xa6: {  	s11 =	simm.s32 @p1 $0x4400  }
0xa7: {  	[tilespmem:s11], [sflag:$0xB] =	stream.linear.gather @p1 [spmem:s31], $0x4000, $0x38;
	[tilespmem:$0x1FC80] =	vst v63  }
0xa8: {  	_ =	swait.ge @p1 [sflag:s7], $0x4000  }
0xa9: {  	[sflag:s7] =	ssyncset.done @p1 $0x0  }
0xaa: {  	s19 =	rddreg [dreg:$0x12];
	[sflag:s7] =	ssyncadd.s32 @p1 $0xFFFFC000  }
0xab: {  	[hbm4b:s19+s10] =	stream.linear.scatter @p1 [tilespmem:s11], [sflag:$0x9], $0x4000, $0x38;
	[tilespmem:$0x1FC80] =	vst v63  }
0xac: {  	_ =	swait.ge @p1 [sflag:s18], $0x4000  }
0xad: {  	[sflag:s18] =	ssyncset.done @p1 $0x0  }
0xae: {  	[sflag:s18] =	ssyncadd.s32 @p1 $0xFFFFC000  }
0xaf: {  	[tilespmem:s17], [sflag:$0xB] =	stream.linear.gather @p1 [spmem:s0], $0x4000, $0x38;
	[tilespmem:$0x1FC80] =	vst v63  }
0xb0: {  	_ =	swait.ge @p1 [sflag:s7], $0x4000  }
0xb1: {  	[sflag:s7] =	ssyncset.done @p1 $0x0  }
0xb2: {  	s19 =	rddreg [dreg:$0x13];
	[sflag:s7] =	ssyncadd.s32 @p1 $0xFFFFC000  }
0xb3: {  	[hbm4b:s19+s10] =	stream.linear.scatter @p1 [tilespmem:s17], [sflag:$0x8], $0x4000, $0x38;
	[tilespmem:$0x1FC80] =	vst v63  }
0xb4: {  	s19 =	simm.s32 @p1 $0x9  }
0xb5: {  	_ =	swait.ge @p1 [sflag:s19], $0x4000  }
0xb6: {  	[sflag:s19] =	ssyncset.done @p1 $0x0  }
0xb7: {  	[sflag:s19] =	ssyncadd.s32 @p1 $0xFFFFC000  }
0xb8: {  	[tilespmem:s11], [sflag:$0xB] =	stream.linear.gather @p1 [spmem:s5], $0x4000, $0x38;
	[tilespmem:$0x1FC80] =	vst v63  }
0xb9: {  	_ =	swait.ge @p1 [sflag:s7], $0x4000  }
0xba: {  	[sflag:s7] =	ssyncset.done @p1 $0x0  }
0xbb: {  	s20 =	rddreg [dreg:$0x14];
	[sflag:s7] =	ssyncadd.s32 @p1 $0xFFFFC000  }
0xbc: {  	[hbm4b:s20+s10] =	stream.linear.scatter @p1 [tilespmem:s11], [sflag:$0x9], $0x4000, $0x38;
	[tilespmem:$0x1FC80] =	vst v63  }
0xbd: {  	_ =	swait.ge @p1 [sflag:s18], $0x4000  }
0xbe: {  	[sflag:s18] =	ssyncset.done @p1 $0x0  }
0xbf: {  	[sflag:s18] =	ssyncadd.s32 @p1 $0xFFFFC000  }
0xc0: {  	[tilespmem:s17], [sflag:$0xB] =	stream.linear.gather @p1 [spmem:s8], $0x4000, $0x38;
	[tilespmem:$0x1FC80] =	vst v63  }
0xc1: {  	_ =	swait.ge @p1 [sflag:s7], $0x4000  }
0xc2: {  	[sflag:s7] =	ssyncset.done @p1 $0x0  }
0xc3: {  	[sflag:s7] =	ssyncadd.s32 @p1 $0xFFFFC000;
	s7 =	rddreg [dreg:$0x15]  }
0xc4: {  	[hbm4b:s7+s10] =	stream.linear.scatter @p1 [tilespmem:s17], [sflag:$0x8], $0x4000, $0x38;
	[tilespmem:$0x1FC80] =	vst v63  }
0xc5: {  	_ =	swait.ge @p1 [sflag:s19], $0x4000  }
0xc6: {  	[sflag:s19] =	ssyncset.done @p1 $0x0  }
0xc7: {  	[sflag:s19] =	ssyncadd.s32 @p1 $0xFFFFC000  }
0xc8: {  	_ =	swait.ge @p1 [sflag:s18], $0x4000  }
0xc9: {  	[sflag:s18] =	ssyncset.done @p1 $0x0  }
0xca: {  	s7 =	simm.s32 @!p1 $0xB;
	[sflag:s18] =	ssyncadd.s32 @p1 $0xFFFFC000  }
0xcb: {  	[tilespmem:s15], [sflag:$0xB] =	stream.linear.gather @!p1 [spmem:s9], $0x4000, $0x38;
	[tilespmem:$0x1FC80] =	vst v63  }
0xcc: {  	_ =	swait.ge @!p1 [sflag:s7], $0x4000  }
0xcd: {  	[sflag:s7] =	ssyncset.done @!p1 $0x0  }
0xce: {  	s10 =	simm.s32 @!p1 $0x0;
	s11 =	rddreg [dreg:$0x8];
	[sflag:s7] =	ssyncadd.s32 @!p1 $0xFFFFC000  }
0xcf: {  	[hbm4b:s11+s10] =	stream.linear.scatter @!p1 [tilespmem:s15], [sflag:$0x8], $0x4000, $0x38;
	[tilespmem:$0x1FC80] =	vst v63  }
0xd0: {  	s17 =	rddreg [dreg:$0x9];
	s11 =	simm.s32 @!p1 $0x4400  }
0xd1: {  	[tilespmem:s11], [sflag:$0xB] =	stream.linear.gather @!p1 [spmem:s17], $0x4000, $0x38;
	[tilespmem:$0x1FC80] =	vst v63  }
0xd2: {  	_ =	swait.ge @!p1 [sflag:s7], $0x4000  }
0xd3: {  	[sflag:s7] =	ssyncset.done @!p1 $0x0  }
0xd4: {  	s17 =	rddreg [dreg:$0xa];
	[sflag:s7] =	ssyncadd.s32 @!p1 $0xFFFFC000  }
0xd5: {  	[hbm4b:s17+s10] =	stream.linear.scatter @!p1 [tilespmem:s11], [sflag:$0x9], $0x4000, $0x38;
	[tilespmem:$0x1FC80] =	vst v63  }
0xd6: {  	_ =	swait.ge @!p1 [sflag:s14], $0x4000  }
0xd7: {  	[sflag:s14] =	ssyncset.done @!p1 $0x0  }
0xd8: {  	s17 =	rddreg [dreg:$0xb];
	[sflag:s14] =	ssyncadd.s32 @!p1 $0xFFFFC000  }
0xd9: {  	[tilespmem:s15], [sflag:$0xB] =	stream.linear.gather @!p1 [spmem:s17], $0x4000, $0x38;
	[tilespmem:$0x1FC80] =	vst v63  }
0xda: {  	_ =	swait.ge @!p1 [sflag:s7], $0x4000  }
0xdb: {  	[sflag:s7] =	ssyncset.done @!p1 $0x0  }
0xdc: {  	s17 =	rddreg [dreg:$0xc];
	[sflag:s7] =	ssyncadd.s32 @!p1 $0xFFFFC000  }
0xdd: {  	[hbm4b:s17+s10] =	stream.linear.scatter @!p1 [tilespmem:s15], [sflag:$0x8], $0x4000, $0x38;
	[tilespmem:$0x1FC80] =	vst v63  }
0xde: {  	_ =	swait.ge @!p1 [sflag:s16], $0x4000  }
0xdf: {  	[sflag:s16] =	ssyncset.done @!p1 $0x0  }
0xe0: {  	s17 =	rddreg [dreg:$0xd];
	[sflag:s16] =	ssyncadd.s32 @!p1 $0xFFFFC000  }
0xe1: {  	[tilespmem:s11], [sflag:$0xB] =	stream.linear.gather @!p1 [spmem:s17], $0x4000, $0x38;
	[tilespmem:$0x1FC80] =	vst v63  }
0xe2: {  	_ =	swait.ge @!p1 [sflag:s7], $0x4000  }
0xe3: {  	[sflag:s7] =	ssyncset.done @!p1 $0x0  }
0xe4: {  	s17 =	rddreg [dreg:$0xe];
	[sflag:s7] =	ssyncadd.s32 @!p1 $0xFFFFC000  }
0xe5: {  	[hbm4b:s17+s10] =	stream.linear.scatter @!p1 [tilespmem:s11], [sflag:$0x9], $0x4000, $0x38;
	[tilespmem:$0x1FC80] =	vst v63  }
0xe6: {  	_ =	swait.ge @!p1 [sflag:s14], $0x4000  }
0xe7: {  	[sflag:s14] =	ssyncset.done @!p1 $0x0  }
0xe8: {  	s11 =	rddreg [dreg:$0xf];
	[sflag:s14] =	ssyncadd.s32 @!p1 $0xFFFFC000  }
0xe9: {  	[tilespmem:s15], [sflag:$0xB] =	stream.linear.gather @!p1 [spmem:s11], $0x3800, $0x38;
	[tilespmem:$0x1FC80] =	vst v63  }
0xea: {  	_ =	swait.ge @!p1 [sflag:s7], $0x3800  }
0xeb: {  	[sflag:s7] =	ssyncset.done @!p1 $0x0  }
0xec: {  	[sflag:s7] =	ssyncadd.s32 @!p1 $0xFFFFC800;
	s7 =	rddreg [dreg:$0x10]  }
0xed: {  	[hbm4b:s7+s10] =	stream.linear.scatter @!p1 [tilespmem:s15], [sflag:$0x8], $0x3800, $0x38;
	[tilespmem:$0x1FC80] =	vst v63  }
0xee: {  	_ =	swait.ge @!p1 [sflag:s16], $0x4000  }
0xef: {  	[sflag:s16] =	ssyncset.done @!p1 $0x0  }
0xf0: {  	[sflag:s16] =	ssyncadd.s32 @!p1 $0xFFFFC000  }
0xf1: {  	_ =	swait.ge @!p1 [sflag:s14], $0x3800  }
0xf2: {  	s13 =	sadd.s32 $0x1, s13;
	s30 =	rddreg [dreg:$0x1a]  }
0xf3: {  	p2 =	sne.s32 s13, s30  }
.Ltmp2:
0xf4: {  	_ = 	snop;
	(pc) =	sbr.rel @p2 .LBB2_1-.Ltmp2, $3  }
0xf5: {  	_ =	sdelay $0x1  }
0xf6: {  	[sflag:s14] =	ssyncset.done @!p1 $0x0  }
0xf7: {  	[sflag:s14] =	ssyncadd.s32 @!p1 $0xFFFFC800  }
0xf8: {  	_ =	sfence.sel $0x180000  }
0xf9: {  	[bflag:$0x0] =	sbarrier.arrive $0xFFFF  }
0xfa: {  	_ =	strace $0x9000004D  }
0xfb: {  	s0 =	stileid.u32;
	[bflag:$0x2] =	sbarrier.arrive $0xFFFF  }
0xfc: {  	p0 =	sne.s32 s0, $0x0;
	s0 =	rddreg [dreg:$0x4]  }
0xfd: {  	s0 =	sadd.s32 @!p0 $0x100000, s0  }
0xfe: {  	[sflag:s0] =	ssyncadd.tile.s32 @!p0 $0x1;
	_ =	shalt  }
.Lfunc_end2:
_tile_overlayer_lowered:
.L_overlay_start_2:
0xff: {  	(tag) =	ssettag $0x2  }
0x100: {  	s0 =	rddreg [dreg:$0x0];
	s2 =	stileid.u32  }
0x101: {  	s1 =	rddreg [dreg:$0x1];
	p0 =	sne.s32 s2, $0x0  }
0x102: {  	s3 =	rddreg [dreg:$0x2];
	[bflag:$0x3] =	sbarrier.arrive $0xFFFF;
	s2 =	simm.s32 @!p0 $0x1C0B  }
0x103: {  	[timem:s3], [sflag:s2] =	dma.local @!p0 [hbm:s0], s1  }
0x104: {  	s0 =	simm.s32 @!p0 $0xB  }
0x105: {  	_ =	swait.ge @!p0 [sflag:s0], s1  }
0x106: {  	s1 =	ssub.s32 @!p0 $0x0, s1;
	[sflag:s0] =	ssyncset.done @!p0 $0x0  }
0x107: {  	[sflag:s0] =	ssyncadd.s32 @!p0 s1  }
0x108: {  	[bflag:$0x3] =	sbarrier.arrive $0xFFFF  }
0x109: {  	_ =	shalt  }

// kernel: kernel.9.cloned.1.call-start
scs
__scs_entry_jumppad:
0x0: {  	(pc) =	sbr.rel $0x88, $3  }
0x1: {  	(tag) =	ssettag $0x0;
	lr =	simm.s32 $0x1  }
0x2: {  	[smem:$0x3F99] =	sst lr;
	_ =	strace $0xD0000000  }
0x3: {  	_ = 	snop  }
0x4: {  	_ = 	snop  }
0x5: {  	_ = 	snop  }
0x6: {  	_ = 	snop  }
0x7: {  	_ = 	snop  }
__scs_overlays_trampoline_lowered:
0x8: {  	[smem:$0x3FA8] =	sst s0  }
0x9: {  	[smem:$0x3FA9] =	sst s1  }
0xa: {  	[smem:$0x3FAA] =	sst s2  }
0xb: {  	[smem:$0x3FAB] =	sst s3  }
0xc: {  	[smem:$0x3FAC] =	sst s4  }
0xd: {  	[smem:$0x3FAD] =	sst s5  }
0xe: {  	[smem:$0x3FAE] =	sst s6  }
0xf: {  	[smem:$0x3FAF] =	sst s7  }
0x10: {  	[smem:$0x3FB0] =	sst s8  }
0x11: {  	[smem:$0x3FB1] =	sst s9;
	s0 =	simm.s32 @!p0 $0x0  }
0x12: {  	s1 =	sld [smem:$0x3F97];
	s0 =	simm.s32 @p0 $0x1  }
0x13: {  	[smem:$0x3FB2] =	sst s0;
	s0 =	simm.s32 @!p1 $0x0  }
0x14: {  	s2 =	sld [smem:$0x3F96];
	s0 =	simm.s32 @p1 $0x1  }
0x15: {  	[smem:$0x3FB3] =	sst s0;
	s0 =	simm.s32 @!p2 $0x0  }
0x16: {  	s3 =	sld [smem:$0x3FDB];
	s0 =	simm.s32 @p2 $0x1  }
0x17: {  	s4 =	simm.s32 $0x1BF5;
	[smem:$0x3FB5] =	sst s0  }
0x18: {  	s0 =	sld [smem:$0x3F98];
	_ =	swait.ge [sflag:s4], $0x0  }
0x19: {  	s7 =	sld [smem:$0x3F99]  }
0x1a: {  	s8 =	sadd.s32 $0xFFFFE003, lr  }
0x1b: {  	s9 =	sadd.s32 $0xFFFFFEF7, lr;
	s5 =	simm.s32 $0xFFFFFFFF;
	p2 =	slt.u32 s8, $0xFFFFF086  }
0x1c: {  	p1 =	slt.u32 s9, $0xF7A;
	s5 =	simm.s32 @!p2 $0x0  }
0x1d: {  	s5 =	simm.s32 @p1 $0x1;
	p0 =	seq.s32 s7, s2  }
0x1e: {  	s7 =	smul.u32 @!p0 $0xF7A, s2;
	p2 =	seq.s32 @!p0 s5, $0x0  }
0x1f: {  	s9 =	smul.u32 $0xF7A, s1;
	s8 =	simm.s32 @!p0 $0x1BF5;
	p2 =	por !p2, p0  }
0x20: {  	[sflag:s8] =	ssyncset.s32 @!p0 $0xFFFFF086;
	s6 =	sadd.s32 @!p0 s3, s7;
	s7 =	simm.s32 @!p0 $0x108  }
0x21: {  	s3 =	sadd.s32 s3, s9;
	s6 =	sadd.s32 @!p0 $0x88, s6;
	s7 =	simm.s32 @p2 $0x1082  }
0x22: {  	[simem:s7], [sflag:s8] =	dma.local @!p0 [hbm:s6], $0xF7A  }
0x23: {  	s9 =	sor.u32 $0xD0000000, s2;
	s6 =	simm.s32 $0x108;
	_ =	swait.ge @!p0 [sflag:s8], $0x0  }
0x24: {  	s3 =	sadd.s32 $0x88, s3;
	s6 =	simm.s32 @!p1 $0x1082;
	[sflag:s4] =	ssyncset.s32 $0xFFFFF086  }
0x25: {  	[simem:s6], [sflag:s4] =	dma.local [hbm:s3], $0xF7A  }
0x26: {  	[smem:$0x3F99] =	sst s1;
	(tag) =	ssettag s2;
	_ =	strace s9  }
0x27: {  	s1 =	sld [smem:$0x3FA9]  }
0x28: {  	s2 =	sld [smem:$0x3FAA]  }
0x29: {  	s4 =	sld [smem:$0x3FAC]  }
0x2a: {  	p0 =	seq.s32 s5, $0x0;
	s5 =	sld [smem:$0x3FAD]  }
0x2b: {  	s6 =	sld [smem:$0x3FAE]  }
0x2c: {  	s7 =	sld [smem:$0x3FAF]  }
0x2d: {  	s3 =	simm.s32 $0x108;
	s8 =	sld [smem:$0x3FB0]  }
0x2e: {  	s3 =	simm.s32 @!p0 $0x1082;
	s9 =	sld [smem:$0x3FB1]  }
0x2f: {  	lr =	sadd.s32 s0, s3;
	s0 =	sld [smem:$0x3FA8]  }
0x30: {  	s3 =	sld [smem:$0x3FAB]  }
0x31: {  	[smem:$0x3FB4] =	sst s10  }
0x32: {  	s10 =	sld [smem:$0x3FB2];
	_ =	sdelay $0x3  }
0x33: {  	p0 =	seq.s32 s10, $0x1;
	s10 =	sld [smem:$0x3FB4];
	_ =	sdelay $0x3  }
0x34: {  	[smem:$0x3FB4] =	sst s10  }
0x35: {  	s10 =	sld [smem:$0x3FB3];
	_ =	sdelay $0x3  }
0x36: {  	p1 =	seq.s32 s10, $0x1;
	s10 =	sld [smem:$0x3FB4];
	_ =	sdelay $0x3  }
0x37: {  	[smem:$0x3FB4] =	sst s10  }
0x38: {  	s10 =	sld [smem:$0x3FB5]  }
0x39: {  	_ = 	snop;
	(pc) =	sbr.ind lr, $3  }
0x3a: {  	_ = 	snop  }
0x3b: {  	_ = 	snop  }
0x3c: {  	p2 =	seq.s32 s10, $0x1;
	s10 =	sld [smem:$0x3FB4]  }
0x3d: {  	_ =	shalt  }
0x3e: {  	_ =	shalt  }
0x3f: {  	_ =	shalt  }
0x40: {  	_ =	shalt  }
0x41: {  	_ =	shalt  }
0x42: {  	_ =	shalt  }
0x43: {  	_ =	shalt  }
0x44: {  	_ =	shalt  }
0x45: {  	_ =	shalt  }
0x46: {  	_ =	shalt  }
0x47: {  	_ =	shalt  }
0x48: {  	_ =	shalt  }
0x49: {  	_ =	shalt  }
0x4a: {  	_ =	shalt  }
0x4b: {  	_ =	shalt  }
0x4c: {  	_ =	shalt  }
0x4d: {  	_ =	shalt  }
0x4e: {  	_ =	shalt  }
0x4f: {  	_ =	shalt  }
0x50: {  	_ =	shalt  }
0x51: {  	_ =	shalt  }
0x52: {  	_ =	shalt  }
0x53: {  	_ =	shalt  }
0x54: {  	_ =	shalt  }
0x55: {  	_ =	shalt  }
0x56: {  	_ =	shalt  }
0x57: {  	_ =	shalt  }
0x58: {  	_ =	shalt  }
0x59: {  	_ =	shalt  }
0x5a: {  	_ =	shalt  }
0x5b: {  	_ =	shalt  }
0x5c: {  	_ =	shalt  }
0x5d: {  	_ =	shalt  }
0x5e: {  	_ =	shalt  }
0x5f: {  	_ =	shalt  }
0x60: {  	_ =	shalt  }
0x61: {  	_ =	shalt  }
0x62: {  	_ =	shalt  }
0x63: {  	_ =	shalt  }
0x64: {  	_ =	shalt  }
0x65: {  	_ =	shalt  }
0x66: {  	_ =	shalt  }
0x67: {  	_ =	shalt  }
0x68: {  	_ =	shalt  }
0x69: {  	_ =	shalt  }
0x6a: {  	_ =	shalt  }
0x6b: {  	_ =	shalt  }
0x6c: {  	_ =	shalt  }
0x6d: {  	_ =	shalt  }
0x6e: {  	_ =	shalt  }
0x6f: {  	_ =	shalt  }
0x70: {  	_ =	shalt  }
0x71: {  	_ =	shalt  }
0x72: {  	_ =	shalt  }
0x73: {  	_ =	shalt  }
0x74: {  	_ =	shalt  }
0x75: {  	_ =	shalt  }
0x76: {  	_ =	shalt  }
0x77: {  	_ =	shalt  }
0x78: {  	_ =	shalt  }
0x79: {  	_ =	shalt  }
0x7a: {  	_ =	shalt  }
0x7b: {  	_ =	shalt  }
0x7c: {  	_ =	shalt  }
0x7d: {  	_ =	shalt  }
0x7e: {  	_ =	shalt  }
0x7f: {  	_ =	shalt  }
0x80: {  	_ =	shalt  }
0x81: {  	_ =	shalt  }
0x82: {  	_ =	shalt  }
0x83: {  	_ =	shalt  }
0x84: {  	_ =	shalt  }
0x85: {  	_ =	shalt  }
0x86: {  	_ =	shalt  }
0x87: {  	_ =	shalt  }
.Lfunc_end0:
.L_simem_size_0:
called_computation_lowered:
.L_overlay_start_0:
0x88: {  	s2 =	sld [smem:$0x3FD9]  }
0x89: {  	s3 =	sld [smem:$0x3FFE];
	_ =	sdelay $0x1  }
0x8a: {  	s1 =	srdreg.scid  }
0x8b: {  	s0 =	sand.u32 $0x1, s1  }
0x8c: {  	s18 =	sshll.u32 s0, $0xA;
	s2 =	sadd.s32 s3, s2  }
0x8d: {  	s2 =	sadd.s32 s2, s18  }
0x8e: {  	[smem:$0x3FC0] =	sst s2  }
0x8f: {  	_ = 	snop  }
0x90: {  	s2 =	sld [smem:$0x3FC8]  }
0x91: {  	s19 =	sld [smem:$0x3FD0];
	(tm) =	ssettm $0x1  }
0x92: {  	s4 =	sld [smem:$0x3FFB];
	_ =	sdelay $0x3  }
0x93: {  	_ =	strace s4  }
0x94: {  	s4 =	sld [smem:$0x3FFC];
	_ =	sdelay $0x3  }
0x95: {  	_ =	strace s4  }
0x96: {  	s4 =	sld [smem:$0x3FFD];
	_ =	sdelay $0x3  }
0x97: {  	_ =	strace s4  }
0x98: {  	_ =	strace $0x8FFFFFFF  }
0x99: {  	s20 =	sld [smem:$0x3FDB];
	_ =	sdelay $0x1  }
0x9a: {  	s5 =	simm.s32 $_scs_section_size  }
0x9b: {  	s6 =	simm.s32 $_size__tile_overlayer_lowered;
	s7 =	simm.s32 $_tile_overlayer_lowered  }
0x9c: {  	s23 =	simm.s32 $0x1BFF;
	s22 =	sshll.u32 s7, $0x1;
	s4 =	sadd.s32 s5, s20  }
0x9d: {  	s8 =	simm.s32 $0x0;
	s21 =	sshll.u32 s6, $0x1;
	s6 =	sadd.s32 s22, s4  }
0x9e: {  	[timem:s8], [sflag:s23] =	dma.local [hbm:s6], s21  }
0x9f: {  	_ =	swait.ge [sflag:s23], s21  }
0xa0: {  	s5 =	ssub.s32 $0x0, s21;
	[sflag:s23] =	ssyncset.done $0x0  }
0xa1: {  	[sflag:s23] =	ssyncadd.s32 s5;
	_ =	sdelay $0x1  }
0xa2: {  	s24 =	simm.s32 $0x1B8B  }
0xa3: {  	_ =	swait.ge [sflag:s24], $0x1  }
0xa4: {  	[sflag:s24] =	ssyncset.done $0x0  }
0xa5: {  	s25 =	simm.s32 $0x1B8E;
	[sflag:s24] =	ssyncadd.s32 $0xFFFFFFFF  }
0xa6: {  	s26 =	simm.s32 $execute0_lowered;
	[smem:$0x3FD2] =	sst s25  }
0xa7: {  	s5 =	sshll.u32 s26, $0x1;
	_ =	strace $0x80000046;
	[dreg:$0x1] =	wrdreg $0xFFFFFFFF  }
0xa8: {  	s28 =	simm.s32 $_size_execute0_lowered;
	s4 =	sadd.s32 s4, s5;
	[dreg:$0x0] =	wrdreg $0x0  }
0xa9: {  	s5 =	sshll.u32 s28, $0x1;
	[dreg:$0x2] =	wrdreg s4  }
0xaa: {  	[dreg:$0x3] =	wrdreg s5  }
0xab: {  	[dreg:$0x4] =	wrdreg $0xC0  }
0xac: {  	_ =	task [dreg:s8], $0x5FFFF  }
0xad: {  	[dreg:$0x1] =	wrdreg $0xFFFFFFFF  }
0xae: {  	[dreg:$0x0] =	wrdreg $0x60  }
0xaf: {  	[dreg:$0x2] =	wrdreg s2  }
0xb0: {  	[dreg:$0x3] =	wrdreg s19  }
0xb1: {  	[dreg:$0x4] =	wrdreg $0x7000  }
0xb2: {  	[dreg:$0x5] =	wrdreg $0x9  }
0xb3: {  	_ =	task.clear_ibuf [dreg:s8], $0x6FFFF;
	_ =	strace $0x90000046  }
0xb4: {  	s29 =	simm.s32 $0x9;
	_ =	strace $0x80000048  }
0xb5: {  	_ =	swait.ge [sflag:s29], $0x1  }
0xb6: {  	[sflag:s29] =	ssyncadd.s32 $0xFFFFFFFF  }
0xb7: {  	_ =	strace $0x90000048  }
0xb8: {  	_ =	sfence  }
0xb9: {  	s30 =	sld [smem:$0x0];
	_ =	sdelay $0x2  }
0xba: {  	s31 =	sshll.u32 s1, $0xD;
	s1 =	sshrl.u32 s1, $0x2  }
0xbb: {  	s3 =	sand.u32 $0x4000, s31;
	s1 =	sadd.s32 s1, s30  }
0xbc: {  	s0 =	sor.u32 s3, s0;
	s1 =	sshll.u32 s1, $0x11  }
0xbd: {  	s0 =	sor.u32 s1, s0  }
0xbe: {  	s0 =	sadd.s32 $0x8F2B, s0  }
0xbf: {  	[sflag:s0] =	ssyncadd.remote.s32 $0x1  }
0xc0: {  	_ =	sfence.sel $0xFFFF  }
0xc1: {  	[dreg:$0x0] =	wrdreg $0xFFFFFFFF;
	(pc) =	sbr.abs _section_cstart, $3  }
0xc2: {  	[dreg:$0x1] =	wrdreg $0xFFFFFFFF  }
0xc3: {  	_ =	task.clear_ibuf [dreg:s8], $0x2FFFF;
	_ =	strace $0x9FFFFFFF  }
0xc4: {  	(tm) =	ssettm $0x7FFFFFFF  }
0xc5: {  	_ =	shalt  }
tec
execute0_lowered:
.L_overlay_start_1:
0x0: {  	(tag) =	ssettag $0x1  }
0x1: {  	s13 =	rddreg [dreg:$0x0]  }
0x2: {  	s10 =	rddreg [dreg:$0x1]  }
0x3: {  	s1 =	rddreg [dreg:$0x2];
	s3 =	simm.s32 $0x0  }
0x4: {  	s2 =	srdreg.scid;
	s0 =	stileid.u32;
	s17 =	simm.s32 $0x200  }
0x5: {  	s18 =	simm.s32 $0x1;
	s19 =	simm.s32 $0x80;
	s20 =	simm.s32 $0x400  }
0x6: {  	s21 =	simm.s32 $0x300;
	s22 =	simm.s32 $0x2;
	s23 =	simm.s32 $0x180  }
0x7: {  	[smem:$0x7FF] =	sst s3;
	s12 =	sand.u32 $0x1, s2;
	s30 =	smul.u32 $0x9C0, s0  }
0x8: {  	s9 =	smul.u32 $0x270, s0;
	s8 =	sadd.s32 $0x2490, s1;
	s16 =	sshll.u32 s0, $0x5  }
0x9: {  	s4 =	ssub.s32 $0x2, s12;
	s5 =	sshll.u32 s12, $0x4;
	_ =	strace $0x80000047  }
0xa: {  	s11 =	smul.u32 $0x2710, s12;
	s31 =	sshll.u32 s12, $0x9;
	s6 =	sshrl.u32 s4, $0x1  }
0xb: {  	s24 =	sor.u32 s0, s5;
	s7 =	sshrl.u32 s30, $0x2;
	s14 =	ssub.s32 s4, s6  }
0xc: {  	p0 =	slt.u32 s24, $0x4;
	s4 =	simm.s32 $0x4F;
	s5 =	sshll.u32 s24, $0x5  }
0xd: {  	s7 =	sadd.s32 s7, s1;
	s15 =	sadd.s32 s9, s11;
	s11 =	sshrl.u32 s11, $0x3  }
0xe: {  	s9 =	sadd.s32 s9, s1;
	p1 =	sgt.u32 s24, $0x3;
	s24 =	simm.s32 $0x0  }
0xf: {  	s5 =	sadd.s32 s13, s5;
	s4 =	simm.s32 @!p0 $0x4E;
	s15 =	sshrl.u32 s15, $0x3  }
0x10: {  	s11 =	sadd.s32 s10, s11;
	s12 =	smax.u32 s14, $0x1;
	p0 =	seq.s32 s0, $0xF  }
0x11: {  	s6 =	sadd.s32 $0x400, s5;
	s10 =	sadd.s32 s10, s15;
	s15 =	sadd.s32 s31, s13  }
0x12: {  	s11 =	sadd.s32 $0x492, s11;
	s13 =	sadd.s32 $0x800, s5;
	s15 =	sadd.s32 s16, s15  }
0x13: {  	v0 =	vimm.f32 $1.000000000e+00;
	v1 =	vimm.f32 $0.0e+00;
	s14 =	sadd.s32 $0xC00, s5;
	s16 =	simm.s32 $0x100;
	s15 =	sadd.s32 $0x1000, s15  }
.LBB2_1:
0x14: {  	[tilespmem:s3], [sflag:$0x1] =	stream.linear.gather [hbm4b:s5+s3], $0x100, $0x38;
	[tilespmem:$0x978] =	vst v63  }
0x15: {  	_ = 	snop  }
0x16: {  	[tilespmem:s16], [sflag:$0x2] =	stream.linear.gather [hbm4b:s6+s3], $0x100, $0x38;
	[tilespmem:$0x978] =	vst v63  }
0x17: {  	[tilespmem:$0x400] =	vst v0  }
0x18: {  	[tilespmem:$0x410] =	vst v0  }
0x19: {  	[tilespmem:$0x420] =	vst v0  }
0x1a: {  	[tilespmem:$0x430] =	vst v0  }
0x1b: {  	[tilespmem:$0x440] =	vst v0  }
0x1c: {  	[tilespmem:$0x450] =	vst v0  }
0x1d: {  	[tilespmem:$0x460] =	vst v0  }
0x1e: {  	[tilespmem:$0x470] =	vst v0  }
0x1f: {  	[tilespmem:$0x480] =	vst v1  }
0x20: {  	[tilespmem:$0x490] =	vst v1  }
0x21: {  	[tilespmem:$0x4A0] =	vst v1  }
0x22: {  	[tilespmem:$0x4B0] =	vst v1  }
0x23: {  	[tilespmem:$0x4C0] =	vst v1  }
0x24: {  	[tilespmem:$0x4D0] =	vst v1  }
0x25: {  	[tilespmem:$0x4E0] =	vst v1  }
0x26: {  	[tilespmem:$0x4F0] =	vst v1  }
0x27: {  	[tilespmem:$0x500] =	vst v1  }
0x28: {  	[tilespmem:$0x510] =	vst v1  }
0x29: {  	[tilespmem:$0x520] =	vst v1  }
0x2a: {  	[tilespmem:$0x530] =	vst v1  }
0x2b: {  	[tilespmem:$0x540] =	vst v1  }
0x2c: {  	[tilespmem:$0x550] =	vst v1  }
0x2d: {  	[tilespmem:$0x560] =	vst v1  }
0x2e: {  	[tilespmem:$0x570] =	vst v1  }
0x2f: {  	[tilespmem:$0x580] =	vst v1  }
0x30: {  	[tilespmem:$0x590] =	vst v1  }
0x31: {  	[tilespmem:$0x5A0] =	vst v1  }
0x32: {  	[tilespmem:$0x5B0] =	vst v1  }
0x33: {  	[tilespmem:$0x5C0] =	vst v1  }
0x34: {  	[tilespmem:$0x5D0] =	vst v1  }
0x35: {  	[tilespmem:$0x5E0] =	vst v1  }
0x36: {  	[tilespmem:$0x5F0] =	vst v1  }
0x37: {  	[tilespmem:$0x600] =	vst v1  }
0x38: {  	[tilespmem:$0x610] =	vst v1  }
0x39: {  	[tilespmem:$0x620] =	vst v1  }
0x3a: {  	[tilespmem:$0x630] =	vst v1  }
0x3b: {  	[tilespmem:$0x640] =	vst v1  }
0x3c: {  	[tilespmem:$0x650] =	vst v1  }
0x3d: {  	[tilespmem:$0x660] =	vst v1  }
0x3e: {  	[tilespmem:$0x670] =	vst v1  }
0x3f: {  	[tilespmem:$0x680] =	vst v1  }
0x40: {  	[tilespmem:$0x690] =	vst v1  }
0x41: {  	[tilespmem:$0x6A0] =	vst v1  }
0x42: {  	[tilespmem:$0x6B0] =	vst v1  }
0x43: {  	[tilespmem:$0x6C0] =	vst v1  }
0x44: {  	[tilespmem:$0x6D0] =	vst v1  }
0x45: {  	[tilespmem:$0x6E0] =	vst v1  }
0x46: {  	s25 =	simm.s32 @p0 $0x480;
	[tilespmem:$0x6F0] =	vst v1  }
0x47: {  	[spmem:s8] =	stream.linear.scatter @p0 [tilespmem:s25], [sflag:$0x7], $0x280, $0x38;
	[tilespmem:$0x978] =	vst v63  }
0x48: {  	s25 =	simm.s32 @p0 $0x7  }
0x49: {  	_ =	swait.ge @p0 [sflag:s25], $0x280  }
0x4a: {  	[sflag:s25] =	ssyncset.done @p0 $0x0  }
0x4b: {  	[sflag:s25] =	ssyncadd.s32 @p0 $0xFFFFFD80;
	s25 =	simm.s32 @!p0 $0x480  }
0x4c: {  	[spmem:s7] =	stream.linear.scatter @!p0 [tilespmem:s25], [sflag:$0x7], $0x270, $0x38;
	[tilespmem:$0x978] =	vst v63  }
0x4d: {  	s25 =	simm.s32 @!p0 $0x7  }
0x4e: {  	_ =	swait.ge @!p0 [sflag:s25], $0x270  }
0x4f: {  	[sflag:s25] =	ssyncset.done @!p0 $0x0  }
0x50: {  	[sflag:s25] =	ssyncadd.s32 @!p0 $0xFFFFFD90  }
0x51: {  	[bflag:$0x0] =	sbarrier.arrive $0xFFFF  }
0x52: {  	[tilespmem:s17], [sflag:$0x3] =	stream.linear.gather [hbm4b:s13+s3], $0x100, $0x38;
	[tilespmem:$0x978] =	vst v63  }
0x53: {  	_ =	swait.ge [sflag:s18], $0x100  }
0x54: {  	[sflag:s18] =	ssyncset.done $0x0  }
0x55: {  	[sflag:s18] =	ssyncadd.s32 $0xFFFFFF00  }
0x56: {  	[spmem:s1] =	stream.indirect.scatter.add.f32 [tilespmem:s20], [sflag:$0x5], $0x1, s19, s19, $0xb8;
	[tilespmem:$0x978] =	vst v63  }
0x57: {  	_ = 	snop  }
0x58: {  	[tilespmem:s21], [sflag:$0x4] =	stream.linear.gather [hbm4b:s14+s3], $0x100, $0x38;
	[tilespmem:$0x978] =	vst v63  }
0x59: {  	s31 =	simm.s32 $0x2;
	_ =	swait.ge [sflag:s22], $0x100  }
0x5a: {  	s28 =	simm.s32 $0x4;
	s26 =	sand.u32 $0x1, s31;
	[sflag:s22] =	ssyncset.done $0x0  }
0x5b: {  	s29 =	sand.u32 $0x3, s31;
	s25 =	sadd.s32 $0x5, s26;
	[sflag:s22] =	ssyncadd.s32 $0xFFFFFF00  }
0x5c: {  	[spmem:s1] =	stream.indirect.scatter.add.f32 [tilespmem:s20], [sflag:$0x6], $0x1, s23, s19, $0xb8;
	[tilespmem:$0x978] =	vst v63  }
0x5d: {  	p2 =	sle.u32 s4, $0x4;
	s30 =	sadd.s32 $0x1, s29;
	_ =	swait.ge [sflag:s25], $0x80  }
0x5e: {  	s26 =	sand.u32 @!p2 $0x3, s28;
	s28 =	simm.s32 @!p2 $0x0;
	[sflag:s25] =	ssyncset.done $0x0  }
0x5f: {  	s31 =	sshll.u32 @!p2 s26, $0x8;
	s26 =	sadd.s32 @!p2 $0x1, s26;
	[sflag:s25] =	ssyncadd.s32 $0xFFFFFF80  }
0x60: {  	[tilespmem:s31], [sflag:s26] =	stream.linear.gather @!p2 [hbm4b:s15+s28], $0x100, $0x38;
	[tilespmem:$0x978] =	vst v63  }
0x61: {  	_ =	swait.ge [sflag:s30], $0x100  }
0x62: {  	s26 =	simm.s32 $0x5;
	s28 =	sshll.u32 s29, $0x8;
	[sflag:s30] =	ssyncset.done $0x0  }
0x63: {  	s29 =	sor.u32 $0x80, s28;
	s28 =	sadd.s32 $0x400, s15;
	[sflag:s30] =	ssyncadd.s32 $0xFFFFFF00  }
.LBB2_2:
0x64: {  	[spmem:s1] =	stream.indirect.scatter.add.f32 [tilespmem:s20], [sflag:s25], $0x1, s29, s19, $0xb8;
	[tilespmem:$0x978] =	vst v63  }
0x65: {  	s25 =	sadd.s32 $0xFFFFFFFE, s26;
	s29 =	smov.u32 s26;
	s26 =	sadd.s32 $0x1, s26  }
0x66: {  	s30 =	sand.u32 $0x1, s25;
	s31 =	sand.u32 $0x3, s25;
	p2 =	sne.s32 s26, $0x50  }
0x67: {  	p3 =	sge.u32 s29, s4;
	s25 =	sadd.s32 $0x5, s30;
	s30 =	sshll.u32 s31, $0x8  }
0x68: {  	s31 =	sadd.s32 $0x1, s31;
	s29 =	sand.u32 @!p3 $0x3, s29;
	_ =	swait.ge [sflag:s25], $0x80  }
0x69: {  	s0 =	simm.s32 @!p3 $0x0;
	s2 =	sshll.u32 @!p3 s29, $0x8;
	[sflag:s25] =	ssyncset.done $0x0  }
.Ltmp0:
0x6a: {  	s29 =	sadd.s32 @!p3 $0x1, s29;
	[sflag:s25] =	ssyncadd.s32 $0xFFFFFF80;
	(pc) =	sbr.rel @p2 .LBB2_2-.Ltmp0, $4  }
0x6b: {  	[tilespmem:s2], [sflag:s29] =	stream.linear.gather @!p3 [hbm4b:s28+s0], $0x100, $0x38;
	[tilespmem:$0x978] =	vst v63  }
0x6c: {  	_ =	swait.ge [sflag:s31], $0x100  }
0x6d: {  	[sflag:s31] =	ssyncset.done $0x0  }
0x6e: {  	s29 =	sor.u32 $0x80, s30;
	s28 =	sadd.s32 $0x400, s28;
	[sflag:s31] =	ssyncadd.s32 $0xFFFFFF00  }
0x6f: {  	[spmem:s1] =	stream.indirect.scatter.add.f32 [tilespmem:s20], [sflag:s25], $0x1, s29, s19, $0xb8;
	[tilespmem:$0x978] =	vst v63  }
0x70: {  	s0 =	simm.s32 @!p1 $0x5  }
0x71: {  	_ =	swait.ge @!p1 [sflag:s0], $0x80  }
0x72: {  	[sflag:s0] =	ssyncset.done @!p1 $0x0  }
0x73: {  	[sflag:s0] =	ssyncadd.s32 @!p1 $0xFFFFFF80;
	s0 =	simm.s32 @!p1 $0x3  }
0x74: {  	_ =	swait.ge @!p1 [sflag:s0], $0x100  }
0x75: {  	s2 =	simm.s32 @!p1 $0x280;
	[sflag:s0] =	ssyncset.done @!p1 $0x0  }
0x76: {  	s25 =	simm.s32 @!p1 $0x400;
	[sflag:s0] =	ssyncadd.s32 @!p1 $0xFFFFFF00;
	s0 =	simm.s32 @!p1 $0x80  }
0x77: {  	[spmem:s1] =	stream.indirect.scatter.add.f32 @!p1 [tilespmem:s25], [sflag:$0x5], $0x1, s2, s0, $0xb8;
	[tilespmem:$0x978] =	vst v63  }
0x78: {  	s0 =	simm.s32 @!p1 $0x1  }
0x79: {  	s0 =	simm.s32 @p1 $0x0  }
0x7a: {  	s0 =	sadd.s32 $0x5, s0  }
0x7b: {  	s2 =	simm.s32 @!p1 $0x0;
	_ =	swait.ge [sflag:s0], $0x80  }
0x7c: {  	s2 =	simm.s32 @p1 $0x1;
	[sflag:s0] =	ssyncset.done $0x0  }
0x7d: {  	s31 =	sadd.s32 $0x5, s2;
	[sflag:s0] =	ssyncadd.s32 $0xFFFFFF80  }
0x7e: {  	_ =	swait.ge [sflag:s31], $0x80  }
0x7f: {  	[sflag:s31] =	ssyncset.done $0x0  }
0x80: {  	[sflag:s31] =	ssyncadd.s32 $0xFFFFFF80  }
0x81: {  	s2 =	simm.s32 @p0 $0x7;
	s0 =	simm.s32 @p0 $0x480;
	[bflag:$0x0] =	sbarrier.arrive $0xFFFF  }
0x82: {  	[tilespmem:s0], [sflag:$0x7] =	stream.linear.gather @p0 [spmem:s8], $0x280, $0x38;
	[tilespmem:$0x978] =	vst v63  }
0x83: {  	_ =	swait.ge @p0 [sflag:s2], $0x280  }
0x84: {  	[sflag:s2] =	ssyncset.done @p0 $0x0  }
0x85: {  	s25 =	simm.s32 @p0 $0x0;
	[sflag:s2] =	ssyncadd.s32 @p0 $0xFFFFFD80  }
0x86: {  	[hbm4b:s11+s25] =	stream.linear.scatter @p0 [tilespmem:s0], [sflag:$0x7], $0x280, $0x38;
	[tilespmem:$0x978] =	vst v63  }
0x87: {  	_ =	swait.ge @p0 [sflag:s2], $0x280  }
0x88: {  	[sflag:s2] =	ssyncset.done @p0 $0x0  }
0x89: {  	s0 =	simm.s32 @!p0 $0x480;
	[sflag:s2] =	ssyncadd.s32 @p0 $0xFFFFFD80;
	s2 =	simm.s32 @!p0 $0x7  }
0x8a: {  	[tilespmem:s0], [sflag:$0x7] =	stream.linear.gather @!p0 [spmem:s9], $0x270, $0x38;
	[tilespmem:$0x978] =	vst v63  }
0x8b: {  	s24 =	sadd.s32 $0x1, s24;
	_ =	swait.ge @!p0 [sflag:s2], $0x270  }
0x8c: {  	p2 =	sne.s32 s24, s12;
	[sflag:s2] =	ssyncset.done @!p0 $0x0  }
.Ltmp1:
0x8d: {  	s25 =	simm.s32 @!p0 $0x0;
	[sflag:s2] =	ssyncadd.s32 @!p0 $0xFFFFFD90;
	(pc) =	sbr.rel @p2 .LBB2_1-.Ltmp1, $4  }
0x8e: {  	[hbm4b:s10+s25] =	stream.linear.scatter @!p0 [tilespmem:s0], [sflag:$0x7], $0x270, $0x38;
	[tilespmem:$0x978] =	vst v63  }
0x8f: {  	_ =	swait.ge @!p0 [sflag:s2], $0x270  }
0x90: {  	[sflag:s2] =	ssyncset.done @!p0 $0x0  }
0x91: {  	[sflag:s2] =	ssyncadd.s32 @!p0 $0xFFFFFD90  }
0x92: {  	_ =	sfence.sel $0x180000  }
0x93: {  	[bflag:$0x0] =	sbarrier.arrive $0xFFFF  }
0x94: {  	_ =	strace $0x90000047  }
0x95: {  	s0 =	stileid.u32;
	[bflag:$0x2] =	sbarrier.arrive $0xFFFF  }
0x96: {  	p0 =	sne.s32 s0, $0x0;
	s0 =	rddreg [dreg:$0x3]  }
0x97: {  	s0 =	sadd.s32 @!p0 $0x100000, s0  }
0x98: {  	[sflag:s0] =	ssyncadd.tile.s32 @!p0 $0x1;
	_ =	shalt  }
.Lfunc_end2:
_tile_overlayer_lowered:
.L_overlay_start_2:
0x99: {  	(tag) =	ssettag $0x2  }
0x9a: {  	s0 =	rddreg [dreg:$0x0];
	s2 =	stileid.u32  }
0x9b: {  	s1 =	rddreg [dreg:$0x1];
	p0 =	sne.s32 s2, $0x0  }
0x9c: {  	s3 =	rddreg [dreg:$0x2];
	[bflag:$0x3] =	sbarrier.arrive $0xFFFF;
	s2 =	simm.s32 @!p0 $0x1C07  }
0x9d: {  	[timem:s3], [sflag:s2] =	dma.local @!p0 [hbm:s0], s1  }
0x9e: {  	s0 =	simm.s32 @!p0 $0x7  }
0x9f: {  	_ =	swait.ge @!p0 [sflag:s0], s1  }
0xa0: {  	s1 =	ssub.s32 @!p0 $0x0, s1;
	[sflag:s0] =	ssyncset.done @!p0 $0x0  }
0xa1: {  	[sflag:s0] =	ssyncadd.s32 @!p0 s1  }
0xa2: {  	[bflag:$0x3] =	sbarrier.arrive $0xFFFF  }
0xa3: {  	_ =	shalt  }

</sc_bundles>
